<compile_context>
chip_gen: v7x
topology: tpu7x:2x2x1
jax: 0.10.2.dev20260603
libtpu: 0.0.44.dev20260713+nightly
codegen_flags: <defaults>
</compile_context>

<pallas_src>
import functools

import jax
import jax.numpy as jnp
from jax import lax
from jax.experimental import pallas as pl
from jax.experimental.pallas import tpu as pltpu
from jax.experimental.pallas import tpu_sc as plsc

_NSAMPLE = 2048
_SEM = 20
_B = 8
_N = 16384
_D = 128


def _score_body(label_ref, w_ref, g_ref, key_ref):
    lab = label_ref[...]
    w = w_ref[...]
    g = g_ref[...]
    sw = jnp.zeros((_B, _N), jnp.float32)
    for c in range(_SEM):
        m = lab == c
        cnt = jnp.sum(jnp.where(m, 1.0, 0.0), axis=1, keepdims=True)
        sw = sw + jnp.where(m, cnt, 0.0)
    sw = sw * w
    score = jnp.log(sw + 1e-12) + g
    bits = lax.bitcast_convert_type(score, jnp.uint32)
    flip = jnp.where(bits >= jnp.uint32(0x80000000),
                     jnp.uint32(0xFFFFFFFF), jnp.uint32(0x80000000))
    desc = (bits ^ flip) ^ jnp.uint32(0xFFFFFFFF)
    key_ref[...] = lax.bitcast_convert_type(desc, jnp.int32)


def _scores(seg_label, weights, g):
    return pl.pallas_call(
        _score_body,
        out_shape=jax.ShapeDtypeStruct((_B, _N), jnp.int32),
    )(seg_label.astype(jnp.int32), weights, g)



@functools.cache
def _build_sc_kernels():
    mesh = plsc.VectorSubcoreMesh(core_axis_name="c", subcore_axis_name="s")
    params = pltpu.CompilerParams(
        needs_layout_passes=False, use_tc_tiling_on_sc=False
    )
    sort_k = pl.kernel(
        _sort_body,
        mesh=mesh,
        compiler_params=params,
        out_type=jax.ShapeDtypeStruct((_B, _NSAMPLE), jnp.int32),
        scratch_types=[
            pltpu.VMEM((16400,), jnp.int32),
            pltpu.VMEM((16400,), jnp.int32),
            pltpu.VMEM((16400,), jnp.int32),
            pltpu.VMEM((16400,), jnp.int32),
            pltpu.VMEM((4096,), jnp.int32),
            pltpu.VMEM((4096,), jnp.int32),
            pltpu.VMEM((4096,), jnp.int32),
            pltpu.VMEM((4096,), jnp.int32),
            pltpu.VMEM((16400,), jnp.int32),
            pltpu.VMEM((4096,), jnp.int32),
            pltpu.VMEM((256,), jnp.int32),
        ],
    )
    gather_k = pl.kernel(
        _gather_body,
        mesh=mesh,
        compiler_params=params,
        out_type=(
            jax.ShapeDtypeStruct((_B, 3 * _NSAMPLE), jnp.float32),
            jax.ShapeDtypeStruct((_B * _D * _NSAMPLE,), jnp.float32),
            jax.ShapeDtypeStruct((_B, _NSAMPLE), jnp.int32),
        ),
        scratch_types=[
            pltpu.VMEM((_NSAMPLE,), jnp.int32),
            pltpu.VMEM((2, 2 * _N), jnp.float32),
            pltpu.VMEM((2, 2 * _NSAMPLE), jnp.float32),
            pltpu.VMEM((3 * _NSAMPLE,), jnp.float32),
            pltpu.VMEM((_N,), jnp.int32),
            pltpu.VMEM((_NSAMPLE,), jnp.int32),
            pltpu.SemaphoreType.DMA,
            pltpu.SemaphoreType.DMA,
            pltpu.SemaphoreType.DMA,
            pltpu.SemaphoreType.DMA,
        ],
    )
    return sort_k, gather_k


def _sort_body(keys_hbm, idx_hbm, k0, k1, v0, v1, h0, h1, h2, h3, ordv,
               stot, parray):
    wid = lax.axis_index("s") * 2 + lax.axis_index("c")

    @pl.when(wid < _B)
    def _():
        b = wid
        lane = lax.iota(jnp.int32, 16)
        lane_base = lane * 1024
        ones = jnp.ones((16,), jnp.int32)
        zeros = jnp.zeros((16,), jnp.int32)

        pltpu.sync_copy(keys_hbm.at[b], k0.at[pl.ds(0, _N)])

        hsegs = (h0, h1, h2, h3)
        lane_pad = lane * 1025
        for p in range(4):
            kin = (k0, k1, k0, k1)[p]
            vin = (None, v1, v0, v1)[p]
            kout = (k1, k0, k1, k0)[p]
            vout = (v1, v0, v1, v0)[p]
            shift = 8 * p
            nbase = lane_base if p == 0 else lane_pad

            @plsc.parallel_loop(0, 256, unroll=2)
            def zero_body(t):
                for hst in hsegs:
                    hst[pl.ds(t * 16, 16)] = zeros

            def hist_body(q, _, kin=kin, shift=shift, nbase=nbase):
                for h, hst in enumerate(hsegs):
                    n = nbase + h * 256 + q
                    np_ = lane_pad + h * 256 + q
                    k = plsc.load_gather(kin, [n])
                    d = lax.shift_right_logical(k, shift) & 0xFF
                    addr = d * 16 + lane
                    c = plsc.load_gather(hst, [addr])
                    plsc.store_scatter(hst, [addr], c + 1)
                    plsc.store_scatter(ordv, [np_], c)
                return 0
            lax.fori_loop(0, 256, hist_body, 0)

            @plsc.parallel_loop(0, 256, unroll=2)
            def scanA_body(t):
                sl = pl.ds(t * 16, 16)
                va, vb, vc, vd = h0[sl], h1[sl], h2[sl], h3[sl]
                tot = va + vb + vc + vd
                s = plsc.cumsum(tot)
                base = s - tot
                h0[sl] = base
                h1[sl] = base + va
                h2[sl] = base + va + vb
                h3[sl] = base + va + vb + vc
                stot[pl.ds(t * 16, 16)] = jnp.broadcast_to(jnp.sum(tot), (16,))

            def scanB_body(tt, run):
                t = tt * 16 + lane
                tv = plsc.load_gather(stot, [t * 16 + lane])
                s2 = plsc.cumsum(tv)
                parray[pl.ds(tt * 16, 16)] = s2 - tv + run
                return run + jnp.sum(tv)
            lax.fori_loop(0, 16, scanB_body, jnp.int32(0))

            def perm_body(q, kin=kin, vin=vin, kout=kout, vout=vout,
                          shift=shift, nbase=nbase, p=p):
                for h, hst in enumerate(hsegs):
                    n = nbase + h * 256 + q
                    np_ = lane_pad + h * 256 + q
                    k = plsc.load_gather(kin, [n])
                    v = (lane_base + h * 256 + q) if vin is None \
                        else plsc.load_gather(vin, [n])
                    d = lax.shift_right_logical(k, shift) & 0xFF
                    addr = d * 16 + lane
                    r = (plsc.load_gather(hst, [addr])
                         + plsc.load_gather(ordv, [np_])
                         + plsc.load_gather(parray, [d]))
                    ofs = r if p == 3 else r + lax.shift_right_logical(r, 10)
                    plsc.store_scatter(kout, [ofs], k)
                    plsc.store_scatter(vout, [ofs], v)
            plsc.parallel_loop(0, 256, unroll=2)(perm_body)

        pltpu.sync_copy(v0.at[pl.ds(0, _NSAMPLE)], idx_hbm.at[b])



def _gather_body(xyz_hbm, feat_hbm, lab_hbm, idx_hbm,
                 oxyz, ofeat, olab,
                 idx_v, row_v, rout_v, xout_v, lab_v, lout_v,
                 sin0, sin1, sout0, sout1):
    wid = lax.axis_index("s") * 2 + lax.axis_index("c")
    b = wid // 4
    part = wid % 4
    d0 = part * 32
    lane = lax.iota(jnp.int32, 16)

    def fin(d):
        return feat_hbm.at[pl.ds((b * _D + d) * _N, 2 * _N)]

    def fout(d):
        return ofeat.at[pl.ds((b * _D + d) * _NSAMPLE, 2 * _NSAMPLE)]

    pltpu.make_async_copy(fin(d0), row_v.at[0], sin0).start()
    pltpu.make_async_copy(fin(d0 + 2), row_v.at[1], sin1).start()
    pltpu.sync_copy(idx_hbm.at[b], idx_v)

    def grp(jj, _):
        for u in range(2):
            d = d0 + (jj * 2 + u) * 2
            sin = (sin0, sin1)[u]
            sout = (sout0, sout1)[u]
            rbuf = row_v.at[u]
            obuf = rout_v.at[u]
            pltpu.make_async_copy(fin(d), rbuf, sin).wait()

            @pl.when(jj > 0)
            def _():
                pltpu.make_async_copy(obuf, fout(d - 4), sout).wait()

            def g_body(t, _, rbuf=rbuf, obuf=obuf):
                iv = idx_v[pl.ds(t * 16, 16)]
                obuf[pl.ds(t * 16, 16)] = plsc.load_gather(rbuf, [iv])
                obuf[pl.ds(_NSAMPLE + t * 16, 16)] = plsc.load_gather(
                    rbuf, [iv + _N])
                return 0
            lax.fori_loop(0, _NSAMPLE // 16, g_body, 0)
            pltpu.make_async_copy(obuf, fout(d), sout).start()

            @pl.when(jj < 7)
            def _():
                pltpu.make_async_copy(fin(d + 4), rbuf, sin).start()
        return 0
    lax.fori_loop(0, 8, grp, 0)
    pltpu.make_async_copy(rout_v.at[0], fout(d0 + 28), sout0).wait()
    pltpu.make_async_copy(rout_v.at[1], fout(d0 + 30), sout1).wait()

    @pl.when(part == 1)
    def _():
        pltpu.sync_copy(xyz_hbm.at[b, pl.ds(0, 2 * _N)], row_v.at[0])
        pltpu.sync_copy(xyz_hbm.at[b, pl.ds(2 * _N, _N)],
                        row_v.at[1, pl.ds(0, _N)])

        def x_body(t, _):
            jpos = t * 16 + lane
            iv = idx_v[pl.ds(t * 16, 16)]
            for r in range(3):
                f = iv * 3 + r
                vals = plsc.load_gather(
                    row_v, [lax.shift_right_logical(f, 15), f & (2 * _N - 1)])
                plsc.store_scatter(xout_v, [jpos * 3 + r], vals)
            return 0
        lax.fori_loop(0, _NSAMPLE // 16, x_body, 0)
        pltpu.sync_copy(xout_v, oxyz.at[b])

    @pl.when(part == 2)
    def _():
        pltpu.sync_copy(lab_hbm.at[b], lab_v)

        def l_body(t, _):
            iv = idx_v[pl.ds(t * 16, 16)]
            lout_v[pl.ds(t * 16, 16)] = plsc.load_gather(lab_v, [iv])
            return 0
        lax.fori_loop(0, _NSAMPLE // 16, l_body, 0)
        pltpu.sync_copy(lout_v, olab.at[b])



def kernel(xyz, seg_feature, seg_label, weights):
    B, N, C = xyz.shape
    g = jax.random.gumbel(jax.random.key(42), (B, N), dtype=jnp.float32)
    lab32 = seg_label.astype(jnp.int32)
    keys = _scores(lab32, weights, g)
    sort_k, gather_k = _build_sc_kernels()
    idx = sort_k(keys)
    xyz_flat = jnp.reshape(xyz, (B, 3 * N))
    feat_flat = jnp.reshape(seg_feature, (_B * _D * _N,))
    oxyz, ofeat, olab = gather_k(xyz_flat, feat_flat, lab32, idx)
    sampled_xyz = jnp.reshape(oxyz, (B, _NSAMPLE, 3))
    sample_feat = jnp.reshape(ofeat, (B, _D, _NSAMPLE))
    return (sampled_xyz, sample_feat, olab.astype(seg_label.dtype))

# --- scband reference (transcript-rebuilt; emitter-appended) ---
"""Pipeline reference for scband-keypoint-detector-62895501082654 (READ-ONLY COPY).

The authoritative reference and input builder live on the scoring server;
editing this copy changes nothing except your own understanding.
"""

import jax, jax.numpy as jnp
import numpy as np

NSAMPLE = 2048
SEM_NUM = 20


def setup_inputs(seed: int = 0) -> dict:
    key = jax.random.key(seed)
    k1, k2, k3, k4 = jax.random.split(key, 4)
    xyz = jax.random.normal(k1, (8, 16384, 3), dtype=jnp.float32)
    seg_feature = jax.random.normal(k2, (8, 128, 16384), dtype=jnp.float32)
    seg_label = jax.random.randint(k3, (8, 16384), 0, SEM_NUM)
    weights = jax.random.uniform(k4, (8, 16384), dtype=jnp.float32)
    return {"xyz": xyz, "seg_feature": seg_feature, "seg_label": seg_label, "weights": weights}


def reference(xyz, seg_feature, seg_label, weights):
    B, N, C = xyz.shape
    # per-class counts -> per-point weight (torch: one_hot, sum, gather)
    sem_one_hot = jax.nn.one_hot(seg_label, SEM_NUM, dtype=jnp.float32)
    count = jnp.sum(sem_one_hot, axis=1)  # [B, SEM_NUM]
    seg_weights = jnp.take_along_axis(count, seg_label, axis=1)  # [B, N]
    seg_weights = seg_weights * weights
    # torch.multinomial(seg_weights, nsample) without replacement == Gumbel top-k
    g = jax.random.gumbel(jax.random.key(42), (B, N), dtype=jnp.float32)
    _, idx = jax.lax.top_k(jnp.log(seg_weights + 1e-12) + g, NSAMPLE)  # [B, NSAMPLE]
    # gather sampled points: torch.gather(xyz, 1, idx.unsqueeze(-1).repeat(1,1,C))
    sampled_xyz = jnp.take_along_axis(xyz, idx[:, :, None], axis=1)  # [B, NSAMPLE, 3]
    # gather features: torch.gather(seg_feature, -1, idx.unsqueeze(1).repeat(1, D, 1))
    D = seg_feature.shape[1]
    idx_f = jnp.broadcast_to(idx[:, None, :], (B, D, NSAMPLE))
    sample_seg_feature = jnp.take_along_axis(seg_feature, idx_f, axis=2)  # [B, D, NSAMPLE]
    # gather labels
    sample_seg_label = jnp.take_along_axis(seg_label, idx, axis=1)  # [B, NSAMPLE]
    return (sampled_xyz, sample_seg_feature, sample_seg_label)

if __name__ == "__main__":
    import jax
    _d = setup_inputs()
    print(jax.jit(kernel)(*tuple(_d.values())))

</pallas_src>

<mosaic_0001>
#map = affine_map<(d0, d1) -> (0, 0)>
module attributes {stable_mosaic.version = 14 : i64} {
  func.func @_sort_body(%arg0: i32, %arg1: i32, %arg2: memref<8x16384xi32, #tpu.memory_space<hbm>>, %arg3: memref<8x2048xi32, #tpu.memory_space<hbm>>, %arg4: memref<16400xi32, #tpu.memory_space<vmem>>, %arg5: memref<16400xi32, #tpu.memory_space<vmem>>, %arg6: memref<16400xi32, #tpu.memory_space<vmem>>, %arg7: memref<16400xi32, #tpu.memory_space<vmem>>, %arg8: memref<4096xi32, #tpu.memory_space<vmem>>, %arg9: memref<4096xi32, #tpu.memory_space<vmem>>, %arg10: memref<4096xi32, #tpu.memory_space<vmem>>, %arg11: memref<4096xi32, #tpu.memory_space<vmem>>, %arg12: memref<16400xi32, #tpu.memory_space<vmem>>, %arg13: memref<4096xi32, #tpu.memory_space<vmem>>, %arg14: memref<256xi32, #tpu.memory_space<vmem>>) attributes {dimension_semantics = [#tpu.dimension_semantics<core_parallel>, #tpu.dimension_semantics<subcore_parallel>], iteration_bounds = array<i64: 2, 16>, scalar_prefetch = 0 : i64, scratch_operands = 11 : i64, tpu.core_type = #tpu.core_type<sc_vector_subcore>, window_params = [{transform_indices = #map}, {transform_indices = #map}]} {
    %mul3A = arith.constant 2 : i32
    %mul3A_0 = arith.muli %arg1, %mul3A : i32
    %add3A = arith.addi %mul3A_0, %arg0 : i32
    %lt3A = arith.constant 8 : i32
    %lt3A_1 = arith.cmpi slt, %add3A, %lt3A : i32
    %convert_element_type3A = arith.extui %lt3A_1 : i1 to i32
    %cond3A = arith.constant 0 : i32
    %cond3A_2 = arith.cmpi ne, %convert_element_type3A, %cond3A : i32
    scf.if %cond3A_2 {
      %iota3A = tpu.iota {dimensions = array<i32: 0>} : vector<16xi32>
      %mul3A_3 = arith.constant 1024 : i32
      %mul3A_4 = vector.broadcast %mul3A_3 : i32 to vector<16xi32>
      %mul3A_5 = arith.muli %iota3A, %mul3A_4 : vector<16xi32>
      %broadcast_in_dim3A = arith.constant 1 : i32
      %broadcast_in_dim3A_6 = vector.broadcast %broadcast_in_dim3A : i32 to vector<16xi32>
      %broadcast_in_dim3A_7 = arith.constant 0 : i32
      %broadcast_in_dim3A_8 = vector.broadcast %broadcast_in_dim3A_7 : i32 to vector<16xi32>
      "tpu.region"() ({
        %run_scoped3A = tpu.sem_alloc : memref<!tpu.dma_semaphore, #tpu.memory_space<semaphore_mem>>
        %dma_start3A = arith.constant 0 : i32
        %dma_start3A_102 = tpu.memref_slice %arg4[%dma_start3A] : memref<16400xi32, #tpu.memory_space<vmem>> -> memref<16384xi32, #tpu.memory_space<vmem>>
        %dma_start3A_103 = arith.constant 0 : i32
        %dma_start3A_104 = tpu.memref_slice %arg2[%add3A, %dma_start3A_103] : memref<8x16384xi32, #tpu.memory_space<hbm>> -> memref<1x16384xi32, #tpu.memory_space<hbm>>
        %dma_start3A_105 = tpu.memref_squeeze %dma_start3A_104 : memref<1x16384xi32, #tpu.memory_space<hbm>> -> memref<16384xi32, #tpu.memory_space<hbm>>
        %dma_start3A_106 = arith.constant 0 : i32
        %dma_start3A_107 = tpu.memref_slice %arg4[%dma_start3A_106] : memref<16400xi32, #tpu.memory_space<vmem>> -> memref<16384xi32, #tpu.memory_space<vmem>>
        %dma_start3A_108 = arith.constant 0 : i32
        %dma_start3A_109 = tpu.memref_slice %arg2[%add3A, %dma_start3A_108] : memref<8x16384xi32, #tpu.memory_space<hbm>> -> memref<1x16384xi32, #tpu.memory_space<hbm>>
        %dma_start3A_110 = tpu.memref_squeeze %dma_start3A_109 : memref<1x16384xi32, #tpu.memory_space<hbm>> -> memref<16384xi32, #tpu.memory_space<hbm>>
        tpu.enqueue_dma source(%dma_start3A_110 : memref<16384xi32, #tpu.memory_space<hbm>>) target(%dma_start3A_107 : memref<16384xi32, #tpu.memory_space<vmem>>) target_semaphore(%run_scoped3A : memref<!tpu.dma_semaphore, #tpu.memory_space<semaphore_mem>>)
        %dma_wait3A = arith.constant 0 : i32
        %dma_wait3A_111 = tpu.memref_slice %arg4[%dma_wait3A] : memref<16400xi32, #tpu.memory_space<vmem>> -> memref<16384xi32, #tpu.memory_space<vmem>>
        %dma_wait3A_112 = arith.constant 0 : i32
        %dma_wait3A_113 = tpu.memref_slice %arg2[%add3A, %dma_wait3A_112] : memref<8x16384xi32, #tpu.memory_space<hbm>> -> memref<1x16384xi32, #tpu.memory_space<hbm>>
        %dma_wait3A_114 = tpu.memref_squeeze %dma_wait3A_113 : memref<1x16384xi32, #tpu.memory_space<hbm>> -> memref<16384xi32, #tpu.memory_space<hbm>>
        %dma_wait3A_115 = arith.constant 0 : i32
        %dma_wait3A_116 = tpu.memref_slice %arg4[%dma_wait3A_115] : memref<16400xi32, #tpu.memory_space<vmem>> -> memref<16384xi32, #tpu.memory_space<vmem>>
        %dma_wait3A_117 = arith.constant 0 : i32
        %dma_wait3A_118 = tpu.memref_slice %arg2[%add3A, %dma_wait3A_117] : memref<8x16384xi32, #tpu.memory_space<hbm>> -> memref<1x16384xi32, #tpu.memory_space<hbm>>
        %dma_wait3A_119 = tpu.memref_squeeze %dma_wait3A_118 : memref<1x16384xi32, #tpu.memory_space<hbm>> -> memref<16384xi32, #tpu.memory_space<hbm>>
        tpu.wait_dma2 semaphore(%run_scoped3A : memref<!tpu.dma_semaphore, #tpu.memory_space<semaphore_mem>>) src(%dma_wait3A_119 : memref<16384xi32, #tpu.memory_space<hbm>>) dst(%dma_wait3A_116 : memref<16384xi32, #tpu.memory_space<vmem>>)
        tpu.yield
      }) : () -> ()
      %mul3A_9 = arith.constant 1025 : i32
      %mul3A_10 = vector.broadcast %mul3A_9 : i32 to vector<16xi32>
      %mul3A_11 = arith.muli %iota3A, %mul3A_10 : vector<16xi32>
      %parallel_loop3A = arith.constant 0 : i32
      %parallel_loop3A_12 = arith.constant 256 : i32
      %parallel_loop3A_13 = arith.constant 1 : i32
      scf.for %parallel_loop3A_102 = %parallel_loop3A to %parallel_loop3A_12 step %parallel_loop3A_13  : i32 {
        %parallel_loop3A_103 = arith.constant 16 : i32
        %parallel_loop3A_104 = arith.muli %parallel_loop3A_102, %parallel_loop3A_103 : i32
        %parallel_loop3A_105 = arith.index_cast %parallel_loop3A_104 : i32 to index
        %parallel_loop3A_106 = tpu.vector_load %arg8[%parallel_loop3A_105] {strides = array<i32>} : memref<4096xi32, #tpu.memory_space<vmem>>, vector<16xi32>,
        tpu.vector_store %arg8[%parallel_loop3A_105], %broadcast_in_dim3A_8 {strides = array<i32>} : memref<4096xi32, #tpu.memory_space<vmem>>, vector<16xi32>,
        %parallel_loop3A_107 = arith.constant 16 : i32
        %parallel_loop3A_108 = arith.muli %parallel_loop3A_102, %parallel_loop3A_107 : i32
        %parallel_loop3A_109 = arith.index_cast %parallel_loop3A_108 : i32 to index
        %parallel_loop3A_110 = tpu.vector_load %arg9[%parallel_loop3A_109] {strides = array<i32>} : memref<4096xi32, #tpu.memory_space<vmem>>, vector<16xi32>,
        tpu.vector_store %arg9[%parallel_loop3A_109], %broadcast_in_dim3A_8 {strides = array<i32>} : memref<4096xi32, #tpu.memory_space<vmem>>, vector<16xi32>,
        %parallel_loop3A_111 = arith.constant 16 : i32
        %parallel_loop3A_112 = arith.muli %parallel_loop3A_102, %parallel_loop3A_111 : i32
        %parallel_loop3A_113 = arith.index_cast %parallel_loop3A_112 : i32 to index
        %parallel_loop3A_114 = tpu.vector_load %arg10[%parallel_loop3A_113] {strides = array<i32>} : memref<4096xi32, #tpu.memory_space<vmem>>, vector<16xi32>,
        tpu.vector_store %arg10[%parallel_loop3A_113], %broadcast_in_dim3A_8 {strides = array<i32>} : memref<4096xi32, #tpu.memory_space<vmem>>, vector<16xi32>,
        %parallel_loop3A_115 = arith.constant 16 : i32
        %parallel_loop3A_116 = arith.muli %parallel_loop3A_102, %parallel_loop3A_115 : i32
        %parallel_loop3A_117 = arith.index_cast %parallel_loop3A_116 : i32 to index
        %parallel_loop3A_118 = tpu.vector_load %arg11[%parallel_loop3A_117] {strides = array<i32>} : memref<4096xi32, #tpu.memory_space<vmem>>, vector<16xi32>,
        tpu.vector_store %arg11[%parallel_loop3A_117], %broadcast_in_dim3A_8 {strides = array<i32>} : memref<4096xi32, #tpu.memory_space<vmem>>, vector<16xi32>,
      } {sc.loop_unroll_factor = 2 : i64, sc.parallel_access}
      %scan3A = arith.constant 0 : i32
      %scan3A_14 = arith.constant 0 : i32
      %scan3A_15 = arith.constant 256 : i32
      %scan3A_16 = arith.addi %scan3A_14, %scan3A_15 : i32
      %scan3A_17 = arith.constant 1 : i32
      %scan3A_18 = scf.for %scan3A_102 = %scan3A_14 to %scan3A_16 step %scan3A_17 iter_args(%scan3A_103 = %scan3A) -> (i32)  : i32 {
        %add3A_104 = arith.constant 0 : i32
        %add3A_105 = vector.broadcast %add3A_104 : i32 to vector<16xi32>
        %add3A_106 = arith.addi %mul3A_5, %add3A_105 : vector<16xi32>
        %add3A_107 = vector.broadcast %scan3A_102 : i32 to vector<16xi32>
        %add3A_108 = arith.addi %add3A_106, %add3A_107 : vector<16xi32>
        %add3A_109 = arith.constant 0 : i32
        %add3A_110 = vector.broadcast %add3A_109 : i32 to vector<16xi32>
        %add3A_111 = arith.addi %mul3A_11, %add3A_110 : vector<16xi32>
        %add3A_112 = vector.broadcast %scan3A_102 : i32 to vector<16xi32>
        %add3A_113 = arith.addi %add3A_111, %add3A_112 : vector<16xi32>
        %gather3A = tpu.vector_load_idx %arg4[%add3A_108] : memref<16400xi32, #tpu.memory_space<vmem>>[vector<16xi32>], vector<16xi32>,
        %shift_right_logical3A = arith.constant 0 : i32
        %shift_right_logical3A_114 = vector.broadcast %shift_right_logical3A : i32 to vector<16xi32>
        %shift_right_logical3A_115 = arith.shrui %gather3A, %shift_right_logical3A_114 : vector<16xi32>
        %and3A = arith.constant 255 : i32
        %and3A_116 = vector.broadcast %and3A : i32 to vector<16xi32>
        %and3A_117 = arith.andi %shift_right_logical3A_115, %and3A_116 : vector<16xi32>
        %mul3A_118 = arith.constant 16 : i32
        %mul3A_119 = vector.broadcast %mul3A_118 : i32 to vector<16xi32>
        %mul3A_120 = arith.muli %and3A_117, %mul3A_119 : vector<16xi32>
        %add3A_121 = arith.addi %mul3A_120, %iota3A : vector<16xi32>
        %gather3A_122 = tpu.vector_load_idx %arg8[%add3A_121] : memref<4096xi32, #tpu.memory_space<vmem>>[vector<16xi32>], vector<16xi32>,
        %add3A_123 = arith.constant 1 : i32
        %add3A_124 = vector.broadcast %add3A_123 : i32 to vector<16xi32>
        %add3A_125 = arith.addi %gather3A_122, %add3A_124 : vector<16xi32>
        tpu.vector_store_idx %arg8[%add3A_121], %add3A_125 : memref<4096xi32, #tpu.memory_space<vmem>>[vector<16xi32>], vector<16xi32>,
        tpu.vector_store_idx %arg12[%add3A_113], %gather3A_122 : memref<16400xi32, #tpu.memory_space<vmem>>[vector<16xi32>], vector<16xi32>,
        %add3A_126 = arith.constant 256 : i32
        %add3A_127 = vector.broadcast %add3A_126 : i32 to vector<16xi32>
        %add3A_128 = arith.addi %mul3A_5, %add3A_127 : vector<16xi32>
        %add3A_129 = vector.broadcast %scan3A_102 : i32 to vector<16xi32>
        %add3A_130 = arith.addi %add3A_128, %add3A_129 : vector<16xi32>
        %add3A_131 = arith.constant 256 : i32
        %add3A_132 = vector.broadcast %add3A_131 : i32 to vector<16xi32>
        %add3A_133 = arith.addi %mul3A_11, %add3A_132 : vector<16xi32>
        %add3A_134 = vector.broadcast %scan3A_102 : i32 to vector<16xi32>
        %add3A_135 = arith.addi %add3A_133, %add3A_134 : vector<16xi32>
        %gather3A_136 = tpu.vector_load_idx %arg4[%add3A_130] : memref<16400xi32, #tpu.memory_space<vmem>>[vector<16xi32>], vector<16xi32>,
        %shift_right_logical3A_137 = arith.constant 0 : i32
        %shift_right_logical3A_138 = vector.broadcast %shift_right_logical3A_137 : i32 to vector<16xi32>
        %shift_right_logical3A_139 = arith.shrui %gather3A_136, %shift_right_logical3A_138 : vector<16xi32>
        %and3A_140 = arith.constant 255 : i32
        %and3A_141 = vector.broadcast %and3A_140 : i32 to vector<16xi32>
        %and3A_142 = arith.andi %shift_right_logical3A_139, %and3A_141 : vector<16xi32>
        %mul3A_143 = arith.constant 16 : i32
        %mul3A_144 = vector.broadcast %mul3A_143 : i32 to vector<16xi32>
        %mul3A_145 = arith.muli %and3A_142, %mul3A_144 : vector<16xi32>
        %add3A_146 = arith.addi %mul3A_145, %iota3A : vector<16xi32>
        %gather3A_147 = tpu.vector_load_idx %arg9[%add3A_146] : memref<4096xi32, #tpu.memory_space<vmem>>[vector<16xi32>], vector<16xi32>,
        %add3A_148 = arith.constant 1 : i32
        %add3A_149 = vector.broadcast %add3A_148 : i32 to vector<16xi32>
        %add3A_150 = arith.addi %gather3A_147, %add3A_149 : vector<16xi32>
        tpu.vector_store_idx %arg9[%add3A_146], %add3A_150 : memref<4096xi32, #tpu.memory_space<vmem>>[vector<16xi32>], vector<16xi32>,
        tpu.vector_store_idx %arg12[%add3A_135], %gather3A_147 : memref<16400xi32, #tpu.memory_space<vmem>>[vector<16xi32>], vector<16xi32>,
        %add3A_151 = arith.constant 512 : i32
        %add3A_152 = vector.broadcast %add3A_151 : i32 to vector<16xi32>
        %add3A_153 = arith.addi %mul3A_5, %add3A_152 : vector<16xi32>
        %add3A_154 = vector.broadcast %scan3A_102 : i32 to vector<16xi32>
        %add3A_155 = arith.addi %add3A_153, %add3A_154 : vector<16xi32>
        %add3A_156 = arith.constant 512 : i32
        %add3A_157 = vector.broadcast %add3A_156 : i32 to vector<16xi32>
        %add3A_158 = arith.addi %mul3A_11, %add3A_157 : vector<16xi32>
        %add3A_159 = vector.broadcast %scan3A_102 : i32 to vector<16xi32>
        %add3A_160 = arith.addi %add3A_158, %add3A_159 : vector<16xi32>
        %gather3A_161 = tpu.vector_load_idx %arg4[%add3A_155] : memref<16400xi32, #tpu.memory_space<vmem>>[vector<16xi32>], vector<16xi32>,
        %shift_right_logical3A_162 = arith.constant 0 : i32
        %shift_right_logical3A_163 = vector.broadcast %shift_right_logical3A_162 : i32 to vector<16xi32>
        %shift_right_logical3A_164 = arith.shrui %gather3A_161, %shift_right_logical3A_163 : vector<16xi32>
        %and3A_165 = arith.constant 255 : i32
        %and3A_166 = vector.broadcast %and3A_165 : i32 to vector<16xi32>
        %and3A_167 = arith.andi %shift_right_logical3A_164, %and3A_166 : vector<16xi32>
        %mul3A_168 = arith.constant 16 : i32
        %mul3A_169 = vector.broadcast %mul3A_168 : i32 to vector<16xi32>
        %mul3A_170 = arith.muli %and3A_167, %mul3A_169 : vector<16xi32>
        %add3A_171 = arith.addi %mul3A_170, %iota3A : vector<16xi32>
        %gather3A_172 = tpu.vector_load_idx %arg10[%add3A_171] : memref<4096xi32, #tpu.memory_space<vmem>>[vector<16xi32>], vector<16xi32>,
        %add3A_173 = arith.constant 1 : i32
        %add3A_174 = vector.broadcast %add3A_173 : i32 to vector<16xi32>
        %add3A_175 = arith.addi %gather3A_172, %add3A_174 : vector<16xi32>
        tpu.vector_store_idx %arg10[%add3A_171], %add3A_175 : memref<4096xi32, #tpu.memory_space<vmem>>[vector<16xi32>], vector<16xi32>,
        tpu.vector_store_idx %arg12[%add3A_160], %gather3A_172 : memref<16400xi32, #tpu.memory_space<vmem>>[vector<16xi32>], vector<16xi32>,
        %add3A_176 = arith.constant 768 : i32
        %add3A_177 = vector.broadcast %add3A_176 : i32 to vector<16xi32>
        %add3A_178 = arith.addi %mul3A_5, %add3A_177 : vector<16xi32>
        %add3A_179 = vector.broadcast %scan3A_102 : i32 to vector<16xi32>
        %add3A_180 = arith.addi %add3A_178, %add3A_179 : vector<16xi32>
        %add3A_181 = arith.constant 768 : i32
        %add3A_182 = vector.broadcast %add3A_181 : i32 to vector<16xi32>
        %add3A_183 = arith.addi %mul3A_11, %add3A_182 : vector<16xi32>
        %add3A_184 = vector.broadcast %scan3A_102 : i32 to vector<16xi32>
        %add3A_185 = arith.addi %add3A_183, %add3A_184 : vector<16xi32>
        %gather3A_186 = tpu.vector_load_idx %arg4[%add3A_180] : memref<16400xi32, #tpu.memory_space<vmem>>[vector<16xi32>], vector<16xi32>,
        %shift_right_logical3A_187 = arith.constant 0 : i32
        %shift_right_logical3A_188 = vector.broadcast %shift_right_logical3A_187 : i32 to vector<16xi32>
        %shift_right_logical3A_189 = arith.shrui %gather3A_186, %shift_right_logical3A_188 : vector<16xi32>
        %and3A_190 = arith.constant 255 : i32
        %and3A_191 = vector.broadcast %and3A_190 : i32 to vector<16xi32>
        %and3A_192 = arith.andi %shift_right_logical3A_189, %and3A_191 : vector<16xi32>
        %mul3A_193 = arith.constant 16 : i32
        %mul3A_194 = vector.broadcast %mul3A_193 : i32 to vector<16xi32>
        %mul3A_195 = arith.muli %and3A_192, %mul3A_194 : vector<16xi32>
        %add3A_196 = arith.addi %mul3A_195, %iota3A : vector<16xi32>
        %gather3A_197 = tpu.vector_load_idx %arg11[%add3A_196] : memref<4096xi32, #tpu.memory_space<vmem>>[vector<16xi32>], vector<16xi32>,
        %add3A_198 = arith.constant 1 : i32
        %add3A_199 = vector.broadcast %add3A_198 : i32 to vector<16xi32>
        %add3A_200 = arith.addi %gather3A_197, %add3A_199 : vector<16xi32>
        tpu.vector_store_idx %arg11[%add3A_196], %add3A_200 : memref<4096xi32, #tpu.memory_space<vmem>>[vector<16xi32>], vector<16xi32>,
        tpu.vector_store_idx %arg12[%add3A_185], %gather3A_197 : memref<16400xi32, #tpu.memory_space<vmem>>[vector<16xi32>], vector<16xi32>,
        %scan3A_201 = arith.constant 0 : i32
        scf.yield %scan3A_201 : i32
      }
      %scan3A_19 = arith.constant 256 : i32
      %parallel_loop3A_20 = arith.constant 0 : i32
      %parallel_loop3A_21 = arith.constant 256 : i32
      %parallel_loop3A_22 = arith.constant 1 : i32
      scf.for %parallel_loop3A_102 = %parallel_loop3A_20 to %parallel_loop3A_21 step %parallel_loop3A_22  : i32 {
        %parallel_loop3A_103 = arith.constant 16 : i32
        %parallel_loop3A_104 = arith.muli %parallel_loop3A_102, %parallel_loop3A_103 : i32
        %parallel_loop3A_105 = arith.index_cast %parallel_loop3A_104 : i32 to index
        %parallel_loop3A_106 = tpu.vector_load %arg8[%parallel_loop3A_105] {strides = array<i32>} : memref<4096xi32, #tpu.memory_space<vmem>>, vector<16xi32>,
        %parallel_loop3A_107 = arith.index_cast %parallel_loop3A_104 : i32 to index
        %parallel_loop3A_108 = tpu.vector_load %arg9[%parallel_loop3A_107] {strides = array<i32>} : memref<4096xi32, #tpu.memory_space<vmem>>, vector<16xi32>,
        %parallel_loop3A_109 = arith.index_cast %parallel_loop3A_104 : i32 to index
        %parallel_loop3A_110 = tpu.vector_load %arg10[%parallel_loop3A_109] {strides = array<i32>} : memref<4096xi32, #tpu.memory_space<vmem>>, vector<16xi32>,
        %parallel_loop3A_111 = arith.index_cast %parallel_loop3A_104 : i32 to index
        %parallel_loop3A_112 = tpu.vector_load %arg11[%parallel_loop3A_111] {strides = array<i32>} : memref<4096xi32, #tpu.memory_space<vmem>>, vector<16xi32>,
        %parallel_loop3A_113 = arith.addi %parallel_loop3A_106, %parallel_loop3A_108 : vector<16xi32>
        %parallel_loop3A_114 = arith.addi %parallel_loop3A_113, %parallel_loop3A_110 : vector<16xi32>
        %parallel_loop3A_115 = arith.addi %parallel_loop3A_114, %parallel_loop3A_112 : vector<16xi32>
        %parallel_loop3A_116 = arith.constant true
        %parallel_loop3A_117 = vector.broadcast %parallel_loop3A_116 : i1 to vector<16xi1>
        %parallel_loop3A_118 = tpu.scan <sum>, %parallel_loop3A_115 masked %parallel_loop3A_117 : vector<16xi32>, vector<16xi1> -> vector<16xi32>
        %parallel_loop3A_119 = arith.subi %parallel_loop3A_118, %parallel_loop3A_115 : vector<16xi32>
        %parallel_loop3A_120 = arith.index_cast %parallel_loop3A_104 : i32 to index
        %parallel_loop3A_121 = tpu.vector_load %arg8[%parallel_loop3A_120] {strides = array<i32>} : memref<4096xi32, #tpu.memory_space<vmem>>, vector<16xi32>,
        tpu.vector_store %arg8[%parallel_loop3A_120], %parallel_loop3A_119 {strides = array<i32>} : memref<4096xi32, #tpu.memory_space<vmem>>, vector<16xi32>,
        %parallel_loop3A_122 = arith.addi %parallel_loop3A_119, %parallel_loop3A_106 : vector<16xi32>
        %parallel_loop3A_123 = arith.index_cast %parallel_loop3A_104 : i32 to index
        %parallel_loop3A_124 = tpu.vector_load %arg9[%parallel_loop3A_123] {strides = array<i32>} : memref<4096xi32, #tpu.memory_space<vmem>>, vector<16xi32>,
        tpu.vector_store %arg9[%parallel_loop3A_123], %parallel_loop3A_122 {strides = array<i32>} : memref<4096xi32, #tpu.memory_space<vmem>>, vector<16xi32>,
        %parallel_loop3A_125 = arith.addi %parallel_loop3A_119, %parallel_loop3A_106 : vector<16xi32>
        %parallel_loop3A_126 = arith.addi %parallel_loop3A_125, %parallel_loop3A_108 : vector<16xi32>
        %parallel_loop3A_127 = arith.index_cast %parallel_loop3A_104 : i32 to index
        %parallel_loop3A_128 = tpu.vector_load %arg10[%parallel_loop3A_127] {strides = array<i32>} : memref<4096xi32, #tpu.memory_space<vmem>>, vector<16xi32>,
        tpu.vector_store %arg10[%parallel_loop3A_127], %parallel_loop3A_126 {strides = array<i32>} : memref<4096xi32, #tpu.memory_space<vmem>>, vector<16xi32>,
        %parallel_loop3A_129 = arith.addi %parallel_loop3A_119, %parallel_loop3A_106 : vector<16xi32>
        %parallel_loop3A_130 = arith.addi %parallel_loop3A_129, %parallel_loop3A_108 : vector<16xi32>
        %parallel_loop3A_131 = arith.addi %parallel_loop3A_130, %parallel_loop3A_110 : vector<16xi32>
        %parallel_loop3A_132 = arith.index_cast %parallel_loop3A_104 : i32 to index
        %parallel_loop3A_133 = tpu.vector_load %arg11[%parallel_loop3A_132] {strides = array<i32>} : memref<4096xi32, #tpu.memory_space<vmem>>, vector<16xi32>,
        tpu.vector_store %arg11[%parallel_loop3A_132], %parallel_loop3A_131 {strides = array<i32>} : memref<4096xi32, #tpu.memory_space<vmem>>, vector<16xi32>,
        %parallel_loop3A_134 = arith.constant true
        %parallel_loop3A_135 = vector.broadcast %parallel_loop3A_134 : i1 to vector<16xi1>
        %parallel_loop3A_136 = tpu.scan <sum>, %parallel_loop3A_115 masked %parallel_loop3A_135 : vector<16xi32>, vector<16xi1> -> vector<16xi32>
        %parallel_loop3A_137 = vector.extract %parallel_loop3A_136[15] : i32 from vector<16xi32>
        %parallel_loop3A_138 = vector.broadcast %parallel_loop3A_137 : i32 to vector<16xi32>
        %parallel_loop3A_139 = arith.constant 16 : i32
        %parallel_loop3A_140 = arith.muli %parallel_loop3A_102, %parallel_loop3A_139 : i32
        %parallel_loop3A_141 = arith.index_cast %parallel_loop3A_140 : i32 to index
        %parallel_loop3A_142 = tpu.vector_load %arg13[%parallel_loop3A_141] {strides = array<i32>} : memref<4096xi32, #tpu.memory_space<vmem>>, vector<16xi32>,
        tpu.vector_store %arg13[%parallel_loop3A_141], %parallel_loop3A_138 {strides = array<i32>} : memref<4096xi32, #tpu.memory_space<vmem>>, vector<16xi32>,
      } {sc.loop_unroll_factor = 2 : i64, sc.parallel_access}
      %scan3A_23 = arith.constant 0 : i32
      %scan3A_24 = arith.constant 0 : i32
      %scan3A_25 = arith.constant 16 : i32
      %scan3A_26 = arith.addi %scan3A_24, %scan3A_25 : i32
      %scan3A_27 = arith.constant 1 : i32
      %scan3A_28 = scf.for %scan3A_102 = %scan3A_24 to %scan3A_26 step %scan3A_27 iter_args(%scan3A_103 = %scan3A_23) -> (i32)  : i32 {
        %mul3A_104 = arith.constant 16 : i32
        %mul3A_105 = arith.muli %scan3A_102, %mul3A_104 : i32
        %add3A_106 = vector.broadcast %mul3A_105 : i32 to vector<16xi32>
        %add3A_107 = arith.addi %add3A_106, %iota3A : vector<16xi32>
        %mul3A_108 = arith.constant 16 : i32
        %mul3A_109 = vector.broadcast %mul3A_108 : i32 to vector<16xi32>
        %mul3A_110 = arith.muli %add3A_107, %mul3A_109 : vector<16xi32>
        %add3A_111 = arith.addi %mul3A_110, %iota3A : vector<16xi32>
        %gather3A = tpu.vector_load_idx %arg13[%add3A_111] : memref<4096xi32, #tpu.memory_space<vmem>>[vector<16xi32>], vector<16xi32>,
        %broadcast_in_dim3A_112 = arith.constant true
        %broadcast_in_dim3A_113 = vector.broadcast %broadcast_in_dim3A_112 : i1 to vector<16xi1>
        %masked_cumsum3A = tpu.scan <sum>, %gather3A masked %broadcast_in_dim3A_113 : vector<16xi32>, vector<16xi1> -> vector<16xi32>
        %sub3A = arith.subi %masked_cumsum3A, %gather3A : vector<16xi32>
        %add3A_114 = vector.broadcast %scan3A_103 : i32 to vector<16xi32>
        %add3A_115 = arith.addi %sub3A, %add3A_114 : vector<16xi32>
        %mul3A_116 = arith.constant 16 : i32
        %mul3A_117 = arith.muli %scan3A_102, %mul3A_116 : i32
        %swap3A = arith.index_cast %mul3A_117 : i32 to index
        %swap3A_118 = tpu.vector_load %arg14[%swap3A] {strides = array<i32>} : memref<256xi32, #tpu.memory_space<vmem>>, vector<16xi32>,
        tpu.vector_store %arg14[%swap3A], %add3A_115 {strides = array<i32>} : memref<256xi32, #tpu.memory_space<vmem>>, vector<16xi32>,
        %reduce_sum3A = arith.constant true
        %reduce_sum3A_119 = vector.broadcast %reduce_sum3A : i1 to vector<16xi1>
        %reduce_sum3A_120 = tpu.scan <sum>, %gather3A masked %reduce_sum3A_119 : vector<16xi32>, vector<16xi1> -> vector<16xi32>
        %reduce_sum3A_121 = vector.extract %reduce_sum3A_120[15] : i32 from vector<16xi32>
        %add3A_122 = arith.addi %scan3A_103, %reduce_sum3A_121 : i32
        scf.yield %add3A_122 : i32
      }
      %scan3A_29 = arith.constant 16 : i32
      %parallel_loop3A_30 = arith.constant 0 : i32
      %parallel_loop3A_31 = arith.constant 256 : i32
      %parallel_loop3A_32 = arith.constant 1 : i32
      scf.for %parallel_loop3A_102 = %parallel_loop3A_30 to %parallel_loop3A_31 step %parallel_loop3A_32  : i32 {
        %parallel_loop3A_103 = arith.constant 0 : i32
        %parallel_loop3A_104 = vector.broadcast %parallel_loop3A_103 : i32 to vector<16xi32>
        %parallel_loop3A_105 = arith.addi %mul3A_5, %parallel_loop3A_104 : vector<16xi32>
        %parallel_loop3A_106 = vector.broadcast %parallel_loop3A_102 : i32 to vector<16xi32>
        %parallel_loop3A_107 = arith.addi %parallel_loop3A_105, %parallel_loop3A_106 : vector<16xi32>
        %parallel_loop3A_108 = arith.constant 0 : i32
        %parallel_loop3A_109 = vector.broadcast %parallel_loop3A_108 : i32 to vector<16xi32>
        %parallel_loop3A_110 = arith.addi %mul3A_11, %parallel_loop3A_109 : vector<16xi32>
        %parallel_loop3A_111 = vector.broadcast %parallel_loop3A_102 : i32 to vector<16xi32>
        %parallel_loop3A_112 = arith.addi %parallel_loop3A_110, %parallel_loop3A_111 : vector<16xi32>
        %parallel_loop3A_113 = tpu.vector_load_idx %arg4[%parallel_loop3A_107] : memref<16400xi32, #tpu.memory_space<vmem>>[vector<16xi32>], vector<16xi32>,
        %parallel_loop3A_114 = arith.constant 0 : i32
        %parallel_loop3A_115 = vector.broadcast %parallel_loop3A_114 : i32 to vector<16xi32>
        %parallel_loop3A_116 = arith.addi %mul3A_5, %parallel_loop3A_115 : vector<16xi32>
        %parallel_loop3A_117 = vector.broadcast %parallel_loop3A_102 : i32 to vector<16xi32>
        %parallel_loop3A_118 = arith.addi %parallel_loop3A_116, %parallel_loop3A_117 : vector<16xi32>
        %parallel_loop3A_119 = arith.constant 0 : i32
        %parallel_loop3A_120 = vector.broadcast %parallel_loop3A_119 : i32 to vector<16xi32>
        %parallel_loop3A_121 = arith.shrui %parallel_loop3A_113, %parallel_loop3A_120 : vector<16xi32>
        %parallel_loop3A_122 = arith.constant 255 : i32
        %parallel_loop3A_123 = vector.broadcast %parallel_loop3A_122 : i32 to vector<16xi32>
        %parallel_loop3A_124 = arith.andi %parallel_loop3A_121, %parallel_loop3A_123 : vector<16xi32>
        %parallel_loop3A_125 = arith.constant 16 : i32
        %parallel_loop3A_126 = vector.broadcast %parallel_loop3A_125 : i32 to vector<16xi32>
        %parallel_loop3A_127 = arith.muli %parallel_loop3A_124, %parallel_loop3A_126 : vector<16xi32>
        %parallel_loop3A_128 = arith.addi %parallel_loop3A_127, %iota3A : vector<16xi32>
        %parallel_loop3A_129 = tpu.vector_load_idx %arg8[%parallel_loop3A_128] : memref<4096xi32, #tpu.memory_space<vmem>>[vector<16xi32>], vector<16xi32>,
        %parallel_loop3A_130 = tpu.vector_load_idx %arg12[%parallel_loop3A_112] : memref<16400xi32, #tpu.memory_space<vmem>>[vector<16xi32>], vector<16xi32>,
        %parallel_loop3A_131 = arith.addi %parallel_loop3A_129, %parallel_loop3A_130 : vector<16xi32>
        %parallel_loop3A_132 = tpu.vector_load_idx %arg14[%parallel_loop3A_124] : memref<256xi32, #tpu.memory_space<vmem>>[vector<16xi32>], vector<16xi32>,
        %parallel_loop3A_133 = arith.addi %parallel_loop3A_131, %parallel_loop3A_132 : vector<16xi32>
        %parallel_loop3A_134 = arith.constant 10 : i32
        %parallel_loop3A_135 = vector.broadcast %parallel_loop3A_134 : i32 to vector<16xi32>
        %parallel_loop3A_136 = arith.shrui %parallel_loop3A_133, %parallel_loop3A_135 : vector<16xi32>
        %parallel_loop3A_137 = arith.addi %parallel_loop3A_133, %parallel_loop3A_136 : vector<16xi32>
        tpu.vector_store_idx %arg5[%parallel_loop3A_137], %parallel_loop3A_113 : memref<16400xi32, #tpu.memory_space<vmem>>[vector<16xi32>], vector<16xi32>,
        tpu.vector_store_idx %arg7[%parallel_loop3A_137], %parallel_loop3A_118 : memref<16400xi32, #tpu.memory_space<vmem>>[vector<16xi32>], vector<16xi32>,
        %parallel_loop3A_138 = arith.constant 256 : i32
        %parallel_loop3A_139 = vector.broadcast %parallel_loop3A_138 : i32 to vector<16xi32>
        %parallel_loop3A_140 = arith.addi %mul3A_5, %parallel_loop3A_139 : vector<16xi32>
        %parallel_loop3A_141 = vector.broadcast %parallel_loop3A_102 : i32 to vector<16xi32>
        %parallel_loop3A_142 = arith.addi %parallel_loop3A_140, %parallel_loop3A_141 : vector<16xi32>
        %parallel_loop3A_143 = arith.constant 256 : i32
        %parallel_loop3A_144 = vector.broadcast %parallel_loop3A_143 : i32 to vector<16xi32>
        %parallel_loop3A_145 = arith.addi %mul3A_11, %parallel_loop3A_144 : vector<16xi32>
        %parallel_loop3A_146 = vector.broadcast %parallel_loop3A_102 : i32 to vector<16xi32>
        %parallel_loop3A_147 = arith.addi %parallel_loop3A_145, %parallel_loop3A_146 : vector<16xi32>
        %parallel_loop3A_148 = tpu.vector_load_idx %arg4[%parallel_loop3A_142] : memref<16400xi32, #tpu.memory_space<vmem>>[vector<16xi32>], vector<16xi32>,
        %parallel_loop3A_149 = arith.constant 256 : i32
        %parallel_loop3A_150 = vector.broadcast %parallel_loop3A_149 : i32 to vector<16xi32>
        %parallel_loop3A_151 = arith.addi %mul3A_5, %parallel_loop3A_150 : vector<16xi32>
        %parallel_loop3A_152 = vector.broadcast %parallel_loop3A_102 : i32 to vector<16xi32>
        %parallel_loop3A_153 = arith.addi %parallel_loop3A_151, %parallel_loop3A_152 : vector<16xi32>
        %parallel_loop3A_154 = arith.constant 0 : i32
        %parallel_loop3A_155 = vector.broadcast %parallel_loop3A_154 : i32 to vector<16xi32>
        %parallel_loop3A_156 = arith.shrui %parallel_loop3A_148, %parallel_loop3A_155 : vector<16xi32>
        %parallel_loop3A_157 = arith.constant 255 : i32
        %parallel_loop3A_158 = vector.broadcast %parallel_loop3A_157 : i32 to vector<16xi32>
        %parallel_loop3A_159 = arith.andi %parallel_loop3A_156, %parallel_loop3A_158 : vector<16xi32>
        %parallel_loop3A_160 = arith.constant 16 : i32
        %parallel_loop3A_161 = vector.broadcast %parallel_loop3A_160 : i32 to vector<16xi32>
        %parallel_loop3A_162 = arith.muli %parallel_loop3A_159, %parallel_loop3A_161 : vector<16xi32>
        %parallel_loop3A_163 = arith.addi %parallel_loop3A_162, %iota3A : vector<16xi32>
        %parallel_loop3A_164 = tpu.vector_load_idx %arg9[%parallel_loop3A_163] : memref<4096xi32, #tpu.memory_space<vmem>>[vector<16xi32>], vector<16xi32>,
        %parallel_loop3A_165 = tpu.vector_load_idx %arg12[%parallel_loop3A_147] : memref<16400xi32, #tpu.memory_space<vmem>>[vector<16xi32>], vector<16xi32>,
        %parallel_loop3A_166 = arith.addi %parallel_loop3A_164, %parallel_loop3A_165 : vector<16xi32>
        %parallel_loop3A_167 = tpu.vector_load_idx %arg14[%parallel_loop3A_159] : memref<256xi32, #tpu.memory_space<vmem>>[vector<16xi32>], vector<16xi32>,
        %parallel_loop3A_168 = arith.addi %parallel_loop3A_166, %parallel_loop3A_167 : vector<16xi32>
        %parallel_loop3A_169 = arith.constant 10 : i32
        %parallel_loop3A_170 = vector.broadcast %parallel_loop3A_169 : i32 to vector<16xi32>
        %parallel_loop3A_171 = arith.shrui %parallel_loop3A_168, %parallel_loop3A_170 : vector<16xi32>
        %parallel_loop3A_172 = arith.addi %parallel_loop3A_168, %parallel_loop3A_171 : vector<16xi32>
        tpu.vector_store_idx %arg5[%parallel_loop3A_172], %parallel_loop3A_148 : memref<16400xi32, #tpu.memory_space<vmem>>[vector<16xi32>], vector<16xi32>,
        tpu.vector_store_idx %arg7[%parallel_loop3A_172], %parallel_loop3A_153 : memref<16400xi32, #tpu.memory_space<vmem>>[vector<16xi32>], vector<16xi32>,
        %parallel_loop3A_173 = arith.constant 512 : i32
        %parallel_loop3A_174 = vector.broadcast %parallel_loop3A_173 : i32 to vector<16xi32>
        %parallel_loop3A_175 = arith.addi %mul3A_5, %parallel_loop3A_174 : vector<16xi32>
        %parallel_loop3A_176 = vector.broadcast %parallel_loop3A_102 : i32 to vector<16xi32>
        %parallel_loop3A_177 = arith.addi %parallel_loop3A_175, %parallel_loop3A_176 : vector<16xi32>
        %parallel_loop3A_178 = arith.constant 512 : i32
        %parallel_loop3A_179 = vector.broadcast %parallel_loop3A_178 : i32 to vector<16xi32>
        %parallel_loop3A_180 = arith.addi %mul3A_11, %parallel_loop3A_179 : vector<16xi32>
        %parallel_loop3A_181 = vector.broadcast %parallel_loop3A_102 : i32 to vector<16xi32>
        %parallel_loop3A_182 = arith.addi %parallel_loop3A_180, %parallel_loop3A_181 : vector<16xi32>
        %parallel_loop3A_183 = tpu.vector_load_idx %arg4[%parallel_loop3A_177] : memref<16400xi32, #tpu.memory_space<vmem>>[vector<16xi32>], vector<16xi32>,
        %parallel_loop3A_184 = arith.constant 512 : i32
        %parallel_loop3A_185 = vector.broadcast %parallel_loop3A_184 : i32 to vector<16xi32>
        %parallel_loop3A_186 = arith.addi %mul3A_5, %parallel_loop3A_185 : vector<16xi32>
        %parallel_loop3A_187 = vector.broadcast %parallel_loop3A_102 : i32 to vector<16xi32>
        %parallel_loop3A_188 = arith.addi %parallel_loop3A_186, %parallel_loop3A_187 : vector<16xi32>
        %parallel_loop3A_189 = arith.constant 0 : i32
        %parallel_loop3A_190 = vector.broadcast %parallel_loop3A_189 : i32 to vector<16xi32>
        %parallel_loop3A_191 = arith.shrui %parallel_loop3A_183, %parallel_loop3A_190 : vector<16xi32>
        %parallel_loop3A_192 = arith.constant 255 : i32
        %parallel_loop3A_193 = vector.broadcast %parallel_loop3A_192 : i32 to vector<16xi32>
        %parallel_loop3A_194 = arith.andi %parallel_loop3A_191, %parallel_loop3A_193 : vector<16xi32>
        %parallel_loop3A_195 = arith.constant 16 : i32
        %parallel_loop3A_196 = vector.broadcast %parallel_loop3A_195 : i32 to vector<16xi32>
        %parallel_loop3A_197 = arith.muli %parallel_loop3A_194, %parallel_loop3A_196 : vector<16xi32>
        %parallel_loop3A_198 = arith.addi %parallel_loop3A_197, %iota3A : vector<16xi32>
        %parallel_loop3A_199 = tpu.vector_load_idx %arg10[%parallel_loop3A_198] : memref<4096xi32, #tpu.memory_space<vmem>>[vector<16xi32>], vector<16xi32>,
        %parallel_loop3A_200 = tpu.vector_load_idx %arg12[%parallel_loop3A_182] : memref<16400xi32, #tpu.memory_space<vmem>>[vector<16xi32>], vector<16xi32>,
        %parallel_loop3A_201 = arith.addi %parallel_loop3A_199, %parallel_loop3A_200 : vector<16xi32>
        %parallel_loop3A_202 = tpu.vector_load_idx %arg14[%parallel_loop3A_194] : memref<256xi32, #tpu.memory_space<vmem>>[vector<16xi32>], vector<16xi32>,
        %parallel_loop3A_203 = arith.addi %parallel_loop3A_201, %parallel_loop3A_202 : vector<16xi32>
        %parallel_loop3A_204 = arith.constant 10 : i32
        %parallel_loop3A_205 = vector.broadcast %parallel_loop3A_204 : i32 to vector<16xi32>
        %parallel_loop3A_206 = arith.shrui %parallel_loop3A_203, %parallel_loop3A_205 : vector<16xi32>
        %parallel_loop3A_207 = arith.addi %parallel_loop3A_203, %parallel_loop3A_206 : vector<16xi32>
        tpu.vector_store_idx %arg5[%parallel_loop3A_207], %parallel_loop3A_183 : memref<16400xi32, #tpu.memory_space<vmem>>[vector<16xi32>], vector<16xi32>,
        tpu.vector_store_idx %arg7[%parallel_loop3A_207], %parallel_loop3A_188 : memref<16400xi32, #tpu.memory_space<vmem>>[vector<16xi32>], vector<16xi32>,
        %parallel_loop3A_208 = arith.constant 768 : i32
        %parallel_loop3A_209 = vector.broadcast %parallel_loop3A_208 : i32 to vector<16xi32>
        %parallel_loop3A_210 = arith.addi %mul3A_5, %parallel_loop3A_209 : vector<16xi32>
        %parallel_loop3A_211 = vector.broadcast %parallel_loop3A_102 : i32 to vector<16xi32>
        %parallel_loop3A_212 = arith.addi %parallel_loop3A_210, %parallel_loop3A_211 : vector<16xi32>
        %parallel_loop3A_213 = arith.constant 768 : i32
        %parallel_loop3A_214 = vector.broadcast %parallel_loop3A_213 : i32 to vector<16xi32>
        %parallel_loop3A_215 = arith.addi %mul3A_11, %parallel_loop3A_214 : vector<16xi32>
        %parallel_loop3A_216 = vector.broadcast %parallel_loop3A_102 : i32 to vector<16xi32>
        %parallel_loop3A_217 = arith.addi %parallel_loop3A_215, %parallel_loop3A_216 : vector<16xi32>
        %parallel_loop3A_218 = tpu.vector_load_idx %arg4[%parallel_loop3A_212] : memref<16400xi32, #tpu.memory_space<vmem>>[vector<16xi32>], vector<16xi32>,
        %parallel_loop3A_219 = arith.constant 768 : i32
        %parallel_loop3A_220 = vector.broadcast %parallel_loop3A_219 : i32 to vector<16xi32>
        %parallel_loop3A_221 = arith.addi %mul3A_5, %parallel_loop3A_220 : vector<16xi32>
        %parallel_loop3A_222 = vector.broadcast %parallel_loop3A_102 : i32 to vector<16xi32>
        %parallel_loop3A_223 = arith.addi %parallel_loop3A_221, %parallel_loop3A_222 : vector<16xi32>
        %parallel_loop3A_224 = arith.constant 0 : i32
        %parallel_loop3A_225 = vector.broadcast %parallel_loop3A_224 : i32 to vector<16xi32>
        %parallel_loop3A_226 = arith.shrui %parallel_loop3A_218, %parallel_loop3A_225 : vector<16xi32>
        %parallel_loop3A_227 = arith.constant 255 : i32
        %parallel_loop3A_228 = vector.broadcast %parallel_loop3A_227 : i32 to vector<16xi32>
        %parallel_loop3A_229 = arith.andi %parallel_loop3A_226, %parallel_loop3A_228 : vector<16xi32>
        %parallel_loop3A_230 = arith.constant 16 : i32
        %parallel_loop3A_231 = vector.broadcast %parallel_loop3A_230 : i32 to vector<16xi32>
        %parallel_loop3A_232 = arith.muli %parallel_loop3A_229, %parallel_loop3A_231 : vector<16xi32>
        %parallel_loop3A_233 = arith.addi %parallel_loop3A_232, %iota3A : vector<16xi32>
        %parallel_loop3A_234 = tpu.vector_load_idx %arg11[%parallel_loop3A_233] : memref<4096xi32, #tpu.memory_space<vmem>>[vector<16xi32>], vector<16xi32>,
        %parallel_loop3A_235 = tpu.vector_load_idx %arg12[%parallel_loop3A_217] : memref<16400xi32, #tpu.memory_space<vmem>>[vector<16xi32>], vector<16xi32>,
        %parallel_loop3A_236 = arith.addi %parallel_loop3A_234, %parallel_loop3A_235 : vector<16xi32>
        %parallel_loop3A_237 = tpu.vector_load_idx %arg14[%parallel_loop3A_229] : memref<256xi32, #tpu.memory_space<vmem>>[vector<16xi32>], vector<16xi32>,
        %parallel_loop3A_238 = arith.addi %parallel_loop3A_236, %parallel_loop3A_237 : vector<16xi32>
        %parallel_loop3A_239 = arith.constant 10 : i32
        %parallel_loop3A_240 = vector.broadcast %parallel_loop3A_239 : i32 to vector<16xi32>
        %parallel_loop3A_241 = arith.shrui %parallel_loop3A_238, %parallel_loop3A_240 : vector<16xi32>
        %parallel_loop3A_242 = arith.addi %parallel_loop3A_238, %parallel_loop3A_241 : vector<16xi32>
        tpu.vector_store_idx %arg5[%parallel_loop3A_242], %parallel_loop3A_218 : memref<16400xi32, #tpu.memory_space<vmem>>[vector<16xi32>], vector<16xi32>,
        tpu.vector_store_idx %arg7[%parallel_loop3A_242], %parallel_loop3A_223 : memref<16400xi32, #tpu.memory_space<vmem>>[vector<16xi32>], vector<16xi32>,
      } {sc.loop_unroll_factor = 2 : i64, sc.parallel_access}
      %parallel_loop3A_33 = arith.constant 0 : i32
      %parallel_loop3A_34 = arith.constant 256 : i32
      %parallel_loop3A_35 = arith.constant 1 : i32
      scf.for %parallel_loop3A_102 = %parallel_loop3A_33 to %parallel_loop3A_34 step %parallel_loop3A_35  : i32 {
        %parallel_loop3A_103 = arith.constant 16 : i32
        %parallel_loop3A_104 = arith.muli %parallel_loop3A_102, %parallel_loop3A_103 : i32
        %parallel_loop3A_105 = arith.index_cast %parallel_loop3A_104 : i32 to index
        %parallel_loop3A_106 = tpu.vector_load %arg8[%parallel_loop3A_105] {strides = array<i32>} : memref<4096xi32, #tpu.memory_space<vmem>>, vector<16xi32>,
        tpu.vector_store %arg8[%parallel_loop3A_105], %broadcast_in_dim3A_8 {strides = array<i32>} : memref<4096xi32, #tpu.memory_space<vmem>>, vector<16xi32>,
        %parallel_loop3A_107 = arith.constant 16 : i32
        %parallel_loop3A_108 = arith.muli %parallel_loop3A_102, %parallel_loop3A_107 : i32
        %parallel_loop3A_109 = arith.index_cast %parallel_loop3A_108 : i32 to index
        %parallel_loop3A_110 = tpu.vector_load %arg9[%parallel_loop3A_109] {strides = array<i32>} : memref<4096xi32, #tpu.memory_space<vmem>>, vector<16xi32>,
        tpu.vector_store %arg9[%parallel_loop3A_109], %broadcast_in_dim3A_8 {strides = array<i32>} : memref<4096xi32, #tpu.memory_space<vmem>>, vector<16xi32>,
        %parallel_loop3A_111 = arith.constant 16 : i32
        %parallel_loop3A_112 = arith.muli %parallel_loop3A_102, %parallel_loop3A_111 : i32
        %parallel_loop3A_113 = arith.index_cast %parallel_loop3A_112 : i32 to index
        %parallel_loop3A_114 = tpu.vector_load %arg10[%parallel_loop3A_113] {strides = array<i32>} : memref<4096xi32, #tpu.memory_space<vmem>>, vector<16xi32>,
        tpu.vector_store %arg10[%parallel_loop3A_113], %broadcast_in_dim3A_8 {strides = array<i32>} : memref<4096xi32, #tpu.memory_space<vmem>>, vector<16xi32>,
        %parallel_loop3A_115 = arith.constant 16 : i32
        %parallel_loop3A_116 = arith.muli %parallel_loop3A_102, %parallel_loop3A_115 : i32
        %parallel_loop3A_117 = arith.index_cast %parallel_loop3A_116 : i32 to index
        %parallel_loop3A_118 = tpu.vector_load %arg11[%parallel_loop3A_117] {strides = array<i32>} : memref<4096xi32, #tpu.memory_space<vmem>>, vector<16xi32>,
        tpu.vector_store %arg11[%parallel_loop3A_117], %broadcast_in_dim3A_8 {strides = array<i32>} : memref<4096xi32, #tpu.memory_space<vmem>>, vector<16xi32>,
      } {sc.loop_unroll_factor = 2 : i64, sc.parallel_access}
      %scan3A_36 = arith.constant 0 : i32
      %scan3A_37 = arith.constant 0 : i32
      %scan3A_38 = arith.constant 256 : i32
      %scan3A_39 = arith.addi %scan3A_37, %scan3A_38 : i32
      %scan3A_40 = arith.constant 1 : i32
      %scan3A_41 = scf.for %scan3A_102 = %scan3A_37 to %scan3A_39 step %scan3A_40 iter_args(%scan3A_103 = %scan3A_36) -> (i32)  : i32 {
        %add3A_104 = arith.constant 0 : i32
        %add3A_105 = vector.broadcast %add3A_104 : i32 to vector<16xi32>
        %add3A_106 = arith.addi %mul3A_11, %add3A_105 : vector<16xi32>
        %add3A_107 = vector.broadcast %scan3A_102 : i32 to vector<16xi32>
        %add3A_108 = arith.addi %add3A_106, %add3A_107 : vector<16xi32>
        %add3A_109 = arith.constant 0 : i32
        %add3A_110 = vector.broadcast %add3A_109 : i32 to vector<16xi32>
        %add3A_111 = arith.addi %mul3A_11, %add3A_110 : vector<16xi32>
        %add3A_112 = vector.broadcast %scan3A_102 : i32 to vector<16xi32>
        %add3A_113 = arith.addi %add3A_111, %add3A_112 : vector<16xi32>
        %gather3A = tpu.vector_load_idx %arg5[%add3A_108] : memref<16400xi32, #tpu.memory_space<vmem>>[vector<16xi32>], vector<16xi32>,
        %shift_right_logical3A = arith.constant 8 : i32
        %shift_right_logical3A_114 = vector.broadcast %shift_right_logical3A : i32 to vector<16xi32>
        %shift_right_logical3A_115 = arith.shrui %gather3A, %shift_right_logical3A_114 : vector<16xi32>
        %and3A = arith.constant 255 : i32
        %and3A_116 = vector.broadcast %and3A : i32 to vector<16xi32>
        %and3A_117 = arith.andi %shift_right_logical3A_115, %and3A_116 : vector<16xi32>
        %mul3A_118 = arith.constant 16 : i32
        %mul3A_119 = vector.broadcast %mul3A_118 : i32 to vector<16xi32>
        %mul3A_120 = arith.muli %and3A_117, %mul3A_119 : vector<16xi32>
        %add3A_121 = arith.addi %mul3A_120, %iota3A : vector<16xi32>
        %gather3A_122 = tpu.vector_load_idx %arg8[%add3A_121] : memref<4096xi32, #tpu.memory_space<vmem>>[vector<16xi32>], vector<16xi32>,
        %add3A_123 = arith.constant 1 : i32
        %add3A_124 = vector.broadcast %add3A_123 : i32 to vector<16xi32>
        %add3A_125 = arith.addi %gather3A_122, %add3A_124 : vector<16xi32>
        tpu.vector_store_idx %arg8[%add3A_121], %add3A_125 : memref<4096xi32, #tpu.memory_space<vmem>>[vector<16xi32>], vector<16xi32>,
        tpu.vector_store_idx %arg12[%add3A_113], %gather3A_122 : memref<16400xi32, #tpu.memory_space<vmem>>[vector<16xi32>], vector<16xi32>,
        %add3A_126 = arith.constant 256 : i32
        %add3A_127 = vector.broadcast %add3A_126 : i32 to vector<16xi32>
        %add3A_128 = arith.addi %mul3A_11, %add3A_127 : vector<16xi32>
        %add3A_129 = vector.broadcast %scan3A_102 : i32 to vector<16xi32>
        %add3A_130 = arith.addi %add3A_128, %add3A_129 : vector<16xi32>
        %add3A_131 = arith.constant 256 : i32
        %add3A_132 = vector.broadcast %add3A_131 : i32 to vector<16xi32>
        %add3A_133 = arith.addi %mul3A_11, %add3A_132 : vector<16xi32>
        %add3A_134 = vector.broadcast %scan3A_102 : i32 to vector<16xi32>
        %add3A_135 = arith.addi %add3A_133, %add3A_134 : vector<16xi32>
        %gather3A_136 = tpu.vector_load_idx %arg5[%add3A_130] : memref<16400xi32, #tpu.memory_space<vmem>>[vector<16xi32>], vector<16xi32>,
        %shift_right_logical3A_137 = arith.constant 8 : i32
        %shift_right_logical3A_138 = vector.broadcast %shift_right_logical3A_137 : i32 to vector<16xi32>
        %shift_right_logical3A_139 = arith.shrui %gather3A_136, %shift_right_logical3A_138 : vector<16xi32>
        %and3A_140 = arith.constant 255 : i32
        %and3A_141 = vector.broadcast %and3A_140 : i32 to vector<16xi32>
        %and3A_142 = arith.andi %shift_right_logical3A_139, %and3A_141 : vector<16xi32>
        %mul3A_143 = arith.constant 16 : i32
        %mul3A_144 = vector.broadcast %mul3A_143 : i32 to vector<16xi32>
        %mul3A_145 = arith.muli %and3A_142, %mul3A_144 : vector<16xi32>
        %add3A_146 = arith.addi %mul3A_145, %iota3A : vector<16xi32>
        %gather3A_147 = tpu.vector_load_idx %arg9[%add3A_146] : memref<4096xi32, #tpu.memory_space<vmem>>[vector<16xi32>], vector<16xi32>,
        %add3A_148 = arith.constant 1 : i32
        %add3A_149 = vector.broadcast %add3A_148 : i32 to vector<16xi32>
        %add3A_150 = arith.addi %gather3A_147, %add3A_149 : vector<16xi32>
        tpu.vector_store_idx %arg9[%add3A_146], %add3A_150 : memref<4096xi32, #tpu.memory_space<vmem>>[vector<16xi32>], vector<16xi32>,
        tpu.vector_store_idx %arg12[%add3A_135], %gather3A_147 : memref<16400xi32, #tpu.memory_space<vmem>>[vector<16xi32>], vector<16xi32>,
        %add3A_151 = arith.constant 512 : i32
        %add3A_152 = vector.broadcast %add3A_151 : i32 to vector<16xi32>
        %add3A_153 = arith.addi %mul3A_11, %add3A_152 : vector<16xi32>
        %add3A_154 = vector.broadcast %scan3A_102 : i32 to vector<16xi32>
        %add3A_155 = arith.addi %add3A_153, %add3A_154 : vector<16xi32>
        %add3A_156 = arith.constant 512 : i32
        %add3A_157 = vector.broadcast %add3A_156 : i32 to vector<16xi32>
        %add3A_158 = arith.addi %mul3A_11, %add3A_157 : vector<16xi32>
        %add3A_159 = vector.broadcast %scan3A_102 : i32 to vector<16xi32>
        %add3A_160 = arith.addi %add3A_158, %add3A_159 : vector<16xi32>
        %gather3A_161 = tpu.vector_load_idx %arg5[%add3A_155] : memref<16400xi32, #tpu.memory_space<vmem>>[vector<16xi32>], vector<16xi32>,
        %shift_right_logical3A_162 = arith.constant 8 : i32
        %shift_right_logical3A_163 = vector.broadcast %shift_right_logical3A_162 : i32 to vector<16xi32>
        %shift_right_logical3A_164 = arith.shrui %gather3A_161, %shift_right_logical3A_163 : vector<16xi32>
        %and3A_165 = arith.constant 255 : i32
        %and3A_166 = vector.broadcast %and3A_165 : i32 to vector<16xi32>
        %and3A_167 = arith.andi %shift_right_logical3A_164, %and3A_166 : vector<16xi32>
        %mul3A_168 = arith.constant 16 : i32
        %mul3A_169 = vector.broadcast %mul3A_168 : i32 to vector<16xi32>
        %mul3A_170 = arith.muli %and3A_167, %mul3A_169 : vector<16xi32>
        %add3A_171 = arith.addi %mul3A_170, %iota3A : vector<16xi32>
        %gather3A_172 = tpu.vector_load_idx %arg10[%add3A_171] : memref<4096xi32, #tpu.memory_space<vmem>>[vector<16xi32>], vector<16xi32>,
        %add3A_173 = arith.constant 1 : i32
        %add3A_174 = vector.broadcast %add3A_173 : i32 to vector<16xi32>
        %add3A_175 = arith.addi %gather3A_172, %add3A_174 : vector<16xi32>
        tpu.vector_store_idx %arg10[%add3A_171], %add3A_175 : memref<4096xi32, #tpu.memory_space<vmem>>[vector<16xi32>], vector<16xi32>,
        tpu.vector_store_idx %arg12[%add3A_160], %gather3A_172 : memref<16400xi32, #tpu.memory_space<vmem>>[vector<16xi32>], vector<16xi32>,
        %add3A_176 = arith.constant 768 : i32
        %add3A_177 = vector.broadcast %add3A_176 : i32 to vector<16xi32>
        %add3A_178 = arith.addi %mul3A_11, %add3A_177 : vector<16xi32>
        %add3A_179 = vector.broadcast %scan3A_102 : i32 to vector<16xi32>
        %add3A_180 = arith.addi %add3A_178, %add3A_179 : vector<16xi32>
        %add3A_181 = arith.constant 768 : i32
        %add3A_182 = vector.broadcast %add3A_181 : i32 to vector<16xi32>
        %add3A_183 = arith.addi %mul3A_11, %add3A_182 : vector<16xi32>
        %add3A_184 = vector.broadcast %scan3A_102 : i32 to vector<16xi32>
        %add3A_185 = arith.addi %add3A_183, %add3A_184 : vector<16xi32>
        %gather3A_186 = tpu.vector_load_idx %arg5[%add3A_180] : memref<16400xi32, #tpu.memory_space<vmem>>[vector<16xi32>], vector<16xi32>,
        %shift_right_logical3A_187 = arith.constant 8 : i32
        %shift_right_logical3A_188 = vector.broadcast %shift_right_logical3A_187 : i32 to vector<16xi32>
        %shift_right_logical3A_189 = arith.shrui %gather3A_186, %shift_right_logical3A_188 : vector<16xi32>
        %and3A_190 = arith.constant 255 : i32
        %and3A_191 = vector.broadcast %and3A_190 : i32 to vector<16xi32>
        %and3A_192 = arith.andi %shift_right_logical3A_189, %and3A_191 : vector<16xi32>
        %mul3A_193 = arith.constant 16 : i32
        %mul3A_194 = vector.broadcast %mul3A_193 : i32 to vector<16xi32>
        %mul3A_195 = arith.muli %and3A_192, %mul3A_194 : vector<16xi32>
        %add3A_196 = arith.addi %mul3A_195, %iota3A : vector<16xi32>
        %gather3A_197 = tpu.vector_load_idx %arg11[%add3A_196] : memref<4096xi32, #tpu.memory_space<vmem>>[vector<16xi32>], vector<16xi32>,
        %add3A_198 = arith.constant 1 : i32
        %add3A_199 = vector.broadcast %add3A_198 : i32 to vector<16xi32>
        %add3A_200 = arith.addi %gather3A_197, %add3A_199 : vector<16xi32>
        tpu.vector_store_idx %arg11[%add3A_196], %add3A_200 : memref<4096xi32, #tpu.memory_space<vmem>>[vector<16xi32>], vector<16xi32>,
        tpu.vector_store_idx %arg12[%add3A_185], %gather3A_197 : memref<16400xi32, #tpu.memory_space<vmem>>[vector<16xi32>], vector<16xi32>,
        %scan3A_201 = arith.constant 0 : i32
        scf.yield %scan3A_201 : i32
      }
      %scan3A_42 = arith.constant 256 : i32
      %parallel_loop3A_43 = arith.constant 0 : i32
      %parallel_loop3A_44 = arith.constant 256 : i32
      %parallel_loop3A_45 = arith.constant 1 : i32
      scf.for %parallel_loop3A_102 = %parallel_loop3A_43 to %parallel_loop3A_44 step %parallel_loop3A_45  : i32 {
        %parallel_loop3A_103 = arith.constant 16 : i32
        %parallel_loop3A_104 = arith.muli %parallel_loop3A_102, %parallel_loop3A_103 : i32
        %parallel_loop3A_105 = arith.index_cast %parallel_loop3A_104 : i32 to index
        %parallel_loop3A_106 = tpu.vector_load %arg8[%parallel_loop3A_105] {strides = array<i32>} : memref<4096xi32, #tpu.memory_space<vmem>>, vector<16xi32>,
        %parallel_loop3A_107 = arith.index_cast %parallel_loop3A_104 : i32 to index
        %parallel_loop3A_108 = tpu.vector_load %arg9[%parallel_loop3A_107] {strides = array<i32>} : memref<4096xi32, #tpu.memory_space<vmem>>, vector<16xi32>,
        %parallel_loop3A_109 = arith.index_cast %parallel_loop3A_104 : i32 to index
        %parallel_loop3A_110 = tpu.vector_load %arg10[%parallel_loop3A_109] {strides = array<i32>} : memref<4096xi32, #tpu.memory_space<vmem>>, vector<16xi32>,
        %parallel_loop3A_111 = arith.index_cast %parallel_loop3A_104 : i32 to index
        %parallel_loop3A_112 = tpu.vector_load %arg11[%parallel_loop3A_111] {strides = array<i32>} : memref<4096xi32, #tpu.memory_space<vmem>>, vector<16xi32>,
        %parallel_loop3A_113 = arith.addi %parallel_loop3A_106, %parallel_loop3A_108 : vector<16xi32>
        %parallel_loop3A_114 = arith.addi %parallel_loop3A_113, %parallel_loop3A_110 : vector<16xi32>
        %parallel_loop3A_115 = arith.addi %parallel_loop3A_114, %parallel_loop3A_112 : vector<16xi32>
        %parallel_loop3A_116 = arith.constant true
        %parallel_loop3A_117 = vector.broadcast %parallel_loop3A_116 : i1 to vector<16xi1>
        %parallel_loop3A_118 = tpu.scan <sum>, %parallel_loop3A_115 masked %parallel_loop3A_117 : vector<16xi32>, vector<16xi1> -> vector<16xi32>
        %parallel_loop3A_119 = arith.subi %parallel_loop3A_118, %parallel_loop3A_115 : vector<16xi32>
        %parallel_loop3A_120 = arith.index_cast %parallel_loop3A_104 : i32 to index
        %parallel_loop3A_121 = tpu.vector_load %arg8[%parallel_loop3A_120] {strides = array<i32>} : memref<4096xi32, #tpu.memory_space<vmem>>, vector<16xi32>,
        tpu.vector_store %arg8[%parallel_loop3A_120], %parallel_loop3A_119 {strides = array<i32>} : memref<4096xi32, #tpu.memory_space<vmem>>, vector<16xi32>,
        %parallel_loop3A_122 = arith.addi %parallel_loop3A_119, %parallel_loop3A_106 : vector<16xi32>
        %parallel_loop3A_123 = arith.index_cast %parallel_loop3A_104 : i32 to index
        %parallel_loop3A_124 = tpu.vector_load %arg9[%parallel_loop3A_123] {strides = array<i32>} : memref<4096xi32, #tpu.memory_space<vmem>>, vector<16xi32>,
        tpu.vector_store %arg9[%parallel_loop3A_123], %parallel_loop3A_122 {strides = array<i32>} : memref<4096xi32, #tpu.memory_space<vmem>>, vector<16xi32>,
        %parallel_loop3A_125 = arith.addi %parallel_loop3A_119, %parallel_loop3A_106 : vector<16xi32>
        %parallel_loop3A_126 = arith.addi %parallel_loop3A_125, %parallel_loop3A_108 : vector<16xi32>
        %parallel_loop3A_127 = arith.index_cast %parallel_loop3A_104 : i32 to index
        %parallel_loop3A_128 = tpu.vector_load %arg10[%parallel_loop3A_127] {strides = array<i32>} : memref<4096xi32, #tpu.memory_space<vmem>>, vector<16xi32>,
        tpu.vector_store %arg10[%parallel_loop3A_127], %parallel_loop3A_126 {strides = array<i32>} : memref<4096xi32, #tpu.memory_space<vmem>>, vector<16xi32>,
        %parallel_loop3A_129 = arith.addi %parallel_loop3A_119, %parallel_loop3A_106 : vector<16xi32>
        %parallel_loop3A_130 = arith.addi %parallel_loop3A_129, %parallel_loop3A_108 : vector<16xi32>
        %parallel_loop3A_131 = arith.addi %parallel_loop3A_130, %parallel_loop3A_110 : vector<16xi32>
        %parallel_loop3A_132 = arith.index_cast %parallel_loop3A_104 : i32 to index
        %parallel_loop3A_133 = tpu.vector_load %arg11[%parallel_loop3A_132] {strides = array<i32>} : memref<4096xi32, #tpu.memory_space<vmem>>, vector<16xi32>,
        tpu.vector_store %arg11[%parallel_loop3A_132], %parallel_loop3A_131 {strides = array<i32>} : memref<4096xi32, #tpu.memory_space<vmem>>, vector<16xi32>,
        %parallel_loop3A_134 = arith.constant true
        %parallel_loop3A_135 = vector.broadcast %parallel_loop3A_134 : i1 to vector<16xi1>
        %parallel_loop3A_136 = tpu.scan <sum>, %parallel_loop3A_115 masked %parallel_loop3A_135 : vector<16xi32>, vector<16xi1> -> vector<16xi32>
        %parallel_loop3A_137 = vector.extract %parallel_loop3A_136[15] : i32 from vector<16xi32>
        %parallel_loop3A_138 = vector.broadcast %parallel_loop3A_137 : i32 to vector<16xi32>
        %parallel_loop3A_139 = arith.constant 16 : i32
        %parallel_loop3A_140 = arith.muli %parallel_loop3A_102, %parallel_loop3A_139 : i32
        %parallel_loop3A_141 = arith.index_cast %parallel_loop3A_140 : i32 to index
        %parallel_loop3A_142 = tpu.vector_load %arg13[%parallel_loop3A_141] {strides = array<i32>} : memref<4096xi32, #tpu.memory_space<vmem>>, vector<16xi32>,
        tpu.vector_store %arg13[%parallel_loop3A_141], %parallel_loop3A_138 {strides = array<i32>} : memref<4096xi32, #tpu.memory_space<vmem>>, vector<16xi32>,
      } {sc.loop_unroll_factor = 2 : i64, sc.parallel_access}
      %scan3A_46 = arith.constant 0 : i32
      %scan3A_47 = arith.constant 0 : i32
      %scan3A_48 = arith.constant 16 : i32
      %scan3A_49 = arith.addi %scan3A_47, %scan3A_48 : i32
      %scan3A_50 = arith.constant 1 : i32
      %scan3A_51 = scf.for %scan3A_102 = %scan3A_47 to %scan3A_49 step %scan3A_50 iter_args(%scan3A_103 = %scan3A_46) -> (i32)  : i32 {
        %mul3A_104 = arith.constant 16 : i32
        %mul3A_105 = arith.muli %scan3A_102, %mul3A_104 : i32
        %add3A_106 = vector.broadcast %mul3A_105 : i32 to vector<16xi32>
        %add3A_107 = arith.addi %add3A_106, %iota3A : vector<16xi32>
        %mul3A_108 = arith.constant 16 : i32
        %mul3A_109 = vector.broadcast %mul3A_108 : i32 to vector<16xi32>
        %mul3A_110 = arith.muli %add3A_107, %mul3A_109 : vector<16xi32>
        %add3A_111 = arith.addi %mul3A_110, %iota3A : vector<16xi32>
        %gather3A = tpu.vector_load_idx %arg13[%add3A_111] : memref<4096xi32, #tpu.memory_space<vmem>>[vector<16xi32>], vector<16xi32>,
        %broadcast_in_dim3A_112 = arith.constant true
        %broadcast_in_dim3A_113 = vector.broadcast %broadcast_in_dim3A_112 : i1 to vector<16xi1>
        %masked_cumsum3A = tpu.scan <sum>, %gather3A masked %broadcast_in_dim3A_113 : vector<16xi32>, vector<16xi1> -> vector<16xi32>
        %sub3A = arith.subi %masked_cumsum3A, %gather3A : vector<16xi32>
        %add3A_114 = vector.broadcast %scan3A_103 : i32 to vector<16xi32>
        %add3A_115 = arith.addi %sub3A, %add3A_114 : vector<16xi32>
        %mul3A_116 = arith.constant 16 : i32
        %mul3A_117 = arith.muli %scan3A_102, %mul3A_116 : i32
        %swap3A = arith.index_cast %mul3A_117 : i32 to index
        %swap3A_118 = tpu.vector_load %arg14[%swap3A] {strides = array<i32>} : memref<256xi32, #tpu.memory_space<vmem>>, vector<16xi32>,
        tpu.vector_store %arg14[%swap3A], %add3A_115 {strides = array<i32>} : memref<256xi32, #tpu.memory_space<vmem>>, vector<16xi32>,
        %reduce_sum3A = arith.constant true
        %reduce_sum3A_119 = vector.broadcast %reduce_sum3A : i1 to vector<16xi1>
        %reduce_sum3A_120 = tpu.scan <sum>, %gather3A masked %reduce_sum3A_119 : vector<16xi32>, vector<16xi1> -> vector<16xi32>
        %reduce_sum3A_121 = vector.extract %reduce_sum3A_120[15] : i32 from vector<16xi32>
        %add3A_122 = arith.addi %scan3A_103, %reduce_sum3A_121 : i32
        scf.yield %add3A_122 : i32
      }
      %scan3A_52 = arith.constant 16 : i32
      %parallel_loop3A_53 = arith.constant 0 : i32
      %parallel_loop3A_54 = arith.constant 256 : i32
      %parallel_loop3A_55 = arith.constant 1 : i32
      scf.for %parallel_loop3A_102 = %parallel_loop3A_53 to %parallel_loop3A_54 step %parallel_loop3A_55  : i32 {
        %parallel_loop3A_103 = arith.constant 0 : i32
        %parallel_loop3A_104 = vector.broadcast %parallel_loop3A_103 : i32 to vector<16xi32>
        %parallel_loop3A_105 = arith.addi %mul3A_11, %parallel_loop3A_104 : vector<16xi32>
        %parallel_loop3A_106 = vector.broadcast %parallel_loop3A_102 : i32 to vector<16xi32>
        %parallel_loop3A_107 = arith.addi %parallel_loop3A_105, %parallel_loop3A_106 : vector<16xi32>
        %parallel_loop3A_108 = arith.constant 0 : i32
        %parallel_loop3A_109 = vector.broadcast %parallel_loop3A_108 : i32 to vector<16xi32>
        %parallel_loop3A_110 = arith.addi %mul3A_11, %parallel_loop3A_109 : vector<16xi32>
        %parallel_loop3A_111 = vector.broadcast %parallel_loop3A_102 : i32 to vector<16xi32>
        %parallel_loop3A_112 = arith.addi %parallel_loop3A_110, %parallel_loop3A_111 : vector<16xi32>
        %parallel_loop3A_113 = tpu.vector_load_idx %arg5[%parallel_loop3A_107] : memref<16400xi32, #tpu.memory_space<vmem>>[vector<16xi32>], vector<16xi32>,
        %parallel_loop3A_114 = tpu.vector_load_idx %arg7[%parallel_loop3A_107] : memref<16400xi32, #tpu.memory_space<vmem>>[vector<16xi32>], vector<16xi32>,
        %parallel_loop3A_115 = arith.constant 8 : i32
        %parallel_loop3A_116 = vector.broadcast %parallel_loop3A_115 : i32 to vector<16xi32>
        %parallel_loop3A_117 = arith.shrui %parallel_loop3A_113, %parallel_loop3A_116 : vector<16xi32>
        %parallel_loop3A_118 = arith.constant 255 : i32
        %parallel_loop3A_119 = vector.broadcast %parallel_loop3A_118 : i32 to vector<16xi32>
        %parallel_loop3A_120 = arith.andi %parallel_loop3A_117, %parallel_loop3A_119 : vector<16xi32>
        %parallel_loop3A_121 = arith.constant 16 : i32
        %parallel_loop3A_122 = vector.broadcast %parallel_loop3A_121 : i32 to vector<16xi32>
        %parallel_loop3A_123 = arith.muli %parallel_loop3A_120, %parallel_loop3A_122 : vector<16xi32>
        %parallel_loop3A_124 = arith.addi %parallel_loop3A_123, %iota3A : vector<16xi32>
        %parallel_loop3A_125 = tpu.vector_load_idx %arg8[%parallel_loop3A_124] : memref<4096xi32, #tpu.memory_space<vmem>>[vector<16xi32>], vector<16xi32>,
        %parallel_loop3A_126 = tpu.vector_load_idx %arg12[%parallel_loop3A_112] : memref<16400xi32, #tpu.memory_space<vmem>>[vector<16xi32>], vector<16xi32>,
        %parallel_loop3A_127 = arith.addi %parallel_loop3A_125, %parallel_loop3A_126 : vector<16xi32>
        %parallel_loop3A_128 = tpu.vector_load_idx %arg14[%parallel_loop3A_120] : memref<256xi32, #tpu.memory_space<vmem>>[vector<16xi32>], vector<16xi32>,
        %parallel_loop3A_129 = arith.addi %parallel_loop3A_127, %parallel_loop3A_128 : vector<16xi32>
        %parallel_loop3A_130 = arith.constant 10 : i32
        %parallel_loop3A_131 = vector.broadcast %parallel_loop3A_130 : i32 to vector<16xi32>
        %parallel_loop3A_132 = arith.shrui %parallel_loop3A_129, %parallel_loop3A_131 : vector<16xi32>
        %parallel_loop3A_133 = arith.addi %parallel_loop3A_129, %parallel_loop3A_132 : vector<16xi32>
        tpu.vector_store_idx %arg4[%parallel_loop3A_133], %parallel_loop3A_113 : memref<16400xi32, #tpu.memory_space<vmem>>[vector<16xi32>], vector<16xi32>,
        tpu.vector_store_idx %arg6[%parallel_loop3A_133], %parallel_loop3A_114 : memref<16400xi32, #tpu.memory_space<vmem>>[vector<16xi32>], vector<16xi32>,
        %parallel_loop3A_134 = arith.constant 256 : i32
        %parallel_loop3A_135 = vector.broadcast %parallel_loop3A_134 : i32 to vector<16xi32>
        %parallel_loop3A_136 = arith.addi %mul3A_11, %parallel_loop3A_135 : vector<16xi32>
        %parallel_loop3A_137 = vector.broadcast %parallel_loop3A_102 : i32 to vector<16xi32>
        %parallel_loop3A_138 = arith.addi %parallel_loop3A_136, %parallel_loop3A_137 : vector<16xi32>
        %parallel_loop3A_139 = arith.constant 256 : i32
        %parallel_loop3A_140 = vector.broadcast %parallel_loop3A_139 : i32 to vector<16xi32>
        %parallel_loop3A_141 = arith.addi %mul3A_11, %parallel_loop3A_140 : vector<16xi32>
        %parallel_loop3A_142 = vector.broadcast %parallel_loop3A_102 : i32 to vector<16xi32>
        %parallel_loop3A_143 = arith.addi %parallel_loop3A_141, %parallel_loop3A_142 : vector<16xi32>
        %parallel_loop3A_144 = tpu.vector_load_idx %arg5[%parallel_loop3A_138] : memref<16400xi32, #tpu.memory_space<vmem>>[vector<16xi32>], vector<16xi32>,
        %parallel_loop3A_145 = tpu.vector_load_idx %arg7[%parallel_loop3A_138] : memref<16400xi32, #tpu.memory_space<vmem>>[vector<16xi32>], vector<16xi32>,
        %parallel_loop3A_146 = arith.constant 8 : i32
        %parallel_loop3A_147 = vector.broadcast %parallel_loop3A_146 : i32 to vector<16xi32>
        %parallel_loop3A_148 = arith.shrui %parallel_loop3A_144, %parallel_loop3A_147 : vector<16xi32>
        %parallel_loop3A_149 = arith.constant 255 : i32
        %parallel_loop3A_150 = vector.broadcast %parallel_loop3A_149 : i32 to vector<16xi32>
        %parallel_loop3A_151 = arith.andi %parallel_loop3A_148, %parallel_loop3A_150 : vector<16xi32>
        %parallel_loop3A_152 = arith.constant 16 : i32
        %parallel_loop3A_153 = vector.broadcast %parallel_loop3A_152 : i32 to vector<16xi32>
        %parallel_loop3A_154 = arith.muli %parallel_loop3A_151, %parallel_loop3A_153 : vector<16xi32>
        %parallel_loop3A_155 = arith.addi %parallel_loop3A_154, %iota3A : vector<16xi32>
        %parallel_loop3A_156 = tpu.vector_load_idx %arg9[%parallel_loop3A_155] : memref<4096xi32, #tpu.memory_space<vmem>>[vector<16xi32>], vector<16xi32>,
        %parallel_loop3A_157 = tpu.vector_load_idx %arg12[%parallel_loop3A_143] : memref<16400xi32, #tpu.memory_space<vmem>>[vector<16xi32>], vector<16xi32>,
        %parallel_loop3A_158 = arith.addi %parallel_loop3A_156, %parallel_loop3A_157 : vector<16xi32>
        %parallel_loop3A_159 = tpu.vector_load_idx %arg14[%parallel_loop3A_151] : memref<256xi32, #tpu.memory_space<vmem>>[vector<16xi32>], vector<16xi32>,
        %parallel_loop3A_160 = arith.addi %parallel_loop3A_158, %parallel_loop3A_159 : vector<16xi32>
        %parallel_loop3A_161 = arith.constant 10 : i32
        %parallel_loop3A_162 = vector.broadcast %parallel_loop3A_161 : i32 to vector<16xi32>
        %parallel_loop3A_163 = arith.shrui %parallel_loop3A_160, %parallel_loop3A_162 : vector<16xi32>
        %parallel_loop3A_164 = arith.addi %parallel_loop3A_160, %parallel_loop3A_163 : vector<16xi32>
        tpu.vector_store_idx %arg4[%parallel_loop3A_164], %parallel_loop3A_144 : memref<16400xi32, #tpu.memory_space<vmem>>[vector<16xi32>], vector<16xi32>,
        tpu.vector_store_idx %arg6[%parallel_loop3A_164], %parallel_loop3A_145 : memref<16400xi32, #tpu.memory_space<vmem>>[vector<16xi32>], vector<16xi32>,
        %parallel_loop3A_165 = arith.constant 512 : i32
        %parallel_loop3A_166 = vector.broadcast %parallel_loop3A_165 : i32 to vector<16xi32>
        %parallel_loop3A_167 = arith.addi %mul3A_11, %parallel_loop3A_166 : vector<16xi32>
        %parallel_loop3A_168 = vector.broadcast %parallel_loop3A_102 : i32 to vector<16xi32>
        %parallel_loop3A_169 = arith.addi %parallel_loop3A_167, %parallel_loop3A_168 : vector<16xi32>
        %parallel_loop3A_170 = arith.constant 512 : i32
        %parallel_loop3A_171 = vector.broadcast %parallel_loop3A_170 : i32 to vector<16xi32>
        %parallel_loop3A_172 = arith.addi %mul3A_11, %parallel_loop3A_171 : vector<16xi32>
        %parallel_loop3A_173 = vector.broadcast %parallel_loop3A_102 : i32 to vector<16xi32>
        %parallel_loop3A_174 = arith.addi %parallel_loop3A_172, %parallel_loop3A_173 : vector<16xi32>
        %parallel_loop3A_175 = tpu.vector_load_idx %arg5[%parallel_loop3A_169] : memref<16400xi32, #tpu.memory_space<vmem>>[vector<16xi32>], vector<16xi32>,
        %parallel_loop3A_176 = tpu.vector_load_idx %arg7[%parallel_loop3A_169] : memref<16400xi32, #tpu.memory_space<vmem>>[vector<16xi32>], vector<16xi32>,
        %parallel_loop3A_177 = arith.constant 8 : i32
        %parallel_loop3A_178 = vector.broadcast %parallel_loop3A_177 : i32 to vector<16xi32>
        %parallel_loop3A_179 = arith.shrui %parallel_loop3A_175, %parallel_loop3A_178 : vector<16xi32>
        %parallel_loop3A_180 = arith.constant 255 : i32
        %parallel_loop3A_181 = vector.broadcast %parallel_loop3A_180 : i32 to vector<16xi32>
        %parallel_loop3A_182 = arith.andi %parallel_loop3A_179, %parallel_loop3A_181 : vector<16xi32>
        %parallel_loop3A_183 = arith.constant 16 : i32
        %parallel_loop3A_184 = vector.broadcast %parallel_loop3A_183 : i32 to vector<16xi32>
        %parallel_loop3A_185 = arith.muli %parallel_loop3A_182, %parallel_loop3A_184 : vector<16xi32>
        %parallel_loop3A_186 = arith.addi %parallel_loop3A_185, %iota3A : vector<16xi32>
        %parallel_loop3A_187 = tpu.vector_load_idx %arg10[%parallel_loop3A_186] : memref<4096xi32, #tpu.memory_space<vmem>>[vector<16xi32>], vector<16xi32>,
        %parallel_loop3A_188 = tpu.vector_load_idx %arg12[%parallel_loop3A_174] : memref<16400xi32, #tpu.memory_space<vmem>>[vector<16xi32>], vector<16xi32>,
        %parallel_loop3A_189 = arith.addi %parallel_loop3A_187, %parallel_loop3A_188 : vector<16xi32>
        %parallel_loop3A_190 = tpu.vector_load_idx %arg14[%parallel_loop3A_182] : memref<256xi32, #tpu.memory_space<vmem>>[vector<16xi32>], vector<16xi32>,
        %parallel_loop3A_191 = arith.addi %parallel_loop3A_189, %parallel_loop3A_190 : vector<16xi32>
        %parallel_loop3A_192 = arith.constant 10 : i32
        %parallel_loop3A_193 = vector.broadcast %parallel_loop3A_192 : i32 to vector<16xi32>
        %parallel_loop3A_194 = arith.shrui %parallel_loop3A_191, %parallel_loop3A_193 : vector<16xi32>
        %parallel_loop3A_195 = arith.addi %parallel_loop3A_191, %parallel_loop3A_194 : vector<16xi32>
        tpu.vector_store_idx %arg4[%parallel_loop3A_195], %parallel_loop3A_175 : memref<16400xi32, #tpu.memory_space<vmem>>[vector<16xi32>], vector<16xi32>,
        tpu.vector_store_idx %arg6[%parallel_loop3A_195], %parallel_loop3A_176 : memref<16400xi32, #tpu.memory_space<vmem>>[vector<16xi32>], vector<16xi32>,
        %parallel_loop3A_196 = arith.constant 768 : i32
        %parallel_loop3A_197 = vector.broadcast %parallel_loop3A_196 : i32 to vector<16xi32>
        %parallel_loop3A_198 = arith.addi %mul3A_11, %parallel_loop3A_197 : vector<16xi32>
        %parallel_loop3A_199 = vector.broadcast %parallel_loop3A_102 : i32 to vector<16xi32>
        %parallel_loop3A_200 = arith.addi %parallel_loop3A_198, %parallel_loop3A_199 : vector<16xi32>
        %parallel_loop3A_201 = arith.constant 768 : i32
        %parallel_loop3A_202 = vector.broadcast %parallel_loop3A_201 : i32 to vector<16xi32>
        %parallel_loop3A_203 = arith.addi %mul3A_11, %parallel_loop3A_202 : vector<16xi32>
        %parallel_loop3A_204 = vector.broadcast %parallel_loop3A_102 : i32 to vector<16xi32>
        %parallel_loop3A_205 = arith.addi %parallel_loop3A_203, %parallel_loop3A_204 : vector<16xi32>
        %parallel_loop3A_206 = tpu.vector_load_idx %arg5[%parallel_loop3A_200] : memref<16400xi32, #tpu.memory_space<vmem>>[vector<16xi32>], vector<16xi32>,
        %parallel_loop3A_207 = tpu.vector_load_idx %arg7[%parallel_loop3A_200] : memref<16400xi32, #tpu.memory_space<vmem>>[vector<16xi32>], vector<16xi32>,
        %parallel_loop3A_208 = arith.constant 8 : i32
        %parallel_loop3A_209 = vector.broadcast %parallel_loop3A_208 : i32 to vector<16xi32>
        %parallel_loop3A_210 = arith.shrui %parallel_loop3A_206, %parallel_loop3A_209 : vector<16xi32>
        %parallel_loop3A_211 = arith.constant 255 : i32
        %parallel_loop3A_212 = vector.broadcast %parallel_loop3A_211 : i32 to vector<16xi32>
        %parallel_loop3A_213 = arith.andi %parallel_loop3A_210, %parallel_loop3A_212 : vector<16xi32>
        %parallel_loop3A_214 = arith.constant 16 : i32
        %parallel_loop3A_215 = vector.broadcast %parallel_loop3A_214 : i32 to vector<16xi32>
        %parallel_loop3A_216 = arith.muli %parallel_loop3A_213, %parallel_loop3A_215 : vector<16xi32>
        %parallel_loop3A_217 = arith.addi %parallel_loop3A_216, %iota3A : vector<16xi32>
        %parallel_loop3A_218 = tpu.vector_load_idx %arg11[%parallel_loop3A_217] : memref<4096xi32, #tpu.memory_space<vmem>>[vector<16xi32>], vector<16xi32>,
        %parallel_loop3A_219 = tpu.vector_load_idx %arg12[%parallel_loop3A_205] : memref<16400xi32, #tpu.memory_space<vmem>>[vector<16xi32>], vector<16xi32>,
        %parallel_loop3A_220 = arith.addi %parallel_loop3A_218, %parallel_loop3A_219 : vector<16xi32>
        %parallel_loop3A_221 = tpu.vector_load_idx %arg14[%parallel_loop3A_213] : memref<256xi32, #tpu.memory_space<vmem>>[vector<16xi32>], vector<16xi32>,
        %parallel_loop3A_222 = arith.addi %parallel_loop3A_220, %parallel_loop3A_221 : vector<16xi32>
        %parallel_loop3A_223 = arith.constant 10 : i32
        %parallel_loop3A_224 = vector.broadcast %parallel_loop3A_223 : i32 to vector<16xi32>
        %parallel_loop3A_225 = arith.shrui %parallel_loop3A_222, %parallel_loop3A_224 : vector<16xi32>
        %parallel_loop3A_226 = arith.addi %parallel_loop3A_222, %parallel_loop3A_225 : vector<16xi32>
        tpu.vector_store_idx %arg4[%parallel_loop3A_226], %parallel_loop3A_206 : memref<16400xi32, #tpu.memory_space<vmem>>[vector<16xi32>], vector<16xi32>,
        tpu.vector_store_idx %arg6[%parallel_loop3A_226], %parallel_loop3A_207 : memref<16400xi32, #tpu.memory_space<vmem>>[vector<16xi32>], vector<16xi32>,
      } {sc.loop_unroll_factor = 2 : i64, sc.parallel_access}
      %parallel_loop3A_56 = arith.constant 0 : i32
      %parallel_loop3A_57 = arith.constant 256 : i32
      %parallel_loop3A_58 = arith.constant 1 : i32
      scf.for %parallel_loop3A_102 = %parallel_loop3A_56 to %parallel_loop3A_57 step %parallel_loop3A_58  : i32 {
        %parallel_loop3A_103 = arith.constant 16 : i32
        %parallel_loop3A_104 = arith.muli %parallel_loop3A_102, %parallel_loop3A_103 : i32
        %parallel_loop3A_105 = arith.index_cast %parallel_loop3A_104 : i32 to index
        %parallel_loop3A_106 = tpu.vector_load %arg8[%parallel_loop3A_105] {strides = array<i32>} : memref<4096xi32, #tpu.memory_space<vmem>>, vector<16xi32>,
        tpu.vector_store %arg8[%parallel_loop3A_105], %broadcast_in_dim3A_8 {strides = array<i32>} : memref<4096xi32, #tpu.memory_space<vmem>>, vector<16xi32>,
        %parallel_loop3A_107 = arith.constant 16 : i32
        %parallel_loop3A_108 = arith.muli %parallel_loop3A_102, %parallel_loop3A_107 : i32
        %parallel_loop3A_109 = arith.index_cast %parallel_loop3A_108 : i32 to index
        %parallel_loop3A_110 = tpu.vector_load %arg9[%parallel_loop3A_109] {strides = array<i32>} : memref<4096xi32, #tpu.memory_space<vmem>>, vector<16xi32>,
        tpu.vector_store %arg9[%parallel_loop3A_109], %broadcast_in_dim3A_8 {strides = array<i32>} : memref<4096xi32, #tpu.memory_space<vmem>>, vector<16xi32>,
        %parallel_loop3A_111 = arith.constant 16 : i32
        %parallel_loop3A_112 = arith.muli %parallel_loop3A_102, %parallel_loop3A_111 : i32
        %parallel_loop3A_113 = arith.index_cast %parallel_loop3A_112 : i32 to index
        %parallel_loop3A_114 = tpu.vector_load %arg10[%parallel_loop3A_113] {strides = array<i32>} : memref<4096xi32, #tpu.memory_space<vmem>>, vector<16xi32>,
        tpu.vector_store %arg10[%parallel_loop3A_113], %broadcast_in_dim3A_8 {strides = array<i32>} : memref<4096xi32, #tpu.memory_space<vmem>>, vector<16xi32>,
        %parallel_loop3A_115 = arith.constant 16 : i32
        %parallel_loop3A_116 = arith.muli %parallel_loop3A_102, %parallel_loop3A_115 : i32
        %parallel_loop3A_117 = arith.index_cast %parallel_loop3A_116 : i32 to index
        %parallel_loop3A_118 = tpu.vector_load %arg11[%parallel_loop3A_117] {strides = array<i32>} : memref<4096xi32, #tpu.memory_space<vmem>>, vector<16xi32>,
        tpu.vector_store %arg11[%parallel_loop3A_117], %broadcast_in_dim3A_8 {strides = array<i32>} : memref<4096xi32, #tpu.memory_space<vmem>>, vector<16xi32>,
      } {sc.loop_unroll_factor = 2 : i64, sc.parallel_access}
      %scan3A_59 = arith.constant 0 : i32
      %scan3A_60 = arith.constant 0 : i32
      %scan3A_61 = arith.constant 256 : i32
      %scan3A_62 = arith.addi %scan3A_60, %scan3A_61 : i32
      %scan3A_63 = arith.constant 1 : i32
      %scan3A_64 = scf.for %scan3A_102 = %scan3A_60 to %scan3A_62 step %scan3A_63 iter_args(%scan3A_103 = %scan3A_59) -> (i32)  : i32 {
        %add3A_104 = arith.constant 0 : i32
        %add3A_105 = vector.broadcast %add3A_104 : i32 to vector<16xi32>
        %add3A_106 = arith.addi %mul3A_11, %add3A_105 : vector<16xi32>
        %add3A_107 = vector.broadcast %scan3A_102 : i32 to vector<16xi32>
        %add3A_108 = arith.addi %add3A_106, %add3A_107 : vector<16xi32>
        %add3A_109 = arith.constant 0 : i32
        %add3A_110 = vector.broadcast %add3A_109 : i32 to vector<16xi32>
        %add3A_111 = arith.addi %mul3A_11, %add3A_110 : vector<16xi32>
        %add3A_112 = vector.broadcast %scan3A_102 : i32 to vector<16xi32>
        %add3A_113 = arith.addi %add3A_111, %add3A_112 : vector<16xi32>
        %gather3A = tpu.vector_load_idx %arg4[%add3A_108] : memref<16400xi32, #tpu.memory_space<vmem>>[vector<16xi32>], vector<16xi32>,
        %shift_right_logical3A = arith.constant 16 : i32
        %shift_right_logical3A_114 = vector.broadcast %shift_right_logical3A : i32 to vector<16xi32>
        %shift_right_logical3A_115 = arith.shrui %gather3A, %shift_right_logical3A_114 : vector<16xi32>
        %and3A = arith.constant 255 : i32
        %and3A_116 = vector.broadcast %and3A : i32 to vector<16xi32>
        %and3A_117 = arith.andi %shift_right_logical3A_115, %and3A_116 : vector<16xi32>
        %mul3A_118 = arith.constant 16 : i32
        %mul3A_119 = vector.broadcast %mul3A_118 : i32 to vector<16xi32>
        %mul3A_120 = arith.muli %and3A_117, %mul3A_119 : vector<16xi32>
        %add3A_121 = arith.addi %mul3A_120, %iota3A : vector<16xi32>
        %gather3A_122 = tpu.vector_load_idx %arg8[%add3A_121] : memref<4096xi32, #tpu.memory_space<vmem>>[vector<16xi32>], vector<16xi32>,
        %add3A_123 = arith.constant 1 : i32
        %add3A_124 = vector.broadcast %add3A_123 : i32 to vector<16xi32>
        %add3A_125 = arith.addi %gather3A_122, %add3A_124 : vector<16xi32>
        tpu.vector_store_idx %arg8[%add3A_121], %add3A_125 : memref<4096xi32, #tpu.memory_space<vmem>>[vector<16xi32>], vector<16xi32>,
        tpu.vector_store_idx %arg12[%add3A_113], %gather3A_122 : memref<16400xi32, #tpu.memory_space<vmem>>[vector<16xi32>], vector<16xi32>,
        %add3A_126 = arith.constant 256 : i32
        %add3A_127 = vector.broadcast %add3A_126 : i32 to vector<16xi32>
        %add3A_128 = arith.addi %mul3A_11, %add3A_127 : vector<16xi32>
        %add3A_129 = vector.broadcast %scan3A_102 : i32 to vector<16xi32>
        %add3A_130 = arith.addi %add3A_128, %add3A_129 : vector<16xi32>
        %add3A_131 = arith.constant 256 : i32
        %add3A_132 = vector.broadcast %add3A_131 : i32 to vector<16xi32>
        %add3A_133 = arith.addi %mul3A_11, %add3A_132 : vector<16xi32>
        %add3A_134 = vector.broadcast %scan3A_102 : i32 to vector<16xi32>
        %add3A_135 = arith.addi %add3A_133, %add3A_134 : vector<16xi32>
        %gather3A_136 = tpu.vector_load_idx %arg4[%add3A_130] : memref<16400xi32, #tpu.memory_space<vmem>>[vector<16xi32>], vector<16xi32>,
        %shift_right_logical3A_137 = arith.constant 16 : i32
        %shift_right_logical3A_138 = vector.broadcast %shift_right_logical3A_137 : i32 to vector<16xi32>
        %shift_right_logical3A_139 = arith.shrui %gather3A_136, %shift_right_logical3A_138 : vector<16xi32>
        %and3A_140 = arith.constant 255 : i32
        %and3A_141 = vector.broadcast %and3A_140 : i32 to vector<16xi32>
        %and3A_142 = arith.andi %shift_right_logical3A_139, %and3A_141 : vector<16xi32>
        %mul3A_143 = arith.constant 16 : i32
        %mul3A_144 = vector.broadcast %mul3A_143 : i32 to vector<16xi32>
        %mul3A_145 = arith.muli %and3A_142, %mul3A_144 : vector<16xi32>
        %add3A_146 = arith.addi %mul3A_145, %iota3A : vector<16xi32>
        %gather3A_147 = tpu.vector_load_idx %arg9[%add3A_146] : memref<4096xi32, #tpu.memory_space<vmem>>[vector<16xi32>], vector<16xi32>,
        %add3A_148 = arith.constant 1 : i32
        %add3A_149 = vector.broadcast %add3A_148 : i32 to vector<16xi32>
        %add3A_150 = arith.addi %gather3A_147, %add3A_149 : vector<16xi32>
        tpu.vector_store_idx %arg9[%add3A_146], %add3A_150 : memref<4096xi32, #tpu.memory_space<vmem>>[vector<16xi32>], vector<16xi32>,
        tpu.vector_store_idx %arg12[%add3A_135], %gather3A_147 : memref<16400xi32, #tpu.memory_space<vmem>>[vector<16xi32>], vector<16xi32>,
        %add3A_151 = arith.constant 512 : i32
        %add3A_152 = vector.broadcast %add3A_151 : i32 to vector<16xi32>
        %add3A_153 = arith.addi %mul3A_11, %add3A_152 : vector<16xi32>
        %add3A_154 = vector.broadcast %scan3A_102 : i32 to vector<16xi32>
        %add3A_155 = arith.addi %add3A_153, %add3A_154 : vector<16xi32>
        %add3A_156 = arith.constant 512 : i32
        %add3A_157 = vector.broadcast %add3A_156 : i32 to vector<16xi32>
        %add3A_158 = arith.addi %mul3A_11, %add3A_157 : vector<16xi32>
        %add3A_159 = vector.broadcast %scan3A_102 : i32 to vector<16xi32>
        %add3A_160 = arith.addi %add3A_158, %add3A_159 : vector<16xi32>
        %gather3A_161 = tpu.vector_load_idx %arg4[%add3A_155] : memref<16400xi32, #tpu.memory_space<vmem>>[vector<16xi32>], vector<16xi32>,
        %shift_right_logical3A_162 = arith.constant 16 : i32
        %shift_right_logical3A_163 = vector.broadcast %shift_right_logical3A_162 : i32 to vector<16xi32>
        %shift_right_logical3A_164 = arith.shrui %gather3A_161, %shift_right_logical3A_163 : vector<16xi32>
        %and3A_165 = arith.constant 255 : i32
        %and3A_166 = vector.broadcast %and3A_165 : i32 to vector<16xi32>
        %and3A_167 = arith.andi %shift_right_logical3A_164, %and3A_166 : vector<16xi32>
        %mul3A_168 = arith.constant 16 : i32
        %mul3A_169 = vector.broadcast %mul3A_168 : i32 to vector<16xi32>
        %mul3A_170 = arith.muli %and3A_167, %mul3A_169 : vector<16xi32>
        %add3A_171 = arith.addi %mul3A_170, %iota3A : vector<16xi32>
        %gather3A_172 = tpu.vector_load_idx %arg10[%add3A_171] : memref<4096xi32, #tpu.memory_space<vmem>>[vector<16xi32>], vector<16xi32>,
        %add3A_173 = arith.constant 1 : i32
        %add3A_174 = vector.broadcast %add3A_173 : i32 to vector<16xi32>
        %add3A_175 = arith.addi %gather3A_172, %add3A_174 : vector<16xi32>
        tpu.vector_store_idx %arg10[%add3A_171], %add3A_175 : memref<4096xi32, #tpu.memory_space<vmem>>[vector<16xi32>], vector<16xi32>,
        tpu.vector_store_idx %arg12[%add3A_160], %gather3A_172 : memref<16400xi32, #tpu.memory_space<vmem>>[vector<16xi32>], vector<16xi32>,
        %add3A_176 = arith.constant 768 : i32
        %add3A_177 = vector.broadcast %add3A_176 : i32 to vector<16xi32>
        %add3A_178 = arith.addi %mul3A_11, %add3A_177 : vector<16xi32>
        %add3A_179 = vector.broadcast %scan3A_102 : i32 to vector<16xi32>
        %add3A_180 = arith.addi %add3A_178, %add3A_179 : vector<16xi32>
        %add3A_181 = arith.constant 768 : i32
        %add3A_182 = vector.broadcast %add3A_181 : i32 to vector<16xi32>
        %add3A_183 = arith.addi %mul3A_11, %add3A_182 : vector<16xi32>
        %add3A_184 = vector.broadcast %scan3A_102 : i32 to vector<16xi32>
        %add3A_185 = arith.addi %add3A_183, %add3A_184 : vector<16xi32>
        %gather3A_186 = tpu.vector_load_idx %arg4[%add3A_180] : memref<16400xi32, #tpu.memory_space<vmem>>[vector<16xi32>], vector<16xi32>,
        %shift_right_logical3A_187 = arith.constant 16 : i32
        %shift_right_logical3A_188 = vector.broadcast %shift_right_logical3A_187 : i32 to vector<16xi32>
        %shift_right_logical3A_189 = arith.shrui %gather3A_186, %shift_right_logical3A_188 : vector<16xi32>
        %and3A_190 = arith.constant 255 : i32
        %and3A_191 = vector.broadcast %and3A_190 : i32 to vector<16xi32>
        %and3A_192 = arith.andi %shift_right_logical3A_189, %and3A_191 : vector<16xi32>
        %mul3A_193 = arith.constant 16 : i32
        %mul3A_194 = vector.broadcast %mul3A_193 : i32 to vector<16xi32>
        %mul3A_195 = arith.muli %and3A_192, %mul3A_194 : vector<16xi32>
        %add3A_196 = arith.addi %mul3A_195, %iota3A : vector<16xi32>
        %gather3A_197 = tpu.vector_load_idx %arg11[%add3A_196] : memref<4096xi32, #tpu.memory_space<vmem>>[vector<16xi32>], vector<16xi32>,
        %add3A_198 = arith.constant 1 : i32
        %add3A_199 = vector.broadcast %add3A_198 : i32 to vector<16xi32>
        %add3A_200 = arith.addi %gather3A_197, %add3A_199 : vector<16xi32>
        tpu.vector_store_idx %arg11[%add3A_196], %add3A_200 : memref<4096xi32, #tpu.memory_space<vmem>>[vector<16xi32>], vector<16xi32>,
        tpu.vector_store_idx %arg12[%add3A_185], %gather3A_197 : memref<16400xi32, #tpu.memory_space<vmem>>[vector<16xi32>], vector<16xi32>,
        %scan3A_201 = arith.constant 0 : i32
        scf.yield %scan3A_201 : i32
      }
      %scan3A_65 = arith.constant 256 : i32
      %parallel_loop3A_66 = arith.constant 0 : i32
      %parallel_loop3A_67 = arith.constant 256 : i32
      %parallel_loop3A_68 = arith.constant 1 : i32
      scf.for %parallel_loop3A_102 = %parallel_loop3A_66 to %parallel_loop3A_67 step %parallel_loop3A_68  : i32 {
        %parallel_loop3A_103 = arith.constant 16 : i32
        %parallel_loop3A_104 = arith.muli %parallel_loop3A_102, %parallel_loop3A_103 : i32
        %parallel_loop3A_105 = arith.index_cast %parallel_loop3A_104 : i32 to index
        %parallel_loop3A_106 = tpu.vector_load %arg8[%parallel_loop3A_105] {strides = array<i32>} : memref<4096xi32, #tpu.memory_space<vmem>>, vector<16xi32>,
        %parallel_loop3A_107 = arith.index_cast %parallel_loop3A_104 : i32 to index
        %parallel_loop3A_108 = tpu.vector_load %arg9[%parallel_loop3A_107] {strides = array<i32>} : memref<4096xi32, #tpu.memory_space<vmem>>, vector<16xi32>,
        %parallel_loop3A_109 = arith.index_cast %parallel_loop3A_104 : i32 to index
        %parallel_loop3A_110 = tpu.vector_load %arg10[%parallel_loop3A_109] {strides = array<i32>} : memref<4096xi32, #tpu.memory_space<vmem>>, vector<16xi32>,
        %parallel_loop3A_111 = arith.index_cast %parallel_loop3A_104 : i32 to index
        %parallel_loop3A_112 = tpu.vector_load %arg11[%parallel_loop3A_111] {strides = array<i32>} : memref<4096xi32, #tpu.memory_space<vmem>>, vector<16xi32>,
        %parallel_loop3A_113 = arith.addi %parallel_loop3A_106, %parallel_loop3A_108 : vector<16xi32>
        %parallel_loop3A_114 = arith.addi %parallel_loop3A_113, %parallel_loop3A_110 : vector<16xi32>
        %parallel_loop3A_115 = arith.addi %parallel_loop3A_114, %parallel_loop3A_112 : vector<16xi32>
        %parallel_loop3A_116 = arith.constant true
        %parallel_loop3A_117 = vector.broadcast %parallel_loop3A_116 : i1 to vector<16xi1>
        %parallel_loop3A_118 = tpu.scan <sum>, %parallel_loop3A_115 masked %parallel_loop3A_117 : vector<16xi32>, vector<16xi1> -> vector<16xi32>
        %parallel_loop3A_119 = arith.subi %parallel_loop3A_118, %parallel_loop3A_115 : vector<16xi32>
        %parallel_loop3A_120 = arith.index_cast %parallel_loop3A_104 : i32 to index
        %parallel_loop3A_121 = tpu.vector_load %arg8[%parallel_loop3A_120] {strides = array<i32>} : memref<4096xi32, #tpu.memory_space<vmem>>, vector<16xi32>,
        tpu.vector_store %arg8[%parallel_loop3A_120], %parallel_loop3A_119 {strides = array<i32>} : memref<4096xi32, #tpu.memory_space<vmem>>, vector<16xi32>,
        %parallel_loop3A_122 = arith.addi %parallel_loop3A_119, %parallel_loop3A_106 : vector<16xi32>
        %parallel_loop3A_123 = arith.index_cast %parallel_loop3A_104 : i32 to index
        %parallel_loop3A_124 = tpu.vector_load %arg9[%parallel_loop3A_123] {strides = array<i32>} : memref<4096xi32, #tpu.memory_space<vmem>>, vector<16xi32>,
        tpu.vector_store %arg9[%parallel_loop3A_123], %parallel_loop3A_122 {strides = array<i32>} : memref<4096xi32, #tpu.memory_space<vmem>>, vector<16xi32>,
        %parallel_loop3A_125 = arith.addi %parallel_loop3A_119, %parallel_loop3A_106 : vector<16xi32>
        %parallel_loop3A_126 = arith.addi %parallel_loop3A_125, %parallel_loop3A_108 : vector<16xi32>
        %parallel_loop3A_127 = arith.index_cast %parallel_loop3A_104 : i32 to index
        %parallel_loop3A_128 = tpu.vector_load %arg10[%parallel_loop3A_127] {strides = array<i32>} : memref<4096xi32, #tpu.memory_space<vmem>>, vector<16xi32>,
        tpu.vector_store %arg10[%parallel_loop3A_127], %parallel_loop3A_126 {strides = array<i32>} : memref<4096xi32, #tpu.memory_space<vmem>>, vector<16xi32>,
        %parallel_loop3A_129 = arith.addi %parallel_loop3A_119, %parallel_loop3A_106 : vector<16xi32>
        %parallel_loop3A_130 = arith.addi %parallel_loop3A_129, %parallel_loop3A_108 : vector<16xi32>
        %parallel_loop3A_131 = arith.addi %parallel_loop3A_130, %parallel_loop3A_110 : vector<16xi32>
        %parallel_loop3A_132 = arith.index_cast %parallel_loop3A_104 : i32 to index
        %parallel_loop3A_133 = tpu.vector_load %arg11[%parallel_loop3A_132] {strides = array<i32>} : memref<4096xi32, #tpu.memory_space<vmem>>, vector<16xi32>,
        tpu.vector_store %arg11[%parallel_loop3A_132], %parallel_loop3A_131 {strides = array<i32>} : memref<4096xi32, #tpu.memory_space<vmem>>, vector<16xi32>,
        %parallel_loop3A_134 = arith.constant true
        %parallel_loop3A_135 = vector.broadcast %parallel_loop3A_134 : i1 to vector<16xi1>
        %parallel_loop3A_136 = tpu.scan <sum>, %parallel_loop3A_115 masked %parallel_loop3A_135 : vector<16xi32>, vector<16xi1> -> vector<16xi32>
        %parallel_loop3A_137 = vector.extract %parallel_loop3A_136[15] : i32 from vector<16xi32>
        %parallel_loop3A_138 = vector.broadcast %parallel_loop3A_137 : i32 to vector<16xi32>
        %parallel_loop3A_139 = arith.constant 16 : i32
        %parallel_loop3A_140 = arith.muli %parallel_loop3A_102, %parallel_loop3A_139 : i32
        %parallel_loop3A_141 = arith.index_cast %parallel_loop3A_140 : i32 to index
        %parallel_loop3A_142 = tpu.vector_load %arg13[%parallel_loop3A_141] {strides = array<i32>} : memref<4096xi32, #tpu.memory_space<vmem>>, vector<16xi32>,
        tpu.vector_store %arg13[%parallel_loop3A_141], %parallel_loop3A_138 {strides = array<i32>} : memref<4096xi32, #tpu.memory_space<vmem>>, vector<16xi32>,
      } {sc.loop_unroll_factor = 2 : i64, sc.parallel_access}
      %scan3A_69 = arith.constant 0 : i32
      %scan3A_70 = arith.constant 0 : i32
      %scan3A_71 = arith.constant 16 : i32
      %scan3A_72 = arith.addi %scan3A_70, %scan3A_71 : i32
      %scan3A_73 = arith.constant 1 : i32
      %scan3A_74 = scf.for %scan3A_102 = %scan3A_70 to %scan3A_72 step %scan3A_73 iter_args(%scan3A_103 = %scan3A_69) -> (i32)  : i32 {
        %mul3A_104 = arith.constant 16 : i32
        %mul3A_105 = arith.muli %scan3A_102, %mul3A_104 : i32
        %add3A_106 = vector.broadcast %mul3A_105 : i32 to vector<16xi32>
        %add3A_107 = arith.addi %add3A_106, %iota3A : vector<16xi32>
        %mul3A_108 = arith.constant 16 : i32
        %mul3A_109 = vector.broadcast %mul3A_108 : i32 to vector<16xi32>
        %mul3A_110 = arith.muli %add3A_107, %mul3A_109 : vector<16xi32>
        %add3A_111 = arith.addi %mul3A_110, %iota3A : vector<16xi32>
        %gather3A = tpu.vector_load_idx %arg13[%add3A_111] : memref<4096xi32, #tpu.memory_space<vmem>>[vector<16xi32>], vector<16xi32>,
        %broadcast_in_dim3A_112 = arith.constant true
        %broadcast_in_dim3A_113 = vector.broadcast %broadcast_in_dim3A_112 : i1 to vector<16xi1>
        %masked_cumsum3A = tpu.scan <sum>, %gather3A masked %broadcast_in_dim3A_113 : vector<16xi32>, vector<16xi1> -> vector<16xi32>
        %sub3A = arith.subi %masked_cumsum3A, %gather3A : vector<16xi32>
        %add3A_114 = vector.broadcast %scan3A_103 : i32 to vector<16xi32>
        %add3A_115 = arith.addi %sub3A, %add3A_114 : vector<16xi32>
        %mul3A_116 = arith.constant 16 : i32
        %mul3A_117 = arith.muli %scan3A_102, %mul3A_116 : i32
        %swap3A = arith.index_cast %mul3A_117 : i32 to index
        %swap3A_118 = tpu.vector_load %arg14[%swap3A] {strides = array<i32>} : memref<256xi32, #tpu.memory_space<vmem>>, vector<16xi32>,
        tpu.vector_store %arg14[%swap3A], %add3A_115 {strides = array<i32>} : memref<256xi32, #tpu.memory_space<vmem>>, vector<16xi32>,
        %reduce_sum3A = arith.constant true
        %reduce_sum3A_119 = vector.broadcast %reduce_sum3A : i1 to vector<16xi1>
        %reduce_sum3A_120 = tpu.scan <sum>, %gather3A masked %reduce_sum3A_119 : vector<16xi32>, vector<16xi1> -> vector<16xi32>
        %reduce_sum3A_121 = vector.extract %reduce_sum3A_120[15] : i32 from vector<16xi32>
        %add3A_122 = arith.addi %scan3A_103, %reduce_sum3A_121 : i32
        scf.yield %add3A_122 : i32
      }
      %scan3A_75 = arith.constant 16 : i32
      %parallel_loop3A_76 = arith.constant 0 : i32
      %parallel_loop3A_77 = arith.constant 256 : i32
      %parallel_loop3A_78 = arith.constant 1 : i32
      scf.for %parallel_loop3A_102 = %parallel_loop3A_76 to %parallel_loop3A_77 step %parallel_loop3A_78  : i32 {
        %parallel_loop3A_103 = arith.constant 0 : i32
        %parallel_loop3A_104 = vector.broadcast %parallel_loop3A_103 : i32 to vector<16xi32>
        %parallel_loop3A_105 = arith.addi %mul3A_11, %parallel_loop3A_104 : vector<16xi32>
        %parallel_loop3A_106 = vector.broadcast %parallel_loop3A_102 : i32 to vector<16xi32>
        %parallel_loop3A_107 = arith.addi %parallel_loop3A_105, %parallel_loop3A_106 : vector<16xi32>
        %parallel_loop3A_108 = arith.constant 0 : i32
        %parallel_loop3A_109 = vector.broadcast %parallel_loop3A_108 : i32 to vector<16xi32>
        %parallel_loop3A_110 = arith.addi %mul3A_11, %parallel_loop3A_109 : vector<16xi32>
        %parallel_loop3A_111 = vector.broadcast %parallel_loop3A_102 : i32 to vector<16xi32>
        %parallel_loop3A_112 = arith.addi %parallel_loop3A_110, %parallel_loop3A_111 : vector<16xi32>
        %parallel_loop3A_113 = tpu.vector_load_idx %arg4[%parallel_loop3A_107] : memref<16400xi32, #tpu.memory_space<vmem>>[vector<16xi32>], vector<16xi32>,
        %parallel_loop3A_114 = tpu.vector_load_idx %arg6[%parallel_loop3A_107] : memref<16400xi32, #tpu.memory_space<vmem>>[vector<16xi32>], vector<16xi32>,
        %parallel_loop3A_115 = arith.constant 16 : i32
        %parallel_loop3A_116 = vector.broadcast %parallel_loop3A_115 : i32 to vector<16xi32>
        %parallel_loop3A_117 = arith.shrui %parallel_loop3A_113, %parallel_loop3A_116 : vector<16xi32>
        %parallel_loop3A_118 = arith.constant 255 : i32
        %parallel_loop3A_119 = vector.broadcast %parallel_loop3A_118 : i32 to vector<16xi32>
        %parallel_loop3A_120 = arith.andi %parallel_loop3A_117, %parallel_loop3A_119 : vector<16xi32>
        %parallel_loop3A_121 = arith.constant 16 : i32
        %parallel_loop3A_122 = vector.broadcast %parallel_loop3A_121 : i32 to vector<16xi32>
        %parallel_loop3A_123 = arith.muli %parallel_loop3A_120, %parallel_loop3A_122 : vector<16xi32>
        %parallel_loop3A_124 = arith.addi %parallel_loop3A_123, %iota3A : vector<16xi32>
        %parallel_loop3A_125 = tpu.vector_load_idx %arg8[%parallel_loop3A_124] : memref<4096xi32, #tpu.memory_space<vmem>>[vector<16xi32>], vector<16xi32>,
        %parallel_loop3A_126 = tpu.vector_load_idx %arg12[%parallel_loop3A_112] : memref<16400xi32, #tpu.memory_space<vmem>>[vector<16xi32>], vector<16xi32>,
        %parallel_loop3A_127 = arith.addi %parallel_loop3A_125, %parallel_loop3A_126 : vector<16xi32>
        %parallel_loop3A_128 = tpu.vector_load_idx %arg14[%parallel_loop3A_120] : memref<256xi32, #tpu.memory_space<vmem>>[vector<16xi32>], vector<16xi32>,
        %parallel_loop3A_129 = arith.addi %parallel_loop3A_127, %parallel_loop3A_128 : vector<16xi32>
        %parallel_loop3A_130 = arith.constant 10 : i32
        %parallel_loop3A_131 = vector.broadcast %parallel_loop3A_130 : i32 to vector<16xi32>
        %parallel_loop3A_132 = arith.shrui %parallel_loop3A_129, %parallel_loop3A_131 : vector<16xi32>
        %parallel_loop3A_133 = arith.addi %parallel_loop3A_129, %parallel_loop3A_132 : vector<16xi32>
        tpu.vector_store_idx %arg5[%parallel_loop3A_133], %parallel_loop3A_113 : memref<16400xi32, #tpu.memory_space<vmem>>[vector<16xi32>], vector<16xi32>,
        tpu.vector_store_idx %arg7[%parallel_loop3A_133], %parallel_loop3A_114 : memref<16400xi32, #tpu.memory_space<vmem>>[vector<16xi32>], vector<16xi32>,
        %parallel_loop3A_134 = arith.constant 256 : i32
        %parallel_loop3A_135 = vector.broadcast %parallel_loop3A_134 : i32 to vector<16xi32>
        %parallel_loop3A_136 = arith.addi %mul3A_11, %parallel_loop3A_135 : vector<16xi32>
        %parallel_loop3A_137 = vector.broadcast %parallel_loop3A_102 : i32 to vector<16xi32>
        %parallel_loop3A_138 = arith.addi %parallel_loop3A_136, %parallel_loop3A_137 : vector<16xi32>
        %parallel_loop3A_139 = arith.constant 256 : i32
        %parallel_loop3A_140 = vector.broadcast %parallel_loop3A_139 : i32 to vector<16xi32>
        %parallel_loop3A_141 = arith.addi %mul3A_11, %parallel_loop3A_140 : vector<16xi32>
        %parallel_loop3A_142 = vector.broadcast %parallel_loop3A_102 : i32 to vector<16xi32>
        %parallel_loop3A_143 = arith.addi %parallel_loop3A_141, %parallel_loop3A_142 : vector<16xi32>
        %parallel_loop3A_144 = tpu.vector_load_idx %arg4[%parallel_loop3A_138] : memref<16400xi32, #tpu.memory_space<vmem>>[vector<16xi32>], vector<16xi32>,
        %parallel_loop3A_145 = tpu.vector_load_idx %arg6[%parallel_loop3A_138] : memref<16400xi32, #tpu.memory_space<vmem>>[vector<16xi32>], vector<16xi32>,
        %parallel_loop3A_146 = arith.constant 16 : i32
        %parallel_loop3A_147 = vector.broadcast %parallel_loop3A_146 : i32 to vector<16xi32>
        %parallel_loop3A_148 = arith.shrui %parallel_loop3A_144, %parallel_loop3A_147 : vector<16xi32>
        %parallel_loop3A_149 = arith.constant 255 : i32
        %parallel_loop3A_150 = vector.broadcast %parallel_loop3A_149 : i32 to vector<16xi32>
        %parallel_loop3A_151 = arith.andi %parallel_loop3A_148, %parallel_loop3A_150 : vector<16xi32>
        %parallel_loop3A_152 = arith.constant 16 : i32
        %parallel_loop3A_153 = vector.broadcast %parallel_loop3A_152 : i32 to vector<16xi32>
        %parallel_loop3A_154 = arith.muli %parallel_loop3A_151, %parallel_loop3A_153 : vector<16xi32>
        %parallel_loop3A_155 = arith.addi %parallel_loop3A_154, %iota3A : vector<16xi32>
        %parallel_loop3A_156 = tpu.vector_load_idx %arg9[%parallel_loop3A_155] : memref<4096xi32, #tpu.memory_space<vmem>>[vector<16xi32>], vector<16xi32>,
        %parallel_loop3A_157 = tpu.vector_load_idx %arg12[%parallel_loop3A_143] : memref<16400xi32, #tpu.memory_space<vmem>>[vector<16xi32>], vector<16xi32>,
        %parallel_loop3A_158 = arith.addi %parallel_loop3A_156, %parallel_loop3A_157 : vector<16xi32>
        %parallel_loop3A_159 = tpu.vector_load_idx %arg14[%parallel_loop3A_151] : memref<256xi32, #tpu.memory_space<vmem>>[vector<16xi32>], vector<16xi32>,
        %parallel_loop3A_160 = arith.addi %parallel_loop3A_158, %parallel_loop3A_159 : vector<16xi32>
        %parallel_loop3A_161 = arith.constant 10 : i32
        %parallel_loop3A_162 = vector.broadcast %parallel_loop3A_161 : i32 to vector<16xi32>
        %parallel_loop3A_163 = arith.shrui %parallel_loop3A_160, %parallel_loop3A_162 : vector<16xi32>
        %parallel_loop3A_164 = arith.addi %parallel_loop3A_160, %parallel_loop3A_163 : vector<16xi32>
        tpu.vector_store_idx %arg5[%parallel_loop3A_164], %parallel_loop3A_144 : memref<16400xi32, #tpu.memory_space<vmem>>[vector<16xi32>], vector<16xi32>,
        tpu.vector_store_idx %arg7[%parallel_loop3A_164], %parallel_loop3A_145 : memref<16400xi32, #tpu.memory_space<vmem>>[vector<16xi32>], vector<16xi32>,
        %parallel_loop3A_165 = arith.constant 512 : i32
        %parallel_loop3A_166 = vector.broadcast %parallel_loop3A_165 : i32 to vector<16xi32>
        %parallel_loop3A_167 = arith.addi %mul3A_11, %parallel_loop3A_166 : vector<16xi32>
        %parallel_loop3A_168 = vector.broadcast %parallel_loop3A_102 : i32 to vector<16xi32>
        %parallel_loop3A_169 = arith.addi %parallel_loop3A_167, %parallel_loop3A_168 : vector<16xi32>
        %parallel_loop3A_170 = arith.constant 512 : i32
        %parallel_loop3A_171 = vector.broadcast %parallel_loop3A_170 : i32 to vector<16xi32>
        %parallel_loop3A_172 = arith.addi %mul3A_11, %parallel_loop3A_171 : vector<16xi32>
        %parallel_loop3A_173 = vector.broadcast %parallel_loop3A_102 : i32 to vector<16xi32>
        %parallel_loop3A_174 = arith.addi %parallel_loop3A_172, %parallel_loop3A_173 : vector<16xi32>
        %parallel_loop3A_175 = tpu.vector_load_idx %arg4[%parallel_loop3A_169] : memref<16400xi32, #tpu.memory_space<vmem>>[vector<16xi32>], vector<16xi32>,
        %parallel_loop3A_176 = tpu.vector_load_idx %arg6[%parallel_loop3A_169] : memref<16400xi32, #tpu.memory_space<vmem>>[vector<16xi32>], vector<16xi32>,
        %parallel_loop3A_177 = arith.constant 16 : i32
        %parallel_loop3A_178 = vector.broadcast %parallel_loop3A_177 : i32 to vector<16xi32>
        %parallel_loop3A_179 = arith.shrui %parallel_loop3A_175, %parallel_loop3A_178 : vector<16xi32>
        %parallel_loop3A_180 = arith.constant 255 : i32
        %parallel_loop3A_181 = vector.broadcast %parallel_loop3A_180 : i32 to vector<16xi32>
        %parallel_loop3A_182 = arith.andi %parallel_loop3A_179, %parallel_loop3A_181 : vector<16xi32>
        %parallel_loop3A_183 = arith.constant 16 : i32
        %parallel_loop3A_184 = vector.broadcast %parallel_loop3A_183 : i32 to vector<16xi32>
        %parallel_loop3A_185 = arith.muli %parallel_loop3A_182, %parallel_loop3A_184 : vector<16xi32>
        %parallel_loop3A_186 = arith.addi %parallel_loop3A_185, %iota3A : vector<16xi32>
        %parallel_loop3A_187 = tpu.vector_load_idx %arg10[%parallel_loop3A_186] : memref<4096xi32, #tpu.memory_space<vmem>>[vector<16xi32>], vector<16xi32>,
        %parallel_loop3A_188 = tpu.vector_load_idx %arg12[%parallel_loop3A_174] : memref<16400xi32, #tpu.memory_space<vmem>>[vector<16xi32>], vector<16xi32>,
        %parallel_loop3A_189 = arith.addi %parallel_loop3A_187, %parallel_loop3A_188 : vector<16xi32>
        %parallel_loop3A_190 = tpu.vector_load_idx %arg14[%parallel_loop3A_182] : memref<256xi32, #tpu.memory_space<vmem>>[vector<16xi32>], vector<16xi32>,
        %parallel_loop3A_191 = arith.addi %parallel_loop3A_189, %parallel_loop3A_190 : vector<16xi32>
        %parallel_loop3A_192 = arith.constant 10 : i32
        %parallel_loop3A_193 = vector.broadcast %parallel_loop3A_192 : i32 to vector<16xi32>
        %parallel_loop3A_194 = arith.shrui %parallel_loop3A_191, %parallel_loop3A_193 : vector<16xi32>
        %parallel_loop3A_195 = arith.addi %parallel_loop3A_191, %parallel_loop3A_194 : vector<16xi32>
        tpu.vector_store_idx %arg5[%parallel_loop3A_195], %parallel_loop3A_175 : memref<16400xi32, #tpu.memory_space<vmem>>[vector<16xi32>], vector<16xi32>,
        tpu.vector_store_idx %arg7[%parallel_loop3A_195], %parallel_loop3A_176 : memref<16400xi32, #tpu.memory_space<vmem>>[vector<16xi32>], vector<16xi32>,
        %parallel_loop3A_196 = arith.constant 768 : i32
        %parallel_loop3A_197 = vector.broadcast %parallel_loop3A_196 : i32 to vector<16xi32>
        %parallel_loop3A_198 = arith.addi %mul3A_11, %parallel_loop3A_197 : vector<16xi32>
        %parallel_loop3A_199 = vector.broadcast %parallel_loop3A_102 : i32 to vector<16xi32>
        %parallel_loop3A_200 = arith.addi %parallel_loop3A_198, %parallel_loop3A_199 : vector<16xi32>
        %parallel_loop3A_201 = arith.constant 768 : i32
        %parallel_loop3A_202 = vector.broadcast %parallel_loop3A_201 : i32 to vector<16xi32>
        %parallel_loop3A_203 = arith.addi %mul3A_11, %parallel_loop3A_202 : vector<16xi32>
        %parallel_loop3A_204 = vector.broadcast %parallel_loop3A_102 : i32 to vector<16xi32>
        %parallel_loop3A_205 = arith.addi %parallel_loop3A_203, %parallel_loop3A_204 : vector<16xi32>
        %parallel_loop3A_206 = tpu.vector_load_idx %arg4[%parallel_loop3A_200] : memref<16400xi32, #tpu.memory_space<vmem>>[vector<16xi32>], vector<16xi32>,
        %parallel_loop3A_207 = tpu.vector_load_idx %arg6[%parallel_loop3A_200] : memref<16400xi32, #tpu.memory_space<vmem>>[vector<16xi32>], vector<16xi32>,
        %parallel_loop3A_208 = arith.constant 16 : i32
        %parallel_loop3A_209 = vector.broadcast %parallel_loop3A_208 : i32 to vector<16xi32>
        %parallel_loop3A_210 = arith.shrui %parallel_loop3A_206, %parallel_loop3A_209 : vector<16xi32>
        %parallel_loop3A_211 = arith.constant 255 : i32
        %parallel_loop3A_212 = vector.broadcast %parallel_loop3A_211 : i32 to vector<16xi32>
        %parallel_loop3A_213 = arith.andi %parallel_loop3A_210, %parallel_loop3A_212 : vector<16xi32>
        %parallel_loop3A_214 = arith.constant 16 : i32
        %parallel_loop3A_215 = vector.broadcast %parallel_loop3A_214 : i32 to vector<16xi32>
        %parallel_loop3A_216 = arith.muli %parallel_loop3A_213, %parallel_loop3A_215 : vector<16xi32>
        %parallel_loop3A_217 = arith.addi %parallel_loop3A_216, %iota3A : vector<16xi32>
        %parallel_loop3A_218 = tpu.vector_load_idx %arg11[%parallel_loop3A_217] : memref<4096xi32, #tpu.memory_space<vmem>>[vector<16xi32>], vector<16xi32>,
        %parallel_loop3A_219 = tpu.vector_load_idx %arg12[%parallel_loop3A_205] : memref<16400xi32, #tpu.memory_space<vmem>>[vector<16xi32>], vector<16xi32>,
        %parallel_loop3A_220 = arith.addi %parallel_loop3A_218, %parallel_loop3A_219 : vector<16xi32>
        %parallel_loop3A_221 = tpu.vector_load_idx %arg14[%parallel_loop3A_213] : memref<256xi32, #tpu.memory_space<vmem>>[vector<16xi32>], vector<16xi32>,
        %parallel_loop3A_222 = arith.addi %parallel_loop3A_220, %parallel_loop3A_221 : vector<16xi32>
        %parallel_loop3A_223 = arith.constant 10 : i32
        %parallel_loop3A_224 = vector.broadcast %parallel_loop3A_223 : i32 to vector<16xi32>
        %parallel_loop3A_225 = arith.shrui %parallel_loop3A_222, %parallel_loop3A_224 : vector<16xi32>
        %parallel_loop3A_226 = arith.addi %parallel_loop3A_222, %parallel_loop3A_225 : vector<16xi32>
        tpu.vector_store_idx %arg5[%parallel_loop3A_226], %parallel_loop3A_206 : memref<16400xi32, #tpu.memory_space<vmem>>[vector<16xi32>], vector<16xi32>,
        tpu.vector_store_idx %arg7[%parallel_loop3A_226], %parallel_loop3A_207 : memref<16400xi32, #tpu.memory_space<vmem>>[vector<16xi32>], vector<16xi32>,
      } {sc.loop_unroll_factor = 2 : i64, sc.parallel_access}
      %parallel_loop3A_79 = arith.constant 0 : i32
      %parallel_loop3A_80 = arith.constant 256 : i32
      %parallel_loop3A_81 = arith.constant 1 : i32
      scf.for %parallel_loop3A_102 = %parallel_loop3A_79 to %parallel_loop3A_80 step %parallel_loop3A_81  : i32 {
        %parallel_loop3A_103 = arith.constant 16 : i32
        %parallel_loop3A_104 = arith.muli %parallel_loop3A_102, %parallel_loop3A_103 : i32
        %parallel_loop3A_105 = arith.index_cast %parallel_loop3A_104 : i32 to index
        %parallel_loop3A_106 = tpu.vector_load %arg8[%parallel_loop3A_105] {strides = array<i32>} : memref<4096xi32, #tpu.memory_space<vmem>>, vector<16xi32>,
        tpu.vector_store %arg8[%parallel_loop3A_105], %broadcast_in_dim3A_8 {strides = array<i32>} : memref<4096xi32, #tpu.memory_space<vmem>>, vector<16xi32>,
        %parallel_loop3A_107 = arith.constant 16 : i32
        %parallel_loop3A_108 = arith.muli %parallel_loop3A_102, %parallel_loop3A_107 : i32
        %parallel_loop3A_109 = arith.index_cast %parallel_loop3A_108 : i32 to index
        %parallel_loop3A_110 = tpu.vector_load %arg9[%parallel_loop3A_109] {strides = array<i32>} : memref<4096xi32, #tpu.memory_space<vmem>>, vector<16xi32>,
        tpu.vector_store %arg9[%parallel_loop3A_109], %broadcast_in_dim3A_8 {strides = array<i32>} : memref<4096xi32, #tpu.memory_space<vmem>>, vector<16xi32>,
        %parallel_loop3A_111 = arith.constant 16 : i32
        %parallel_loop3A_112 = arith.muli %parallel_loop3A_102, %parallel_loop3A_111 : i32
        %parallel_loop3A_113 = arith.index_cast %parallel_loop3A_112 : i32 to index
        %parallel_loop3A_114 = tpu.vector_load %arg10[%parallel_loop3A_113] {strides = array<i32>} : memref<4096xi32, #tpu.memory_space<vmem>>, vector<16xi32>,
        tpu.vector_store %arg10[%parallel_loop3A_113], %broadcast_in_dim3A_8 {strides = array<i32>} : memref<4096xi32, #tpu.memory_space<vmem>>, vector<16xi32>,
        %parallel_loop3A_115 = arith.constant 16 : i32
        %parallel_loop3A_116 = arith.muli %parallel_loop3A_102, %parallel_loop3A_115 : i32
        %parallel_loop3A_117 = arith.index_cast %parallel_loop3A_116 : i32 to index
        %parallel_loop3A_118 = tpu.vector_load %arg11[%parallel_loop3A_117] {strides = array<i32>} : memref<4096xi32, #tpu.memory_space<vmem>>, vector<16xi32>,
        tpu.vector_store %arg11[%parallel_loop3A_117], %broadcast_in_dim3A_8 {strides = array<i32>} : memref<4096xi32, #tpu.memory_space<vmem>>, vector<16xi32>,
      } {sc.loop_unroll_factor = 2 : i64, sc.parallel_access}
      %scan3A_82 = arith.constant 0 : i32
      %scan3A_83 = arith.constant 0 : i32
      %scan3A_84 = arith.constant 256 : i32
      %scan3A_85 = arith.addi %scan3A_83, %scan3A_84 : i32
      %scan3A_86 = arith.constant 1 : i32
      %scan3A_87 = scf.for %scan3A_102 = %scan3A_83 to %scan3A_85 step %scan3A_86 iter_args(%scan3A_103 = %scan3A_82) -> (i32)  : i32 {
        %add3A_104 = arith.constant 0 : i32
        %add3A_105 = vector.broadcast %add3A_104 : i32 to vector<16xi32>
        %add3A_106 = arith.addi %mul3A_11, %add3A_105 : vector<16xi32>
        %add3A_107 = vector.broadcast %scan3A_102 : i32 to vector<16xi32>
        %add3A_108 = arith.addi %add3A_106, %add3A_107 : vector<16xi32>
        %add3A_109 = arith.constant 0 : i32
        %add3A_110 = vector.broadcast %add3A_109 : i32 to vector<16xi32>
        %add3A_111 = arith.addi %mul3A_11, %add3A_110 : vector<16xi32>
        %add3A_112 = vector.broadcast %scan3A_102 : i32 to vector<16xi32>
        %add3A_113 = arith.addi %add3A_111, %add3A_112 : vector<16xi32>
        %gather3A = tpu.vector_load_idx %arg5[%add3A_108] : memref<16400xi32, #tpu.memory_space<vmem>>[vector<16xi32>], vector<16xi32>,
        %shift_right_logical3A = arith.constant 24 : i32
        %shift_right_logical3A_114 = vector.broadcast %shift_right_logical3A : i32 to vector<16xi32>
        %shift_right_logical3A_115 = arith.shrui %gather3A, %shift_right_logical3A_114 : vector<16xi32>
        %and3A = arith.constant 255 : i32
        %and3A_116 = vector.broadcast %and3A : i32 to vector<16xi32>
        %and3A_117 = arith.andi %shift_right_logical3A_115, %and3A_116 : vector<16xi32>
        %mul3A_118 = arith.constant 16 : i32
        %mul3A_119 = vector.broadcast %mul3A_118 : i32 to vector<16xi32>
        %mul3A_120 = arith.muli %and3A_117, %mul3A_119 : vector<16xi32>
        %add3A_121 = arith.addi %mul3A_120, %iota3A : vector<16xi32>
        %gather3A_122 = tpu.vector_load_idx %arg8[%add3A_121] : memref<4096xi32, #tpu.memory_space<vmem>>[vector<16xi32>], vector<16xi32>,
        %add3A_123 = arith.constant 1 : i32
        %add3A_124 = vector.broadcast %add3A_123 : i32 to vector<16xi32>
        %add3A_125 = arith.addi %gather3A_122, %add3A_124 : vector<16xi32>
        tpu.vector_store_idx %arg8[%add3A_121], %add3A_125 : memref<4096xi32, #tpu.memory_space<vmem>>[vector<16xi32>], vector<16xi32>,
        tpu.vector_store_idx %arg12[%add3A_113], %gather3A_122 : memref<16400xi32, #tpu.memory_space<vmem>>[vector<16xi32>], vector<16xi32>,
        %add3A_126 = arith.constant 256 : i32
        %add3A_127 = vector.broadcast %add3A_126 : i32 to vector<16xi32>
        %add3A_128 = arith.addi %mul3A_11, %add3A_127 : vector<16xi32>
        %add3A_129 = vector.broadcast %scan3A_102 : i32 to vector<16xi32>
        %add3A_130 = arith.addi %add3A_128, %add3A_129 : vector<16xi32>
        %add3A_131 = arith.constant 256 : i32
        %add3A_132 = vector.broadcast %add3A_131 : i32 to vector<16xi32>
        %add3A_133 = arith.addi %mul3A_11, %add3A_132 : vector<16xi32>
        %add3A_134 = vector.broadcast %scan3A_102 : i32 to vector<16xi32>
        %add3A_135 = arith.addi %add3A_133, %add3A_134 : vector<16xi32>
        %gather3A_136 = tpu.vector_load_idx %arg5[%add3A_130] : memref<16400xi32, #tpu.memory_space<vmem>>[vector<16xi32>], vector<16xi32>,
        %shift_right_logical3A_137 = arith.constant 24 : i32
        %shift_right_logical3A_138 = vector.broadcast %shift_right_logical3A_137 : i32 to vector<16xi32>
        %shift_right_logical3A_139 = arith.shrui %gather3A_136, %shift_right_logical3A_138 : vector<16xi32>
        %and3A_140 = arith.constant 255 : i32
        %and3A_141 = vector.broadcast %and3A_140 : i32 to vector<16xi32>
        %and3A_142 = arith.andi %shift_right_logical3A_139, %and3A_141 : vector<16xi32>
        %mul3A_143 = arith.constant 16 : i32
        %mul3A_144 = vector.broadcast %mul3A_143 : i32 to vector<16xi32>
        %mul3A_145 = arith.muli %and3A_142, %mul3A_144 : vector<16xi32>
        %add3A_146 = arith.addi %mul3A_145, %iota3A : vector<16xi32>
        %gather3A_147 = tpu.vector_load_idx %arg9[%add3A_146] : memref<4096xi32, #tpu.memory_space<vmem>>[vector<16xi32>], vector<16xi32>,
        %add3A_148 = arith.constant 1 : i32
        %add3A_149 = vector.broadcast %add3A_148 : i32 to vector<16xi32>
        %add3A_150 = arith.addi %gather3A_147, %add3A_149 : vector<16xi32>
        tpu.vector_store_idx %arg9[%add3A_146], %add3A_150 : memref<4096xi32, #tpu.memory_space<vmem>>[vector<16xi32>], vector<16xi32>,
        tpu.vector_store_idx %arg12[%add3A_135], %gather3A_147 : memref<16400xi32, #tpu.memory_space<vmem>>[vector<16xi32>], vector<16xi32>,
        %add3A_151 = arith.constant 512 : i32
        %add3A_152 = vector.broadcast %add3A_151 : i32 to vector<16xi32>
        %add3A_153 = arith.addi %mul3A_11, %add3A_152 : vector<16xi32>
        %add3A_154 = vector.broadcast %scan3A_102 : i32 to vector<16xi32>
        %add3A_155 = arith.addi %add3A_153, %add3A_154 : vector<16xi32>
        %add3A_156 = arith.constant 512 : i32
        %add3A_157 = vector.broadcast %add3A_156 : i32 to vector<16xi32>
        %add3A_158 = arith.addi %mul3A_11, %add3A_157 : vector<16xi32>
        %add3A_159 = vector.broadcast %scan3A_102 : i32 to vector<16xi32>
        %add3A_160 = arith.addi %add3A_158, %add3A_159 : vector<16xi32>
        %gather3A_161 = tpu.vector_load_idx %arg5[%add3A_155] : memref<16400xi32, #tpu.memory_space<vmem>>[vector<16xi32>], vector<16xi32>,
        %shift_right_logical3A_162 = arith.constant 24 : i32
        %shift_right_logical3A_163 = vector.broadcast %shift_right_logical3A_162 : i32 to vector<16xi32>
        %shift_right_logical3A_164 = arith.shrui %gather3A_161, %shift_right_logical3A_163 : vector<16xi32>
        %and3A_165 = arith.constant 255 : i32
        %and3A_166 = vector.broadcast %and3A_165 : i32 to vector<16xi32>
        %and3A_167 = arith.andi %shift_right_logical3A_164, %and3A_166 : vector<16xi32>
        %mul3A_168 = arith.constant 16 : i32
        %mul3A_169 = vector.broadcast %mul3A_168 : i32 to vector<16xi32>
        %mul3A_170 = arith.muli %and3A_167, %mul3A_169 : vector<16xi32>
        %add3A_171 = arith.addi %mul3A_170, %iota3A : vector<16xi32>
        %gather3A_172 = tpu.vector_load_idx %arg10[%add3A_171] : memref<4096xi32, #tpu.memory_space<vmem>>[vector<16xi32>], vector<16xi32>,
        %add3A_173 = arith.constant 1 : i32
        %add3A_174 = vector.broadcast %add3A_173 : i32 to vector<16xi32>
        %add3A_175 = arith.addi %gather3A_172, %add3A_174 : vector<16xi32>
        tpu.vector_store_idx %arg10[%add3A_171], %add3A_175 : memref<4096xi32, #tpu.memory_space<vmem>>[vector<16xi32>], vector<16xi32>,
        tpu.vector_store_idx %arg12[%add3A_160], %gather3A_172 : memref<16400xi32, #tpu.memory_space<vmem>>[vector<16xi32>], vector<16xi32>,
        %add3A_176 = arith.constant 768 : i32
        %add3A_177 = vector.broadcast %add3A_176 : i32 to vector<16xi32>
        %add3A_178 = arith.addi %mul3A_11, %add3A_177 : vector<16xi32>
        %add3A_179 = vector.broadcast %scan3A_102 : i32 to vector<16xi32>
        %add3A_180 = arith.addi %add3A_178, %add3A_179 : vector<16xi32>
        %add3A_181 = arith.constant 768 : i32
        %add3A_182 = vector.broadcast %add3A_181 : i32 to vector<16xi32>
        %add3A_183 = arith.addi %mul3A_11, %add3A_182 : vector<16xi32>
        %add3A_184 = vector.broadcast %scan3A_102 : i32 to vector<16xi32>
        %add3A_185 = arith.addi %add3A_183, %add3A_184 : vector<16xi32>
        %gather3A_186 = tpu.vector_load_idx %arg5[%add3A_180] : memref<16400xi32, #tpu.memory_space<vmem>>[vector<16xi32>], vector<16xi32>,
        %shift_right_logical3A_187 = arith.constant 24 : i32
        %shift_right_logical3A_188 = vector.broadcast %shift_right_logical3A_187 : i32 to vector<16xi32>
        %shift_right_logical3A_189 = arith.shrui %gather3A_186, %shift_right_logical3A_188 : vector<16xi32>
        %and3A_190 = arith.constant 255 : i32
        %and3A_191 = vector.broadcast %and3A_190 : i32 to vector<16xi32>
        %and3A_192 = arith.andi %shift_right_logical3A_189, %and3A_191 : vector<16xi32>
        %mul3A_193 = arith.constant 16 : i32
        %mul3A_194 = vector.broadcast %mul3A_193 : i32 to vector<16xi32>
        %mul3A_195 = arith.muli %and3A_192, %mul3A_194 : vector<16xi32>
        %add3A_196 = arith.addi %mul3A_195, %iota3A : vector<16xi32>
        %gather3A_197 = tpu.vector_load_idx %arg11[%add3A_196] : memref<4096xi32, #tpu.memory_space<vmem>>[vector<16xi32>], vector<16xi32>,
        %add3A_198 = arith.constant 1 : i32
        %add3A_199 = vector.broadcast %add3A_198 : i32 to vector<16xi32>
        %add3A_200 = arith.addi %gather3A_197, %add3A_199 : vector<16xi32>
        tpu.vector_store_idx %arg11[%add3A_196], %add3A_200 : memref<4096xi32, #tpu.memory_space<vmem>>[vector<16xi32>], vector<16xi32>,
        tpu.vector_store_idx %arg12[%add3A_185], %gather3A_197 : memref<16400xi32, #tpu.memory_space<vmem>>[vector<16xi32>], vector<16xi32>,
        %scan3A_201 = arith.constant 0 : i32
        scf.yield %scan3A_201 : i32
      }
      %scan3A_88 = arith.constant 256 : i32
      %parallel_loop3A_89 = arith.constant 0 : i32
      %parallel_loop3A_90 = arith.constant 256 : i32
      %parallel_loop3A_91 = arith.constant 1 : i32
      scf.for %parallel_loop3A_102 = %parallel_loop3A_89 to %parallel_loop3A_90 step %parallel_loop3A_91  : i32 {
        %parallel_loop3A_103 = arith.constant 16 : i32
        %parallel_loop3A_104 = arith.muli %parallel_loop3A_102, %parallel_loop3A_103 : i32
        %parallel_loop3A_105 = arith.index_cast %parallel_loop3A_104 : i32 to index
        %parallel_loop3A_106 = tpu.vector_load %arg8[%parallel_loop3A_105] {strides = array<i32>} : memref<4096xi32, #tpu.memory_space<vmem>>, vector<16xi32>,
        %parallel_loop3A_107 = arith.index_cast %parallel_loop3A_104 : i32 to index
        %parallel_loop3A_108 = tpu.vector_load %arg9[%parallel_loop3A_107] {strides = array<i32>} : memref<4096xi32, #tpu.memory_space<vmem>>, vector<16xi32>,
        %parallel_loop3A_109 = arith.index_cast %parallel_loop3A_104 : i32 to index
        %parallel_loop3A_110 = tpu.vector_load %arg10[%parallel_loop3A_109] {strides = array<i32>} : memref<4096xi32, #tpu.memory_space<vmem>>, vector<16xi32>,
        %parallel_loop3A_111 = arith.index_cast %parallel_loop3A_104 : i32 to index
        %parallel_loop3A_112 = tpu.vector_load %arg11[%parallel_loop3A_111] {strides = array<i32>} : memref<4096xi32, #tpu.memory_space<vmem>>, vector<16xi32>,
        %parallel_loop3A_113 = arith.addi %parallel_loop3A_106, %parallel_loop3A_108 : vector<16xi32>
        %parallel_loop3A_114 = arith.addi %parallel_loop3A_113, %parallel_loop3A_110 : vector<16xi32>
        %parallel_loop3A_115 = arith.addi %parallel_loop3A_114, %parallel_loop3A_112 : vector<16xi32>
        %parallel_loop3A_116 = arith.constant true
        %parallel_loop3A_117 = vector.broadcast %parallel_loop3A_116 : i1 to vector<16xi1>
        %parallel_loop3A_118 = tpu.scan <sum>, %parallel_loop3A_115 masked %parallel_loop3A_117 : vector<16xi32>, vector<16xi1> -> vector<16xi32>
        %parallel_loop3A_119 = arith.subi %parallel_loop3A_118, %parallel_loop3A_115 : vector<16xi32>
        %parallel_loop3A_120 = arith.index_cast %parallel_loop3A_104 : i32 to index
        %parallel_loop3A_121 = tpu.vector_load %arg8[%parallel_loop3A_120] {strides = array<i32>} : memref<4096xi32, #tpu.memory_space<vmem>>, vector<16xi32>,
        tpu.vector_store %arg8[%parallel_loop3A_120], %parallel_loop3A_119 {strides = array<i32>} : memref<4096xi32, #tpu.memory_space<vmem>>, vector<16xi32>,
        %parallel_loop3A_122 = arith.addi %parallel_loop3A_119, %parallel_loop3A_106 : vector<16xi32>
        %parallel_loop3A_123 = arith.index_cast %parallel_loop3A_104 : i32 to index
        %parallel_loop3A_124 = tpu.vector_load %arg9[%parallel_loop3A_123] {strides = array<i32>} : memref<4096xi32, #tpu.memory_space<vmem>>, vector<16xi32>,
        tpu.vector_store %arg9[%parallel_loop3A_123], %parallel_loop3A_122 {strides = array<i32>} : memref<4096xi32, #tpu.memory_space<vmem>>, vector<16xi32>,
        %parallel_loop3A_125 = arith.addi %parallel_loop3A_119, %parallel_loop3A_106 : vector<16xi32>
        %parallel_loop3A_126 = arith.addi %parallel_loop3A_125, %parallel_loop3A_108 : vector<16xi32>
        %parallel_loop3A_127 = arith.index_cast %parallel_loop3A_104 : i32 to index
        %parallel_loop3A_128 = tpu.vector_load %arg10[%parallel_loop3A_127] {strides = array<i32>} : memref<4096xi32, #tpu.memory_space<vmem>>, vector<16xi32>,
        tpu.vector_store %arg10[%parallel_loop3A_127], %parallel_loop3A_126 {strides = array<i32>} : memref<4096xi32, #tpu.memory_space<vmem>>, vector<16xi32>,
        %parallel_loop3A_129 = arith.addi %parallel_loop3A_119, %parallel_loop3A_106 : vector<16xi32>
        %parallel_loop3A_130 = arith.addi %parallel_loop3A_129, %parallel_loop3A_108 : vector<16xi32>
        %parallel_loop3A_131 = arith.addi %parallel_loop3A_130, %parallel_loop3A_110 : vector<16xi32>
        %parallel_loop3A_132 = arith.index_cast %parallel_loop3A_104 : i32 to index
        %parallel_loop3A_133 = tpu.vector_load %arg11[%parallel_loop3A_132] {strides = array<i32>} : memref<4096xi32, #tpu.memory_space<vmem>>, vector<16xi32>,
        tpu.vector_store %arg11[%parallel_loop3A_132], %parallel_loop3A_131 {strides = array<i32>} : memref<4096xi32, #tpu.memory_space<vmem>>, vector<16xi32>,
        %parallel_loop3A_134 = arith.constant true
        %parallel_loop3A_135 = vector.broadcast %parallel_loop3A_134 : i1 to vector<16xi1>
        %parallel_loop3A_136 = tpu.scan <sum>, %parallel_loop3A_115 masked %parallel_loop3A_135 : vector<16xi32>, vector<16xi1> -> vector<16xi32>
        %parallel_loop3A_137 = vector.extract %parallel_loop3A_136[15] : i32 from vector<16xi32>
        %parallel_loop3A_138 = vector.broadcast %parallel_loop3A_137 : i32 to vector<16xi32>
        %parallel_loop3A_139 = arith.constant 16 : i32
        %parallel_loop3A_140 = arith.muli %parallel_loop3A_102, %parallel_loop3A_139 : i32
        %parallel_loop3A_141 = arith.index_cast %parallel_loop3A_140 : i32 to index
        %parallel_loop3A_142 = tpu.vector_load %arg13[%parallel_loop3A_141] {strides = array<i32>} : memref<4096xi32, #tpu.memory_space<vmem>>, vector<16xi32>,
        tpu.vector_store %arg13[%parallel_loop3A_141], %parallel_loop3A_138 {strides = array<i32>} : memref<4096xi32, #tpu.memory_space<vmem>>, vector<16xi32>,
      } {sc.loop_unroll_factor = 2 : i64, sc.parallel_access}
      %scan3A_92 = arith.constant 0 : i32
      %scan3A_93 = arith.constant 0 : i32
      %scan3A_94 = arith.constant 16 : i32
      %scan3A_95 = arith.addi %scan3A_93, %scan3A_94 : i32
      %scan3A_96 = arith.constant 1 : i32
      %scan3A_97 = scf.for %scan3A_102 = %scan3A_93 to %scan3A_95 step %scan3A_96 iter_args(%scan3A_103 = %scan3A_92) -> (i32)  : i32 {
        %mul3A_104 = arith.constant 16 : i32
        %mul3A_105 = arith.muli %scan3A_102, %mul3A_104 : i32
        %add3A_106 = vector.broadcast %mul3A_105 : i32 to vector<16xi32>
        %add3A_107 = arith.addi %add3A_106, %iota3A : vector<16xi32>
        %mul3A_108 = arith.constant 16 : i32
        %mul3A_109 = vector.broadcast %mul3A_108 : i32 to vector<16xi32>
        %mul3A_110 = arith.muli %add3A_107, %mul3A_109 : vector<16xi32>
        %add3A_111 = arith.addi %mul3A_110, %iota3A : vector<16xi32>
        %gather3A = tpu.vector_load_idx %arg13[%add3A_111] : memref<4096xi32, #tpu.memory_space<vmem>>[vector<16xi32>], vector<16xi32>,
        %broadcast_in_dim3A_112 = arith.constant true
        %broadcast_in_dim3A_113 = vector.broadcast %broadcast_in_dim3A_112 : i1 to vector<16xi1>
        %masked_cumsum3A = tpu.scan <sum>, %gather3A masked %broadcast_in_dim3A_113 : vector<16xi32>, vector<16xi1> -> vector<16xi32>
        %sub3A = arith.subi %masked_cumsum3A, %gather3A : vector<16xi32>
        %add3A_114 = vector.broadcast %scan3A_103 : i32 to vector<16xi32>
        %add3A_115 = arith.addi %sub3A, %add3A_114 : vector<16xi32>
        %mul3A_116 = arith.constant 16 : i32
        %mul3A_117 = arith.muli %scan3A_102, %mul3A_116 : i32
        %swap3A = arith.index_cast %mul3A_117 : i32 to index
        %swap3A_118 = tpu.vector_load %arg14[%swap3A] {strides = array<i32>} : memref<256xi32, #tpu.memory_space<vmem>>, vector<16xi32>,
        tpu.vector_store %arg14[%swap3A], %add3A_115 {strides = array<i32>} : memref<256xi32, #tpu.memory_space<vmem>>, vector<16xi32>,
        %reduce_sum3A = arith.constant true
        %reduce_sum3A_119 = vector.broadcast %reduce_sum3A : i1 to vector<16xi1>
        %reduce_sum3A_120 = tpu.scan <sum>, %gather3A masked %reduce_sum3A_119 : vector<16xi32>, vector<16xi1> -> vector<16xi32>
        %reduce_sum3A_121 = vector.extract %reduce_sum3A_120[15] : i32 from vector<16xi32>
        %add3A_122 = arith.addi %scan3A_103, %reduce_sum3A_121 : i32
        scf.yield %add3A_122 : i32
      }
      %scan3A_98 = arith.constant 16 : i32
      %parallel_loop3A_99 = arith.constant 0 : i32
      %parallel_loop3A_100 = arith.constant 256 : i32
      %parallel_loop3A_101 = arith.constant 1 : i32
      scf.for %parallel_loop3A_102 = %parallel_loop3A_99 to %parallel_loop3A_100 step %parallel_loop3A_101  : i32 {
        %parallel_loop3A_103 = arith.constant 0 : i32
        %parallel_loop3A_104 = vector.broadcast %parallel_loop3A_103 : i32 to vector<16xi32>
        %parallel_loop3A_105 = arith.addi %mul3A_11, %parallel_loop3A_104 : vector<16xi32>
        %parallel_loop3A_106 = vector.broadcast %parallel_loop3A_102 : i32 to vector<16xi32>
        %parallel_loop3A_107 = arith.addi %parallel_loop3A_105, %parallel_loop3A_106 : vector<16xi32>
        %parallel_loop3A_108 = arith.constant 0 : i32
        %parallel_loop3A_109 = vector.broadcast %parallel_loop3A_108 : i32 to vector<16xi32>
        %parallel_loop3A_110 = arith.addi %mul3A_11, %parallel_loop3A_109 : vector<16xi32>
        %parallel_loop3A_111 = vector.broadcast %parallel_loop3A_102 : i32 to vector<16xi32>
        %parallel_loop3A_112 = arith.addi %parallel_loop3A_110, %parallel_loop3A_111 : vector<16xi32>
        %parallel_loop3A_113 = tpu.vector_load_idx %arg5[%parallel_loop3A_107] : memref<16400xi32, #tpu.memory_space<vmem>>[vector<16xi32>], vector<16xi32>,
        %parallel_loop3A_114 = tpu.vector_load_idx %arg7[%parallel_loop3A_107] : memref<16400xi32, #tpu.memory_space<vmem>>[vector<16xi32>], vector<16xi32>,
        %parallel_loop3A_115 = arith.constant 24 : i32
        %parallel_loop3A_116 = vector.broadcast %parallel_loop3A_115 : i32 to vector<16xi32>
        %parallel_loop3A_117 = arith.shrui %parallel_loop3A_113, %parallel_loop3A_116 : vector<16xi32>
        %parallel_loop3A_118 = arith.constant 255 : i32
        %parallel_loop3A_119 = vector.broadcast %parallel_loop3A_118 : i32 to vector<16xi32>
        %parallel_loop3A_120 = arith.andi %parallel_loop3A_117, %parallel_loop3A_119 : vector<16xi32>
        %parallel_loop3A_121 = arith.constant 16 : i32
        %parallel_loop3A_122 = vector.broadcast %parallel_loop3A_121 : i32 to vector<16xi32>
        %parallel_loop3A_123 = arith.muli %parallel_loop3A_120, %parallel_loop3A_122 : vector<16xi32>
        %parallel_loop3A_124 = arith.addi %parallel_loop3A_123, %iota3A : vector<16xi32>
        %parallel_loop3A_125 = tpu.vector_load_idx %arg8[%parallel_loop3A_124] : memref<4096xi32, #tpu.memory_space<vmem>>[vector<16xi32>], vector<16xi32>,
        %parallel_loop3A_126 = tpu.vector_load_idx %arg12[%parallel_loop3A_112] : memref<16400xi32, #tpu.memory_space<vmem>>[vector<16xi32>], vector<16xi32>,
        %parallel_loop3A_127 = arith.addi %parallel_loop3A_125, %parallel_loop3A_126 : vector<16xi32>
        %parallel_loop3A_128 = tpu.vector_load_idx %arg14[%parallel_loop3A_120] : memref<256xi32, #tpu.memory_space<vmem>>[vector<16xi32>], vector<16xi32>,
        %parallel_loop3A_129 = arith.addi %parallel_loop3A_127, %parallel_loop3A_128 : vector<16xi32>
        tpu.vector_store_idx %arg4[%parallel_loop3A_129], %parallel_loop3A_113 : memref<16400xi32, #tpu.memory_space<vmem>>[vector<16xi32>], vector<16xi32>,
        tpu.vector_store_idx %arg6[%parallel_loop3A_129], %parallel_loop3A_114 : memref<16400xi32, #tpu.memory_space<vmem>>[vector<16xi32>], vector<16xi32>,
        %parallel_loop3A_130 = arith.constant 256 : i32
        %parallel_loop3A_131 = vector.broadcast %parallel_loop3A_130 : i32 to vector<16xi32>
        %parallel_loop3A_132 = arith.addi %mul3A_11, %parallel_loop3A_131 : vector<16xi32>
        %parallel_loop3A_133 = vector.broadcast %parallel_loop3A_102 : i32 to vector<16xi32>
        %parallel_loop3A_134 = arith.addi %parallel_loop3A_132, %parallel_loop3A_133 : vector<16xi32>
        %parallel_loop3A_135 = arith.constant 256 : i32
        %parallel_loop3A_136 = vector.broadcast %parallel_loop3A_135 : i32 to vector<16xi32>
        %parallel_loop3A_137 = arith.addi %mul3A_11, %parallel_loop3A_136 : vector<16xi32>
        %parallel_loop3A_138 = vector.broadcast %parallel_loop3A_102 : i32 to vector<16xi32>
        %parallel_loop3A_139 = arith.addi %parallel_loop3A_137, %parallel_loop3A_138 : vector<16xi32>
        %parallel_loop3A_140 = tpu.vector_load_idx %arg5[%parallel_loop3A_134] : memref<16400xi32, #tpu.memory_space<vmem>>[vector<16xi32>], vector<16xi32>,
        %parallel_loop3A_141 = tpu.vector_load_idx %arg7[%parallel_loop3A_134] : memref<16400xi32, #tpu.memory_space<vmem>>[vector<16xi32>], vector<16xi32>,
        %parallel_loop3A_142 = arith.constant 24 : i32
        %parallel_loop3A_143 = vector.broadcast %parallel_loop3A_142 : i32 to vector<16xi32>
        %parallel_loop3A_144 = arith.shrui %parallel_loop3A_140, %parallel_loop3A_143 : vector<16xi32>
        %parallel_loop3A_145 = arith.constant 255 : i32
        %parallel_loop3A_146 = vector.broadcast %parallel_loop3A_145 : i32 to vector<16xi32>
        %parallel_loop3A_147 = arith.andi %parallel_loop3A_144, %parallel_loop3A_146 : vector<16xi32>
        %parallel_loop3A_148 = arith.constant 16 : i32
        %parallel_loop3A_149 = vector.broadcast %parallel_loop3A_148 : i32 to vector<16xi32>
        %parallel_loop3A_150 = arith.muli %parallel_loop3A_147, %parallel_loop3A_149 : vector<16xi32>
        %parallel_loop3A_151 = arith.addi %parallel_loop3A_150, %iota3A : vector<16xi32>
        %parallel_loop3A_152 = tpu.vector_load_idx %arg9[%parallel_loop3A_151] : memref<4096xi32, #tpu.memory_space<vmem>>[vector<16xi32>], vector<16xi32>,
        %parallel_loop3A_153 = tpu.vector_load_idx %arg12[%parallel_loop3A_139] : memref<16400xi32, #tpu.memory_space<vmem>>[vector<16xi32>], vector<16xi32>,
        %parallel_loop3A_154 = arith.addi %parallel_loop3A_152, %parallel_loop3A_153 : vector<16xi32>
        %parallel_loop3A_155 = tpu.vector_load_idx %arg14[%parallel_loop3A_147] : memref<256xi32, #tpu.memory_space<vmem>>[vector<16xi32>], vector<16xi32>,
        %parallel_loop3A_156 = arith.addi %parallel_loop3A_154, %parallel_loop3A_155 : vector<16xi32>
        tpu.vector_store_idx %arg4[%parallel_loop3A_156], %parallel_loop3A_140 : memref<16400xi32, #tpu.memory_space<vmem>>[vector<16xi32>], vector<16xi32>,
        tpu.vector_store_idx %arg6[%parallel_loop3A_156], %parallel_loop3A_141 : memref<16400xi32, #tpu.memory_space<vmem>>[vector<16xi32>], vector<16xi32>,
        %parallel_loop3A_157 = arith.constant 512 : i32
        %parallel_loop3A_158 = vector.broadcast %parallel_loop3A_157 : i32 to vector<16xi32>
        %parallel_loop3A_159 = arith.addi %mul3A_11, %parallel_loop3A_158 : vector<16xi32>
        %parallel_loop3A_160 = vector.broadcast %parallel_loop3A_102 : i32 to vector<16xi32>
        %parallel_loop3A_161 = arith.addi %parallel_loop3A_159, %parallel_loop3A_160 : vector<16xi32>
        %parallel_loop3A_162 = arith.constant 512 : i32
        %parallel_loop3A_163 = vector.broadcast %parallel_loop3A_162 : i32 to vector<16xi32>
        %parallel_loop3A_164 = arith.addi %mul3A_11, %parallel_loop3A_163 : vector<16xi32>
        %parallel_loop3A_165 = vector.broadcast %parallel_loop3A_102 : i32 to vector<16xi32>
        %parallel_loop3A_166 = arith.addi %parallel_loop3A_164, %parallel_loop3A_165 : vector<16xi32>
        %parallel_loop3A_167 = tpu.vector_load_idx %arg5[%parallel_loop3A_161] : memref<16400xi32, #tpu.memory_space<vmem>>[vector<16xi32>], vector<16xi32>,
        %parallel_loop3A_168 = tpu.vector_load_idx %arg7[%parallel_loop3A_161] : memref<16400xi32, #tpu.memory_space<vmem>>[vector<16xi32>], vector<16xi32>,
        %parallel_loop3A_169 = arith.constant 24 : i32
        %parallel_loop3A_170 = vector.broadcast %parallel_loop3A_169 : i32 to vector<16xi32>
        %parallel_loop3A_171 = arith.shrui %parallel_loop3A_167, %parallel_loop3A_170 : vector<16xi32>
        %parallel_loop3A_172 = arith.constant 255 : i32
        %parallel_loop3A_173 = vector.broadcast %parallel_loop3A_172 : i32 to vector<16xi32>
        %parallel_loop3A_174 = arith.andi %parallel_loop3A_171, %parallel_loop3A_173 : vector<16xi32>
        %parallel_loop3A_175 = arith.constant 16 : i32
        %parallel_loop3A_176 = vector.broadcast %parallel_loop3A_175 : i32 to vector<16xi32>
        %parallel_loop3A_177 = arith.muli %parallel_loop3A_174, %parallel_loop3A_176 : vector<16xi32>
        %parallel_loop3A_178 = arith.addi %parallel_loop3A_177, %iota3A : vector<16xi32>
        %parallel_loop3A_179 = tpu.vector_load_idx %arg10[%parallel_loop3A_178] : memref<4096xi32, #tpu.memory_space<vmem>>[vector<16xi32>], vector<16xi32>,
        %parallel_loop3A_180 = tpu.vector_load_idx %arg12[%parallel_loop3A_166] : memref<16400xi32, #tpu.memory_space<vmem>>[vector<16xi32>], vector<16xi32>,
        %parallel_loop3A_181 = arith.addi %parallel_loop3A_179, %parallel_loop3A_180 : vector<16xi32>
        %parallel_loop3A_182 = tpu.vector_load_idx %arg14[%parallel_loop3A_174] : memref<256xi32, #tpu.memory_space<vmem>>[vector<16xi32>], vector<16xi32>,
        %parallel_loop3A_183 = arith.addi %parallel_loop3A_181, %parallel_loop3A_182 : vector<16xi32>
        tpu.vector_store_idx %arg4[%parallel_loop3A_183], %parallel_loop3A_167 : memref<16400xi32, #tpu.memory_space<vmem>>[vector<16xi32>], vector<16xi32>,
        tpu.vector_store_idx %arg6[%parallel_loop3A_183], %parallel_loop3A_168 : memref<16400xi32, #tpu.memory_space<vmem>>[vector<16xi32>], vector<16xi32>,
        %parallel_loop3A_184 = arith.constant 768 : i32
        %parallel_loop3A_185 = vector.broadcast %parallel_loop3A_184 : i32 to vector<16xi32>
        %parallel_loop3A_186 = arith.addi %mul3A_11, %parallel_loop3A_185 : vector<16xi32>
        %parallel_loop3A_187 = vector.broadcast %parallel_loop3A_102 : i32 to vector<16xi32>
        %parallel_loop3A_188 = arith.addi %parallel_loop3A_186, %parallel_loop3A_187 : vector<16xi32>
        %parallel_loop3A_189 = arith.constant 768 : i32
        %parallel_loop3A_190 = vector.broadcast %parallel_loop3A_189 : i32 to vector<16xi32>
        %parallel_loop3A_191 = arith.addi %mul3A_11, %parallel_loop3A_190 : vector<16xi32>
        %parallel_loop3A_192 = vector.broadcast %parallel_loop3A_102 : i32 to vector<16xi32>
        %parallel_loop3A_193 = arith.addi %parallel_loop3A_191, %parallel_loop3A_192 : vector<16xi32>
        %parallel_loop3A_194 = tpu.vector_load_idx %arg5[%parallel_loop3A_188] : memref<16400xi32, #tpu.memory_space<vmem>>[vector<16xi32>], vector<16xi32>,
        %parallel_loop3A_195 = tpu.vector_load_idx %arg7[%parallel_loop3A_188] : memref<16400xi32, #tpu.memory_space<vmem>>[vector<16xi32>], vector<16xi32>,
        %parallel_loop3A_196 = arith.constant 24 : i32
        %parallel_loop3A_197 = vector.broadcast %parallel_loop3A_196 : i32 to vector<16xi32>
        %parallel_loop3A_198 = arith.shrui %parallel_loop3A_194, %parallel_loop3A_197 : vector<16xi32>
        %parallel_loop3A_199 = arith.constant 255 : i32
        %parallel_loop3A_200 = vector.broadcast %parallel_loop3A_199 : i32 to vector<16xi32>
        %parallel_loop3A_201 = arith.andi %parallel_loop3A_198, %parallel_loop3A_200 : vector<16xi32>
        %parallel_loop3A_202 = arith.constant 16 : i32
        %parallel_loop3A_203 = vector.broadcast %parallel_loop3A_202 : i32 to vector<16xi32>
        %parallel_loop3A_204 = arith.muli %parallel_loop3A_201, %parallel_loop3A_203 : vector<16xi32>
        %parallel_loop3A_205 = arith.addi %parallel_loop3A_204, %iota3A : vector<16xi32>
        %parallel_loop3A_206 = tpu.vector_load_idx %arg11[%parallel_loop3A_205] : memref<4096xi32, #tpu.memory_space<vmem>>[vector<16xi32>], vector<16xi32>,
        %parallel_loop3A_207 = tpu.vector_load_idx %arg12[%parallel_loop3A_193] : memref<16400xi32, #tpu.memory_space<vmem>>[vector<16xi32>], vector<16xi32>,
        %parallel_loop3A_208 = arith.addi %parallel_loop3A_206, %parallel_loop3A_207 : vector<16xi32>
        %parallel_loop3A_209 = tpu.vector_load_idx %arg14[%parallel_loop3A_201] : memref<256xi32, #tpu.memory_space<vmem>>[vector<16xi32>], vector<16xi32>,
        %parallel_loop3A_210 = arith.addi %parallel_loop3A_208, %parallel_loop3A_209 : vector<16xi32>
        tpu.vector_store_idx %arg4[%parallel_loop3A_210], %parallel_loop3A_194 : memref<16400xi32, #tpu.memory_space<vmem>>[vector<16xi32>], vector<16xi32>,
        tpu.vector_store_idx %arg6[%parallel_loop3A_210], %parallel_loop3A_195 : memref<16400xi32, #tpu.memory_space<vmem>>[vector<16xi32>], vector<16xi32>,
      } {sc.loop_unroll_factor = 2 : i64, sc.parallel_access}
      "tpu.region"() ({
        %run_scoped3A = tpu.sem_alloc : memref<!tpu.dma_semaphore, #tpu.memory_space<semaphore_mem>>
        %dma_start3A = arith.constant 0 : i32
        %dma_start3A_102 = tpu.memref_slice %arg6[%dma_start3A] : memref<16400xi32, #tpu.memory_space<vmem>> -> memref<2048xi32, #tpu.memory_space<vmem>>
        %dma_start3A_103 = arith.constant 0 : i32
        %dma_start3A_104 = tpu.memref_slice %arg3[%add3A, %dma_start3A_103] : memref<8x2048xi32, #tpu.memory_space<hbm>> -> memref<1x2048xi32, #tpu.memory_space<hbm>>
        %dma_start3A_105 = tpu.memref_squeeze %dma_start3A_104 : memref<1x2048xi32, #tpu.memory_space<hbm>> -> memref<2048xi32, #tpu.memory_space<hbm>>
        %dma_start3A_106 = arith.constant 0 : i32
        %dma_start3A_107 = tpu.memref_slice %arg3[%add3A, %dma_start3A_106] : memref<8x2048xi32, #tpu.memory_space<hbm>> -> memref<1x2048xi32, #tpu.memory_space<hbm>>
        %dma_start3A_108 = tpu.memref_squeeze %dma_start3A_107 : memref<1x2048xi32, #tpu.memory_space<hbm>> -> memref<2048xi32, #tpu.memory_space<hbm>>
        %dma_start3A_109 = arith.constant 0 : i32
        %dma_start3A_110 = tpu.memref_slice %arg6[%dma_start3A_109] : memref<16400xi32, #tpu.memory_space<vmem>> -> memref<2048xi32, #tpu.memory_space<vmem>>
        tpu.enqueue_dma source(%dma_start3A_110 : memref<2048xi32, #tpu.memory_space<vmem>>) target(%dma_start3A_108 : memref<2048xi32, #tpu.memory_space<hbm>>) target_semaphore(%run_scoped3A : memref<!tpu.dma_semaphore, #tpu.memory_space<semaphore_mem>>)
        %dma_wait3A = arith.constant 0 : i32
        %dma_wait3A_111 = tpu.memref_slice %arg6[%dma_wait3A] : memref<16400xi32, #tpu.memory_space<vmem>> -> memref<2048xi32, #tpu.memory_space<vmem>>
        %dma_wait3A_112 = arith.constant 0 : i32
        %dma_wait3A_113 = tpu.memref_slice %arg3[%add3A, %dma_wait3A_112] : memref<8x2048xi32, #tpu.memory_space<hbm>> -> memref<1x2048xi32, #tpu.memory_space<hbm>>
        %dma_wait3A_114 = tpu.memref_squeeze %dma_wait3A_113 : memref<1x2048xi32, #tpu.memory_space<hbm>> -> memref<2048xi32, #tpu.memory_space<hbm>>
        %dma_wait3A_115 = arith.constant 0 : i32
        %dma_wait3A_116 = tpu.memref_slice %arg3[%add3A, %dma_wait3A_115] : memref<8x2048xi32, #tpu.memory_space<hbm>> -> memref<1x2048xi32, #tpu.memory_space<hbm>>
        %dma_wait3A_117 = tpu.memref_squeeze %dma_wait3A_116 : memref<1x2048xi32, #tpu.memory_space<hbm>> -> memref<2048xi32, #tpu.memory_space<hbm>>
        %dma_wait3A_118 = arith.constant 0 : i32
        %dma_wait3A_119 = tpu.memref_slice %arg6[%dma_wait3A_118] : memref<16400xi32, #tpu.memory_space<vmem>> -> memref<2048xi32, #tpu.memory_space<vmem>>
        tpu.wait_dma2 semaphore(%run_scoped3A : memref<!tpu.dma_semaphore, #tpu.memory_space<semaphore_mem>>) src(%dma_wait3A_119 : memref<2048xi32, #tpu.memory_space<vmem>>) dst(%dma_wait3A_117 : memref<2048xi32, #tpu.memory_space<hbm>>)
        tpu.yield
      }) : () -> ()
    } else {
    }
    return
  }
}

#map = affine_map<(d0, d1) -> (0, 0)>
#map1 = affine_map<(d0, d1) -> (0)>
module attributes {stable_mosaic.version = 14 : i64} {
  func.func @_gather_body(%arg0: i32, %arg1: i32, %arg2: memref<8x49152xf32, #tpu.memory_space<hbm>>, %arg3: memref<16777216xf32, #tpu.memory_space<hbm>>, %arg4: memref<8x16384xi32, #tpu.memory_space<hbm>>, %arg5: memref<8x2048xi32, #tpu.memory_space<hbm>>, %arg6: memref<8x6144xf32, #tpu.memory_space<hbm>>, %arg7: memref<2097152xf32, #tpu.memory_space<hbm>>, %arg8: memref<8x2048xi32, #tpu.memory_space<hbm>>, %arg9: memref<2048xi32, #tpu.memory_space<vmem>>, %arg10: memref<2x32768xf32, #tpu.memory_space<vmem>>, %arg11: memref<2x4096xf32, #tpu.memory_space<vmem>>, %arg12: memref<6144xf32, #tpu.memory_space<vmem>>, %arg13: memref<16384xi32, #tpu.memory_space<vmem>>, %arg14: memref<2048xi32, #tpu.memory_space<vmem>>, %arg15: memref<!tpu.dma_semaphore, #tpu.memory_space<semaphore_mem>>, %arg16: memref<!tpu.dma_semaphore, #tpu.memory_space<semaphore_mem>>, %arg17: memref<!tpu.dma_semaphore, #tpu.memory_space<semaphore_mem>>, %arg18: memref<!tpu.dma_semaphore, #tpu.memory_space<semaphore_mem>>) attributes {dimension_semantics = [#tpu.dimension_semantics<core_parallel>, #tpu.dimension_semantics<subcore_parallel>], iteration_bounds = array<i64: 2, 16>, scalar_prefetch = 0 : i64, scratch_operands = 10 : i64, tpu.core_type = #tpu.core_type<sc_vector_subcore>, window_params = [{transform_indices = #map}, {transform_indices = #map1}, {transform_indices = #map}, {transform_indices = #map}, {transform_indices = #map}, {transform_indices = #map1}, {transform_indices = #map}]} {
    %mul3A = arith.constant 2 : i32
    %mul3A_0 = arith.muli %arg1, %mul3A : i32
    %add3A = arith.addi %mul3A_0, %arg0 : i32
    %jit3A = arith.constant 4 : i32
    %div3A = arith.divsi %add3A, %jit3A : i32
    %sign3A = arith.constant 0 : i32
    %sign3A_1 = arith.cmpi sgt, %add3A, %sign3A : i32
    %sign3A_2 = arith.extui %sign3A_1 : i1 to i32
    %sign3A_3 = arith.constant 0 : i32
    %sign3A_4 = arith.cmpi slt, %add3A, %sign3A_3 : i32
    %sign3A_5 = arith.extui %sign3A_4 : i1 to i32
    %sign3A_6 = arith.subi %sign3A_2, %sign3A_5 : i32
    %sign3A_7 = arith.constant 0 : i32
    %sign3A_8 = arith.cmpi sgt, %jit3A, %sign3A_7 : i32
    %sign3A_9 = arith.extui %sign3A_8 : i1 to i32
    %sign3A_10 = arith.constant 0 : i32
    %sign3A_11 = arith.cmpi slt, %jit3A, %sign3A_10 : i32
    %sign3A_12 = arith.extui %sign3A_11 : i1 to i32
    %sign3A_13 = arith.subi %sign3A_9, %sign3A_12 : i32
    %ne3A = arith.cmpi ne, %sign3A_6, %sign3A_13 : i32
    %rem3A = arith.remsi %add3A, %jit3A : i32
    %ne3A_14 = arith.constant 0 : i32
    %ne3A_15 = arith.cmpi ne, %rem3A, %ne3A_14 : i32
    %and3A = arith.andi %ne3A, %ne3A_15 : i1
    %sub3A = arith.constant 1 : i32
    %sub3A_16 = arith.subi %div3A, %sub3A : i32
    %select_n3A = arith.select %and3A, %sub3A_16, %div3A : i32
    %jit3A_17 = arith.constant 4 : i32
    %eq3A = arith.constant 0 : i32
    %eq3A_18 = arith.cmpi eq, %jit3A_17, %eq3A : i32
    %jit3A_19 = arith.constant 1 : i32
    %select_n3A_20 = arith.select %eq3A_18, %jit3A_19, %jit3A_17 : i32
    %rem3A_21 = arith.remsi %add3A, %select_n3A_20 : i32
    %ne3A_22 = arith.constant 0 : i32
    %ne3A_23 = arith.cmpi ne, %rem3A_21, %ne3A_22 : i32
    %lt3A = arith.constant 0 : i32
    %lt3A_24 = arith.cmpi slt, %rem3A_21, %lt3A : i32
    %lt3A_25 = arith.constant 0 : i32
    %lt3A_26 = arith.cmpi slt, %select_n3A_20, %lt3A_25 : i32
    %ne3A_27 = arith.xori %lt3A_24, %lt3A_26 : i1
    %and3A_28 = arith.andi %ne3A_27, %ne3A_23 : i1
    %add3A_29 = arith.addi %rem3A_21, %select_n3A_20 : i32
    %select_n3A_30 = arith.select %and3A_28, %add3A_29, %rem3A_21 : i32
    %mul3A_31 = arith.constant 32 : i32
    %mul3A_32 = arith.muli %select_n3A_30, %mul3A_31 : i32
    %iota3A = tpu.iota {dimensions = array<i32: 0>} : vector<16xi32>
    %mul3A_33 = arith.constant 128 : i32
    %mul3A_34 = arith.muli %select_n3A, %mul3A_33 : i32
    %add3A_35 = arith.addi %mul3A_34, %mul3A_32 : i32
    %mul3A_36 = arith.constant 16384 : i32
    %mul3A_37 = arith.muli %add3A_35, %mul3A_36 : i32
    %dma_start3A = arith.constant 0 : i32
    %dma_start3A_38 = arith.constant 0 : i32
    %dma_start3A_39 = tpu.memref_slice %arg10[%dma_start3A, %dma_start3A_38] : memref<2x32768xf32, #tpu.memory_space<vmem>> -> memref<1x32768xf32, #tpu.memory_space<vmem>>
    %dma_start3A_40 = tpu.memref_squeeze %dma_start3A_39 : memref<1x32768xf32, #tpu.memory_space<vmem>> -> memref<32768xf32, #tpu.memory_space<vmem>>
    %dma_start3A_41 = tpu.memref_slice %arg3[%mul3A_37] : memref<16777216xf32, #tpu.memory_space<hbm>> -> memref<32768xf32, #tpu.memory_space<hbm>>
    %dma_start3A_42 = arith.constant 0 : i32
    %dma_start3A_43 = tpu.memref_slice %arg10[%dma_start3A, %dma_start3A_42] : memref<2x32768xf32, #tpu.memory_space<vmem>> -> memref<1x32768xf32, #tpu.memory_space<vmem>>
    %dma_start3A_44 = tpu.memref_squeeze %dma_start3A_43 : memref<1x32768xf32, #tpu.memory_space<vmem>> -> memref<32768xf32, #tpu.memory_space<vmem>>
    %dma_start3A_45 = tpu.memref_slice %arg3[%mul3A_37] : memref<16777216xf32, #tpu.memory_space<hbm>> -> memref<32768xf32, #tpu.memory_space<hbm>>
    tpu.enqueue_dma source(%dma_start3A_45 : memref<32768xf32, #tpu.memory_space<hbm>>) target(%dma_start3A_44 : memref<32768xf32, #tpu.memory_space<vmem>>) target_semaphore(%arg15 : memref<!tpu.dma_semaphore, #tpu.memory_space<semaphore_mem>>)
    %add3A_46 = arith.constant 2 : i32
    %add3A_47 = arith.addi %mul3A_32, %add3A_46 : i32
    %mul3A_48 = arith.constant 128 : i32
    %mul3A_49 = arith.muli %select_n3A, %mul3A_48 : i32
    %add3A_50 = arith.addi %mul3A_49, %add3A_47 : i32
    %mul3A_51 = arith.constant 16384 : i32
    %mul3A_52 = arith.muli %add3A_50, %mul3A_51 : i32
    %dma_start3A_53 = arith.constant 1 : i32
    %dma_start3A_54 = arith.constant 0 : i32
    %dma_start3A_55 = tpu.memref_slice %arg10[%dma_start3A_53, %dma_start3A_54] : memref<2x32768xf32, #tpu.memory_space<vmem>> -> memref<1x32768xf32, #tpu.memory_space<vmem>>
    %dma_start3A_56 = tpu.memref_squeeze %dma_start3A_55 : memref<1x32768xf32, #tpu.memory_space<vmem>> -> memref<32768xf32, #tpu.memory_space<vmem>>
    %dma_start3A_57 = tpu.memref_slice %arg3[%mul3A_52] : memref<16777216xf32, #tpu.memory_space<hbm>> -> memref<32768xf32, #tpu.memory_space<hbm>>
    %dma_start3A_58 = arith.constant 0 : i32
    %dma_start3A_59 = tpu.memref_slice %arg10[%dma_start3A_53, %dma_start3A_58] : memref<2x32768xf32, #tpu.memory_space<vmem>> -> memref<1x32768xf32, #tpu.memory_space<vmem>>
    %dma_start3A_60 = tpu.memref_squeeze %dma_start3A_59 : memref<1x32768xf32, #tpu.memory_space<vmem>> -> memref<32768xf32, #tpu.memory_space<vmem>>
    %dma_start3A_61 = tpu.memref_slice %arg3[%mul3A_52] : memref<16777216xf32, #tpu.memory_space<hbm>> -> memref<32768xf32, #tpu.memory_space<hbm>>
    tpu.enqueue_dma source(%dma_start3A_61 : memref<32768xf32, #tpu.memory_space<hbm>>) target(%dma_start3A_60 : memref<32768xf32, #tpu.memory_space<vmem>>) target_semaphore(%arg16 : memref<!tpu.dma_semaphore, #tpu.memory_space<semaphore_mem>>)
    "tpu.region"() ({
      %run_scoped3A = tpu.sem_alloc : memref<!tpu.dma_semaphore, #tpu.memory_space<semaphore_mem>>
      %dma_start3A_107 = arith.constant 0 : i32
      %dma_start3A_108 = tpu.memref_slice %arg5[%select_n3A, %dma_start3A_107] : memref<8x2048xi32, #tpu.memory_space<hbm>> -> memref<1x2048xi32, #tpu.memory_space<hbm>>
      %dma_start3A_109 = tpu.memref_squeeze %dma_start3A_108 : memref<1x2048xi32, #tpu.memory_space<hbm>> -> memref<2048xi32, #tpu.memory_space<hbm>>
      %dma_start3A_110 = arith.constant 0 : i32
      %dma_start3A_111 = tpu.memref_slice %arg5[%select_n3A, %dma_start3A_110] : memref<8x2048xi32, #tpu.memory_space<hbm>> -> memref<1x2048xi32, #tpu.memory_space<hbm>>
      %dma_start3A_112 = tpu.memref_squeeze %dma_start3A_111 : memref<1x2048xi32, #tpu.memory_space<hbm>> -> memref<2048xi32, #tpu.memory_space<hbm>>
      tpu.enqueue_dma source(%dma_start3A_112 : memref<2048xi32, #tpu.memory_space<hbm>>) target(%arg9 : memref<2048xi32, #tpu.memory_space<vmem>>) target_semaphore(%run_scoped3A : memref<!tpu.dma_semaphore, #tpu.memory_space<semaphore_mem>>)
      %dma_wait3A_113 = arith.constant 0 : i32
      %dma_wait3A_114 = tpu.memref_slice %arg5[%select_n3A, %dma_wait3A_113] : memref<8x2048xi32, #tpu.memory_space<hbm>> -> memref<1x2048xi32, #tpu.memory_space<hbm>>
      %dma_wait3A_115 = tpu.memref_squeeze %dma_wait3A_114 : memref<1x2048xi32, #tpu.memory_space<hbm>> -> memref<2048xi32, #tpu.memory_space<hbm>>
      %dma_wait3A_116 = arith.constant 0 : i32
      %dma_wait3A_117 = tpu.memref_slice %arg5[%select_n3A, %dma_wait3A_116] : memref<8x2048xi32, #tpu.memory_space<hbm>> -> memref<1x2048xi32, #tpu.memory_space<hbm>>
      %dma_wait3A_118 = tpu.memref_squeeze %dma_wait3A_117 : memref<1x2048xi32, #tpu.memory_space<hbm>> -> memref<2048xi32, #tpu.memory_space<hbm>>
      tpu.wait_dma2 semaphore(%run_scoped3A : memref<!tpu.dma_semaphore, #tpu.memory_space<semaphore_mem>>) src(%dma_wait3A_118 : memref<2048xi32, #tpu.memory_space<hbm>>) dst(%arg9 : memref<2048xi32, #tpu.memory_space<vmem>>)
      tpu.yield
    }) : () -> ()
    %scan3A = arith.constant 0 : i32
    %scan3A_62 = arith.constant 0 : i32
    %scan3A_63 = arith.constant 8 : i32
    %scan3A_64 = arith.addi %scan3A_62, %scan3A_63 : i32
    %scan3A_65 = arith.constant 1 : i32
    %scan3A_66 = scf.for %scan3A_107 = %scan3A_62 to %scan3A_64 step %scan3A_65 iter_args(%scan3A_108 = %scan3A) -> (i32)  : i32 {
      %mul3A_109 = arith.constant 2 : i32
      %mul3A_110 = arith.muli %scan3A_107, %mul3A_109 : i32
      %add3A_111 = arith.constant 0 : i32
      %add3A_112 = arith.addi %mul3A_110, %add3A_111 : i32
      %mul3A_113 = arith.constant 2 : i32
      %mul3A_114 = arith.muli %add3A_112, %mul3A_113 : i32
      %add3A_115 = arith.addi %mul3A_32, %mul3A_114 : i32
      %mul3A_116 = arith.constant 128 : i32
      %mul3A_117 = arith.muli %select_n3A, %mul3A_116 : i32
      %add3A_118 = arith.addi %mul3A_117, %add3A_115 : i32
      %mul3A_119 = arith.constant 16384 : i32
      %mul3A_120 = arith.muli %add3A_118, %mul3A_119 : i32
      %dma_wait3A_121 = arith.constant 0 : i32
      %dma_wait3A_122 = arith.constant 0 : i32
      %dma_wait3A_123 = tpu.memref_slice %arg10[%dma_wait3A_121, %dma_wait3A_122] : memref<2x32768xf32, #tpu.memory_space<vmem>> -> memref<1x32768xf32, #tpu.memory_space<vmem>>
      %dma_wait3A_124 = tpu.memref_squeeze %dma_wait3A_123 : memref<1x32768xf32, #tpu.memory_space<vmem>> -> memref<32768xf32, #tpu.memory_space<vmem>>
      %dma_wait3A_125 = tpu.memref_slice %arg3[%mul3A_120] : memref<16777216xf32, #tpu.memory_space<hbm>> -> memref<32768xf32, #tpu.memory_space<hbm>>
      %dma_wait3A_126 = arith.constant 0 : i32
      %dma_wait3A_127 = tpu.memref_slice %arg10[%dma_wait3A_121, %dma_wait3A_126] : memref<2x32768xf32, #tpu.memory_space<vmem>> -> memref<1x32768xf32, #tpu.memory_space<vmem>>
      %dma_wait3A_128 = tpu.memref_squeeze %dma_wait3A_127 : memref<1x32768xf32, #tpu.memory_space<vmem>> -> memref<32768xf32, #tpu.memory_space<vmem>>
      %dma_wait3A_129 = tpu.memref_slice %arg3[%mul3A_120] : memref<16777216xf32, #tpu.memory_space<hbm>> -> memref<32768xf32, #tpu.memory_space<hbm>>
      tpu.wait_dma2 semaphore(%arg15 : memref<!tpu.dma_semaphore, #tpu.memory_space<semaphore_mem>>) src(%dma_wait3A_129 : memref<32768xf32, #tpu.memory_space<hbm>>) dst(%dma_wait3A_128 : memref<32768xf32, #tpu.memory_space<vmem>>)
      %gt3A = arith.constant 0 : i32
      %gt3A_130 = arith.cmpi sgt, %scan3A_107, %gt3A : i32
      %convert_element_type3A_131 = arith.extui %gt3A_130 : i1 to i32
      %cond3A_132 = arith.constant 0 : i32
      %cond3A_133 = arith.constant 0 : i32
      %cond3A_134 = arith.cmpi ne, %convert_element_type3A_131, %cond3A_133 : i32
      scf.if %cond3A_134 {
        %sub3A_221 = arith.constant 4 : i32
        %sub3A_222 = arith.subi %add3A_115, %sub3A_221 : i32
        %mul3A_223 = arith.constant 128 : i32
        %mul3A_224 = arith.muli %select_n3A, %mul3A_223 : i32
        %add3A_225 = arith.addi %mul3A_224, %sub3A_222 : i32
        %mul3A_226 = arith.constant 2048 : i32
        %mul3A_227 = arith.muli %add3A_225, %mul3A_226 : i32
        %dma_wait3A_228 = arith.constant 0 : i32
        %dma_wait3A_229 = tpu.memref_slice %arg11[%cond3A_132, %dma_wait3A_228] : memref<2x4096xf32, #tpu.memory_space<vmem>> -> memref<1x4096xf32, #tpu.memory_space<vmem>>
        %dma_wait3A_230 = tpu.memref_squeeze %dma_wait3A_229 : memref<1x4096xf32, #tpu.memory_space<vmem>> -> memref<4096xf32, #tpu.memory_space<vmem>>
        %dma_wait3A_231 = tpu.memref_slice %arg7[%mul3A_227] : memref<2097152xf32, #tpu.memory_space<hbm>> -> memref<4096xf32, #tpu.memory_space<hbm>>
        %dma_wait3A_232 = tpu.memref_slice %arg7[%mul3A_227] : memref<2097152xf32, #tpu.memory_space<hbm>> -> memref<4096xf32, #tpu.memory_space<hbm>>
        %dma_wait3A_233 = arith.constant 0 : i32
        %dma_wait3A_234 = tpu.memref_slice %arg11[%cond3A_132, %dma_wait3A_233] : memref<2x4096xf32, #tpu.memory_space<vmem>> -> memref<1x4096xf32, #tpu.memory_space<vmem>>
        %dma_wait3A_235 = tpu.memref_squeeze %dma_wait3A_234 : memref<1x4096xf32, #tpu.memory_space<vmem>> -> memref<4096xf32, #tpu.memory_space<vmem>>
        tpu.wait_dma2 semaphore(%arg17 : memref<!tpu.dma_semaphore, #tpu.memory_space<semaphore_mem>>) src(%dma_wait3A_235 : memref<4096xf32, #tpu.memory_space<vmem>>) dst(%dma_wait3A_232 : memref<4096xf32, #tpu.memory_space<hbm>>)
      } else {
      }
      %scan3A_135 = arith.constant 0 : i32
      %scan3A_136 = arith.constant 0 : i32
      %scan3A_137 = arith.constant 0 : i32
      %scan3A_138 = arith.constant 0 : i32
      %scan3A_139 = arith.constant 128 : i32
      %scan3A_140 = arith.addi %scan3A_138, %scan3A_139 : i32
      %scan3A_141 = arith.constant 1 : i32
      %scan3A_142 = scf.for %scan3A_221 = %scan3A_138 to %scan3A_140 step %scan3A_141 iter_args(%scan3A_222 = %scan3A_137) -> (i32)  : i32 {
        %mul3A_223 = arith.constant 16 : i32
        %mul3A_224 = arith.muli %scan3A_221, %mul3A_223 : i32
        %get3A = arith.index_cast %mul3A_224 : i32 to index
        %get3A_225 = tpu.vector_load %arg9[%get3A] {strides = array<i32>} : memref<2048xi32, #tpu.memory_space<vmem>>, vector<16xi32>,
        %gather3A = arith.constant 0 : i32
        %gather3A_226 = tpu.memref_slice %arg10[%scan3A_135, %gather3A] : memref<2x32768xf32, #tpu.memory_space<vmem>> -> memref<1x32768xf32, #tpu.memory_space<vmem>>
        %gather3A_227 = tpu.memref_squeeze %gather3A_226 : memref<1x32768xf32, #tpu.memory_space<vmem>> -> memref<32768xf32, #tpu.memory_space<vmem>>
        %gather3A_228 = tpu.vector_load_idx %gather3A_227[%get3A_225] : memref<32768xf32, #tpu.memory_space<vmem>>[vector<16xi32>], vector<16xf32>,
        %mul3A_229 = arith.constant 16 : i32
        %mul3A_230 = arith.muli %scan3A_221, %mul3A_229 : i32
        %swap3A = arith.constant 0 : i32
        %swap3A_231 = tpu.memref_slice %arg11[%scan3A_136, %swap3A] : memref<2x4096xf32, #tpu.memory_space<vmem>> -> memref<1x4096xf32, #tpu.memory_space<vmem>>
        %swap3A_232 = tpu.memref_squeeze %swap3A_231 : memref<1x4096xf32, #tpu.memory_space<vmem>> -> memref<4096xf32, #tpu.memory_space<vmem>>
        %swap3A_233 = arith.index_cast %mul3A_230 : i32 to index
        %swap3A_234 = tpu.vector_load %swap3A_232[%swap3A_233] {strides = array<i32>} : memref<4096xf32, #tpu.memory_space<vmem>>, vector<16xf32>,
        tpu.vector_store %swap3A_232[%swap3A_233], %gather3A_228 {strides = array<i32>} : memref<4096xf32, #tpu.memory_space<vmem>>, vector<16xf32>,
        %add3A_235 = arith.constant 16384 : i32
        %add3A_236 = vector.broadcast %add3A_235 : i32 to vector<16xi32>
        %add3A_237 = arith.addi %get3A_225, %add3A_236 : vector<16xi32>
        %gather3A_238 = arith.constant 0 : i32
        %gather3A_239 = tpu.memref_slice %arg10[%scan3A_135, %gather3A_238] : memref<2x32768xf32, #tpu.memory_space<vmem>> -> memref<1x32768xf32, #tpu.memory_space<vmem>>
        %gather3A_240 = tpu.memref_squeeze %gather3A_239 : memref<1x32768xf32, #tpu.memory_space<vmem>> -> memref<32768xf32, #tpu.memory_space<vmem>>
        %gather3A_241 = tpu.vector_load_idx %gather3A_240[%add3A_237] : memref<32768xf32, #tpu.memory_space<vmem>>[vector<16xi32>], vector<16xf32>,
        %mul3A_242 = arith.constant 16 : i32
        %mul3A_243 = arith.muli %scan3A_221, %mul3A_242 : i32
        %add3A_244 = arith.constant 2048 : i32
        %add3A_245 = arith.addi %add3A_244, %mul3A_243 : i32
        %swap3A_246 = arith.constant 0 : i32
        %swap3A_247 = tpu.memref_slice %arg11[%scan3A_136, %swap3A_246] : memref<2x4096xf32, #tpu.memory_space<vmem>> -> memref<1x4096xf32, #tpu.memory_space<vmem>>
        %swap3A_248 = tpu.memref_squeeze %swap3A_247 : memref<1x4096xf32, #tpu.memory_space<vmem>> -> memref<4096xf32, #tpu.memory_space<vmem>>
        %swap3A_249 = arith.index_cast %add3A_245 : i32 to index
        %swap3A_250 = tpu.vector_load %swap3A_248[%swap3A_249] {strides = array<i32>} : memref<4096xf32, #tpu.memory_space<vmem>>, vector<16xf32>,
        tpu.vector_store %swap3A_248[%swap3A_249], %gather3A_241 {strides = array<i32>} : memref<4096xf32, #tpu.memory_space<vmem>>, vector<16xf32>,
        %scan3A_251 = arith.constant 0 : i32
        scf.yield %scan3A_251 : i32
      }
      %scan3A_143 = arith.constant 128 : i32
      %mul3A_144 = arith.constant 128 : i32
      %mul3A_145 = arith.muli %select_n3A, %mul3A_144 : i32
      %add3A_146 = arith.addi %mul3A_145, %add3A_115 : i32
      %mul3A_147 = arith.constant 2048 : i32
      %mul3A_148 = arith.muli %add3A_146, %mul3A_147 : i32
      %dma_start3A_149 = arith.constant 0 : i32
      %dma_start3A_150 = arith.constant 0 : i32
      %dma_start3A_151 = tpu.memref_slice %arg11[%dma_start3A_149, %dma_start3A_150] : memref<2x4096xf32, #tpu.memory_space<vmem>> -> memref<1x4096xf32, #tpu.memory_space<vmem>>
      %dma_start3A_152 = tpu.memref_squeeze %dma_start3A_151 : memref<1x4096xf32, #tpu.memory_space<vmem>> -> memref<4096xf32, #tpu.memory_space<vmem>>
      %dma_start3A_153 = tpu.memref_slice %arg7[%mul3A_148] : memref<2097152xf32, #tpu.memory_space<hbm>> -> memref<4096xf32, #tpu.memory_space<hbm>>
      %dma_start3A_154 = tpu.memref_slice %arg7[%mul3A_148] : memref<2097152xf32, #tpu.memory_space<hbm>> -> memref<4096xf32, #tpu.memory_space<hbm>>
      %dma_start3A_155 = arith.constant 0 : i32
      %dma_start3A_156 = tpu.memref_slice %arg11[%dma_start3A_149, %dma_start3A_155] : memref<2x4096xf32, #tpu.memory_space<vmem>> -> memref<1x4096xf32, #tpu.memory_space<vmem>>
      %dma_start3A_157 = tpu.memref_squeeze %dma_start3A_156 : memref<1x4096xf32, #tpu.memory_space<vmem>> -> memref<4096xf32, #tpu.memory_space<vmem>>
      tpu.enqueue_dma source(%dma_start3A_157 : memref<4096xf32, #tpu.memory_space<vmem>>) target(%dma_start3A_154 : memref<4096xf32, #tpu.memory_space<hbm>>) target_semaphore(%arg17 : memref<!tpu.dma_semaphore, #tpu.memory_space<semaphore_mem>>)
      %lt3A_158 = arith.constant 7 : i32
      %lt3A_159 = arith.cmpi slt, %scan3A_107, %lt3A_158 : i32
      %convert_element_type3A_160 = arith.extui %lt3A_159 : i1 to i32
      %cond3A_161 = arith.constant 0 : i32
      %cond3A_162 = arith.constant 0 : i32
      %cond3A_163 = arith.cmpi ne, %convert_element_type3A_160, %cond3A_162 : i32
      scf.if %cond3A_163 {
        %add3A_221 = arith.constant 4 : i32
        %add3A_222 = arith.addi %add3A_115, %add3A_221 : i32
        %mul3A_223 = arith.constant 128 : i32
        %mul3A_224 = arith.muli %select_n3A, %mul3A_223 : i32
        %add3A_225 = arith.addi %mul3A_224, %add3A_222 : i32
        %mul3A_226 = arith.constant 16384 : i32
        %mul3A_227 = arith.muli %add3A_225, %mul3A_226 : i32
        %dma_start3A_228 = arith.constant 0 : i32
        %dma_start3A_229 = tpu.memref_slice %arg10[%cond3A_161, %dma_start3A_228] : memref<2x32768xf32, #tpu.memory_space<vmem>> -> memref<1x32768xf32, #tpu.memory_space<vmem>>
        %dma_start3A_230 = tpu.memref_squeeze %dma_start3A_229 : memref<1x32768xf32, #tpu.memory_space<vmem>> -> memref<32768xf32, #tpu.memory_space<vmem>>
        %dma_start3A_231 = tpu.memref_slice %arg3[%mul3A_227] : memref<16777216xf32, #tpu.memory_space<hbm>> -> memref<32768xf32, #tpu.memory_space<hbm>>
        %dma_start3A_232 = arith.constant 0 : i32
        %dma_start3A_233 = tpu.memref_slice %arg10[%cond3A_161, %dma_start3A_232] : memref<2x32768xf32, #tpu.memory_space<vmem>> -> memref<1x32768xf32, #tpu.memory_space<vmem>>
        %dma_start3A_234 = tpu.memref_squeeze %dma_start3A_233 : memref<1x32768xf32, #tpu.memory_space<vmem>> -> memref<32768xf32, #tpu.memory_space<vmem>>
        %dma_start3A_235 = tpu.memref_slice %arg3[%mul3A_227] : memref<16777216xf32, #tpu.memory_space<hbm>> -> memref<32768xf32, #tpu.memory_space<hbm>>
        tpu.enqueue_dma source(%dma_start3A_235 : memref<32768xf32, #tpu.memory_space<hbm>>) target(%dma_start3A_234 : memref<32768xf32, #tpu.memory_space<vmem>>) target_semaphore(%arg15 : memref<!tpu.dma_semaphore, #tpu.memory_space<semaphore_mem>>)
      } else {
      }
      %mul3A_164 = arith.constant 2 : i32
      %mul3A_165 = arith.muli %scan3A_107, %mul3A_164 : i32
      %add3A_166 = arith.constant 1 : i32
      %add3A_167 = arith.addi %mul3A_165, %add3A_166 : i32
      %mul3A_168 = arith.constant 2 : i32
      %mul3A_169 = arith.muli %add3A_167, %mul3A_168 : i32
      %add3A_170 = arith.addi %mul3A_32, %mul3A_169 : i32
      %mul3A_171 = arith.constant 128 : i32
      %mul3A_172 = arith.muli %select_n3A, %mul3A_171 : i32
      %add3A_173 = arith.addi %mul3A_172, %add3A_170 : i32
      %mul3A_174 = arith.constant 16384 : i32
      %mul3A_175 = arith.muli %add3A_173, %mul3A_174 : i32
      %dma_wait3A_176 = arith.constant 1 : i32
      %dma_wait3A_177 = arith.constant 0 : i32
      %dma_wait3A_178 = tpu.memref_slice %arg10[%dma_wait3A_176, %dma_wait3A_177] : memref<2x32768xf32, #tpu.memory_space<vmem>> -> memref<1x32768xf32, #tpu.memory_space<vmem>>
      %dma_wait3A_179 = tpu.memref_squeeze %dma_wait3A_178 : memref<1x32768xf32, #tpu.memory_space<vmem>> -> memref<32768xf32, #tpu.memory_space<vmem>>
      %dma_wait3A_180 = tpu.memref_slice %arg3[%mul3A_175] : memref<16777216xf32, #tpu.memory_space<hbm>> -> memref<32768xf32, #tpu.memory_space<hbm>>
      %dma_wait3A_181 = arith.constant 0 : i32
      %dma_wait3A_182 = tpu.memref_slice %arg10[%dma_wait3A_176, %dma_wait3A_181] : memref<2x32768xf32, #tpu.memory_space<vmem>> -> memref<1x32768xf32, #tpu.memory_space<vmem>>
      %dma_wait3A_183 = tpu.memref_squeeze %dma_wait3A_182 : memref<1x32768xf32, #tpu.memory_space<vmem>> -> memref<32768xf32, #tpu.memory_space<vmem>>
      %dma_wait3A_184 = tpu.memref_slice %arg3[%mul3A_175] : memref<16777216xf32, #tpu.memory_space<hbm>> -> memref<32768xf32, #tpu.memory_space<hbm>>
      tpu.wait_dma2 semaphore(%arg16 : memref<!tpu.dma_semaphore, #tpu.memory_space<semaphore_mem>>) src(%dma_wait3A_184 : memref<32768xf32, #tpu.memory_space<hbm>>) dst(%dma_wait3A_183 : memref<32768xf32, #tpu.memory_space<vmem>>)
      %gt3A_185 = arith.constant 0 : i32
      %gt3A_186 = arith.cmpi sgt, %scan3A_107, %gt3A_185 : i32
      %convert_element_type3A_187 = arith.extui %gt3A_186 : i1 to i32
      %cond3A_188 = arith.constant 1 : i32
      %cond3A_189 = arith.constant 0 : i32
      %cond3A_190 = arith.cmpi ne, %convert_element_type3A_187, %cond3A_189 : i32
      scf.if %cond3A_190 {
        %sub3A_221 = arith.constant 4 : i32
        %sub3A_222 = arith.subi %add3A_170, %sub3A_221 : i32
        %mul3A_223 = arith.constant 128 : i32
        %mul3A_224 = arith.muli %select_n3A, %mul3A_223 : i32
        %add3A_225 = arith.addi %mul3A_224, %sub3A_222 : i32
        %mul3A_226 = arith.constant 2048 : i32
        %mul3A_227 = arith.muli %add3A_225, %mul3A_226 : i32
        %dma_wait3A_228 = arith.constant 0 : i32
        %dma_wait3A_229 = tpu.memref_slice %arg11[%cond3A_188, %dma_wait3A_228] : memref<2x4096xf32, #tpu.memory_space<vmem>> -> memref<1x4096xf32, #tpu.memory_space<vmem>>
        %dma_wait3A_230 = tpu.memref_squeeze %dma_wait3A_229 : memref<1x4096xf32, #tpu.memory_space<vmem>> -> memref<4096xf32, #tpu.memory_space<vmem>>
        %dma_wait3A_231 = tpu.memref_slice %arg7[%mul3A_227] : memref<2097152xf32, #tpu.memory_space<hbm>> -> memref<4096xf32, #tpu.memory_space<hbm>>
        %dma_wait3A_232 = tpu.memref_slice %arg7[%mul3A_227] : memref<2097152xf32, #tpu.memory_space<hbm>> -> memref<4096xf32, #tpu.memory_space<hbm>>
        %dma_wait3A_233 = arith.constant 0 : i32
        %dma_wait3A_234 = tpu.memref_slice %arg11[%cond3A_188, %dma_wait3A_233] : memref<2x4096xf32, #tpu.memory_space<vmem>> -> memref<1x4096xf32, #tpu.memory_space<vmem>>
        %dma_wait3A_235 = tpu.memref_squeeze %dma_wait3A_234 : memref<1x4096xf32, #tpu.memory_space<vmem>> -> memref<4096xf32, #tpu.memory_space<vmem>>
        tpu.wait_dma2 semaphore(%arg18 : memref<!tpu.dma_semaphore, #tpu.memory_space<semaphore_mem>>) src(%dma_wait3A_235 : memref<4096xf32, #tpu.memory_space<vmem>>) dst(%dma_wait3A_232 : memref<4096xf32, #tpu.memory_space<hbm>>)
      } else {
      }
      %scan3A_191 = arith.constant 1 : i32
      %scan3A_192 = arith.constant 1 : i32
      %scan3A_193 = arith.constant 0 : i32
      %scan3A_194 = arith.constant 0 : i32
      %scan3A_195 = arith.constant 128 : i32
      %scan3A_196 = arith.addi %scan3A_194, %scan3A_195 : i32
      %scan3A_197 = arith.constant 1 : i32
      %scan3A_198 = scf.for %scan3A_221 = %scan3A_194 to %scan3A_196 step %scan3A_197 iter_args(%scan3A_222 = %scan3A_193) -> (i32)  : i32 {
        %mul3A_223 = arith.constant 16 : i32
        %mul3A_224 = arith.muli %scan3A_221, %mul3A_223 : i32
        %get3A = arith.index_cast %mul3A_224 : i32 to index
        %get3A_225 = tpu.vector_load %arg9[%get3A] {strides = array<i32>} : memref<2048xi32, #tpu.memory_space<vmem>>, vector<16xi32>,
        %gather3A = arith.constant 0 : i32
        %gather3A_226 = tpu.memref_slice %arg10[%scan3A_191, %gather3A] : memref<2x32768xf32, #tpu.memory_space<vmem>> -> memref<1x32768xf32, #tpu.memory_space<vmem>>
        %gather3A_227 = tpu.memref_squeeze %gather3A_226 : memref<1x32768xf32, #tpu.memory_space<vmem>> -> memref<32768xf32, #tpu.memory_space<vmem>>
        %gather3A_228 = tpu.vector_load_idx %gather3A_227[%get3A_225] : memref<32768xf32, #tpu.memory_space<vmem>>[vector<16xi32>], vector<16xf32>,
        %mul3A_229 = arith.constant 16 : i32
        %mul3A_230 = arith.muli %scan3A_221, %mul3A_229 : i32
        %swap3A = arith.constant 0 : i32
        %swap3A_231 = tpu.memref_slice %arg11[%scan3A_192, %swap3A] : memref<2x4096xf32, #tpu.memory_space<vmem>> -> memref<1x4096xf32, #tpu.memory_space<vmem>>
        %swap3A_232 = tpu.memref_squeeze %swap3A_231 : memref<1x4096xf32, #tpu.memory_space<vmem>> -> memref<4096xf32, #tpu.memory_space<vmem>>
        %swap3A_233 = arith.index_cast %mul3A_230 : i32 to index
        %swap3A_234 = tpu.vector_load %swap3A_232[%swap3A_233] {strides = array<i32>} : memref<4096xf32, #tpu.memory_space<vmem>>, vector<16xf32>,
        tpu.vector_store %swap3A_232[%swap3A_233], %gather3A_228 {strides = array<i32>} : memref<4096xf32, #tpu.memory_space<vmem>>, vector<16xf32>,
        %add3A_235 = arith.constant 16384 : i32
        %add3A_236 = vector.broadcast %add3A_235 : i32 to vector<16xi32>
        %add3A_237 = arith.addi %get3A_225, %add3A_236 : vector<16xi32>
        %gather3A_238 = arith.constant 0 : i32
        %gather3A_239 = tpu.memref_slice %arg10[%scan3A_191, %gather3A_238] : memref<2x32768xf32, #tpu.memory_space<vmem>> -> memref<1x32768xf32, #tpu.memory_space<vmem>>
        %gather3A_240 = tpu.memref_squeeze %gather3A_239 : memref<1x32768xf32, #tpu.memory_space<vmem>> -> memref<32768xf32, #tpu.memory_space<vmem>>
        %gather3A_241 = tpu.vector_load_idx %gather3A_240[%add3A_237] : memref<32768xf32, #tpu.memory_space<vmem>>[vector<16xi32>], vector<16xf32>,
        %mul3A_242 = arith.constant 16 : i32
        %mul3A_243 = arith.muli %scan3A_221, %mul3A_242 : i32
        %add3A_244 = arith.constant 2048 : i32
        %add3A_245 = arith.addi %add3A_244, %mul3A_243 : i32
        %swap3A_246 = arith.constant 0 : i32
        %swap3A_247 = tpu.memref_slice %arg11[%scan3A_192, %swap3A_246] : memref<2x4096xf32, #tpu.memory_space<vmem>> -> memref<1x4096xf32, #tpu.memory_space<vmem>>
        %swap3A_248 = tpu.memref_squeeze %swap3A_247 : memref<1x4096xf32, #tpu.memory_space<vmem>> -> memref<4096xf32, #tpu.memory_space<vmem>>
        %swap3A_249 = arith.index_cast %add3A_245 : i32 to index
        %swap3A_250 = tpu.vector_load %swap3A_248[%swap3A_249] {strides = array<i32>} : memref<4096xf32, #tpu.memory_space<vmem>>, vector<16xf32>,
        tpu.vector_store %swap3A_248[%swap3A_249], %gather3A_241 {strides = array<i32>} : memref<4096xf32, #tpu.memory_space<vmem>>, vector<16xf32>,
        %scan3A_251 = arith.constant 0 : i32
        scf.yield %scan3A_251 : i32
      }
      %scan3A_199 = arith.constant 128 : i32
      %mul3A_200 = arith.constant 128 : i32
      %mul3A_201 = arith.muli %select_n3A, %mul3A_200 : i32
      %add3A_202 = arith.addi %mul3A_201, %add3A_170 : i32
      %mul3A_203 = arith.constant 2048 : i32
      %mul3A_204 = arith.muli %add3A_202, %mul3A_203 : i32
      %dma_start3A_205 = arith.constant 1 : i32
      %dma_start3A_206 = arith.constant 0 : i32
      %dma_start3A_207 = tpu.memref_slice %arg11[%dma_start3A_205, %dma_start3A_206] : memref<2x4096xf32, #tpu.memory_space<vmem>> -> memref<1x4096xf32, #tpu.memory_space<vmem>>
      %dma_start3A_208 = tpu.memref_squeeze %dma_start3A_207 : memref<1x4096xf32, #tpu.memory_space<vmem>> -> memref<4096xf32, #tpu.memory_space<vmem>>
      %dma_start3A_209 = tpu.memref_slice %arg7[%mul3A_204] : memref<2097152xf32, #tpu.memory_space<hbm>> -> memref<4096xf32, #tpu.memory_space<hbm>>
      %dma_start3A_210 = tpu.memref_slice %arg7[%mul3A_204] : memref<2097152xf32, #tpu.memory_space<hbm>> -> memref<4096xf32, #tpu.memory_space<hbm>>
      %dma_start3A_211 = arith.constant 0 : i32
      %dma_start3A_212 = tpu.memref_slice %arg11[%dma_start3A_205, %dma_start3A_211] : memref<2x4096xf32, #tpu.memory_space<vmem>> -> memref<1x4096xf32, #tpu.memory_space<vmem>>
      %dma_start3A_213 = tpu.memref_squeeze %dma_start3A_212 : memref<1x4096xf32, #tpu.memory_space<vmem>> -> memref<4096xf32, #tpu.memory_space<vmem>>
      tpu.enqueue_dma source(%dma_start3A_213 : memref<4096xf32, #tpu.memory_space<vmem>>) target(%dma_start3A_210 : memref<4096xf32, #tpu.memory_space<hbm>>) target_semaphore(%arg18 : memref<!tpu.dma_semaphore, #tpu.memory_space<semaphore_mem>>)
      %lt3A_214 = arith.constant 7 : i32
      %lt3A_215 = arith.cmpi slt, %scan3A_107, %lt3A_214 : i32
      %convert_element_type3A_216 = arith.extui %lt3A_215 : i1 to i32
      %cond3A_217 = arith.constant 1 : i32
      %cond3A_218 = arith.constant 0 : i32
      %cond3A_219 = arith.cmpi ne, %convert_element_type3A_216, %cond3A_218 : i32
      scf.if %cond3A_219 {
        %add3A_221 = arith.constant 4 : i32
        %add3A_222 = arith.addi %add3A_170, %add3A_221 : i32
        %mul3A_223 = arith.constant 128 : i32
        %mul3A_224 = arith.muli %select_n3A, %mul3A_223 : i32
        %add3A_225 = arith.addi %mul3A_224, %add3A_222 : i32
        %mul3A_226 = arith.constant 16384 : i32
        %mul3A_227 = arith.muli %add3A_225, %mul3A_226 : i32
        %dma_start3A_228 = arith.constant 0 : i32
        %dma_start3A_229 = tpu.memref_slice %arg10[%cond3A_217, %dma_start3A_228] : memref<2x32768xf32, #tpu.memory_space<vmem>> -> memref<1x32768xf32, #tpu.memory_space<vmem>>
        %dma_start3A_230 = tpu.memref_squeeze %dma_start3A_229 : memref<1x32768xf32, #tpu.memory_space<vmem>> -> memref<32768xf32, #tpu.memory_space<vmem>>
        %dma_start3A_231 = tpu.memref_slice %arg3[%mul3A_227] : memref<16777216xf32, #tpu.memory_space<hbm>> -> memref<32768xf32, #tpu.memory_space<hbm>>
        %dma_start3A_232 = arith.constant 0 : i32
        %dma_start3A_233 = tpu.memref_slice %arg10[%cond3A_217, %dma_start3A_232] : memref<2x32768xf32, #tpu.memory_space<vmem>> -> memref<1x32768xf32, #tpu.memory_space<vmem>>
        %dma_start3A_234 = tpu.memref_squeeze %dma_start3A_233 : memref<1x32768xf32, #tpu.memory_space<vmem>> -> memref<32768xf32, #tpu.memory_space<vmem>>
        %dma_start3A_235 = tpu.memref_slice %arg3[%mul3A_227] : memref<16777216xf32, #tpu.memory_space<hbm>> -> memref<32768xf32, #tpu.memory_space<hbm>>
        tpu.enqueue_dma source(%dma_start3A_235 : memref<32768xf32, #tpu.memory_space<hbm>>) target(%dma_start3A_234 : memref<32768xf32, #tpu.memory_space<vmem>>) target_semaphore(%arg16 : memref<!tpu.dma_semaphore, #tpu.memory_space<semaphore_mem>>)
      } else {
      }
      %scan3A_220 = arith.constant 0 : i32
      scf.yield %scan3A_220 : i32
    }
    %scan3A_67 = arith.constant 8 : i32
    %add3A_68 = arith.constant 28 : i32
    %add3A_69 = arith.addi %mul3A_32, %add3A_68 : i32
    %mul3A_70 = arith.constant 128 : i32
    %mul3A_71 = arith.muli %select_n3A, %mul3A_70 : i32
    %add3A_72 = arith.addi %mul3A_71, %add3A_69 : i32
    %mul3A_73 = arith.constant 2048 : i32
    %mul3A_74 = arith.muli %add3A_72, %mul3A_73 : i32
    %dma_wait3A = arith.constant 0 : i32
    %dma_wait3A_75 = arith.constant 0 : i32
    %dma_wait3A_76 = tpu.memref_slice %arg11[%dma_wait3A, %dma_wait3A_75] : memref<2x4096xf32, #tpu.memory_space<vmem>> -> memref<1x4096xf32, #tpu.memory_space<vmem>>
    %dma_wait3A_77 = tpu.memref_squeeze %dma_wait3A_76 : memref<1x4096xf32, #tpu.memory_space<vmem>> -> memref<4096xf32, #tpu.memory_space<vmem>>
    %dma_wait3A_78 = tpu.memref_slice %arg7[%mul3A_74] : memref<2097152xf32, #tpu.memory_space<hbm>> -> memref<4096xf32, #tpu.memory_space<hbm>>
    %dma_wait3A_79 = tpu.memref_slice %arg7[%mul3A_74] : memref<2097152xf32, #tpu.memory_space<hbm>> -> memref<4096xf32, #tpu.memory_space<hbm>>
    %dma_wait3A_80 = arith.constant 0 : i32
    %dma_wait3A_81 = tpu.memref_slice %arg11[%dma_wait3A, %dma_wait3A_80] : memref<2x4096xf32, #tpu.memory_space<vmem>> -> memref<1x4096xf32, #tpu.memory_space<vmem>>
    %dma_wait3A_82 = tpu.memref_squeeze %dma_wait3A_81 : memref<1x4096xf32, #tpu.memory_space<vmem>> -> memref<4096xf32, #tpu.memory_space<vmem>>
    tpu.wait_dma2 semaphore(%arg17 : memref<!tpu.dma_semaphore, #tpu.memory_space<semaphore_mem>>) src(%dma_wait3A_82 : memref<4096xf32, #tpu.memory_space<vmem>>) dst(%dma_wait3A_79 : memref<4096xf32, #tpu.memory_space<hbm>>)
    %add3A_83 = arith.constant 30 : i32
    %add3A_84 = arith.addi %mul3A_32, %add3A_83 : i32
    %mul3A_85 = arith.constant 128 : i32
    %mul3A_86 = arith.muli %select_n3A, %mul3A_85 : i32
    %add3A_87 = arith.addi %mul3A_86, %add3A_84 : i32
    %mul3A_88 = arith.constant 2048 : i32
    %mul3A_89 = arith.muli %add3A_87, %mul3A_88 : i32
    %dma_wait3A_90 = arith.constant 1 : i32
    %dma_wait3A_91 = arith.constant 0 : i32
    %dma_wait3A_92 = tpu.memref_slice %arg11[%dma_wait3A_90, %dma_wait3A_91] : memref<2x4096xf32, #tpu.memory_space<vmem>> -> memref<1x4096xf32, #tpu.memory_space<vmem>>
    %dma_wait3A_93 = tpu.memref_squeeze %dma_wait3A_92 : memref<1x4096xf32, #tpu.memory_space<vmem>> -> memref<4096xf32, #tpu.memory_space<vmem>>
    %dma_wait3A_94 = tpu.memref_slice %arg7[%mul3A_89] : memref<2097152xf32, #tpu.memory_space<hbm>> -> memref<4096xf32, #tpu.memory_space<hbm>>
    %dma_wait3A_95 = tpu.memref_slice %arg7[%mul3A_89] : memref<2097152xf32, #tpu.memory_space<hbm>> -> memref<4096xf32, #tpu.memory_space<hbm>>
    %dma_wait3A_96 = arith.constant 0 : i32
    %dma_wait3A_97 = tpu.memref_slice %arg11[%dma_wait3A_90, %dma_wait3A_96] : memref<2x4096xf32, #tpu.memory_space<vmem>> -> memref<1x4096xf32, #tpu.memory_space<vmem>>
    %dma_wait3A_98 = tpu.memref_squeeze %dma_wait3A_97 : memref<1x4096xf32, #tpu.memory_space<vmem>> -> memref<4096xf32, #tpu.memory_space<vmem>>
    tpu.wait_dma2 semaphore(%arg18 : memref<!tpu.dma_semaphore, #tpu.memory_space<semaphore_mem>>) src(%dma_wait3A_98 : memref<4096xf32, #tpu.memory_space<vmem>>) dst(%dma_wait3A_95 : memref<4096xf32, #tpu.memory_space<hbm>>)
    %eq3A_99 = arith.constant 1 : i32
    %eq3A_100 = arith.cmpi eq, %select_n3A_30, %eq3A_99 : i32
    %convert_element_type3A = arith.extui %eq3A_100 : i1 to i32
    %cond3A = arith.constant 0 : i32
    %cond3A_101 = arith.cmpi ne, %convert_element_type3A, %cond3A : i32
    scf.if %cond3A_101 {
      %run_scoped3A = arith.constant 0 : i32
      "tpu.region"() ({
        %run_scoped3A_115 = tpu.sem_alloc : memref<!tpu.dma_semaphore, #tpu.memory_space<semaphore_mem>>
        %dma_start3A_116 = arith.constant 0 : i32
        %dma_start3A_117 = tpu.memref_slice %arg10[%run_scoped3A, %dma_start3A_116] : memref<2x32768xf32, #tpu.memory_space<vmem>> -> memref<1x32768xf32, #tpu.memory_space<vmem>>
        %dma_start3A_118 = tpu.memref_squeeze %dma_start3A_117 : memref<1x32768xf32, #tpu.memory_space<vmem>> -> memref<32768xf32, #tpu.memory_space<vmem>>
        %dma_start3A_119 = arith.constant 0 : i32
        %dma_start3A_120 = tpu.memref_slice %arg2[%select_n3A, %dma_start3A_119] : memref<8x49152xf32, #tpu.memory_space<hbm>> -> memref<1x32768xf32, #tpu.memory_space<hbm>>
        %dma_start3A_121 = tpu.memref_squeeze %dma_start3A_120 : memref<1x32768xf32, #tpu.memory_space<hbm>> -> memref<32768xf32, #tpu.memory_space<hbm>>
        %dma_start3A_122 = arith.constant 0 : i32
        %dma_start3A_123 = tpu.memref_slice %arg10[%run_scoped3A, %dma_start3A_122] : memref<2x32768xf32, #tpu.memory_space<vmem>> -> memref<1x32768xf32, #tpu.memory_space<vmem>>
        %dma_start3A_124 = tpu.memref_squeeze %dma_start3A_123 : memref<1x32768xf32, #tpu.memory_space<vmem>> -> memref<32768xf32, #tpu.memory_space<vmem>>
        %dma_start3A_125 = arith.constant 0 : i32
        %dma_start3A_126 = tpu.memref_slice %arg2[%select_n3A, %dma_start3A_125] : memref<8x49152xf32, #tpu.memory_space<hbm>> -> memref<1x32768xf32, #tpu.memory_space<hbm>>
        %dma_start3A_127 = tpu.memref_squeeze %dma_start3A_126 : memref<1x32768xf32, #tpu.memory_space<hbm>> -> memref<32768xf32, #tpu.memory_space<hbm>>
        tpu.enqueue_dma source(%dma_start3A_127 : memref<32768xf32, #tpu.memory_space<hbm>>) target(%dma_start3A_124 : memref<32768xf32, #tpu.memory_space<vmem>>) target_semaphore(%run_scoped3A_115 : memref<!tpu.dma_semaphore, #tpu.memory_space<semaphore_mem>>)
        %dma_wait3A_128 = arith.constant 0 : i32
        %dma_wait3A_129 = tpu.memref_slice %arg10[%run_scoped3A, %dma_wait3A_128] : memref<2x32768xf32, #tpu.memory_space<vmem>> -> memref<1x32768xf32, #tpu.memory_space<vmem>>
        %dma_wait3A_130 = tpu.memref_squeeze %dma_wait3A_129 : memref<1x32768xf32, #tpu.memory_space<vmem>> -> memref<32768xf32, #tpu.memory_space<vmem>>
        %dma_wait3A_131 = arith.constant 0 : i32
        %dma_wait3A_132 = tpu.memref_slice %arg2[%select_n3A, %dma_wait3A_131] : memref<8x49152xf32, #tpu.memory_space<hbm>> -> memref<1x32768xf32, #tpu.memory_space<hbm>>
        %dma_wait3A_133 = tpu.memref_squeeze %dma_wait3A_132 : memref<1x32768xf32, #tpu.memory_space<hbm>> -> memref<32768xf32, #tpu.memory_space<hbm>>
        %dma_wait3A_134 = arith.constant 0 : i32
        %dma_wait3A_135 = tpu.memref_slice %arg10[%run_scoped3A, %dma_wait3A_134] : memref<2x32768xf32, #tpu.memory_space<vmem>> -> memref<1x32768xf32, #tpu.memory_space<vmem>>
        %dma_wait3A_136 = tpu.memref_squeeze %dma_wait3A_135 : memref<1x32768xf32, #tpu.memory_space<vmem>> -> memref<32768xf32, #tpu.memory_space<vmem>>
        %dma_wait3A_137 = arith.constant 0 : i32
        %dma_wait3A_138 = tpu.memref_slice %arg2[%select_n3A, %dma_wait3A_137] : memref<8x49152xf32, #tpu.memory_space<hbm>> -> memref<1x32768xf32, #tpu.memory_space<hbm>>
        %dma_wait3A_139 = tpu.memref_squeeze %dma_wait3A_138 : memref<1x32768xf32, #tpu.memory_space<hbm>> -> memref<32768xf32, #tpu.memory_space<hbm>>
        tpu.wait_dma2 semaphore(%run_scoped3A_115 : memref<!tpu.dma_semaphore, #tpu.memory_space<semaphore_mem>>) src(%dma_wait3A_139 : memref<32768xf32, #tpu.memory_space<hbm>>) dst(%dma_wait3A_136 : memref<32768xf32, #tpu.memory_space<vmem>>)
        tpu.yield
      }) : () -> ()
      %run_scoped3A_107 = arith.constant 1 : i32
      "tpu.region"() ({
        %run_scoped3A_115 = tpu.sem_alloc : memref<!tpu.dma_semaphore, #tpu.memory_space<semaphore_mem>>
        %dma_start3A_116 = arith.constant 0 : i32
        %dma_start3A_117 = tpu.memref_slice %arg10[%run_scoped3A_107, %dma_start3A_116] : memref<2x32768xf32, #tpu.memory_space<vmem>> -> memref<1x16384xf32, #tpu.memory_space<vmem>>
        %dma_start3A_118 = tpu.memref_squeeze %dma_start3A_117 : memref<1x16384xf32, #tpu.memory_space<vmem>> -> memref<16384xf32, #tpu.memory_space<vmem>>
        %dma_start3A_119 = arith.constant 32768 : i32
        %dma_start3A_120 = tpu.memref_slice %arg2[%select_n3A, %dma_start3A_119] : memref<8x49152xf32, #tpu.memory_space<hbm>> -> memref<1x16384xf32, #tpu.memory_space<hbm>>
        %dma_start3A_121 = tpu.memref_squeeze %dma_start3A_120 : memref<1x16384xf32, #tpu.memory_space<hbm>> -> memref<16384xf32, #tpu.memory_space<hbm>>
        %dma_start3A_122 = arith.constant 0 : i32
        %dma_start3A_123 = tpu.memref_slice %arg10[%run_scoped3A_107, %dma_start3A_122] : memref<2x32768xf32, #tpu.memory_space<vmem>> -> memref<1x16384xf32, #tpu.memory_space<vmem>>
        %dma_start3A_124 = tpu.memref_squeeze %dma_start3A_123 : memref<1x16384xf32, #tpu.memory_space<vmem>> -> memref<16384xf32, #tpu.memory_space<vmem>>
        %dma_start3A_125 = arith.constant 32768 : i32
        %dma_start3A_126 = tpu.memref_slice %arg2[%select_n3A, %dma_start3A_125] : memref<8x49152xf32, #tpu.memory_space<hbm>> -> memref<1x16384xf32, #tpu.memory_space<hbm>>
        %dma_start3A_127 = tpu.memref_squeeze %dma_start3A_126 : memref<1x16384xf32, #tpu.memory_space<hbm>> -> memref<16384xf32, #tpu.memory_space<hbm>>
        tpu.enqueue_dma source(%dma_start3A_127 : memref<16384xf32, #tpu.memory_space<hbm>>) target(%dma_start3A_124 : memref<16384xf32, #tpu.memory_space<vmem>>) target_semaphore(%run_scoped3A_115 : memref<!tpu.dma_semaphore, #tpu.memory_space<semaphore_mem>>)
        %dma_wait3A_128 = arith.constant 0 : i32
        %dma_wait3A_129 = tpu.memref_slice %arg10[%run_scoped3A_107, %dma_wait3A_128] : memref<2x32768xf32, #tpu.memory_space<vmem>> -> memref<1x16384xf32, #tpu.memory_space<vmem>>
        %dma_wait3A_130 = tpu.memref_squeeze %dma_wait3A_129 : memref<1x16384xf32, #tpu.memory_space<vmem>> -> memref<16384xf32, #tpu.memory_space<vmem>>
        %dma_wait3A_131 = arith.constant 32768 : i32
        %dma_wait3A_132 = tpu.memref_slice %arg2[%select_n3A, %dma_wait3A_131] : memref<8x49152xf32, #tpu.memory_space<hbm>> -> memref<1x16384xf32, #tpu.memory_space<hbm>>
        %dma_wait3A_133 = tpu.memref_squeeze %dma_wait3A_132 : memref<1x16384xf32, #tpu.memory_space<hbm>> -> memref<16384xf32, #tpu.memory_space<hbm>>
        %dma_wait3A_134 = arith.constant 0 : i32
        %dma_wait3A_135 = tpu.memref_slice %arg10[%run_scoped3A_107, %dma_wait3A_134] : memref<2x32768xf32, #tpu.memory_space<vmem>> -> memref<1x16384xf32, #tpu.memory_space<vmem>>
        %dma_wait3A_136 = tpu.memref_squeeze %dma_wait3A_135 : memref<1x16384xf32, #tpu.memory_space<vmem>> -> memref<16384xf32, #tpu.memory_space<vmem>>
        %dma_wait3A_137 = arith.constant 32768 : i32
        %dma_wait3A_138 = tpu.memref_slice %arg2[%select_n3A, %dma_wait3A_137] : memref<8x49152xf32, #tpu.memory_space<hbm>> -> memref<1x16384xf32, #tpu.memory_space<hbm>>
        %dma_wait3A_139 = tpu.memref_squeeze %dma_wait3A_138 : memref<1x16384xf32, #tpu.memory_space<hbm>> -> memref<16384xf32, #tpu.memory_space<hbm>>
        tpu.wait_dma2 semaphore(%run_scoped3A_115 : memref<!tpu.dma_semaphore, #tpu.memory_space<semaphore_mem>>) src(%dma_wait3A_139 : memref<16384xf32, #tpu.memory_space<hbm>>) dst(%dma_wait3A_136 : memref<16384xf32, #tpu.memory_space<vmem>>)
        tpu.yield
      }) : () -> ()
      %scan3A_108 = arith.constant 0 : i32
      %scan3A_109 = arith.constant 0 : i32
      %scan3A_110 = arith.constant 128 : i32
      %scan3A_111 = arith.addi %scan3A_109, %scan3A_110 : i32
      %scan3A_112 = arith.constant 1 : i32
      %scan3A_113 = scf.for %scan3A_115 = %scan3A_109 to %scan3A_111 step %scan3A_112 iter_args(%scan3A_116 = %scan3A_108) -> (i32)  : i32 {
        %mul3A_117 = arith.constant 16 : i32
        %mul3A_118 = arith.muli %scan3A_115, %mul3A_117 : i32
        %add3A_119 = vector.broadcast %mul3A_118 : i32 to vector<16xi32>
        %add3A_120 = arith.addi %add3A_119, %iota3A : vector<16xi32>
        %mul3A_121 = arith.constant 16 : i32
        %mul3A_122 = arith.muli %scan3A_115, %mul3A_121 : i32
        %get3A = arith.index_cast %mul3A_122 : i32 to index
        %get3A_123 = tpu.vector_load %arg9[%get3A] {strides = array<i32>} : memref<2048xi32, #tpu.memory_space<vmem>>, vector<16xi32>,
        %mul3A_124 = arith.constant 3 : i32
        %mul3A_125 = vector.broadcast %mul3A_124 : i32 to vector<16xi32>
        %mul3A_126 = arith.muli %get3A_123, %mul3A_125 : vector<16xi32>
        %add3A_127 = arith.constant 0 : i32
        %add3A_128 = vector.broadcast %add3A_127 : i32 to vector<16xi32>
        %add3A_129 = arith.addi %mul3A_126, %add3A_128 : vector<16xi32>
        %shift_right_logical3A = arith.constant 15 : i32
        %shift_right_logical3A_130 = vector.broadcast %shift_right_logical3A : i32 to vector<16xi32>
        %shift_right_logical3A_131 = arith.shrui %add3A_129, %shift_right_logical3A_130 : vector<16xi32>
        %and3A_132 = arith.constant 32767 : i32
        %and3A_133 = vector.broadcast %and3A_132 : i32 to vector<16xi32>
        %and3A_134 = arith.andi %add3A_129, %and3A_133 : vector<16xi32>
        %gather3A = tpu.vector_load_idx %arg10[%shift_right_logical3A_131, %and3A_134] : memref<2x32768xf32, #tpu.memory_space<vmem>>[vector<16xi32>, vector<16xi32>], vector<16xf32>,
        %mul3A_135 = arith.constant 3 : i32
        %mul3A_136 = vector.broadcast %mul3A_135 : i32 to vector<16xi32>
        %mul3A_137 = arith.muli %add3A_120, %mul3A_136 : vector<16xi32>
        %add3A_138 = arith.constant 0 : i32
        %add3A_139 = vector.broadcast %add3A_138 : i32 to vector<16xi32>
        %add3A_140 = arith.addi %mul3A_137, %add3A_139 : vector<16xi32>
        tpu.vector_store_idx %arg12[%add3A_140], %gather3A : memref<6144xf32, #tpu.memory_space<vmem>>[vector<16xi32>], vector<16xf32>,
        %mul3A_141 = arith.constant 3 : i32
        %mul3A_142 = vector.broadcast %mul3A_141 : i32 to vector<16xi32>
        %mul3A_143 = arith.muli %get3A_123, %mul3A_142 : vector<16xi32>
        %add3A_144 = arith.constant 1 : i32
        %add3A_145 = vector.broadcast %add3A_144 : i32 to vector<16xi32>
        %add3A_146 = arith.addi %mul3A_143, %add3A_145 : vector<16xi32>
        %shift_right_logical3A_147 = arith.constant 15 : i32
        %shift_right_logical3A_148 = vector.broadcast %shift_right_logical3A_147 : i32 to vector<16xi32>
        %shift_right_logical3A_149 = arith.shrui %add3A_146, %shift_right_logical3A_148 : vector<16xi32>
        %and3A_150 = arith.constant 32767 : i32
        %and3A_151 = vector.broadcast %and3A_150 : i32 to vector<16xi32>
        %and3A_152 = arith.andi %add3A_146, %and3A_151 : vector<16xi32>
        %gather3A_153 = tpu.vector_load_idx %arg10[%shift_right_logical3A_149, %and3A_152] : memref<2x32768xf32, #tpu.memory_space<vmem>>[vector<16xi32>, vector<16xi32>], vector<16xf32>,
        %mul3A_154 = arith.constant 3 : i32
        %mul3A_155 = vector.broadcast %mul3A_154 : i32 to vector<16xi32>
        %mul3A_156 = arith.muli %add3A_120, %mul3A_155 : vector<16xi32>
        %add3A_157 = arith.constant 1 : i32
        %add3A_158 = vector.broadcast %add3A_157 : i32 to vector<16xi32>
        %add3A_159 = arith.addi %mul3A_156, %add3A_158 : vector<16xi32>
        tpu.vector_store_idx %arg12[%add3A_159], %gather3A_153 : memref<6144xf32, #tpu.memory_space<vmem>>[vector<16xi32>], vector<16xf32>,
        %mul3A_160 = arith.constant 3 : i32
        %mul3A_161 = vector.broadcast %mul3A_160 : i32 to vector<16xi32>
        %mul3A_162 = arith.muli %get3A_123, %mul3A_161 : vector<16xi32>
        %add3A_163 = arith.constant 2 : i32
        %add3A_164 = vector.broadcast %add3A_163 : i32 to vector<16xi32>
        %add3A_165 = arith.addi %mul3A_162, %add3A_164 : vector<16xi32>
        %shift_right_logical3A_166 = arith.constant 15 : i32
        %shift_right_logical3A_167 = vector.broadcast %shift_right_logical3A_166 : i32 to vector<16xi32>
        %shift_right_logical3A_168 = arith.shrui %add3A_165, %shift_right_logical3A_167 : vector<16xi32>
        %and3A_169 = arith.constant 32767 : i32
        %and3A_170 = vector.broadcast %and3A_169 : i32 to vector<16xi32>
        %and3A_171 = arith.andi %add3A_165, %and3A_170 : vector<16xi32>
        %gather3A_172 = tpu.vector_load_idx %arg10[%shift_right_logical3A_168, %and3A_171] : memref<2x32768xf32, #tpu.memory_space<vmem>>[vector<16xi32>, vector<16xi32>], vector<16xf32>,
        %mul3A_173 = arith.constant 3 : i32
        %mul3A_174 = vector.broadcast %mul3A_173 : i32 to vector<16xi32>
        %mul3A_175 = arith.muli %add3A_120, %mul3A_174 : vector<16xi32>
        %add3A_176 = arith.constant 2 : i32
        %add3A_177 = vector.broadcast %add3A_176 : i32 to vector<16xi32>
        %add3A_178 = arith.addi %mul3A_175, %add3A_177 : vector<16xi32>
        tpu.vector_store_idx %arg12[%add3A_178], %gather3A_172 : memref<6144xf32, #tpu.memory_space<vmem>>[vector<16xi32>], vector<16xf32>,
        %scan3A_179 = arith.constant 0 : i32
        scf.yield %scan3A_179 : i32
      }
      %scan3A_114 = arith.constant 128 : i32
      "tpu.region"() ({
        %run_scoped3A_115 = tpu.sem_alloc : memref<!tpu.dma_semaphore, #tpu.memory_space<semaphore_mem>>
        %dma_start3A_116 = arith.constant 0 : i32
        %dma_start3A_117 = tpu.memref_slice %arg6[%select_n3A, %dma_start3A_116] : memref<8x6144xf32, #tpu.memory_space<hbm>> -> memref<1x6144xf32, #tpu.memory_space<hbm>>
        %dma_start3A_118 = tpu.memref_squeeze %dma_start3A_117 : memref<1x6144xf32, #tpu.memory_space<hbm>> -> memref<6144xf32, #tpu.memory_space<hbm>>
        %dma_start3A_119 = arith.constant 0 : i32
        %dma_start3A_120 = tpu.memref_slice %arg6[%select_n3A, %dma_start3A_119] : memref<8x6144xf32, #tpu.memory_space<hbm>> -> memref<1x6144xf32, #tpu.memory_space<hbm>>
        %dma_start3A_121 = tpu.memref_squeeze %dma_start3A_120 : memref<1x6144xf32, #tpu.memory_space<hbm>> -> memref<6144xf32, #tpu.memory_space<hbm>>
        tpu.enqueue_dma source(%arg12 : memref<6144xf32, #tpu.memory_space<vmem>>) target(%dma_start3A_121 : memref<6144xf32, #tpu.memory_space<hbm>>) target_semaphore(%run_scoped3A_115 : memref<!tpu.dma_semaphore, #tpu.memory_space<semaphore_mem>>)
        %dma_wait3A_122 = arith.constant 0 : i32
        %dma_wait3A_123 = tpu.memref_slice %arg6[%select_n3A, %dma_wait3A_122] : memref<8x6144xf32, #tpu.memory_space<hbm>> -> memref<1x6144xf32, #tpu.memory_space<hbm>>
        %dma_wait3A_124 = tpu.memref_squeeze %dma_wait3A_123 : memref<1x6144xf32, #tpu.memory_space<hbm>> -> memref<6144xf32, #tpu.memory_space<hbm>>
        %dma_wait3A_125 = arith.constant 0 : i32
        %dma_wait3A_126 = tpu.memref_slice %arg6[%select_n3A, %dma_wait3A_125] : memref<8x6144xf32, #tpu.memory_space<hbm>> -> memref<1x6144xf32, #tpu.memory_space<hbm>>
        %dma_wait3A_127 = tpu.memref_squeeze %dma_wait3A_126 : memref<1x6144xf32, #tpu.memory_space<hbm>> -> memref<6144xf32, #tpu.memory_space<hbm>>
        tpu.wait_dma2 semaphore(%run_scoped3A_115 : memref<!tpu.dma_semaphore, #tpu.memory_space<semaphore_mem>>) src(%arg12 : memref<6144xf32, #tpu.memory_space<vmem>>) dst(%dma_wait3A_127 : memref<6144xf32, #tpu.memory_space<hbm>>)
        tpu.yield
      }) : () -> ()
    } else {
    }
    %eq3A_102 = arith.constant 2 : i32
    %eq3A_103 = arith.cmpi eq, %select_n3A_30, %eq3A_102 : i32
    %convert_element_type3A_104 = arith.extui %eq3A_103 : i1 to i32
    %cond3A_105 = arith.constant 0 : i32
    %cond3A_106 = arith.cmpi ne, %convert_element_type3A_104, %cond3A_105 : i32
    scf.if %cond3A_106 {
      "tpu.region"() ({
        %run_scoped3A = tpu.sem_alloc : memref<!tpu.dma_semaphore, #tpu.memory_space<semaphore_mem>>
        %dma_start3A_114 = arith.constant 0 : i32
        %dma_start3A_115 = tpu.memref_slice %arg4[%select_n3A, %dma_start3A_114] : memref<8x16384xi32, #tpu.memory_space<hbm>> -> memref<1x16384xi32, #tpu.memory_space<hbm>>
        %dma_start3A_116 = tpu.memref_squeeze %dma_start3A_115 : memref<1x16384xi32, #tpu.memory_space<hbm>> -> memref<16384xi32, #tpu.memory_space<hbm>>
        %dma_start3A_117 = arith.constant 0 : i32
        %dma_start3A_118 = tpu.memref_slice %arg4[%select_n3A, %dma_start3A_117] : memref<8x16384xi32, #tpu.memory_space<hbm>> -> memref<1x16384xi32, #tpu.memory_space<hbm>>
        %dma_start3A_119 = tpu.memref_squeeze %dma_start3A_118 : memref<1x16384xi32, #tpu.memory_space<hbm>> -> memref<16384xi32, #tpu.memory_space<hbm>>
        tpu.enqueue_dma source(%dma_start3A_119 : memref<16384xi32, #tpu.memory_space<hbm>>) target(%arg13 : memref<16384xi32, #tpu.memory_space<vmem>>) target_semaphore(%run_scoped3A : memref<!tpu.dma_semaphore, #tpu.memory_space<semaphore_mem>>)
        %dma_wait3A_120 = arith.constant 0 : i32
        %dma_wait3A_121 = tpu.memref_slice %arg4[%select_n3A, %dma_wait3A_120] : memref<8x16384xi32, #tpu.memory_space<hbm>> -> memref<1x16384xi32, #tpu.memory_space<hbm>>
        %dma_wait3A_122 = tpu.memref_squeeze %dma_wait3A_121 : memref<1x16384xi32, #tpu.memory_space<hbm>> -> memref<16384xi32, #tpu.memory_space<hbm>>
        %dma_wait3A_123 = arith.constant 0 : i32
        %dma_wait3A_124 = tpu.memref_slice %arg4[%select_n3A, %dma_wait3A_123] : memref<8x16384xi32, #tpu.memory_space<hbm>> -> memref<1x16384xi32, #tpu.memory_space<hbm>>
        %dma_wait3A_125 = tpu.memref_squeeze %dma_wait3A_124 : memref<1x16384xi32, #tpu.memory_space<hbm>> -> memref<16384xi32, #tpu.memory_space<hbm>>
        tpu.wait_dma2 semaphore(%run_scoped3A : memref<!tpu.dma_semaphore, #tpu.memory_space<semaphore_mem>>) src(%dma_wait3A_125 : memref<16384xi32, #tpu.memory_space<hbm>>) dst(%arg13 : memref<16384xi32, #tpu.memory_space<vmem>>)
        tpu.yield
      }) : () -> ()
      %scan3A_107 = arith.constant 0 : i32
      %scan3A_108 = arith.constant 0 : i32
      %scan3A_109 = arith.constant 128 : i32
      %scan3A_110 = arith.addi %scan3A_108, %scan3A_109 : i32
      %scan3A_111 = arith.constant 1 : i32
      %scan3A_112 = scf.for %scan3A_114 = %scan3A_108 to %scan3A_110 step %scan3A_111 iter_args(%scan3A_115 = %scan3A_107) -> (i32)  : i32 {
        %mul3A_116 = arith.constant 16 : i32
        %mul3A_117 = arith.muli %scan3A_114, %mul3A_116 : i32
        %get3A = arith.index_cast %mul3A_117 : i32 to index
        %get3A_118 = tpu.vector_load %arg9[%get3A] {strides = array<i32>} : memref<2048xi32, #tpu.memory_space<vmem>>, vector<16xi32>,
        %gather3A = tpu.vector_load_idx %arg13[%get3A_118] : memref<16384xi32, #tpu.memory_space<vmem>>[vector<16xi32>], vector<16xi32>,
        %mul3A_119 = arith.constant 16 : i32
        %mul3A_120 = arith.muli %scan3A_114, %mul3A_119 : i32
        %swap3A = arith.index_cast %mul3A_120 : i32 to index
        %swap3A_121 = tpu.vector_load %arg14[%swap3A] {strides = array<i32>} : memref<2048xi32, #tpu.memory_space<vmem>>, vector<16xi32>,
        tpu.vector_store %arg14[%swap3A], %gather3A {strides = array<i32>} : memref<2048xi32, #tpu.memory_space<vmem>>, vector<16xi32>,
        %scan3A_122 = arith.constant 0 : i32
        scf.yield %scan3A_122 : i32
      }
      %scan3A_113 = arith.constant 128 : i32
      "tpu.region"() ({
        %run_scoped3A = tpu.sem_alloc : memref<!tpu.dma_semaphore, #tpu.memory_space<semaphore_mem>>
        %dma_start3A_114 = arith.constant 0 : i32
        %dma_start3A_115 = tpu.memref_slice %arg8[%select_n3A, %dma_start3A_114] : memref<8x2048xi32, #tpu.memory_space<hbm>> -> memref<1x2048xi32, #tpu.memory_space<hbm>>
        %dma_start3A_116 = tpu.memref_squeeze %dma_start3A_115 : memref<1x2048xi32, #tpu.memory_space<hbm>> -> memref<2048xi32, #tpu.memory_space<hbm>>
        %dma_start3A_117 = arith.constant 0 : i32
        %dma_start3A_118 = tpu.memref_slice %arg8[%select_n3A, %dma_start3A_117] : memref<8x2048xi32, #tpu.memory_space<hbm>> -> memref<1x2048xi32, #tpu.memory_space<hbm>>
        %dma_start3A_119 = tpu.memref_squeeze %dma_start3A_118 : memref<1x2048xi32, #tpu.memory_space<hbm>> -> memref<2048xi32, #tpu.memory_space<hbm>>
        tpu.enqueue_dma source(%arg14 : memref<2048xi32, #tpu.memory_space<vmem>>) target(%dma_start3A_119 : memref<2048xi32, #tpu.memory_space<hbm>>) target_semaphore(%run_scoped3A : memref<!tpu.dma_semaphore, #tpu.memory_space<semaphore_mem>>)
        %dma_wait3A_120 = arith.constant 0 : i32
        %dma_wait3A_121 = tpu.memref_slice %arg8[%select_n3A, %dma_wait3A_120] : memref<8x2048xi32, #tpu.memory_space<hbm>> -> memref<1x2048xi32, #tpu.memory_space<hbm>>
        %dma_wait3A_122 = tpu.memref_squeeze %dma_wait3A_121 : memref<1x2048xi32, #tpu.memory_space<hbm>> -> memref<2048xi32, #tpu.memory_space<hbm>>
        %dma_wait3A_123 = arith.constant 0 : i32
        %dma_wait3A_124 = tpu.memref_slice %arg8[%select_n3A, %dma_wait3A_123] : memref<8x2048xi32, #tpu.memory_space<hbm>> -> memref<1x2048xi32, #tpu.memory_space<hbm>>
        %dma_wait3A_125 = tpu.memref_squeeze %dma_wait3A_124 : memref<1x2048xi32, #tpu.memory_space<hbm>> -> memref<2048xi32, #tpu.memory_space<hbm>>
        tpu.wait_dma2 semaphore(%run_scoped3A : memref<!tpu.dma_semaphore, #tpu.memory_space<semaphore_mem>>) src(%arg14 : memref<2048xi32, #tpu.memory_space<vmem>>) dst(%dma_wait3A_125 : memref<2048xi32, #tpu.memory_space<hbm>>)
        tpu.yield
      }) : () -> ()
    } else {
    }
    return
  }
}

module attributes {stable_mosaic.version = 14 : i64} {
  func.func @_score_body(%arg0: memref<8x16384xi32, #tpu.memory_space<vmem>>, %arg1: memref<8x16384xf32, #tpu.memory_space<vmem>>, %arg2: memref<8x16384xf32, #tpu.memory_space<vmem>>, %arg3: memref<8x16384xi32, #tpu.memory_space<vmem>>) attributes {dimension_semantics = [], scalar_prefetch = 0 : i64, scratch_operands = 0 : i64, tpu.core_type = #tpu.core_type<tc>} {
    %get3A = arith.constant 0 : index
    %get3A_0 = arith.constant 0 : index
    %get3A_1 = vector.load %arg0[%get3A, %get3A_0] : memref<8x16384xi32, #tpu.memory_space<vmem>>, vector<8x16384xi32>
    %get3A_2 = arith.constant 0 : index
    %get3A_3 = arith.constant 0 : index
    %get3A_4 = vector.load %arg1[%get3A_2, %get3A_3] : memref<8x16384xf32, #tpu.memory_space<vmem>>, vector<8x16384xf32>
    %get3A_5 = arith.constant 0 : index
    %get3A_6 = arith.constant 0 : index
    %get3A_7 = vector.load %arg2[%get3A_5, %get3A_6] : memref<8x16384xf32, #tpu.memory_space<vmem>>, vector<8x16384xf32>
    %broadcast_in_dim3A = arith.constant 0.000000e+00 : f32
    %broadcast_in_dim3A_8 = vector.broadcast %broadcast_in_dim3A : f32 to vector<8x16384xf32>
    %eq3A = arith.constant 0 : i32
    %eq3A_9 = vector.broadcast %eq3A : i32 to vector<8x16384xi32>
    %eq3A_10 = arith.cmpi eq, %get3A_1, %eq3A_9 : vector<8x16384xi32>
    %jit3A = arith.constant 1.000000e+00 : f32
    %jit3A_11 = arith.constant 0.000000e+00 : f32
    %broadcast_in_dim3A_12 = vector.broadcast %jit3A : f32 to vector<8x16384xf32>
    %broadcast_in_dim3A_13 = vector.broadcast %jit3A_11 : f32 to vector<8x16384xf32>
    %select_n3A = arith.select %eq3A_10, %broadcast_in_dim3A_12, %broadcast_in_dim3A_13 : vector<8x16384xi1>, vector<8x16384xf32>
    %reduce_sum3A = arith.constant dense<0.000000e+00> : vector<8xf32>
    %reduce_sum3A_14 = vector.multi_reduction <add>, %select_n3A, %reduce_sum3A [1] : vector<8x16384xf32> to vector<8xf32>
    %broadcast_in_dim3A_15 = vector.shape_cast %reduce_sum3A_14 : vector<8xf32> to vector<8x1xf32>
    %jit3A_16 = arith.constant 0.000000e+00 : f32
    %broadcast_in_dim3A_17 = vector.shape_cast %broadcast_in_dim3A_15 : vector<8x1xf32> to vector<8x1xf32>
    %broadcast_in_dim3A_18 = vector.broadcast %broadcast_in_dim3A_17 : vector<8x1xf32> to vector<8x16384xf32>
    %broadcast_in_dim3A_19 = vector.broadcast %jit3A_16 : f32 to vector<8x16384xf32>
    %select_n3A_20 = arith.select %eq3A_10, %broadcast_in_dim3A_18, %broadcast_in_dim3A_19 : vector<8x16384xi1>, vector<8x16384xf32>
    %add3A = arith.addf %broadcast_in_dim3A_8, %select_n3A_20 : vector<8x16384xf32>
    %eq3A_21 = arith.constant 1 : i32
    %eq3A_22 = vector.broadcast %eq3A_21 : i32 to vector<8x16384xi32>
    %eq3A_23 = arith.cmpi eq, %get3A_1, %eq3A_22 : vector<8x16384xi32>
    %jit3A_24 = arith.constant 1.000000e+00 : f32
    %jit3A_25 = arith.constant 0.000000e+00 : f32
    %broadcast_in_dim3A_26 = vector.broadcast %jit3A_24 : f32 to vector<8x16384xf32>
    %broadcast_in_dim3A_27 = vector.broadcast %jit3A_25 : f32 to vector<8x16384xf32>
    %select_n3A_28 = arith.select %eq3A_23, %broadcast_in_dim3A_26, %broadcast_in_dim3A_27 : vector<8x16384xi1>, vector<8x16384xf32>
    %reduce_sum3A_29 = arith.constant dense<0.000000e+00> : vector<8xf32>
    %reduce_sum3A_30 = vector.multi_reduction <add>, %select_n3A_28, %reduce_sum3A_29 [1] : vector<8x16384xf32> to vector<8xf32>
    %broadcast_in_dim3A_31 = vector.shape_cast %reduce_sum3A_30 : vector<8xf32> to vector<8x1xf32>
    %jit3A_32 = arith.constant 0.000000e+00 : f32
    %broadcast_in_dim3A_33 = vector.shape_cast %broadcast_in_dim3A_31 : vector<8x1xf32> to vector<8x1xf32>
    %broadcast_in_dim3A_34 = vector.broadcast %broadcast_in_dim3A_33 : vector<8x1xf32> to vector<8x16384xf32>
    %broadcast_in_dim3A_35 = vector.broadcast %jit3A_32 : f32 to vector<8x16384xf32>
    %select_n3A_36 = arith.select %eq3A_23, %broadcast_in_dim3A_34, %broadcast_in_dim3A_35 : vector<8x16384xi1>, vector<8x16384xf32>
    %add3A_37 = arith.addf %add3A, %select_n3A_36 : vector<8x16384xf32>
    %eq3A_38 = arith.constant 2 : i32
    %eq3A_39 = vector.broadcast %eq3A_38 : i32 to vector<8x16384xi32>
    %eq3A_40 = arith.cmpi eq, %get3A_1, %eq3A_39 : vector<8x16384xi32>
    %jit3A_41 = arith.constant 1.000000e+00 : f32
    %jit3A_42 = arith.constant 0.000000e+00 : f32
    %broadcast_in_dim3A_43 = vector.broadcast %jit3A_41 : f32 to vector<8x16384xf32>
    %broadcast_in_dim3A_44 = vector.broadcast %jit3A_42 : f32 to vector<8x16384xf32>
    %select_n3A_45 = arith.select %eq3A_40, %broadcast_in_dim3A_43, %broadcast_in_dim3A_44 : vector<8x16384xi1>, vector<8x16384xf32>
    %reduce_sum3A_46 = arith.constant dense<0.000000e+00> : vector<8xf32>
    %reduce_sum3A_47 = vector.multi_reduction <add>, %select_n3A_45, %reduce_sum3A_46 [1] : vector<8x16384xf32> to vector<8xf32>
    %broadcast_in_dim3A_48 = vector.shape_cast %reduce_sum3A_47 : vector<8xf32> to vector<8x1xf32>
    %jit3A_49 = arith.constant 0.000000e+00 : f32
    %broadcast_in_dim3A_50 = vector.shape_cast %broadcast_in_dim3A_48 : vector<8x1xf32> to vector<8x1xf32>
    %broadcast_in_dim3A_51 = vector.broadcast %broadcast_in_dim3A_50 : vector<8x1xf32> to vector<8x16384xf32>
    %broadcast_in_dim3A_52 = vector.broadcast %jit3A_49 : f32 to vector<8x16384xf32>
    %select_n3A_53 = arith.select %eq3A_40, %broadcast_in_dim3A_51, %broadcast_in_dim3A_52 : vector<8x16384xi1>, vector<8x16384xf32>
    %add3A_54 = arith.addf %add3A_37, %select_n3A_53 : vector<8x16384xf32>
    %eq3A_55 = arith.constant 3 : i32
    %eq3A_56 = vector.broadcast %eq3A_55 : i32 to vector<8x16384xi32>
    %eq3A_57 = arith.cmpi eq, %get3A_1, %eq3A_56 : vector<8x16384xi32>
    %jit3A_58 = arith.constant 1.000000e+00 : f32
    %jit3A_59 = arith.constant 0.000000e+00 : f32
    %broadcast_in_dim3A_60 = vector.broadcast %jit3A_58 : f32 to vector<8x16384xf32>
    %broadcast_in_dim3A_61 = vector.broadcast %jit3A_59 : f32 to vector<8x16384xf32>
    %select_n3A_62 = arith.select %eq3A_57, %broadcast_in_dim3A_60, %broadcast_in_dim3A_61 : vector<8x16384xi1>, vector<8x16384xf32>
    %reduce_sum3A_63 = arith.constant dense<0.000000e+00> : vector<8xf32>
    %reduce_sum3A_64 = vector.multi_reduction <add>, %select_n3A_62, %reduce_sum3A_63 [1] : vector<8x16384xf32> to vector<8xf32>
    %broadcast_in_dim3A_65 = vector.shape_cast %reduce_sum3A_64 : vector<8xf32> to vector<8x1xf32>
    %jit3A_66 = arith.constant 0.000000e+00 : f32
    %broadcast_in_dim3A_67 = vector.shape_cast %broadcast_in_dim3A_65 : vector<8x1xf32> to vector<8x1xf32>
    %broadcast_in_dim3A_68 = vector.broadcast %broadcast_in_dim3A_67 : vector<8x1xf32> to vector<8x16384xf32>
    %broadcast_in_dim3A_69 = vector.broadcast %jit3A_66 : f32 to vector<8x16384xf32>
    %select_n3A_70 = arith.select %eq3A_57, %broadcast_in_dim3A_68, %broadcast_in_dim3A_69 : vector<8x16384xi1>, vector<8x16384xf32>
    %add3A_71 = arith.addf %add3A_54, %select_n3A_70 : vector<8x16384xf32>
    %eq3A_72 = arith.constant 4 : i32
    %eq3A_73 = vector.broadcast %eq3A_72 : i32 to vector<8x16384xi32>
    %eq3A_74 = arith.cmpi eq, %get3A_1, %eq3A_73 : vector<8x16384xi32>
    %jit3A_75 = arith.constant 1.000000e+00 : f32
    %jit3A_76 = arith.constant 0.000000e+00 : f32
    %broadcast_in_dim3A_77 = vector.broadcast %jit3A_75 : f32 to vector<8x16384xf32>
    %broadcast_in_dim3A_78 = vector.broadcast %jit3A_76 : f32 to vector<8x16384xf32>
    %select_n3A_79 = arith.select %eq3A_74, %broadcast_in_dim3A_77, %broadcast_in_dim3A_78 : vector<8x16384xi1>, vector<8x16384xf32>
    %reduce_sum3A_80 = arith.constant dense<0.000000e+00> : vector<8xf32>
    %reduce_sum3A_81 = vector.multi_reduction <add>, %select_n3A_79, %reduce_sum3A_80 [1] : vector<8x16384xf32> to vector<8xf32>
    %broadcast_in_dim3A_82 = vector.shape_cast %reduce_sum3A_81 : vector<8xf32> to vector<8x1xf32>
    %jit3A_83 = arith.constant 0.000000e+00 : f32
    %broadcast_in_dim3A_84 = vector.shape_cast %broadcast_in_dim3A_82 : vector<8x1xf32> to vector<8x1xf32>
    %broadcast_in_dim3A_85 = vector.broadcast %broadcast_in_dim3A_84 : vector<8x1xf32> to vector<8x16384xf32>
    %broadcast_in_dim3A_86 = vector.broadcast %jit3A_83 : f32 to vector<8x16384xf32>
    %select_n3A_87 = arith.select %eq3A_74, %broadcast_in_dim3A_85, %broadcast_in_dim3A_86 : vector<8x16384xi1>, vector<8x16384xf32>
    %add3A_88 = arith.addf %add3A_71, %select_n3A_87 : vector<8x16384xf32>
    %eq3A_89 = arith.constant 5 : i32
    %eq3A_90 = vector.broadcast %eq3A_89 : i32 to vector<8x16384xi32>
    %eq3A_91 = arith.cmpi eq, %get3A_1, %eq3A_90 : vector<8x16384xi32>
    %jit3A_92 = arith.constant 1.000000e+00 : f32
    %jit3A_93 = arith.constant 0.000000e+00 : f32
    %broadcast_in_dim3A_94 = vector.broadcast %jit3A_92 : f32 to vector<8x16384xf32>
    %broadcast_in_dim3A_95 = vector.broadcast %jit3A_93 : f32 to vector<8x16384xf32>
    %select_n3A_96 = arith.select %eq3A_91, %broadcast_in_dim3A_94, %broadcast_in_dim3A_95 : vector<8x16384xi1>, vector<8x16384xf32>
    %reduce_sum3A_97 = arith.constant dense<0.000000e+00> : vector<8xf32>
    %reduce_sum3A_98 = vector.multi_reduction <add>, %select_n3A_96, %reduce_sum3A_97 [1] : vector<8x16384xf32> to vector<8xf32>
    %broadcast_in_dim3A_99 = vector.shape_cast %reduce_sum3A_98 : vector<8xf32> to vector<8x1xf32>
    %jit3A_100 = arith.constant 0.000000e+00 : f32
    %broadcast_in_dim3A_101 = vector.shape_cast %broadcast_in_dim3A_99 : vector<8x1xf32> to vector<8x1xf32>
    %broadcast_in_dim3A_102 = vector.broadcast %broadcast_in_dim3A_101 : vector<8x1xf32> to vector<8x16384xf32>
    %broadcast_in_dim3A_103 = vector.broadcast %jit3A_100 : f32 to vector<8x16384xf32>
    %select_n3A_104 = arith.select %eq3A_91, %broadcast_in_dim3A_102, %broadcast_in_dim3A_103 : vector<8x16384xi1>, vector<8x16384xf32>
    %add3A_105 = arith.addf %add3A_88, %select_n3A_104 : vector<8x16384xf32>
    %eq3A_106 = arith.constant 6 : i32
    %eq3A_107 = vector.broadcast %eq3A_106 : i32 to vector<8x16384xi32>
    %eq3A_108 = arith.cmpi eq, %get3A_1, %eq3A_107 : vector<8x16384xi32>
    %jit3A_109 = arith.constant 1.000000e+00 : f32
    %jit3A_110 = arith.constant 0.000000e+00 : f32
    %broadcast_in_dim3A_111 = vector.broadcast %jit3A_109 : f32 to vector<8x16384xf32>
    %broadcast_in_dim3A_112 = vector.broadcast %jit3A_110 : f32 to vector<8x16384xf32>
    %select_n3A_113 = arith.select %eq3A_108, %broadcast_in_dim3A_111, %broadcast_in_dim3A_112 : vector<8x16384xi1>, vector<8x16384xf32>
    %reduce_sum3A_114 = arith.constant dense<0.000000e+00> : vector<8xf32>
    %reduce_sum3A_115 = vector.multi_reduction <add>, %select_n3A_113, %reduce_sum3A_114 [1] : vector<8x16384xf32> to vector<8xf32>
    %broadcast_in_dim3A_116 = vector.shape_cast %reduce_sum3A_115 : vector<8xf32> to vector<8x1xf32>
    %jit3A_117 = arith.constant 0.000000e+00 : f32
    %broadcast_in_dim3A_118 = vector.shape_cast %broadcast_in_dim3A_116 : vector<8x1xf32> to vector<8x1xf32>
    %broadcast_in_dim3A_119 = vector.broadcast %broadcast_in_dim3A_118 : vector<8x1xf32> to vector<8x16384xf32>
    %broadcast_in_dim3A_120 = vector.broadcast %jit3A_117 : f32 to vector<8x16384xf32>
    %select_n3A_121 = arith.select %eq3A_108, %broadcast_in_dim3A_119, %broadcast_in_dim3A_120 : vector<8x16384xi1>, vector<8x16384xf32>
    %add3A_122 = arith.addf %add3A_105, %select_n3A_121 : vector<8x16384xf32>
    %eq3A_123 = arith.constant 7 : i32
    %eq3A_124 = vector.broadcast %eq3A_123 : i32 to vector<8x16384xi32>
    %eq3A_125 = arith.cmpi eq, %get3A_1, %eq3A_124 : vector<8x16384xi32>
    %jit3A_126 = arith.constant 1.000000e+00 : f32
    %jit3A_127 = arith.constant 0.000000e+00 : f32
    %broadcast_in_dim3A_128 = vector.broadcast %jit3A_126 : f32 to vector<8x16384xf32>
    %broadcast_in_dim3A_129 = vector.broadcast %jit3A_127 : f32 to vector<8x16384xf32>
    %select_n3A_130 = arith.select %eq3A_125, %broadcast_in_dim3A_128, %broadcast_in_dim3A_129 : vector<8x16384xi1>, vector<8x16384xf32>
    %reduce_sum3A_131 = arith.constant dense<0.000000e+00> : vector<8xf32>
    %reduce_sum3A_132 = vector.multi_reduction <add>, %select_n3A_130, %reduce_sum3A_131 [1] : vector<8x16384xf32> to vector<8xf32>
    %broadcast_in_dim3A_133 = vector.shape_cast %reduce_sum3A_132 : vector<8xf32> to vector<8x1xf32>
    %jit3A_134 = arith.constant 0.000000e+00 : f32
    %broadcast_in_dim3A_135 = vector.shape_cast %broadcast_in_dim3A_133 : vector<8x1xf32> to vector<8x1xf32>
    %broadcast_in_dim3A_136 = vector.broadcast %broadcast_in_dim3A_135 : vector<8x1xf32> to vector<8x16384xf32>
    %broadcast_in_dim3A_137 = vector.broadcast %jit3A_134 : f32 to vector<8x16384xf32>
    %select_n3A_138 = arith.select %eq3A_125, %broadcast_in_dim3A_136, %broadcast_in_dim3A_137 : vector<8x16384xi1>, vector<8x16384xf32>
    %add3A_139 = arith.addf %add3A_122, %select_n3A_138 : vector<8x16384xf32>
    %eq3A_140 = arith.constant 8 : i32
    %eq3A_141 = vector.broadcast %eq3A_140 : i32 to vector<8x16384xi32>
    %eq3A_142 = arith.cmpi eq, %get3A_1, %eq3A_141 : vector<8x16384xi32>
    %jit3A_143 = arith.constant 1.000000e+00 : f32
    %jit3A_144 = arith.constant 0.000000e+00 : f32
    %broadcast_in_dim3A_145 = vector.broadcast %jit3A_143 : f32 to vector<8x16384xf32>
    %broadcast_in_dim3A_146 = vector.broadcast %jit3A_144 : f32 to vector<8x16384xf32>
    %select_n3A_147 = arith.select %eq3A_142, %broadcast_in_dim3A_145, %broadcast_in_dim3A_146 : vector<8x16384xi1>, vector<8x16384xf32>
    %reduce_sum3A_148 = arith.constant dense<0.000000e+00> : vector<8xf32>
    %reduce_sum3A_149 = vector.multi_reduction <add>, %select_n3A_147, %reduce_sum3A_148 [1] : vector<8x16384xf32> to vector<8xf32>
    %broadcast_in_dim3A_150 = vector.shape_cast %reduce_sum3A_149 : vector<8xf32> to vector<8x1xf32>
    %jit3A_151 = arith.constant 0.000000e+00 : f32
    %broadcast_in_dim3A_152 = vector.shape_cast %broadcast_in_dim3A_150 : vector<8x1xf32> to vector<8x1xf32>
    %broadcast_in_dim3A_153 = vector.broadcast %broadcast_in_dim3A_152 : vector<8x1xf32> to vector<8x16384xf32>
    %broadcast_in_dim3A_154 = vector.broadcast %jit3A_151 : f32 to vector<8x16384xf32>
    %select_n3A_155 = arith.select %eq3A_142, %broadcast_in_dim3A_153, %broadcast_in_dim3A_154 : vector<8x16384xi1>, vector<8x16384xf32>
    %add3A_156 = arith.addf %add3A_139, %select_n3A_155 : vector<8x16384xf32>
    %eq3A_157 = arith.constant 9 : i32
    %eq3A_158 = vector.broadcast %eq3A_157 : i32 to vector<8x16384xi32>
    %eq3A_159 = arith.cmpi eq, %get3A_1, %eq3A_158 : vector<8x16384xi32>
    %jit3A_160 = arith.constant 1.000000e+00 : f32
    %jit3A_161 = arith.constant 0.000000e+00 : f32
    %broadcast_in_dim3A_162 = vector.broadcast %jit3A_160 : f32 to vector<8x16384xf32>
    %broadcast_in_dim3A_163 = vector.broadcast %jit3A_161 : f32 to vector<8x16384xf32>
    %select_n3A_164 = arith.select %eq3A_159, %broadcast_in_dim3A_162, %broadcast_in_dim3A_163 : vector<8x16384xi1>, vector<8x16384xf32>
    %reduce_sum3A_165 = arith.constant dense<0.000000e+00> : vector<8xf32>
    %reduce_sum3A_166 = vector.multi_reduction <add>, %select_n3A_164, %reduce_sum3A_165 [1] : vector<8x16384xf32> to vector<8xf32>
    %broadcast_in_dim3A_167 = vector.shape_cast %reduce_sum3A_166 : vector<8xf32> to vector<8x1xf32>
    %jit3A_168 = arith.constant 0.000000e+00 : f32
    %broadcast_in_dim3A_169 = vector.shape_cast %broadcast_in_dim3A_167 : vector<8x1xf32> to vector<8x1xf32>
    %broadcast_in_dim3A_170 = vector.broadcast %broadcast_in_dim3A_169 : vector<8x1xf32> to vector<8x16384xf32>
    %broadcast_in_dim3A_171 = vector.broadcast %jit3A_168 : f32 to vector<8x16384xf32>
    %select_n3A_172 = arith.select %eq3A_159, %broadcast_in_dim3A_170, %broadcast_in_dim3A_171 : vector<8x16384xi1>, vector<8x16384xf32>
    %add3A_173 = arith.addf %add3A_156, %select_n3A_172 : vector<8x16384xf32>
    %eq3A_174 = arith.constant 10 : i32
    %eq3A_175 = vector.broadcast %eq3A_174 : i32 to vector<8x16384xi32>
    %eq3A_176 = arith.cmpi eq, %get3A_1, %eq3A_175 : vector<8x16384xi32>
    %jit3A_177 = arith.constant 1.000000e+00 : f32
    %jit3A_178 = arith.constant 0.000000e+00 : f32
    %broadcast_in_dim3A_179 = vector.broadcast %jit3A_177 : f32 to vector<8x16384xf32>
    %broadcast_in_dim3A_180 = vector.broadcast %jit3A_178 : f32 to vector<8x16384xf32>
    %select_n3A_181 = arith.select %eq3A_176, %broadcast_in_dim3A_179, %broadcast_in_dim3A_180 : vector<8x16384xi1>, vector<8x16384xf32>
    %reduce_sum3A_182 = arith.constant dense<0.000000e+00> : vector<8xf32>
    %reduce_sum3A_183 = vector.multi_reduction <add>, %select_n3A_181, %reduce_sum3A_182 [1] : vector<8x16384xf32> to vector<8xf32>
    %broadcast_in_dim3A_184 = vector.shape_cast %reduce_sum3A_183 : vector<8xf32> to vector<8x1xf32>
    %jit3A_185 = arith.constant 0.000000e+00 : f32
    %broadcast_in_dim3A_186 = vector.shape_cast %broadcast_in_dim3A_184 : vector<8x1xf32> to vector<8x1xf32>
    %broadcast_in_dim3A_187 = vector.broadcast %broadcast_in_dim3A_186 : vector<8x1xf32> to vector<8x16384xf32>
    %broadcast_in_dim3A_188 = vector.broadcast %jit3A_185 : f32 to vector<8x16384xf32>
    %select_n3A_189 = arith.select %eq3A_176, %broadcast_in_dim3A_187, %broadcast_in_dim3A_188 : vector<8x16384xi1>, vector<8x16384xf32>
    %add3A_190 = arith.addf %add3A_173, %select_n3A_189 : vector<8x16384xf32>
    %eq3A_191 = arith.constant 11 : i32
    %eq3A_192 = vector.broadcast %eq3A_191 : i32 to vector<8x16384xi32>
    %eq3A_193 = arith.cmpi eq, %get3A_1, %eq3A_192 : vector<8x16384xi32>
    %jit3A_194 = arith.constant 1.000000e+00 : f32
    %jit3A_195 = arith.constant 0.000000e+00 : f32
    %broadcast_in_dim3A_196 = vector.broadcast %jit3A_194 : f32 to vector<8x16384xf32>
    %broadcast_in_dim3A_197 = vector.broadcast %jit3A_195 : f32 to vector<8x16384xf32>
    %select_n3A_198 = arith.select %eq3A_193, %broadcast_in_dim3A_196, %broadcast_in_dim3A_197 : vector<8x16384xi1>, vector<8x16384xf32>
    %reduce_sum3A_199 = arith.constant dense<0.000000e+00> : vector<8xf32>
    %reduce_sum3A_200 = vector.multi_reduction <add>, %select_n3A_198, %reduce_sum3A_199 [1] : vector<8x16384xf32> to vector<8xf32>
    %broadcast_in_dim3A_201 = vector.shape_cast %reduce_sum3A_200 : vector<8xf32> to vector<8x1xf32>
    %jit3A_202 = arith.constant 0.000000e+00 : f32
    %broadcast_in_dim3A_203 = vector.shape_cast %broadcast_in_dim3A_201 : vector<8x1xf32> to vector<8x1xf32>
    %broadcast_in_dim3A_204 = vector.broadcast %broadcast_in_dim3A_203 : vector<8x1xf32> to vector<8x16384xf32>
    %broadcast_in_dim3A_205 = vector.broadcast %jit3A_202 : f32 to vector<8x16384xf32>
    %select_n3A_206 = arith.select %eq3A_193, %broadcast_in_dim3A_204, %broadcast_in_dim3A_205 : vector<8x16384xi1>, vector<8x16384xf32>
    %add3A_207 = arith.addf %add3A_190, %select_n3A_206 : vector<8x16384xf32>
    %eq3A_208 = arith.constant 12 : i32
    %eq3A_209 = vector.broadcast %eq3A_208 : i32 to vector<8x16384xi32>
    %eq3A_210 = arith.cmpi eq, %get3A_1, %eq3A_209 : vector<8x16384xi32>
    %jit3A_211 = arith.constant 1.000000e+00 : f32
    %jit3A_212 = arith.constant 0.000000e+00 : f32
    %broadcast_in_dim3A_213 = vector.broadcast %jit3A_211 : f32 to vector<8x16384xf32>
    %broadcast_in_dim3A_214 = vector.broadcast %jit3A_212 : f32 to vector<8x16384xf32>
    %select_n3A_215 = arith.select %eq3A_210, %broadcast_in_dim3A_213, %broadcast_in_dim3A_214 : vector<8x16384xi1>, vector<8x16384xf32>
    %reduce_sum3A_216 = arith.constant dense<0.000000e+00> : vector<8xf32>
    %reduce_sum3A_217 = vector.multi_reduction <add>, %select_n3A_215, %reduce_sum3A_216 [1] : vector<8x16384xf32> to vector<8xf32>
    %broadcast_in_dim3A_218 = vector.shape_cast %reduce_sum3A_217 : vector<8xf32> to vector<8x1xf32>
    %jit3A_219 = arith.constant 0.000000e+00 : f32
    %broadcast_in_dim3A_220 = vector.shape_cast %broadcast_in_dim3A_218 : vector<8x1xf32> to vector<8x1xf32>
    %broadcast_in_dim3A_221 = vector.broadcast %broadcast_in_dim3A_220 : vector<8x1xf32> to vector<8x16384xf32>
    %broadcast_in_dim3A_222 = vector.broadcast %jit3A_219 : f32 to vector<8x16384xf32>
    %select_n3A_223 = arith.select %eq3A_210, %broadcast_in_dim3A_221, %broadcast_in_dim3A_222 : vector<8x16384xi1>, vector<8x16384xf32>
    %add3A_224 = arith.addf %add3A_207, %select_n3A_223 : vector<8x16384xf32>
    %eq3A_225 = arith.constant 13 : i32
    %eq3A_226 = vector.broadcast %eq3A_225 : i32 to vector<8x16384xi32>
    %eq3A_227 = arith.cmpi eq, %get3A_1, %eq3A_226 : vector<8x16384xi32>
    %jit3A_228 = arith.constant 1.000000e+00 : f32
    %jit3A_229 = arith.constant 0.000000e+00 : f32
    %broadcast_in_dim3A_230 = vector.broadcast %jit3A_228 : f32 to vector<8x16384xf32>
    %broadcast_in_dim3A_231 = vector.broadcast %jit3A_229 : f32 to vector<8x16384xf32>
    %select_n3A_232 = arith.select %eq3A_227, %broadcast_in_dim3A_230, %broadcast_in_dim3A_231 : vector<8x16384xi1>, vector<8x16384xf32>
    %reduce_sum3A_233 = arith.constant dense<0.000000e+00> : vector<8xf32>
    %reduce_sum3A_234 = vector.multi_reduction <add>, %select_n3A_232, %reduce_sum3A_233 [1] : vector<8x16384xf32> to vector<8xf32>
    %broadcast_in_dim3A_235 = vector.shape_cast %reduce_sum3A_234 : vector<8xf32> to vector<8x1xf32>
    %jit3A_236 = arith.constant 0.000000e+00 : f32
    %broadcast_in_dim3A_237 = vector.shape_cast %broadcast_in_dim3A_235 : vector<8x1xf32> to vector<8x1xf32>
    %broadcast_in_dim3A_238 = vector.broadcast %broadcast_in_dim3A_237 : vector<8x1xf32> to vector<8x16384xf32>
    %broadcast_in_dim3A_239 = vector.broadcast %jit3A_236 : f32 to vector<8x16384xf32>
    %select_n3A_240 = arith.select %eq3A_227, %broadcast_in_dim3A_238, %broadcast_in_dim3A_239 : vector<8x16384xi1>, vector<8x16384xf32>
    %add3A_241 = arith.addf %add3A_224, %select_n3A_240 : vector<8x16384xf32>
    %eq3A_242 = arith.constant 14 : i32
    %eq3A_243 = vector.broadcast %eq3A_242 : i32 to vector<8x16384xi32>
    %eq3A_244 = arith.cmpi eq, %get3A_1, %eq3A_243 : vector<8x16384xi32>
    %jit3A_245 = arith.constant 1.000000e+00 : f32
    %jit3A_246 = arith.constant 0.000000e+00 : f32
    %broadcast_in_dim3A_247 = vector.broadcast %jit3A_245 : f32 to vector<8x16384xf32>
    %broadcast_in_dim3A_248 = vector.broadcast %jit3A_246 : f32 to vector<8x16384xf32>
    %select_n3A_249 = arith.select %eq3A_244, %broadcast_in_dim3A_247, %broadcast_in_dim3A_248 : vector<8x16384xi1>, vector<8x16384xf32>
    %reduce_sum3A_250 = arith.constant dense<0.000000e+00> : vector<8xf32>
    %reduce_sum3A_251 = vector.multi_reduction <add>, %select_n3A_249, %reduce_sum3A_250 [1] : vector<8x16384xf32> to vector<8xf32>
    %broadcast_in_dim3A_252 = vector.shape_cast %reduce_sum3A_251 : vector<8xf32> to vector<8x1xf32>
    %jit3A_253 = arith.constant 0.000000e+00 : f32
    %broadcast_in_dim3A_254 = vector.shape_cast %broadcast_in_dim3A_252 : vector<8x1xf32> to vector<8x1xf32>
    %broadcast_in_dim3A_255 = vector.broadcast %broadcast_in_dim3A_254 : vector<8x1xf32> to vector<8x16384xf32>
    %broadcast_in_dim3A_256 = vector.broadcast %jit3A_253 : f32 to vector<8x16384xf32>
    %select_n3A_257 = arith.select %eq3A_244, %broadcast_in_dim3A_255, %broadcast_in_dim3A_256 : vector<8x16384xi1>, vector<8x16384xf32>
    %add3A_258 = arith.addf %add3A_241, %select_n3A_257 : vector<8x16384xf32>
    %eq3A_259 = arith.constant 15 : i32
    %eq3A_260 = vector.broadcast %eq3A_259 : i32 to vector<8x16384xi32>
    %eq3A_261 = arith.cmpi eq, %get3A_1, %eq3A_260 : vector<8x16384xi32>
    %jit3A_262 = arith.constant 1.000000e+00 : f32
    %jit3A_263 = arith.constant 0.000000e+00 : f32
    %broadcast_in_dim3A_264 = vector.broadcast %jit3A_262 : f32 to vector<8x16384xf32>
    %broadcast_in_dim3A_265 = vector.broadcast %jit3A_263 : f32 to vector<8x16384xf32>
    %select_n3A_266 = arith.select %eq3A_261, %broadcast_in_dim3A_264, %broadcast_in_dim3A_265 : vector<8x16384xi1>, vector<8x16384xf32>
    %reduce_sum3A_267 = arith.constant dense<0.000000e+00> : vector<8xf32>
    %reduce_sum3A_268 = vector.multi_reduction <add>, %select_n3A_266, %reduce_sum3A_267 [1] : vector<8x16384xf32> to vector<8xf32>
    %broadcast_in_dim3A_269 = vector.shape_cast %reduce_sum3A_268 : vector<8xf32> to vector<8x1xf32>
    %jit3A_270 = arith.constant 0.000000e+00 : f32
    %broadcast_in_dim3A_271 = vector.shape_cast %broadcast_in_dim3A_269 : vector<8x1xf32> to vector<8x1xf32>
    %broadcast_in_dim3A_272 = vector.broadcast %broadcast_in_dim3A_271 : vector<8x1xf32> to vector<8x16384xf32>
    %broadcast_in_dim3A_273 = vector.broadcast %jit3A_270 : f32 to vector<8x16384xf32>
    %select_n3A_274 = arith.select %eq3A_261, %broadcast_in_dim3A_272, %broadcast_in_dim3A_273 : vector<8x16384xi1>, vector<8x16384xf32>
    %add3A_275 = arith.addf %add3A_258, %select_n3A_274 : vector<8x16384xf32>
    %eq3A_276 = arith.constant 16 : i32
    %eq3A_277 = vector.broadcast %eq3A_276 : i32 to vector<8x16384xi32>
    %eq3A_278 = arith.cmpi eq, %get3A_1, %eq3A_277 : vector<8x16384xi32>
    %jit3A_279 = arith.constant 1.000000e+00 : f32
    %jit3A_280 = arith.constant 0.000000e+00 : f32
    %broadcast_in_dim3A_281 = vector.broadcast %jit3A_279 : f32 to vector<8x16384xf32>
    %broadcast_in_dim3A_282 = vector.broadcast %jit3A_280 : f32 to vector<8x16384xf32>
    %select_n3A_283 = arith.select %eq3A_278, %broadcast_in_dim3A_281, %broadcast_in_dim3A_282 : vector<8x16384xi1>, vector<8x16384xf32>
    %reduce_sum3A_284 = arith.constant dense<0.000000e+00> : vector<8xf32>
    %reduce_sum3A_285 = vector.multi_reduction <add>, %select_n3A_283, %reduce_sum3A_284 [1] : vector<8x16384xf32> to vector<8xf32>
    %broadcast_in_dim3A_286 = vector.shape_cast %reduce_sum3A_285 : vector<8xf32> to vector<8x1xf32>
    %jit3A_287 = arith.constant 0.000000e+00 : f32
    %broadcast_in_dim3A_288 = vector.shape_cast %broadcast_in_dim3A_286 : vector<8x1xf32> to vector<8x1xf32>
    %broadcast_in_dim3A_289 = vector.broadcast %broadcast_in_dim3A_288 : vector<8x1xf32> to vector<8x16384xf32>
    %broadcast_in_dim3A_290 = vector.broadcast %jit3A_287 : f32 to vector<8x16384xf32>
    %select_n3A_291 = arith.select %eq3A_278, %broadcast_in_dim3A_289, %broadcast_in_dim3A_290 : vector<8x16384xi1>, vector<8x16384xf32>
    %add3A_292 = arith.addf %add3A_275, %select_n3A_291 : vector<8x16384xf32>
    %eq3A_293 = arith.constant 17 : i32
    %eq3A_294 = vector.broadcast %eq3A_293 : i32 to vector<8x16384xi32>
    %eq3A_295 = arith.cmpi eq, %get3A_1, %eq3A_294 : vector<8x16384xi32>
    %jit3A_296 = arith.constant 1.000000e+00 : f32
    %jit3A_297 = arith.constant 0.000000e+00 : f32
    %broadcast_in_dim3A_298 = vector.broadcast %jit3A_296 : f32 to vector<8x16384xf32>
    %broadcast_in_dim3A_299 = vector.broadcast %jit3A_297 : f32 to vector<8x16384xf32>
    %select_n3A_300 = arith.select %eq3A_295, %broadcast_in_dim3A_298, %broadcast_in_dim3A_299 : vector<8x16384xi1>, vector<8x16384xf32>
    %reduce_sum3A_301 = arith.constant dense<0.000000e+00> : vector<8xf32>
    %reduce_sum3A_302 = vector.multi_reduction <add>, %select_n3A_300, %reduce_sum3A_301 [1] : vector<8x16384xf32> to vector<8xf32>
    %broadcast_in_dim3A_303 = vector.shape_cast %reduce_sum3A_302 : vector<8xf32> to vector<8x1xf32>
    %jit3A_304 = arith.constant 0.000000e+00 : f32
    %broadcast_in_dim3A_305 = vector.shape_cast %broadcast_in_dim3A_303 : vector<8x1xf32> to vector<8x1xf32>
    %broadcast_in_dim3A_306 = vector.broadcast %broadcast_in_dim3A_305 : vector<8x1xf32> to vector<8x16384xf32>
    %broadcast_in_dim3A_307 = vector.broadcast %jit3A_304 : f32 to vector<8x16384xf32>
    %select_n3A_308 = arith.select %eq3A_295, %broadcast_in_dim3A_306, %broadcast_in_dim3A_307 : vector<8x16384xi1>, vector<8x16384xf32>
    %add3A_309 = arith.addf %add3A_292, %select_n3A_308 : vector<8x16384xf32>
    %eq3A_310 = arith.constant 18 : i32
    %eq3A_311 = vector.broadcast %eq3A_310 : i32 to vector<8x16384xi32>
    %eq3A_312 = arith.cmpi eq, %get3A_1, %eq3A_311 : vector<8x16384xi32>
    %jit3A_313 = arith.constant 1.000000e+00 : f32
    %jit3A_314 = arith.constant 0.000000e+00 : f32
    %broadcast_in_dim3A_315 = vector.broadcast %jit3A_313 : f32 to vector<8x16384xf32>
    %broadcast_in_dim3A_316 = vector.broadcast %jit3A_314 : f32 to vector<8x16384xf32>
    %select_n3A_317 = arith.select %eq3A_312, %broadcast_in_dim3A_315, %broadcast_in_dim3A_316 : vector<8x16384xi1>, vector<8x16384xf32>
    %reduce_sum3A_318 = arith.constant dense<0.000000e+00> : vector<8xf32>
    %reduce_sum3A_319 = vector.multi_reduction <add>, %select_n3A_317, %reduce_sum3A_318 [1] : vector<8x16384xf32> to vector<8xf32>
    %broadcast_in_dim3A_320 = vector.shape_cast %reduce_sum3A_319 : vector<8xf32> to vector<8x1xf32>
    %jit3A_321 = arith.constant 0.000000e+00 : f32
    %broadcast_in_dim3A_322 = vector.shape_cast %broadcast_in_dim3A_320 : vector<8x1xf32> to vector<8x1xf32>
    %broadcast_in_dim3A_323 = vector.broadcast %broadcast_in_dim3A_322 : vector<8x1xf32> to vector<8x16384xf32>
    %broadcast_in_dim3A_324 = vector.broadcast %jit3A_321 : f32 to vector<8x16384xf32>
    %select_n3A_325 = arith.select %eq3A_312, %broadcast_in_dim3A_323, %broadcast_in_dim3A_324 : vector<8x16384xi1>, vector<8x16384xf32>
    %add3A_326 = arith.addf %add3A_309, %select_n3A_325 : vector<8x16384xf32>
    %eq3A_327 = arith.constant 19 : i32
    %eq3A_328 = vector.broadcast %eq3A_327 : i32 to vector<8x16384xi32>
    %eq3A_329 = arith.cmpi eq, %get3A_1, %eq3A_328 : vector<8x16384xi32>
    %jit3A_330 = arith.constant 1.000000e+00 : f32
    %jit3A_331 = arith.constant 0.000000e+00 : f32
    %broadcast_in_dim3A_332 = vector.broadcast %jit3A_330 : f32 to vector<8x16384xf32>
    %broadcast_in_dim3A_333 = vector.broadcast %jit3A_331 : f32 to vector<8x16384xf32>
    %select_n3A_334 = arith.select %eq3A_329, %broadcast_in_dim3A_332, %broadcast_in_dim3A_333 : vector<8x16384xi1>, vector<8x16384xf32>
    %reduce_sum3A_335 = arith.constant dense<0.000000e+00> : vector<8xf32>
    %reduce_sum3A_336 = vector.multi_reduction <add>, %select_n3A_334, %reduce_sum3A_335 [1] : vector<8x16384xf32> to vector<8xf32>
    %broadcast_in_dim3A_337 = vector.shape_cast %reduce_sum3A_336 : vector<8xf32> to vector<8x1xf32>
    %jit3A_338 = arith.constant 0.000000e+00 : f32
    %broadcast_in_dim3A_339 = vector.shape_cast %broadcast_in_dim3A_337 : vector<8x1xf32> to vector<8x1xf32>
    %broadcast_in_dim3A_340 = vector.broadcast %broadcast_in_dim3A_339 : vector<8x1xf32> to vector<8x16384xf32>
    %broadcast_in_dim3A_341 = vector.broadcast %jit3A_338 : f32 to vector<8x16384xf32>
    %select_n3A_342 = arith.select %eq3A_329, %broadcast_in_dim3A_340, %broadcast_in_dim3A_341 : vector<8x16384xi1>, vector<8x16384xf32>
    %add3A_343 = arith.addf %add3A_326, %select_n3A_342 : vector<8x16384xf32>
    %mul3A = arith.mulf %add3A_343, %get3A_4 : vector<8x16384xf32>
    %add3A_344 = arith.constant 9.99999996E-13 : f32
    %add3A_345 = vector.broadcast %add3A_344 : f32 to vector<8x16384xf32>
    %add3A_346 = arith.addf %mul3A, %add3A_345 : vector<8x16384xf32>
    %log3A = math.log %add3A_346 : vector<8x16384xf32>
    %add3A_347 = arith.addf %log3A, %get3A_7 : vector<8x16384xf32>
    %bitcast_convert_type3A = tpu.bitcast %add3A_347 : vector<8x16384xf32> -> vector<8x16384xi32>
    %ge3A = arith.constant -2147483648 : i32
    %ge3A_348 = vector.broadcast %ge3A : i32 to vector<8x16384xi32>
    %ge3A_349 = arith.cmpi uge, %bitcast_convert_type3A, %ge3A_348 : vector<8x16384xi32>
    %jit3A_350 = arith.constant -1 : i32
    %jit3A_351 = arith.constant -2147483648 : i32
    %broadcast_in_dim3A_352 = vector.broadcast %jit3A_350 : i32 to vector<8x16384xi32>
    %broadcast_in_dim3A_353 = vector.broadcast %jit3A_351 : i32 to vector<8x16384xi32>
    %select_n3A_354 = arith.select %ge3A_349, %broadcast_in_dim3A_352, %broadcast_in_dim3A_353 : vector<8x16384xi1>, vector<8x16384xi32>
    %xor3A = arith.xori %bitcast_convert_type3A, %select_n3A_354 : vector<8x16384xi32>
    %xor3A_355 = arith.constant -1 : i32
    %xor3A_356 = vector.broadcast %xor3A_355 : i32 to vector<8x16384xi32>
    %xor3A_357 = arith.xori %xor3A, %xor3A_356 : vector<8x16384xi32>
    %bitcast_convert_type3A_358 = tpu.bitcast %xor3A_357 : vector<8x16384xi32> -> vector<8x16384xi32>
    %swap3A = arith.constant 0 : index
    %swap3A_359 = arith.constant 0 : index
    %swap3A_360 = vector.load %arg3[%swap3A, %swap3A_359] : memref<8x16384xi32, #tpu.memory_space<vmem>>, vector<8x16384xi32>
    tpu.vector_store %arg3[%swap3A, %swap3A_359], %bitcast_convert_type3A_358 {strides = array<i32>} : memref<8x16384xi32, #tpu.memory_space<vmem>>, vector<8x16384xi32>,
    return
  }
}

</mosaic_0001>

<sc_bundles>
// kernel: kernel.5.cloned.1.call-start
scs
__scs_entry_jumppad:
0x0: {  	(pc) =	sbr.rel $0x88, $3  }
0x1: {  	(tag) =	ssettag $0x0;
	lr =	simm.s32 $0x1  }
0x2: {  	[smem:$0x3F9D] =	sst lr;
	_ =	strace $0xD0000000  }
0x3: {  	_ = 	snop  }
0x4: {  	_ = 	snop  }
0x5: {  	_ = 	snop  }
0x6: {  	_ = 	snop  }
0x7: {  	_ = 	snop  }
__scs_overlays_trampoline_lowered:
0x8: {  	[smem:$0x3FAC] =	sst s0  }
0x9: {  	[smem:$0x3FAD] =	sst s1  }
0xa: {  	[smem:$0x3FAE] =	sst s2  }
0xb: {  	[smem:$0x3FAF] =	sst s3  }
0xc: {  	[smem:$0x3FB0] =	sst s4  }
0xd: {  	[smem:$0x3FB1] =	sst s5  }
0xe: {  	[smem:$0x3FB2] =	sst s6  }
0xf: {  	[smem:$0x3FB3] =	sst s7  }
0x10: {  	[smem:$0x3FB4] =	sst s8  }
0x11: {  	[smem:$0x3FB5] =	sst s9;
	s0 =	simm.s32 @!p0 $0x0  }
0x12: {  	s1 =	sld [smem:$0x3F9B];
	s0 =	simm.s32 @p0 $0x1  }
0x13: {  	[smem:$0x3FB6] =	sst s0;
	s0 =	simm.s32 @!p1 $0x0  }
0x14: {  	s2 =	sld [smem:$0x3F9A];
	s0 =	simm.s32 @p1 $0x1  }
0x15: {  	[smem:$0x3FB7] =	sst s0;
	s0 =	simm.s32 @!p2 $0x0  }
0x16: {  	s3 =	sld [smem:$0x3FDB];
	s0 =	simm.s32 @p2 $0x1  }
0x17: {  	s4 =	simm.s32 $0x1BF5;
	[smem:$0x3FB9] =	sst s0  }
0x18: {  	s0 =	sld [smem:$0x3F9C];
	_ =	swait.ge [sflag:s4], $0x0  }
0x19: {  	s7 =	sld [smem:$0x3F9D]  }
0x1a: {  	s8 =	sadd.s32 $0xFFFFE003, lr  }
0x1b: {  	s9 =	sadd.s32 $0xFFFFFEF7, lr;
	s5 =	simm.s32 $0xFFFFFFFF;
	p2 =	slt.u32 s8, $0xFFFFF086  }
0x1c: {  	p1 =	slt.u32 s9, $0xF7A;
	s5 =	simm.s32 @!p2 $0x0  }
0x1d: {  	s5 =	simm.s32 @p1 $0x1;
	p0 =	seq.s32 s7, s2  }
0x1e: {  	s7 =	smul.u32 @!p0 $0xF7A, s2;
	p2 =	seq.s32 @!p0 s5, $0x0  }
0x1f: {  	s9 =	smul.u32 $0xF7A, s1;
	s8 =	simm.s32 @!p0 $0x1BF5;
	p2 =	por !p2, p0  }
0x20: {  	[sflag:s8] =	ssyncset.s32 @!p0 $0xFFFFF086;
	s6 =	sadd.s32 @!p0 s3, s7;
	s7 =	simm.s32 @!p0 $0x108  }
0x21: {  	s3 =	sadd.s32 s3, s9;
	s6 =	sadd.s32 @!p0 $0x88, s6;
	s7 =	simm.s32 @p2 $0x1082  }
0x22: {  	[simem:s7], [sflag:s8] =	dma.local @!p0 [hbm:s6], $0xF7A  }
0x23: {  	s9 =	sor.u32 $0xD0000000, s2;
	s6 =	simm.s32 $0x108;
	_ =	swait.ge @!p0 [sflag:s8], $0x0  }
0x24: {  	s3 =	sadd.s32 $0x88, s3;
	s6 =	simm.s32 @!p1 $0x1082;
	[sflag:s4] =	ssyncset.s32 $0xFFFFF086  }
0x25: {  	[simem:s6], [sflag:s4] =	dma.local [hbm:s3], $0xF7A  }
0x26: {  	[smem:$0x3F9D] =	sst s1;
	(tag) =	ssettag s2;
	_ =	strace s9  }
0x27: {  	s1 =	sld [smem:$0x3FAD]  }
0x28: {  	s2 =	sld [smem:$0x3FAE]  }
0x29: {  	s4 =	sld [smem:$0x3FB0]  }
0x2a: {  	p0 =	seq.s32 s5, $0x0;
	s5 =	sld [smem:$0x3FB1]  }
0x2b: {  	s6 =	sld [smem:$0x3FB2]  }
0x2c: {  	s7 =	sld [smem:$0x3FB3]  }
0x2d: {  	s3 =	simm.s32 $0x108;
	s8 =	sld [smem:$0x3FB4]  }
0x2e: {  	s3 =	simm.s32 @!p0 $0x1082;
	s9 =	sld [smem:$0x3FB5]  }
0x2f: {  	lr =	sadd.s32 s0, s3;
	s0 =	sld [smem:$0x3FAC]  }
0x30: {  	s3 =	sld [smem:$0x3FAF]  }
0x31: {  	[smem:$0x3FB8] =	sst s10  }
0x32: {  	s10 =	sld [smem:$0x3FB6];
	_ =	sdelay $0x3  }
0x33: {  	p0 =	seq.s32 s10, $0x1;
	s10 =	sld [smem:$0x3FB8];
	_ =	sdelay $0x3  }
0x34: {  	[smem:$0x3FB8] =	sst s10  }
0x35: {  	s10 =	sld [smem:$0x3FB7];
	_ =	sdelay $0x3  }
0x36: {  	p1 =	seq.s32 s10, $0x1;
	s10 =	sld [smem:$0x3FB8];
	_ =	sdelay $0x3  }
0x37: {  	[smem:$0x3FB8] =	sst s10  }
0x38: {  	s10 =	sld [smem:$0x3FB9]  }
0x39: {  	_ = 	snop;
	(pc) =	sbr.ind lr, $3  }
0x3a: {  	_ = 	snop  }
0x3b: {  	_ = 	snop  }
0x3c: {  	p2 =	seq.s32 s10, $0x1;
	s10 =	sld [smem:$0x3FB8]  }
0x3d: {  	_ =	shalt  }
0x3e: {  	_ =	shalt  }
0x3f: {  	_ =	shalt  }
0x40: {  	_ =	shalt  }
0x41: {  	_ =	shalt  }
0x42: {  	_ =	shalt  }
0x43: {  	_ =	shalt  }
0x44: {  	_ =	shalt  }
0x45: {  	_ =	shalt  }
0x46: {  	_ =	shalt  }
0x47: {  	_ =	shalt  }
0x48: {  	_ =	shalt  }
0x49: {  	_ =	shalt  }
0x4a: {  	_ =	shalt  }
0x4b: {  	_ =	shalt  }
0x4c: {  	_ =	shalt  }
0x4d: {  	_ =	shalt  }
0x4e: {  	_ =	shalt  }
0x4f: {  	_ =	shalt  }
0x50: {  	_ =	shalt  }
0x51: {  	_ =	shalt  }
0x52: {  	_ =	shalt  }
0x53: {  	_ =	shalt  }
0x54: {  	_ =	shalt  }
0x55: {  	_ =	shalt  }
0x56: {  	_ =	shalt  }
0x57: {  	_ =	shalt  }
0x58: {  	_ =	shalt  }
0x59: {  	_ =	shalt  }
0x5a: {  	_ =	shalt  }
0x5b: {  	_ =	shalt  }
0x5c: {  	_ =	shalt  }
0x5d: {  	_ =	shalt  }
0x5e: {  	_ =	shalt  }
0x5f: {  	_ =	shalt  }
0x60: {  	_ =	shalt  }
0x61: {  	_ =	shalt  }
0x62: {  	_ =	shalt  }
0x63: {  	_ =	shalt  }
0x64: {  	_ =	shalt  }
0x65: {  	_ =	shalt  }
0x66: {  	_ =	shalt  }
0x67: {  	_ =	shalt  }
0x68: {  	_ =	shalt  }
0x69: {  	_ =	shalt  }
0x6a: {  	_ =	shalt  }
0x6b: {  	_ =	shalt  }
0x6c: {  	_ =	shalt  }
0x6d: {  	_ =	shalt  }
0x6e: {  	_ =	shalt  }
0x6f: {  	_ =	shalt  }
0x70: {  	_ =	shalt  }
0x71: {  	_ =	shalt  }
0x72: {  	_ =	shalt  }
0x73: {  	_ =	shalt  }
0x74: {  	_ =	shalt  }
0x75: {  	_ =	shalt  }
0x76: {  	_ =	shalt  }
0x77: {  	_ =	shalt  }
0x78: {  	_ =	shalt  }
0x79: {  	_ =	shalt  }
0x7a: {  	_ =	shalt  }
0x7b: {  	_ =	shalt  }
0x7c: {  	_ =	shalt  }
0x7d: {  	_ =	shalt  }
0x7e: {  	_ =	shalt  }
0x7f: {  	_ =	shalt  }
0x80: {  	_ =	shalt  }
0x81: {  	_ =	shalt  }
0x82: {  	_ =	shalt  }
0x83: {  	_ =	shalt  }
0x84: {  	_ =	shalt  }
0x85: {  	_ =	shalt  }
0x86: {  	_ =	shalt  }
0x87: {  	_ =	shalt  }
.Lfunc_end0:
.L_simem_size_0:
called_computation.1_lowered:
.L_overlay_start_0:
0x88: {  	s2 =	sld [smem:$0x3FD9]  }
0x89: {  	s3 =	sld [smem:$0x3FFE];
	_ =	sdelay $0x1  }
0x8a: {  	s1 =	srdreg.scid  }
0x8b: {  	s0 =	sand.u32 $0x1, s1  }
0x8c: {  	s17 =	sshll.u32 s0, $0xA;
	s2 =	sadd.s32 s3, s2  }
0x8d: {  	s2 =	sadd.s32 s2, s17  }
0x8e: {  	[smem:$0x3FC4] =	sst s2  }
0x8f: {  	_ = 	snop  }
0x90: {  	(tm) =	ssettm $0x1  }
0x91: {  	s18 =	sld [smem:$0x3FFB];
	_ =	sdelay $0x3  }
0x92: {  	_ =	strace s18  }
0x93: {  	s2 =	sld [smem:$0x3FFC];
	_ =	sdelay $0x3  }
0x94: {  	_ =	strace s2  }
0x95: {  	s2 =	sld [smem:$0x3FFD];
	_ =	sdelay $0x3  }
0x96: {  	_ =	strace s2  }
0x97: {  	_ =	strace $0x8FFFFFFF  }
0x98: {  	s19 =	sld [smem:$0x3FDB];
	_ =	sdelay $0x1  }
0x99: {  	s20 =	simm.s32 $_scs_section_size  }
0x9a: {  	s4 =	simm.s32 $_size__tile_overlayer_lowered;
	s5 =	simm.s32 $_tile_overlayer_lowered  }
0x9b: {  	s6 =	simm.s32 $0x1BFF;
	s21 =	sshll.u32 s5, $0x1;
	s3 =	sadd.s32 s20, s19  }
0x9c: {  	s22 =	simm.s32 $0x0;
	s4 =	sshll.u32 s4, $0x1;
	s5 =	sadd.s32 s21, s3  }
0x9d: {  	[timem:s22], [sflag:s6] =	dma.local [hbm:s5], s4  }
0x9e: {  	_ =	swait.ge [sflag:s6], s4  }
0x9f: {  	s4 =	ssub.s32 $0x0, s4;
	[sflag:s6] =	ssyncset.done $0x0  }
0xa0: {  	[sflag:s6] =	ssyncadd.s32 s4;
	_ =	sdelay $0x1  }
0xa1: {  	s23 =	simm.s32 $0x1B8B  }
0xa2: {  	_ =	swait.ge [sflag:s23], $0x1  }
0xa3: {  	[sflag:s23] =	ssyncset.done $0x0  }
0xa4: {  	[sflag:s23] =	ssyncadd.s32 $0xFFFFFFFF  }
0xa5: {  	s4 =	sld [smem:$0x0]  }
0xa6: {  	s5 =	sand.u32 $0xFFFFFFFE, s1  }
0xa7: {  	p0 =	sne.s32 s1, s5  }
0xa8: {  	s5 =	sshll.u32 @p0 s5, $0xE  }
0xa9: {  	s5 =	sadd.s32 @p0 $0x11B8D, s5;
	s6 =	sshll.u32 @p0 s4, $0x11  }
0xaa: {  	s5 =	sor.u32 @p0 s6, s5  }
0xab: {  	[sflag:s5] =	ssyncadd.remote.s32 @p0 $0x1;
	_ =	sdelay $0x1  }
0xac: {  	s5 =	simm.s32 @p0 $0x1B8D  }
0xad: {  	_ =	swait.eq @p0 [sflag:s5], $0x1  }
0xae: {  	[sflag:s5] =	ssyncadd.s32 @p0 $0xFFFFFFFF  }
0xaf: {  	s6 =	sshll.u32 @!p0 s1, $0xE  }
0xb0: {  	s6 =	sor.u32 @!p0 $0x4000, s6;
	s5 =	simm.s32 @!p0 $0x1B8D  }
0xb1: {  	s4 =	sshll.u32 @!p0 s4, $0x11;
	s6 =	sadd.s32 @!p0 $0x11B8D, s6;
	_ =	swait.eq @!p0 [sflag:s5], $0x1  }
0xb2: {  	s4 =	sor.u32 @!p0 s4, s6;
	[sflag:s5] =	ssyncadd.s32 @!p0 $0xFFFFFFFF  }
0xb3: {  	s25 =	simm.s32 $0x1B8E;
	s24 =	sld [smem:$0x3FFE];
	[sflag:s4] =	ssyncadd.remote.s32 @!p0 $0x1  }
0xb4: {  	s26 =	simm.s32 $execute0_lowered;
	[smem:$0x3FD2] =	sst s25  }
0xb5: {  	s5 =	sshll.u32 s26, $0x1;
	_ =	strace $0x80000049;
	[dreg:$0x1] =	wrdreg $0xFFFFFFFF  }
0xb6: {  	s28 =	simm.s32 $_size_execute0_lowered;
	s3 =	sadd.s32 s3, s5;
	[dreg:$0x0] =	wrdreg $0x0  }
0xb7: {  	s5 =	sshll.u32 s28, $0x1;
	[dreg:$0x2] =	wrdreg s3  }
0xb8: {  	[dreg:$0x3] =	wrdreg s5  }
0xb9: {  	[dreg:$0x4] =	wrdreg $0xC0  }
0xba: {  	_ =	task [dreg:s22], $0x5FFFF  }
0xbb: {  	[dreg:$0x1] =	wrdreg $0xFFFFFFFF  }
0xbc: {  	[dreg:$0x0] =	wrdreg $0x60  }
0xbd: {  	[dreg:$0x2] =	wrdreg s24  }
0xbe: {  	[dreg:$0x3] =	wrdreg $0xA  }
0xbf: {  	_ =	task.clear_ibuf [dreg:s22], $0x4FFFF;
	_ =	strace $0x90000049  }
0xc0: {  	s29 =	simm.s32 $0xA;
	_ =	strace $0x8000004B  }
0xc1: {  	_ =	swait.ge [sflag:s29], $0x1  }
0xc2: {  	[sflag:s29] =	ssyncadd.s32 $0xFFFFFFFF  }
0xc3: {  	_ =	strace $0x9000004B  }
0xc4: {  	_ =	sfence  }
0xc5: {  	s30 =	sld [smem:$0x0];
	_ =	sdelay $0x2  }
0xc6: {  	s31 =	sshll.u32 s1, $0xD;
	s1 =	sshrl.u32 s1, $0x2  }
0xc7: {  	s4 =	sand.u32 $0x4000, s31;
	s1 =	sadd.s32 s1, s30  }
0xc8: {  	s0 =	sor.u32 s4, s0;
	s1 =	sshll.u32 s1, $0x11  }
0xc9: {  	s0 =	sor.u32 s1, s0  }
0xca: {  	s0 =	sadd.s32 $0x8F2B, s0  }
0xcb: {  	[sflag:s0] =	ssyncadd.remote.s32 $0x1  }
0xcc: {  	_ =	sfence.sel $0xFFFF  }
0xcd: {  	[dreg:$0x0] =	wrdreg $0xFFFFFFFF;
	(pc) =	sbr.abs _section_cstart, $3  }
0xce: {  	[dreg:$0x1] =	wrdreg $0xFFFFFFFF  }
0xcf: {  	_ =	task.clear_ibuf [dreg:s22], $0x2FFFF;
	_ =	strace $0x9FFFFFFF  }
0xd0: {  	(tm) =	ssettm $0x7FFFFFFF  }
0xd1: {  	_ =	shalt  }
tec
execute0_lowered:
.L_overlay_start_1:
0x0: {  	(tag) =	ssettag $0x1  }
0x1: {  	s1 =	stileid.u32  }
0x2: {  	p0 =	sgt.u32 s1, $0x3  }
.Ltmp0:
0x3: {  	_ = 	snop;
	(pc) =	sbr.rel @p0 .LBB2_89-.Ltmp0, $4  }
0x4: {  	_ = 	snop  }
0x5: {  	s2 =	simm.s32 $0x0  }
0x6: {  	[smem:$0x7FF] =	sst s2  }
0x7: {  	s0 =	rddreg [dreg:$0x0];
	_ =	strace $0x8000004A  }
0x8: {  	s3 =	srdreg.scid;
	s4 =	sshll.u32 s1, $0x1  }
0x9: {  	s5 =	sadd.s32 $0x201A00, s0;
	s8 =	simm.s32 $0x14040;
	s9 =	simm.s32 $0x11040  }
0xa: {  	s10 =	simm.s32 $0x12040;
	s11 =	simm.s32 $0x13040;
	s12 =	simm.s32 $0x18050  }
0xb: {  	s13 =	simm.s32 $0x19050;
	s14 =	simm.s32 $0x4010;
	s3 =	sand.u32 $0x1, s3  }
0xc: {  	v0 =	vlaneseq.u32;
	s15 =	simm.s32 $0xC030;
	s16 =	simm.s32 $0x8020;
	s4 =	sor.u32 s3, s4  }
0xd: {  	s17 =	simm.s32 $0x0;
	v1 =	vmul.u32 $0x400, v0;
	v2 =	vmul.u32 $0x401, v0;
	s3 =	ssub.s32 $0x2, s3;
	s6 =	sshll.u32 s4, $0x8  }
0xe: {  	v3 =	vimm.s32 $0x0;
	v4 =	vor.u32 $0xFF8, v0;
	v11 =	vmul.u32 $0x10, v0;
	s7 =	sshrl.u32 s3, $0x1;
	s4 =	sshll.u32 s4, $0xB;
	s30 =	sadd.s32 s6, s0  }
0xf: {  	v5 =	vor.u32 $0x100, v1;
	v6 =	vadd.s32 $0x100, v2;
	v7 =	vor.u32 $0x200, v1;
	s31 =	ssub.s32 s3, s7;
	s4 =	sadd.s32 s5, s4;
	s6 =	simm.s32 $0x1  }
0x10: {  	v8 =	vadd.s32 $0x200, v2;
	v9 =	vor.u32 $0x300, v1;
	v10 =	vadd.s32 $0x300, v2;
	s7 =	simm.s32 $0x10040;
	s3 =	sadd.s32 $0x205A00, s30;
	s5 =	smax.u32 s31, $0x1  }
.LBB2_2:
0x11: {  	[tilespmem:s2], [sflag:$0x1] =	stream.linear.gather [hbm4b:s4+s2], $0x4000, $0x38;
	[tilespmem:$0x19150] =	vst v63  }
0x12: {  	_ =	swait.ge [sflag:s6], $0x4000  }
0x13: {  	[sflag:s6] =	ssyncset.done $0x0  }
0x14: {  	s18 =	simm.s32 $0x10050;
	[sflag:s6] =	ssyncadd.s32 $0xFFFFC000  }
0x15: {  	[tilespmem:s18+$0xFFFFFFF0] =	vst v3  }
0x16: {  	s19 =	simm.s32 $0x11050;
	[tilespmem:s18+$0x0] =	vst v3  }
0x17: {  	[tilespmem:s19+$0x0] =	vst v3  }
0x18: {  	s0 =	simm.s32 $0x12050;
	[tilespmem:s19+$0xFFFFFFF0] =	vst v3  }
0x19: {  	s20 =	simm.s32 $0x13050;
	[tilespmem:s0+$0x0] =	vst v3  }
0x1a: {  	s21 =	simm.s32 $0x0;
	s22 =	simm.s32 $0x12070;
	s23 =	simm.s32 $0x13070;
	[tilespmem:s0+$0xFFFFFFF0] =	vst v3  }
.LBB2_3:
0x1b: {  	s21 =	sadd.s32 $0x2, s21;
	[tilespmem:s20+$0xFFFFFFF0] =	vst v3;
	s18 =	sadd.s32 $0x20, s18;
	s19 =	sadd.s32 $0x20, s19  }
0x1c: {  	p0 =	slt.u32 s21, $0xFE;
	[tilespmem:s20+$0x0] =	vst v3;
	s20 =	smov.u32 s23  }
0x1d: {  	[tilespmem:s18+$0xFFFFFFF0] =	vst v3  }
.Ltmp1:
0x1e: {  	[tilespmem:s18+$0x0] =	vst v3;
	(pc) =	sbr.rel @p0 .LBB2_3-.Ltmp1, $4  }
0x1f: {  	[tilespmem:s19+$0x0] =	vst v3  }
0x20: {  	[tilespmem:s22+$0x0] =	vst v3  }
0x21: {  	[tilespmem:s19+$0xFFFFFFF0] =	vst v3  }
0x22: {  	s0 =	simm.s32 $0x0;
	s23 =	sadd.s32 $0x20, s23;
	[tilespmem:s22+$0xFFFFFFF0] =	vst v3;
	s22 =	sadd.s32 $0x20, s22  }
0x23: {  	[tilespmem:s20+$0xFFFFFFF0] =	vst v3  }
0x24: {  	[tilespmem:s20+$0x0] =	vst v3  }
.LBB2_5:
0x25: {  	v12 =	vor.u32 s0, v1;
	_ =	sdelay $0x4  }
0x26: {  	v12 =	vld.idx.msk [tilespmem:v12+s2+$0x0], $0xffff;
	_ =	sdelay $0x4  }
0x27: {  	v12 =	vshll.u32 v12, $0x4  }
0x28: {  	v12 =	vor.u32 v0, v12  }
0x29: {  	v12 =	vand.u32 v4, v12;
	_ =	sdelay $0x4  }
0x2a: {  	v13 =	vld.idx.msk [tilespmem:v12+s7+$0x0], $0xffff;
	_ =	sdelay $0x1  }
0x2b: {  	v14 =	vadd.s32 s0, v2  }
0x2c: {  	v15 =	vor.u32 s0, v5;
	_ =	sdelay $0x1  }
0x2d: {  	v16 =	vadd.s32 $0x1, v13  }
0x2e: {  	[tilespmem:v12+s7+$0x0] =	vst.idx.msk $0xffff, v16  }
0x2f: {  	[tilespmem:v14+s8+$0x0] =	vst.idx.msk $0xffff, v13  }
0x30: {  	v12 =	vld.idx.msk [tilespmem:v15+s2+$0x0], $0xffff;
	_ =	sdelay $0x4  }
0x31: {  	v12 =	vshll.u32 v12, $0x4  }
0x32: {  	v12 =	vor.u32 v0, v12  }
0x33: {  	v12 =	vand.u32 v4, v12;
	_ =	sdelay $0x4  }
0x34: {  	v13 =	vld.idx.msk [tilespmem:v12+s9+$0x0], $0xffff;
	_ =	sdelay $0x1  }
0x35: {  	v56 =	vadd.s32 s0, v6  }
0x36: {  	v57 =	vor.u32 s0, v7;
	_ =	sdelay $0x1  }
0x37: {  	v58 =	vadd.s32 $0x1, v13  }
0x38: {  	[tilespmem:v12+s9+$0x0] =	vst.idx.msk $0xffff, v58  }
0x39: {  	[tilespmem:v56+s8+$0x0] =	vst.idx.msk $0xffff, v13  }
0x3a: {  	v12 =	vld.idx.msk [tilespmem:v57+s2+$0x0], $0xffff;
	_ =	sdelay $0x4  }
0x3b: {  	v12 =	vshll.u32 v12, $0x4  }
0x3c: {  	v12 =	vor.u32 v0, v12  }
0x3d: {  	v12 =	vand.u32 v4, v12;
	_ =	sdelay $0x4  }
0x3e: {  	v13 =	vld.idx.msk [tilespmem:v12+s10+$0x0], $0xffff;
	_ =	sdelay $0x1  }
0x3f: {  	v59 =	vadd.s32 s0, v8  }
0x40: {  	v60 =	vor.u32 s0, v9;
	_ =	sdelay $0x1  }
0x41: {  	v61 =	vadd.s32 $0x1, v13  }
0x42: {  	[tilespmem:v12+s10+$0x0] =	vst.idx.msk $0xffff, v61  }
0x43: {  	[tilespmem:v59+s8+$0x0] =	vst.idx.msk $0xffff, v13  }
0x44: {  	v12 =	vld.idx.msk [tilespmem:v60+s2+$0x0], $0xffff;
	_ =	sdelay $0x4  }
0x45: {  	v12 =	vshll.u32 v12, $0x4  }
0x46: {  	v12 =	vor.u32 v0, v12  }
0x47: {  	v12 =	vand.u32 v4, v12;
	_ =	sdelay $0x4  }
0x48: {  	v13 =	vld.idx.msk [tilespmem:v12+s11+$0x0], $0xffff;
	_ =	sdelay $0x1  }
0x49: {  	v62 =	vadd.s32 s0, v10;
	p0 =	sne.s32 s0, $0xFF  }
.Ltmp2:
0x4a: {  	_ = 	snop;
	(pc) =	sbr.rel @p0 .LBB2_5-.Ltmp2, $4  }
0x4b: {  	_ = 	snop  }
0x4c: {  	v63 =	vadd.s32 $0x1, v13  }
0x4d: {  	[tilespmem:v12+s11+$0x0] =	vst.idx.msk $0xffff, v63  }
0x4e: {  	s0 =	sadd.s32 $0x1, s0;
	[tilespmem:v62+s8+$0x0] =	vst.idx.msk $0xffff, v13  }
0x4f: {  	s29 =	simm.s32 $0x10050  }
0x50: {  	s26 =	simm.s32 $0x11050;
	v15 =	vld [tilespmem:s29+$0x0]  }
0x51: {  	s25 =	simm.s32 $0x12050;
	v16 =	vld [tilespmem:s26+$0x0]  }
0x52: {  	s0 =	simm.s32 $0x13050;
	v17 =	vld [tilespmem:s25+$0x0]  }
0x53: {  	v12 =	vld [tilespmem:s0+$0x0];
	_ =	sdelay $0x1  }
0x54: {  	v18 =	vld [tilespmem:s26+$0xFFFFFFF0]  }
0x55: {  	v19 =	vld [tilespmem:s29+$0xFFFFFFF0];
	v13 =	vadd.s32 v15, v16  }
0x56: {  	v20 =	vld [tilespmem:s25+$0xFFFFFFF0];
	v13 =	vadd.s32 v17, v13  }
0x57: {  	s20 =	simm.s32 $0x10070;
	v14 =	vld [tilespmem:s0+$0xFFFFFFF0];
	v21 =	vadd.s32 v12, v13  }
0x58: {  	s21 =	simm.s32 $0x11070;
	v22 =	vld [tilespmem:s20+$0x0];
	(xrf0) =	vadd.scan.msk.s32 $0xffff, v21  }
0x59: {  	s18 =	simm.s32 $0x12070;
	v23 =	vld [tilespmem:s21+$0x0]  }
0x5a: {  	s19 =	simm.s32 $0x13070;
	v24 =	vld [tilespmem:s18+$0x0];
	v12 =	vadd.s32 v19, v18  }
0x5b: {  	v26 =	vld [tilespmem:s19+$0x0];
	v12 =	vadd.s32 v20, v12  }
0x5c: {  	v25 =	vadd.s32 v14, v12  }
0x5d: {  	(xrf0) =	vadd.scan.msk.s32 $0xffff, v25  }
0x5e: {  	v28 =	vadd.s32 v22, v23;
	v13 =	vld [tilespmem:s21+$0xFFFFFFF0];
	v27, _, _ =	vpop (xrf0)  }
0x5f: {  	v28 =	vadd.s32 v24, v28;
	v14 =	vld [tilespmem:s20+$0xFFFFFFF0];
	v21 =	vsub.s32 v27, v21  }
0x60: {  	v26 =	vadd.s32 v26, v28;
	v12 =	vld [tilespmem:s18+$0xFFFFFFF0];
	[tilespmem:s29+$0x0] =	vst v21;
	v15 =	vadd.s32 v15, v21  }
0x61: {  	s22 =	simm.s32 $0x10090;
	v29 =	vld [tilespmem:s19+$0xFFFFFFF0];
	(xrf0) =	vadd.scan.msk.s32 $0xffff, v26;
	[tilespmem:s26+$0x0] =	vst v15;
	v15 =	vadd.s32 v16, v15  }
0x62: {  	s24 =	simm.s32 $0x11090;
	[tilespmem:s25+$0x0] =	vst v15;
	v16 =	vadd.s32 v17, v15;
	v17 =	vbroadcast v27, $0xF;
	v15 =	vld [tilespmem:s22+$0x0]  }
0x63: {  	s23 =	simm.s32 $0x18060;
	s28 =	simm.s32 $0x12090;
	v27, _, _ =	vpop (xrf0);
	[tilespmem:s0+$0x0] =	vst v16;
	v16 =	vld [tilespmem:s24+$0x0]  }
0x64: {  	s30 =	simm.s32 $0x13090;
	v21 =	vadd.s32 v14, v13;
	v25 =	vsub.s32 v27, v25;
	[tilespmem:s23+$0x0] =	vst v17;
	v17 =	vld [tilespmem:s28+$0x0]  }
0x65: {  	v21 =	vadd.s32 v12, v21;
	v19 =	vadd.s32 v19, v25;
	[tilespmem:s29+$0xFFFFFFF0] =	vst v25;
	v25 =	vld [tilespmem:s30+$0x0]  }
0x66: {  	v21 =	vadd.s32 v29, v21;
	v18 =	vadd.s32 v18, v19;
	[tilespmem:s26+$0xFFFFFFF0] =	vst v19  }
0x67: {  	(xrf0) =	vadd.scan.msk.s32 $0xffff, v21;
	v19 =	vbroadcast v27, $0xF;
	v27, _, _ =	vpop (xrf0);
	v20 =	vadd.s32 v20, v18;
	[tilespmem:s25+$0xFFFFFFF0] =	vst v18  }
0x68: {  	v18 =	vld [tilespmem:s24+$0xFFFFFFF0];
	v26 =	vsub.s32 v27, v26;
	[tilespmem:s0+$0xFFFFFFF0] =	vst v20;
	v63 =	vadd.s32 v15, v16  }
0x69: {  	v20 =	vld [tilespmem:s22+$0xFFFFFFF0];
	[tilespmem:s20+$0x0] =	vst v26;
	v26 =	vadd.s32 v22, v26;
	v28 =	vadd.s32 v17, v63  }
0x6a: {  	[tilespmem:s23+$0xFFFFFFF0] =	vst v19;
	v19 =	vld [tilespmem:s28+$0xFFFFFFF0];
	v22 =	vadd.s32 v25, v28;
	v25 =	vadd.s32 v23, v26  }
0x6b: {  	v23 =	vld [tilespmem:s30+$0xFFFFFFF0]  }
0x6c: {  	s31 =	simm.s32 $0x4;
	s29 =	simm.s32 $0x11090;
	[tilespmem:s21+$0x0] =	vst v26  }
0x6d: {  	s26 =	simm.s32 $0x12090;
	s25 =	simm.s32 $0x13090;
	s0 =	simm.s32 $0x100B0;
	(xrf0) =	vadd.scan.msk.s32 $0xffff, v22;
	[tilespmem:s18+$0x0] =	vst v25;
	v26 =	vadd.s32 v24, v25;
	v24 =	vbroadcast v27, $0xF;
	v25, _, _ =	vpop (xrf0)  }
.LBB2_7:
0x6e: {  	v27 =	vld [tilespmem:s0+$0x0];
	v28 =	vadd.s32 v20, v18;
	s24 =	sadd.s32 $0x20, s24;
	v29 =	vsub.s32 v25, v21;
	v25 =	vbroadcast v25, $0xF;
	[tilespmem:s19+$0x0] =	vst v26;
	s23 =	sadd.s32 $0x20, s23;
	v26 =	vmovc v17  }
0x6f: {  	s28 =	sadd.s32 $0x20, s28;
	v30 =	vld [tilespmem:s24+$0x0];
	v21 =	vadd.s32 v19, v28;
	v28 =	vadd.s32 v14, v29;
	[tilespmem:s23+$0x0] =	vst v24;
	v14 =	vmov v20  }
0x70: {  	s31 =	sadd.s32 $0x2, s31;
	s30 =	sadd.s32 $0x20, s30;
	v17 =	vld [tilespmem:s28+$0x0];
	v21 =	vadd.s32 v23, v21;
	[tilespmem:s20+$0xFFFFFFF0] =	vst v29;
	v20 =	vadd.s32 v13, v28;
	v13 =	vmov v18;
	s20 =	smov.u32 s22  }
0x71: {  	p0 =	slt.u32 s31, $0xFE;
	v24 =	vld [tilespmem:s30+$0x0];
	(xrf0) =	vadd.scan.msk.s32 $0xffff, v21;
	[tilespmem:s21+$0xFFFFFFF0] =	vst v28;
	v23 =	vadd.s32 v12, v20;
	v12 =	vmov v19;
	s21 =	smov.u32 s29;
	s29 =	smov.u32 s24  }
0x72: {  	s22 =	smov.u32 s0;
	v18 =	vld [tilespmem:s24+$0xFFFFFFF0];
	[tilespmem:s18+$0xFFFFFFF0] =	vst v20;
	s18 =	smov.u32 s26;
	s26 =	smov.u32 s28  }
.Ltmp3:
0x73: {  	v20 =	vld [tilespmem:s0+$0xFFFFFFF0];
	v28, _, _ =	vpop (xrf0);
	[tilespmem:s19+$0xFFFFFFF0] =	vst v23;
	s19 =	smov.u32 s25;
	s25 =	smov.u32 s30;
	(pc) =	sbr.rel @p0 .LBB2_7-.Ltmp3, $4  }
0x74: {  	v19 =	vld [tilespmem:s28+$0xFFFFFFF0];
	v29 =	vadd.s32 v27, v30;
	v22 =	vsub.s32 v28, v22;
	[tilespmem:s23+$0xFFFFFFF0] =	vst v25  }
0x75: {  	v23 =	vld [tilespmem:s30+$0xFFFFFFF0];
	v31 =	vadd.s32 v17, v29;
	[tilespmem:s20+$0x0] =	vst v22;
	v29 =	vadd.s32 v15, v22;
	v15 =	vmov v27  }
0x76: {  	v22 =	vadd.s32 v24, v31;
	[tilespmem:s21+$0x0] =	vst v29;
	v24 =	vadd.s32 v16, v29;
	v16 =	vmov v30  }
0x77: {  	s0 =	sadd.s32 $0x20, s0;
	(xrf0) =	vadd.scan.msk.s32 $0xffff, v22;
	[tilespmem:s18+$0x0] =	vst v24;
	v26 =	vadd.s32 v26, v24;
	v24 =	vbroadcast v28, $0xF;
	v25, _, _ =	vpop (xrf0)  }
0x78: {  	[tilespmem:s19+$0x0] =	vst v26;
	s0 =	sadd.s32 $0x20, s23;
	v21 =	vsub.s32 v25, v21  }
0x79: {  	v61 =	vadd.s32 v20, v18;
	[tilespmem:s0+$0x0] =	vst v24;
	v14 =	vadd.s32 v14, v21  }
0x7a: {  	v62 =	vadd.s32 v19, v61;
	[tilespmem:s20+$0xFFFFFFF0] =	vst v21;
	v13 =	vadd.s32 v13, v14  }
0x7b: {  	v63 =	vadd.s32 v23, v62;
	[tilespmem:s21+$0xFFFFFFF0] =	vst v14  }
0x7c: {  	v14 =	vbroadcast v25, $0xF;
	(xrf0) =	vadd.scan.msk.s32 $0xffff, v63;
	v12 =	vadd.s32 v12, v13;
	[tilespmem:s18+$0xFFFFFFF0] =	vst v13  }
0x7d: {  	[tilespmem:s19+$0xFFFFFFF0] =	vst v12;
	v13, _, _ =	vpop (xrf0)  }
0x7e: {  	[tilespmem:s0+$0xFFFFFFF0] =	vst v14;
	v12 =	vsub.s32 v13, v22  }
0x7f: {  	[tilespmem:s22+$0x0] =	vst v12;
	v12 =	vadd.s32 v15, v12  }
0x80: {  	[tilespmem:s29+$0x0] =	vst v12;
	v12 =	vadd.s32 v16, v12  }
0x81: {  	v13 =	vbroadcast v13, $0xF;
	[tilespmem:s26+$0x0] =	vst v12;
	v12 =	vadd.s32 v17, v12  }
0x82: {  	s0 =	sadd.s32 $0x20, s0;
	v14, _, _ =	vpop (xrf0);
	[tilespmem:s25+$0x0] =	vst v12  }
0x83: {  	p2 =	por $0x1, $0x1;
	v12 =	vsub.s32 v14, v63;
	[tilespmem:s0+$0x0] =	vst v13  }
.Ltmp4:
0x84: {  	v13 =	vadd.s32 v20, v12;
	[tilespmem:s22+$0xFFFFFFF0] =	vst v12;
	(pc) =	sbr.rel @!p2 .LBB2_9-.Ltmp4, $4  }
0x85: {  	v12 =	vadd.s32 v18, v13;
	[tilespmem:s29+$0xFFFFFFF0] =	vst v13  }
0x86: {  	v13 =	vbroadcast v14, $0xF;
	v14 =	vadd.s32 v19, v12;
	[tilespmem:s26+$0xFFFFFFF0] =	vst v12  }
0x87: {  	p1 =	por $0x0, $0x0;
	s18 =	simm.s32 $0x0;
	[tilespmem:s25+$0xFFFFFFF0] =	vst v14  }
0x88: {  	p0 =	por $0x0, $0x0;
	s19 =	simm.s32 $0x19050;
	[tilespmem:s0+$0xFFFFFFF0] =	vst v13;
	v13 =	vmov s18;
	s0 =	simm.s32 $0x10  }
0x89: {  	v12 =	vshll.u32 v13, $0x4  }
0x8a: {  	v12 =	vor.u32 v11, v12  }
0x8b: {  	v12 =	vor.u32 v0, v12;
	_ =	sdelay $0x4  }
0x8c: {  	p2 =	por $0x1, $0x1;
	v12 =	vld.idx.msk [tilespmem:v12+s12+$0x0], $0xffff  }
.Ltmp5:
0x8d: {  	_ = 	snop;
	(pc) =	sbr.rel @!p2 .LBB2_11-.Ltmp5, $2  }
0x8e: {  	_ =	sdelay $0x2  }
0x8f: {  	v13 =	vmov s0;
	s0 =	simm.s32 $0x20;
	p1 =	por $0x1, $0x1;
	(xrf0) =	vadd.scan.msk.s32 $0xffff, v12  }
0x90: {  	_ =	sdelay $0x3  }
0x91: {  	v13 =	vshll.u32 v13, $0x4  }
0x92: {  	v13 =	vor.u32 v11, v13;
	v14, _, _ =	vpop (xrf0)  }
0x93: {  	v13 =	vor.u32 v0, v13;
	(v2sf) =	vpush v14, $0xF;
	_ =	sdelay $0x1  }
0x94: {  	v12 =	vsub.s32 s18, v12  }
0x95: {  	v12 =	vadd.s32 v14, v12  }
0x96: {  	[tilespmem:s19+$0x0] =	vst v12  }
0x97: {  	v12 =	vld.idx.msk [tilespmem:v13+s12+$0x0], $0xffff;
	_ =	sdelay $0x2  }
0x98: {  	p3 =	por $0x1, $0x1  }
.Ltmp6:
0x99: {  	_ = 	snop;
	(pc) =	sbr.rel @!p3 .LBB2_13-.Ltmp6, $3  }
0x9a: {  	(xrf0) =	vadd.scan.msk.s32 $0xffff, v12;
	_ =	sdelay $0x1  }
0x9b: {  	s21 =	simm.s32 $0x30  }
0x9c: {  	p2 =	por $0x1, $0x1;
	s20 =	simm.s32 $0x19050;
	v13 =	vmov s0;
	s0 =	simm.s32 $0x0  }
.LBB2_14:
0x9d: {  	p3 =	sne.s32 s21, $0xF0;
	v13 =	vshll.u32 v13, $0x4  }
0x9e: {  	v13 =	vor.u32 v11, v13;
	s22 =	spop (v2sf)  }
0x9f: {  	v13 =	vor.u32 v0, v13;
	v14, _, _ =	vpop (xrf0);
	s0 =	sadd.s32 s0, s22  }
0xa0: {  	v12 =	vsub.s32 s0, v12;
	(v2sf) =	vpush v14, $0xF  }
0xa1: {  	s20 =	sadd.s32 $0x10, s20;
	v12 =	vadd.s32 v14, v12  }
0xa2: {  	[tilespmem:s20+$0x0] =	vst v12;
	_ =	sdelay $0x1  }
0xa3: {  	v12 =	vld.idx.msk [tilespmem:v13+s12+$0x0], $0xffff;
	_ =	sdelay $0x4  }
.Ltmp7:
0xa4: {  	(pc) =	sbr.rel @p3 .LBB2_14-.Ltmp7, $2  }
0xa5: {  	(xrf0) =	vadd.scan.msk.s32 $0xffff, v12;
	_ =	sdelay $0x2  }
0xa6: {  	v13 =	vmov s21;
	s21 =	sadd.s32 $0x10, s21  }
.LBB2_15:
0xa7: {  	_ =	sdelay $0x1  }
0xa8: {  	v14, _, _ =	vpop @p1 (xrf0)  }
0xa9: {  	v13 =	vshll.u32 v13, $0x4;
	(v2sf) =	vpush @p1 v14, $0xF  }
0xaa: {  	s21 =	spop @p2 (v2sf);
	v13 =	vor.u32 v11, v13  }
0xab: {  	v13 =	vor.u32 v0, v13;
	s0 =	sadd.s32 @p2 s0, s21;
	s21 =	simm.s32 $0x0  }
0xac: {  	s21 =	smov.u32 @p2 s0  }
0xad: {  	s0 =	sadd.s32 @p2 $0x10, s20;
	s20 =	simm.s32 $0x19050;
	v12 =	vsub.s32 @p1 s21, v12  }
0xae: {  	s20 =	smov.u32 @p2 s0;
	v12 =	vadd.s32 @p1 v14, v12  }
0xaf: {  	[tilespmem:s20+$0x0] =	vst @p1 v12  }
0xb0: {  	v12 =	vld.idx.msk [tilespmem:v13+s12+$0x0], $0xffff;
	_ =	sdelay $0x4  }
0xb1: {  	(xrf0) =	vadd.scan.msk.s32 $0xffff, v12;
	_ =	sdelay $0x2  }
0xb2: {  	s0 =	spop @p1 (v2sf)  }
0xb3: {  	v46 =	vor.u32 s18, v1;
	s0 =	sadd.s32 @p1 s21, s0;
	s21 =	simm.s32 $0x0  }
0xb4: {  	s21 =	smov.u32 @p1 s0  }
0xb5: {  	v13, _, _ =	vpop (xrf0);
	s0 =	sadd.s32 @p1 $0x10, s20;
	v12 =	vsub.s32 s21, v12  }
0xb6: {  	s19 =	smov.u32 @p1 s0;
	v12 =	vadd.s32 v13, v12  }
0xb7: {  	[tilespmem:s19+$0x0] =	vst v12  }
0xb8: {  	s20 =	simm.s32 $0x1;
	v12 =	vld.idx.msk [tilespmem:v46+s2+$0x0], $0xffff  }
0xb9: {  	v42 =	vor.u32 s20, v1;
	_ =	sdelay $0x1  }
0xba: {  	(v2sf) =	vpush v13, $0xF;
	_ =	sdelay $0x1  }
0xbb: {  	v13 =	vshll.u32 v12, $0x4  }
0xbc: {  	v14 =	vadd.s32 s18, v2;
	v49 =	vld.idx.msk [tilespmem:v42+s2+$0x0], $0xffff;
	v13 =	vand.u32 $0xFF0, v13  }
0xbd: {  	v13 =	vor.u32 v0, v13  }
0xbe: {  	v15 =	vand.u32 $0xFF, v12;
	_ =	sdelay $0x2  }
0xbf: {  	v16 =	vadd.s32 s20, v2;
	v14 =	vld.idx.msk [tilespmem:v14+s8+$0x0], $0xffff;
	v17 =	vshll.u32 v49, $0x4  }
0xc0: {  	v18 =	vand.u32 $0xFF, v49;
	v17 =	vand.u32 $0xFF0, v17;
	v13 =	vld.idx.msk [tilespmem:v13+s7+$0x0], $0xffff  }
0xc1: {  	p1 =	por $0x1, $0x1;
	v17 =	vor.u32 v0, v17;
	v15 =	vld.idx.msk [tilespmem:v15+s13+$0x0], $0xffff  }
.Ltmp8:
0xc2: {  	_ = 	snop;
	(pc) =	sbr.rel @!p1 .LBB2_16-.Ltmp8, $4  }
0xc3: {  	_ = 	snop  }
0xc4: {  	v31 =	vld.idx.msk [tilespmem:v16+s8+$0x0], $0xffff  }
0xc5: {  	v41 =	vld.idx.msk [tilespmem:v18+s13+$0x0], $0xffff;
	v13 =	vadd.s32 v13, v14  }
0xc6: {  	s23 =	simm.s32 $0x2;
	s31 =	spop (v2sf);
	v47 =	vld.idx.msk [tilespmem:v17+s7+$0x0], $0xffff;
	v63 =	vadd.s32 v15, v13  }
0xc7: {  	_ = 	snop  }
0xc8: {  	v13 =	vshrl.u32 v63, $0xA  }
0xc9: {  	v13 =	vadd.s32 v63, v13  }
0xca: {  	v14 =	vor.u32 s23, v1  }
0xcb: {  	v29 =	vor.u32 s18, v5;
	v15 =	vadd.s32 v47, v31  }
0xcc: {  	s22 =	simm.s32 $0x3;
	v15 =	vadd.s32 v41, v15  }
0xcd: {  	v17 =	vor.u32 s22, v1;
	v16 =	vshrl.u32 v15, $0xA  }
0xce: {  	[tilespmem:v13+s14+$0x0] =	vst.idx.msk $0xffff, v12;
	v16 =	vadd.s32 v15, v16  }
0xcf: {  	v12 =	vld.idx.msk [tilespmem:v14+s2+$0x0], $0xffff;
	[tilespmem:v13+s15+$0x0] =	vst.idx.msk $0xffff, v46  }
0xd0: {  	v33 =	vor.u32 s20, v5;
	v15 =	vld.idx.msk [tilespmem:v29+s2+$0x0], $0xffff  }
0xd1: {  	v19 =	vadd.s32 s22, v2  }
0xd2: {  	v21 =	vadd.s32 s18, v6;
	v20 =	vld.idx.msk [tilespmem:v17+s2+$0x0], $0xffff  }
0xd3: {  	v13 =	vadd.s32 s23, v2;
	[tilespmem:v16+s14+$0x0] =	vst.idx.msk $0xffff, v49  }
0xd4: {  	v22 =	vshll.u32 v12, $0x4;
	v23 =	vand.u32 $0xFF, v12;
	[tilespmem:v16+s15+$0x0] =	vst.idx.msk $0xffff, v42  }
0xd5: {  	v22 =	vand.u32 $0xFF0, v22;
	v16 =	vadd.s32 s20, v6;
	v24 =	vshll.u32 v15, $0x4;
	v18 =	vld.idx.msk [tilespmem:v33+s2+$0x0], $0xffff  }
0xd6: {  	v31 =	vld.idx.msk [tilespmem:v19+s8+$0x0], $0xffff;
	v22 =	vor.u32 v0, v22;
	v24 =	vand.u32 $0xFF0, v24  }
0xd7: {  	v21 =	vld.idx.msk [tilespmem:v21+s8+$0x0], $0xffff;
	v19 =	vshll.u32 v20, $0x4;
	v24 =	vor.u32 v0, v24  }
0xd8: {  	v25 =	vand.u32 $0xFF, v20;
	v13 =	vld.idx.msk [tilespmem:v13+s8+$0x0], $0xffff;
	v19 =	vand.u32 $0xFF0, v19  }
0xd9: {  	v19 =	vor.u32 v0, v19;
	v23 =	vld.idx.msk [tilespmem:v23+s13+$0x0], $0xffff  }
0xda: {  	v26 =	vand.u32 $0xFF, v15;
	v39 =	vld.idx.msk [tilespmem:v16+s8+$0x0], $0xffff;
	v16 =	vshll.u32 v18, $0x4  }
0xdb: {  	v22 =	vld.idx.msk [tilespmem:v22+s7+$0x0], $0xffff;
	v27 =	vand.u32 $0xFF, v18;
	v16 =	vand.u32 $0xFF0, v16  }
0xdc: {  	p2 =	por $0x1, $0x1;
	v24 =	vld.idx.msk [tilespmem:v24+s9+$0x0], $0xffff;
	v16 =	vor.u32 v0, v16  }
.Ltmp9:
0xdd: {  	v41 =	vld.idx.msk [tilespmem:v25+s13+$0x0], $0xffff;
	(pc) =	sbr.rel @!p2 .LBB2_18-.Ltmp9, $4  }
0xde: {  	v47 =	vld.idx.msk [tilespmem:v19+s7+$0x0], $0xffff  }
0xdf: {  	v51 =	vld.idx.msk [tilespmem:v26+s13+$0x0], $0xffff  }
0xe0: {  	v13 =	vadd.s32 v22, v13;
	v54 =	vld.idx.msk [tilespmem:v27+s13+$0x0], $0xffff  }
0xe1: {  	s19 =	simm.s32 $0x4;
	p1 =	por $0x1, $0x1;
	v63 =	vadd.s32 v23, v13;
	v62 =	vadd.s32 v24, v21;
	v53 =	vld.idx.msk [tilespmem:v16+s9+$0x0], $0xffff  }
0xe2: {  	_ = 	snop  }
0xe3: {  	v13 =	vshrl.u32 v63, $0xA  }
0xe4: {  	s21 =	simm.s32 $0x5;
	v25 =	vadd.s32 s19, v2;
	v21 =	vadd.s32 v63, v13;
	v16 =	vadd.s32 v51, v62  }
0xe5: {  	v42 =	vor.u32 s21, v1;
	v13 =	vshrl.u32 v16, $0xA  }
0xe6: {  	v46 =	vor.u32 s19, v1;
	v19 =	vadd.s32 v47, v31;
	v16 =	vadd.s32 v16, v13  }
0xe7: {  	v23 =	vadd.s32 v41, v19;
	v19 =	vor.u32 s23, v5  }
0xe8: {  	v24 =	vshrl.u32 v23, $0xA;
	v13 =	vor.u32 s18, v7;
	v22 =	vadd.s32 v53, v39  }
0xe9: {  	v23 =	vadd.s32 v23, v24;
	v22 =	vadd.s32 v54, v22;
	v28 =	vld.idx.msk [tilespmem:v25+s8+$0x0], $0xffff;
	[tilespmem:v21+s14+$0x0] =	vst.idx.msk $0xffff, v12  }
0xea: {  	v26 =	vadd.s32 s21, v2;
	v12 =	vshrl.u32 v22, $0xA;
	v49 =	vld.idx.msk [tilespmem:v42+s2+$0x0], $0xffff;
	[tilespmem:v21+s15+$0x0] =	vst.idx.msk $0xffff, v14  }
0xeb: {  	v27 =	vadd.s32 s18, v8;
	v24 =	vadd.s32 v22, v12;
	v12 =	vld.idx.msk [tilespmem:v46+s2+$0x0], $0xffff;
	[tilespmem:v16+s14+$0x0] =	vst.idx.msk $0xffff, v15  }
0xec: {  	v25 =	vadd.s32 s22, v6;
	v15 =	vld.idx.msk [tilespmem:v19+s2+$0x0], $0xffff;
	[tilespmem:v16+s15+$0x0] =	vst.idx.msk $0xffff, v29  }
0xed: {  	v22 =	vor.u32 s22, v5;
	v14 =	vld.idx.msk [tilespmem:v13+s2+$0x0], $0xffff  }
0xee: {  	[tilespmem:v23+s14+$0x0] =	vst.idx.msk $0xffff, v20;
	v20 =	vadd.s32 s23, v6  }
0xef: {  	v31 =	vld.idx.msk [tilespmem:v26+s8+$0x0], $0xffff;
	v16 =	vor.u32 s20, v7;
	[tilespmem:v23+s15+$0x0] =	vst.idx.msk $0xffff, v17;
	v30 =	vshll.u32 v49, $0x4  }
0xf0: {  	v55 =	vld.idx.msk [tilespmem:v27+s8+$0x0], $0xffff;
	v29 =	vand.u32 $0xFF, v49;
	[tilespmem:v24+s14+$0x0] =	vst.idx.msk $0xffff, v18;
	v30 =	vand.u32 $0xFF0, v30  }
0xf1: {  	v39 =	vld.idx.msk [tilespmem:v25+s8+$0x0], $0xffff;
	v23 =	vand.u32 $0xFF, v12;
	[tilespmem:v24+s15+$0x0] =	vst.idx.msk $0xffff, v33;
	v24 =	vshll.u32 v12, $0x4;
	v25 =	vor.u32 v0, v30  }
0xf2: {  	v18 =	vld.idx.msk [tilespmem:v22+s2+$0x0], $0xffff;
	v27 =	vshll.u32 v15, $0x4;
	v24 =	vand.u32 $0xFF0, v24;
	v26 =	vand.u32 $0xFF, v14  }
0xf3: {  	v20 =	vld.idx.msk [tilespmem:v20+s8+$0x0], $0xffff;
	v24 =	vor.u32 v0, v24;
	v27 =	vand.u32 $0xFF0, v27;
	v30 =	vshll.u32 v14, $0x4  }
0xf4: {  	v17 =	vld.idx.msk [tilespmem:v16+s2+$0x0], $0xffff;
	v27 =	vor.u32 v0, v27;
	v30 =	vand.u32 $0xFF0, v30  }
0xf5: {  	v41 =	vld.idx.msk [tilespmem:v29+s13+$0x0], $0xffff;
	v29 =	vor.u32 v0, v30  }
0xf6: {  	v63 =	vld.idx.msk [tilespmem:v23+s13+$0x0], $0xffff  }
0xf7: {  	v32 =	vand.u32 $0xFF, v15;
	v48 =	vld.idx.msk [tilespmem:v26+s13+$0x0], $0xffff;
	v26 =	vshll.u32 v18, $0x4  }
0xf8: {  	v35 =	vand.u32 $0xFF, v18;
	v24 =	vld.idx.msk [tilespmem:v24+s7+$0x0], $0xffff;
	v26 =	vand.u32 $0xFF0, v26  }
0xf9: {  	v34 =	vld.idx.msk [tilespmem:v27+s9+$0x0], $0xffff;
	v30 =	vor.u32 v0, v26  }
0xfa: {  	p3 =	por $0x1, $0x1;
	v56 =	vld.idx.msk [tilespmem:v29+s10+$0x0], $0xffff  }
.Ltmp10:
0xfb: {  	v47 =	vld.idx.msk [tilespmem:v25+s7+$0x0], $0xffff;
	(pc) =	sbr.rel @!p3 .LBB2_20-.Ltmp10, $4  }
0xfc: {  	v51 =	vld.idx.msk [tilespmem:v32+s13+$0x0], $0xffff;
	v25 =	vshll.u32 v17, $0x4  }
0xfd: {  	v32 =	vand.u32 $0xFF, v17;
	v27 =	vand.u32 $0xFF0, v25;
	v54 =	vld.idx.msk [tilespmem:v35+s13+$0x0], $0xffff  }
0xfe: {  	v27 =	vor.u32 v0, v27;
	v26 =	vadd.s32 s20, v8;
	v28 =	vadd.s32 v24, v28;
	v53 =	vld.idx.msk [tilespmem:v30+s9+$0x0], $0xffff;
	[tilespmem:$0x1FFE0] =	vst v48  }
0xff: {  	s24 =	simm.s32 $0x6;
	p2 =	por $0x1, $0x1;
	v24 =	vor.u32 s18, v9;
	v63 =	vadd.s32 v63, v28;
	v62 =	vadd.s32 v34, v20;
	[tilespmem:$0x1FFF0] =	vst v56  }
0x100: {  	_ = 	snop  }
0x101: {  	v20 =	vshrl.u32 v63, $0xA  }
0x102: {  	v20 =	vadd.s32 v63, v20;
	v28 =	vadd.s32 v51, v62  }
0x103: {  	v30 =	vadd.s32 s24, v2;
	s25 =	simm.s32 $0x7;
	v29 =	vshrl.u32 v28, $0xA  }
0x104: {  	v33 =	vadd.s32 v56, v55;
	v35 =	vld.idx.msk [tilespmem:v26+s8+$0x0], $0xffff;
	v45 =	vor.u32 s25, v1;
	v28 =	vadd.s32 v28, v29  }
0x105: {  	v50 =	vor.u32 s24, v1;
	v56 =	vld.idx.msk [tilespmem:v27+s10+$0x0], $0xffff;
	v34 =	vor.u32 s23, v7;
	v29 =	vadd.s32 v48, v33  }
0x106: {  	v31 =	vadd.s32 v47, v31;
	v37 =	vld.idx.msk [tilespmem:v32+s13+$0x0], $0xffff;
	v38 =	vadd.s32 v53, v39;
	v36 =	vshrl.u32 v29, $0xA  }
0x107: {  	v58 =	vadd.s32 v54, v38;
	v57 =	vadd.s32 v29, v36;
	v29 =	vor.u32 s19, v5;
	[tilespmem:v20+s14+$0x0] =	vst.idx.msk $0xffff, v12  }
0x108: {  	v40 =	vadd.s32 s23, v8;
	v31 =	vadd.s32 v41, v31;
	v30 =	vld.idx.msk [tilespmem:v30+s8+$0x0], $0xffff;
	v38 =	vshrl.u32 v58, $0xA;
	[tilespmem:v20+s15+$0x0] =	vst.idx.msk $0xffff, v46  }
0x109: {  	v25 =	vmov v55;
	v12 =	vshrl.u32 v31, $0xA;
	v38 =	vadd.s32 v58, v38;
	v55 =	vld.idx.msk [tilespmem:v45+s2+$0x0], $0xffff;
	[tilespmem:v28+s14+$0x0] =	vst.idx.msk $0xffff, v15  }
0x10a: {  	v41 =	vadd.s32 v31, v12;
	v12 =	vld.idx.msk [tilespmem:v50+s2+$0x0], $0xffff;
	v20 =	vadd.s32 s25, v2;
	[tilespmem:v28+s15+$0x0] =	vst.idx.msk $0xffff, v19  }
0x10b: {  	v43 =	vadd.s32 s19, v6;
	v15 =	vadd.s32 v56, v35;
	v35 =	vld.idx.msk [tilespmem:v34+s2+$0x0], $0xffff  }
0x10c: {  	v19 =	vadd.s32 v37, v15;
	v28 =	vadd.s32 s18, v10;
	[tilespmem:v57+s14+$0x0] =	vst.idx.msk $0xffff, v14;
	v15 =	vld.idx.msk [tilespmem:v29+s2+$0x0], $0xffff  }
0x10d: {  	v36 =	vor.u32 s22, v7;
	v31 =	vshrl.u32 v19, $0xA;
	v40 =	vld.idx.msk [tilespmem:v40+s8+$0x0], $0xffff;
	[tilespmem:v57+s15+$0x0] =	vst.idx.msk $0xffff, v13  }
0x10e: {  	v33 =	vor.u32 s21, v5;
	v59 =	vadd.s32 v19, v31;
	[tilespmem:v38+s14+$0x0] =	vst.idx.msk $0xffff, v18;
	v19 =	vld.idx.msk [tilespmem:v24+s2+$0x0], $0xffff  }
0x10f: {  	v44 =	vadd.s32 s21, v6;
	[tilespmem:v41+s14+$0x0] =	vst.idx.msk $0xffff, v49;
	v31 =	vld.idx.msk [tilespmem:v20+s8+$0x0], $0xffff  }
0x110: {  	v20 =	vor.u32 s20, v9;
	[tilespmem:v38+s15+$0x0] =	vst.idx.msk $0xffff, v22;
	v22 =	vshll.u32 v12, $0x4;
	v49 =	vld.idx.msk [tilespmem:v43+s8+$0x0], $0xffff  }
0x111: {  	v22 =	vand.u32 $0xFF0, v22;
	v37 =	vld.idx.msk [tilespmem:v28+s8+$0x0], $0xffff;
	v28 =	vand.u32 $0xFF, v12  }
0x112: {  	[tilespmem:v41+s15+$0x0] =	vst.idx.msk $0xffff, v42;
	v38 =	vld.idx.msk [tilespmem:v36+s2+$0x0], $0xffff;
	v63 =	vor.u32 v0, v22  }
0x113: {  	v62 =	vshll.u32 v55, $0x4;
	v18 =	vld.idx.msk [tilespmem:v33+s2+$0x0], $0xffff;
	v41 =	vand.u32 $0xFF, v35;
	[tilespmem:v59+s14+$0x0] =	vst.idx.msk $0xffff, v17  }
0x114: {  	v61 =	vand.u32 $0xFF, v55;
	v56 =	vand.u32 $0xFF0, v62;
	v39 =	vld.idx.msk [tilespmem:v44+s8+$0x0], $0xffff;
	v60 =	vshll.u32 v15, $0x4;
	[tilespmem:v59+s15+$0x0] =	vst.idx.msk $0xffff, v16  }
0x115: {  	v57 =	vor.u32 v0, v56;
	v58 =	vshll.u32 v35, $0x4;
	v42 =	vand.u32 $0xFF0, v60;
	v22 =	vld.idx.msk [tilespmem:v20+s2+$0x0], $0xffff  }
0x116: {  	v47 =	vand.u32 $0xFF0, v58;
	v42 =	vor.u32 v0, v42;
	v54 =	vld.idx.msk [tilespmem:v28+s13+$0x0], $0xffff  }
0x117: {  	v59 =	vshll.u32 v19, $0x4;
	v52 =	vor.u32 v0, v47;
	v53 =	vld.idx.msk [tilespmem:v63+s7+$0x0], $0xffff  }
0x118: {  	v51 =	vand.u32 $0xFF0, v59;
	v28 =	vand.u32 $0xFF, v15;
	v60 =	vshll.u32 v18, $0x4;
	v48 =	vld.idx.msk [tilespmem:v41+s13+$0x0], $0xffff  }
0x119: {  	v46 =	vor.u32 v0, v51;
	v41 =	vld.idx.msk [tilespmem:v61+s13+$0x0], $0xffff;
	v61 =	vand.u32 $0xFF0, v60  }
0x11a: {  	v47 =	vld.idx.msk [tilespmem:v57+s7+$0x0], $0xffff;
	v60 =	vor.u32 v0, v61  }
0x11b: {  	p3 =	por $0x1, $0x1;
	v61 =	vand.u32 $0xFF, v18;
	v42 =	vld.idx.msk [tilespmem:v42+s9+$0x0], $0xffff  }
.Ltmp11:
0x11c: {  	v62 =	vshll.u32 v38, $0x4;
	v57 =	vadd.s32 s22, v8;
	v56 =	vld.idx.msk [tilespmem:v52+s10+$0x0], $0xffff;
	(pc) =	sbr.rel @!p3 .LBB2_22-.Ltmp11, $4  }
0x11d: {  	v59 =	vand.u32 $0xFF, v38;
	v51 =	vld.idx.msk [tilespmem:v28+s13+$0x0], $0xffff;
	v28 =	vand.u32 $0xFF0, v62;
	v30 =	vadd.s32 v53, v30  }
0x11e: {  	v52 =	vadd.s32 s20, v10;
	v63 =	vshll.u32 v22, $0x4;
	v43 =	vld.idx.msk [tilespmem:v46+s11+$0x0], $0xffff;
	v58 =	vor.u32 v0, v28  }
0x11f: {  	v44 =	vand.u32 $0xFF0, v63;
	v28 =	vor.u32 s23, v9;
	v63 =	vadd.s32 v54, v30;
	v53 =	vld.idx.msk [tilespmem:v60+s9+$0x0], $0xffff  }
0x120: {  	s26 =	simm.s32 $0x8;
	p0 =	por $0x1, $0x1;
	v60 =	vand.u32 $0xFF, v22;
	v54 =	vld.idx.msk [tilespmem:v61+s13+$0x0], $0xffff;
	v61 =	vand.u32 $0xFF, v19;
	v62 =	vadd.s32 v42, v49;
	v30 =	vmovc v24  }
.LBB2_23:
0x121: {  	s28 =	sadd.s32 $0x1, s26  }
0x122: {  	v46 =	vor.u32 s26, v1;
	v42 =	vadd.s32 s26, v2;
	p3 =	slt.u32 s26, $0xFE;
	v49 =	vshrl.u32 v63, $0xA;
	v57 =	vld.idx.msk [tilespmem:v57+s8+$0x0], $0xffff;
	s0 =	smov.u32 s26;
	s26 =	sadd.s32 $0x2, s26  }
0x123: {  	v51 =	vadd.s32 v51, v62;
	v21 =	vor.u32 s28, v1;
	v49 =	vadd.s32 v63, v49;
	v58 =	vld.idx.msk [tilespmem:v58+s10+$0x0], $0xffff  }
0x124: {  	v44 =	vor.u32 v0, v44;
	v62 =	vshrl.u32 v51, $0xA;
	v40 =	vadd.s32 v56, v40;
	v56 =	vld.idx.msk [tilespmem:v59+s13+$0x0], $0xffff  }
0x125: {  	v51 =	vadd.s32 v51, v62;
	v59 =	vor.u32 s19, v7;
	v40 =	vadd.s32 v48, v40;
	v48 =	vld.idx.msk [tilespmem:v60+s13+$0x0], $0xffff  }
0x126: {  	v31 =	vadd.s32 v47, v31;
	v39 =	vadd.s32 v53, v39;
	v47 =	vshrl.u32 v40, $0xA;
	v53 =	vld.idx.msk [tilespmem:v61+s13+$0x0], $0xffff  }
0x127: {  	v31 =	vadd.s32 v41, v31;
	v39 =	vadd.s32 v54, v39;
	v40 =	vadd.s32 v40, v47;
	v42 =	vld.idx.msk [tilespmem:v42+s8+$0x0], $0xffff  }
0x128: {  	v41 =	vor.u32 s24, v5;
	v47 =	vshrl.u32 v39, $0xA;
	[tilespmem:v49+s14+$0x0] =	vst.idx.msk $0xffff, v12;
	v12 =	vshrl.u32 v31, $0xA;
	v52 =	vld.idx.msk [tilespmem:v52+s8+$0x0], $0xffff  }
0x129: {  	v39 =	vadd.s32 v39, v47;
	[tilespmem:v49+s15+$0x0] =	vst.idx.msk $0xffff, v50;
	v49 =	vadd.s32 v31, v12;
	v44 =	vld.idx.msk [tilespmem:v44+s11+$0x0], $0xffff  }
0x12a: {  	v47 =	vadd.s32 s19, v8;
	v31 =	vadd.s32 s28, v2;
	v12 =	vld.idx.msk [tilespmem:v46+s2+$0x0], $0xffff;
	[tilespmem:v51+s14+$0x0] =	vst.idx.msk $0xffff, v15;
	v15 =	vadd.s32 v58, v57  }
0x12b: {  	v54 =	vld.idx.msk [tilespmem:v21+s2+$0x0], $0xffff;
	[tilespmem:v51+s15+$0x0] =	vst.idx.msk $0xffff, v29;
	v29 =	vadd.s32 v56, v15;
	v15 =	vadd.s32 v43, v37  }
0x12c: {  	v37 =	vadd.s32 s23, v10;
	s23 =	smov.u32 s19;
	s19 =	smov.u32 s24;
	s24 =	smov.u32 s0;
	[tilespmem:v40+s14+$0x0] =	vst.idx.msk $0xffff, v35;
	v35 =	vld.idx.msk [tilespmem:v59+s2+$0x0], $0xffff;
	v43 =	vshrl.u32 v29, $0xA;
	v23 =	vadd.s32 v53, v15  }
0x12d: {  	v51 =	vor.u32 s21, v7;
	v15 =	vld.idx.msk [tilespmem:v41+s2+$0x0], $0xffff;
	[tilespmem:v40+s15+$0x0] =	vst.idx.msk $0xffff, v34;
	v43 =	vadd.s32 v29, v43;
	v29 =	vshrl.u32 v23, $0xA  }
0x12e: {  	v50 =	vmov v46;
	v53 =	vor.u32 s25, v5;
	[tilespmem:v49+s14+$0x0] =	vst.idx.msk $0xffff, v55;
	v56 =	vld.idx.msk [tilespmem:v28+s2+$0x0], $0xffff;
	v57 =	vadd.s32 v23, v29  }
0x12f: {  	v46 =	vadd.s32 s19, v6;
	v34 =	vmov v59;
	v31 =	vld.idx.msk [tilespmem:v31+s8+$0x0], $0xffff;
	[tilespmem:v39+s14+$0x0] =	vst.idx.msk $0xffff, v18;
	v18 =	vadd.s32 v44, v52  }
0x130: {  	v44 =	vadd.s32 s25, v6;
	[tilespmem:v49+s15+$0x0] =	vst.idx.msk $0xffff, v45;
	v40 =	vld.idx.msk [tilespmem:v47+s8+$0x0], $0xffff;
	v47 =	vor.u32 s22, v9;
	v48 =	vadd.s32 v48, v18  }
0x131: {  	v49 =	vand.u32 $0xFF, v12;
	v18 =	vshll.u32 v54, $0x4;
	v45 =	vmovc v21;
	[tilespmem:v39+s15+$0x0] =	vst.idx.msk $0xffff, v33;
	v37 =	vld.idx.msk [tilespmem:v37+s8+$0x0], $0xffff;
	v33 =	vshrl.u32 v48, $0xA  }
0x132: {  	v21 =	vshll.u32 v12, $0x4;
	v29 =	vmovc v41;
	v18 =	vand.u32 $0xFF0, v18;
	v52 =	vand.u32 $0xFF, v35;
	[tilespmem:v43+s14+$0x0] =	vst.idx.msk $0xffff, v38;
	v38 =	vld.idx.msk [tilespmem:v51+s2+$0x0], $0xffff  }
0x133: {  	v55 =	vmovc v54;
	v58 =	vor.u32 v0, v18;
	v39 =	vshll.u32 v15, $0x4;
	v59 =	vadd.s32 v48, v33;
	v18 =	vld.idx.msk [tilespmem:v53+s2+$0x0], $0xffff  }
0x134: {  	v21 =	vand.u32 $0xFF0, v21;
	v41 =	vand.u32 $0xFF, v55;
	v54 =	vand.u32 $0xFF, v15;
	v46 =	vld.idx.msk [tilespmem:v46+s8+$0x0], $0xffff;
	[tilespmem:v43+s15+$0x0] =	vst.idx.msk $0xffff, v36;
	v36 =	vmovc v51  }
0x135: {  	v21 =	vor.u32 v0, v21;
	v39 =	vand.u32 $0xFF0, v39;
	v43 =	vshll.u32 v56, $0x4;
	v33 =	vmovc v53;
	v51 =	vld.idx.msk [tilespmem:v47+s2+$0x0], $0xffff  }
0x136: {  	v53 =	vor.u32 v0, v39;
	v39 =	vld.idx.msk [tilespmem:v44+s8+$0x0], $0xffff;
	v44 =	vshll.u32 v35, $0x4;
	[tilespmem:v57+s14+$0x0] =	vst.idx.msk $0xffff, v19;
	v19 =	vmov v56  }
0x137: {  	v49 =	vld.idx.msk [tilespmem:v49+s13+$0x0], $0xffff;
	[tilespmem:v57+s15+$0x0] =	vst.idx.msk $0xffff, v30;
	v30 =	vmov v28  }
0x138: {  	v43 =	vand.u32 $0xFF0, v43;
	v28 =	vand.u32 $0xFF0, v44;
	v44 =	vshll.u32 v38, $0x4;
	v48 =	vld.idx.msk [tilespmem:v52+s13+$0x0], $0xffff;
	[tilespmem:v59+s14+$0x0] =	vst.idx.msk $0xffff, v22  }
0x139: {  	v56 =	vshll.u32 v18, $0x4;
	v28 =	vor.u32 v0, v28;
	v52 =	vand.u32 $0xFF0, v44;
	v41 =	vld.idx.msk [tilespmem:v41+s13+$0x0], $0xffff;
	[tilespmem:v59+s15+$0x0] =	vst.idx.msk $0xffff, v20  }
0x13a: {  	v43 =	vor.u32 v0, v43;
	v23 =	vand.u32 $0xFF0, v56;
	v20 =	vmov v47;
	v21 =	vld.idx.msk [tilespmem:v21+s7+$0x0], $0xffff  }
0x13b: {  	v44 =	vshll.u32 v51, $0x4;
	v22 =	vmov v51;
	v61 =	vld.idx.msk [tilespmem:v53+s9+$0x0], $0xffff;
	v53 =	vor.u32 v0, v23  }
0x13c: {  	v23 =	vand.u32 $0xFF, v18;
	v44 =	vand.u32 $0xFF0, v44;
	v47 =	vld.idx.msk [tilespmem:v58+s7+$0x0], $0xffff  }
.Ltmp12:
0x13d: {  	v57 =	vadd.s32 s21, v8;
	v51 =	vld.idx.msk [tilespmem:v54+s13+$0x0], $0xffff;
	(pc) =	sbr.rel @p3 .LBB2_23-.Ltmp12, $4  }
0x13e: {  	v58 =	vor.u32 v0, v52;
	v56 =	vld.idx.msk [tilespmem:v28+s10+$0x0], $0xffff  }
0x13f: {  	v59 =	vand.u32 $0xFF, v38;
	v52 =	vadd.s32 s22, v10;
	s22 =	smov.u32 s21;
	s21 =	smov.u32 s25;
	s25 =	smov.u32 s28;
	v43 =	vld.idx.msk [tilespmem:v43+s11+$0x0], $0xffff  }
0x140: {  	v60 =	vand.u32 $0xFF, v22;
	v28 =	vor.u32 s23, v9;
	v21 =	vadd.s32 v21, v42;
	v53 =	vld.idx.msk [tilespmem:v53+s9+$0x0], $0xffff  }
0x141: {  	v63 =	vadd.s32 v49, v21;
	v62 =	vadd.s32 v61, v46;
	v61 =	vand.u32 $0xFF, v19;
	v54 =	vld.idx.msk [tilespmem:v23+s13+$0x0], $0xffff  }
0x142: {  	s26 =	smov.u32 s19  }
0x143: {  	s28 =	smov.u32 s21;
	s19 =	smov.u32 s24;
	v46 =	vmovc v50;
	v49 =	vmov v55;
	s21 =	smov.u32 s25;
	v42 =	vmov v45;
	v55 =	vmov v25  }
.LBB2_25:
0x144: {  	v21 =	vshrl.u32 v63, $0xA  }
0x145: {  	v23 =	vadd.s32 v47, v31;
	v21 =	vadd.s32 v63, v21  }
0x146: {  	v23 =	vadd.s32 v41, v23  }
0x147: {  	v41 =	vshrl.u32 v23, $0xA  }
0x148: {  	v31 =	vor.u32 s19, v5;
	v23 =	vadd.s32 v23, v41;
	_ =	sdelay $0x1  }
0x149: {  	[tilespmem:v21+s14+$0x0] =	vst.idx.msk $0xffff, v12;
	v12 =	vor.u32 s21, v5;
	_ =	sdelay $0x1  }
0x14a: {  	[tilespmem:v21+s15+$0x0] =	vst.idx.msk $0xffff, v46  }
0x14b: {  	v21 =	vld.idx.msk [tilespmem:v31+s2+$0x0], $0xffff;
	[tilespmem:v23+s14+$0x0] =	vst.idx.msk $0xffff, v49  }
0x14c: {  	[tilespmem:v23+s15+$0x0] =	vst.idx.msk $0xffff, v42  }
0x14d: {  	v23 =	vld.idx.msk [tilespmem:v12+s2+$0x0], $0xffff;
	_ =	sdelay $0x2  }
0x14e: {  	v25 =	vadd.s32 s21, v6;
	v50 =	vshll.u32 v21, $0x4  }
0x14f: {  	v42 =	vadd.s32 s19, v6;
	v41 =	vand.u32 $0xFF0, v50  }
0x150: {  	v41 =	vor.u32 v0, v41;
	v63 =	vshll.u32 v23, $0x4  }
0x151: {  	v45 =	vand.u32 $0xFF, v21;
	v46 =	vand.u32 $0xFF0, v63  }
0x152: {  	v49 =	vadd.s32 @p1 v51, v62;
	v46 =	vor.u32 v0, v46  }
0x153: {  	v39 =	vadd.s32 @p1 v53, v39;
	v47 =	vld.idx.msk [tilespmem:v25+s8+$0x0], $0xffff;
	v50 =	vshrl.u32 @p1 v49, $0xA;
	v63 =	vand.u32 $0xFF, v23  }
0x154: {  	v39 =	vadd.s32 @p1 v54, v39;
	v42 =	vld.idx.msk [tilespmem:v42+s8+$0x0], $0xffff;
	v49 =	vadd.s32 @p1 v49, v50  }
0x155: {  	v50 =	vshrl.u32 @p1 v39, $0xA;
	v41 =	vld.idx.msk [tilespmem:v41+s9+$0x0], $0xffff  }
0x156: {  	v39 =	vadd.s32 @p1 v39, v50;
	v45 =	vld.idx.msk [tilespmem:v45+s13+$0x0], $0xffff  }
0x157: {  	v53 =	vor.u32 @p1 s26, v7;
	v46 =	vld.idx.msk [tilespmem:v46+s9+$0x0], $0xffff  }
0x158: {  	v50 =	vor.u32 @p1 s28, v7;
	v51 =	vld.idx.msk [tilespmem:v63+s13+$0x0], $0xffff  }
0x159: {  	[tilespmem:v49+s14+$0x0] =	vst.idx.msk @p1 $0xffff, v15  }
0x15a: {  	v54 =	vld.idx.msk @p2 [tilespmem:v57+s8+$0x0], $0xffff;
	[tilespmem:v49+s15+$0x0] =	vst.idx.msk @p1 $0xffff, v29;
	v25 =	vadd.s32 v41, v42  }
0x15b: {  	[tilespmem:v39+s14+$0x0] =	vst.idx.msk @p1 $0xffff, v18;
	v41 =	vld.idx.msk @p2 [tilespmem:v58+s10+$0x0], $0xffff;
	v15 =	vadd.s32 v45, v25  }
0x15c: {  	[tilespmem:v39+s15+$0x0] =	vst.idx.msk @p1 $0xffff, v33;
	v42 =	vld.idx.msk @p1 [tilespmem:v53+s2+$0x0], $0xffff;
	v57 =	vshrl.u32 v15, $0xA;
	v58 =	vadd.s32 v46, v47  }
0x15d: {  	v33 =	vld.idx.msk @p1 [tilespmem:v50+s2+$0x0], $0xffff;
	v18 =	vadd.s32 v15, v57;
	v15 =	vadd.s32 v51, v58  }
0x15e: {  	v29 =	vadd.s32 @p2 v56, v40;
	v45 =	vld.idx.msk @p2 [tilespmem:v59+s13+$0x0], $0xffff;
	v59 =	vshrl.u32 v15, $0xA  }
0x15f: {  	v29 =	vadd.s32 @p2 v48, v29;
	v39 =	vor.u32 s19, v7;
	v40 =	vadd.s32 v15, v59  }
0x160: {  	v48 =	vld.idx.msk @p0 [tilespmem:v61+s13+$0x0], $0xffff;
	v46 =	vshrl.u32 @p2 v29, $0xA;
	v47 =	vadd.s32 @p1 s26, v8  }
0x161: {  	v61 =	vadd.s32 s19, v8;
	v46 =	vadd.s32 @p2 v29, v46;
	v51 =	vld.idx.msk @p0 [tilespmem:v52+s8+$0x0], $0xffff;
	v29 =	vshll.u32 @p1 v42, $0x4  }
0x162: {  	v41 =	vadd.s32 @p2 v41, v54;
	v15 =	vld.idx.msk @p0 [tilespmem:v60+s13+$0x0], $0xffff;
	v49 =	vand.u32 @p1 $0xFF0, v29;
	v29 =	vor.u32 s21, v7;
	[tilespmem:v18+s14+$0x0] =	vst.idx.msk $0xffff, v21  }
0x163: {  	v21 =	vadd.s32 @p2 v45, v41;
	v41 =	vshll.u32 @p1 v33, $0x4;
	v45 =	vor.u32 @p1 v0, v49;
	[tilespmem:v18+s15+$0x0] =	vst.idx.msk $0xffff, v31  }
0x164: {  	v31 =	vand.u32 @p1 $0xFF0, v41;
	v41 =	vadd.s32 @p1 s28, v8;
	v49 =	vld.idx.msk [tilespmem:v39+s2+$0x0], $0xffff;
	[tilespmem:v40+s14+$0x0] =	vst.idx.msk $0xffff, v23;
	v23 =	vshrl.u32 @p2 v21, $0xA  }
0x165: {  	v18 =	vand.u32 @p1 $0xFF, v42;
	v26 =	vpsel p1, v41, v26;
	v41 =	vld.idx.msk @p1 [tilespmem:v47+s8+$0x0], $0xffff;
	v21 =	vadd.s32 @p2 v21, v23  }
0x166: {  	v31 =	vor.u32 @p1 v0, v31;
	v54 =	vld.idx.msk [tilespmem:v61+s8+$0x0], $0xffff;
	[tilespmem:v40+s15+$0x0] =	vst.idx.msk $0xffff, v12  }
0x167: {  	[tilespmem:v46+s14+$0x0] =	vst.idx.msk @p2 $0xffff, v35;
	v47 =	vand.u32 @p1 $0xFF, v33;
	v27 =	vpsel p1, v31, v27;
	v31 =	vld.idx.msk [tilespmem:v29+s2+$0x0], $0xffff  }
0x168: {  	[tilespmem:v46+s15+$0x0] =	vst.idx.msk @p2 $0xffff, v34;
	v23 =	vpsel p1, v47, v32;
	v32 =	vld.idx.msk @p1 [tilespmem:v45+s10+$0x0], $0xffff  }
0x169: {  	v45 =	vld.idx.msk @p2 [tilespmem:v28+s2+$0x0], $0xffff  }
0x16a: {  	v18 =	vld.idx.msk @p1 [tilespmem:v18+s13+$0x0], $0xffff;
	v60 =	vshll.u32 v49, $0x4;
	[tilespmem:v21+s14+$0x0] =	vst.idx.msk @p2 $0xffff, v38  }
0x16b: {  	v12 =	vor.u32 @p2 s22, v9;
	v26 =	vld.idx.msk @p1 [tilespmem:v26+s8+$0x0], $0xffff;
	v40 =	vand.u32 $0xFF0, v60;
	[tilespmem:v21+s15+$0x0] =	vst.idx.msk @p2 $0xffff, v36  }
0x16c: {  	v62 =	vor.u32 v0, v40;
	v21 =	vld [tilespmem:$0x1FFF0]  }
0x16d: {  	v63 =	vand.u32 $0xFF, v49;
	v25 =	vshll.u32 v31, $0x4;
	v52 =	vld [tilespmem:$0x1FFE0]  }
0x16e: {  	v47 =	vadd.s32 s21, v8;
	v27 =	vld.idx.msk @p1 [tilespmem:v27+s10+$0x0], $0xffff;
	v25 =	vand.u32 $0xFF0, v25  }
0x16f: {  	v17 =	vpsel p1, v33, v17;
	v23 =	vld.idx.msk @p1 [tilespmem:v23+s13+$0x0], $0xffff;
	v25 =	vor.u32 v0, v25  }
0x170: {  	s0 =	smov.u32 @p1 s26;
	v42 =	vpsel p1, v42, v14;
	v38 =	vpsel p1, v41, v55;
	v55 =	vand.u32 $0xFF, v31;
	v36 =	vld.idx.msk @p2 [tilespmem:v12+s2+$0x0], $0xffff  }
0x171: {  	v34 =	vadd.s32 @p0 v43, v37;
	v43 =	vor.u32 @p1 s0, v9;
	v56 =	vld.idx.msk [tilespmem:v62+s10+$0x0], $0xffff;
	v21 =	vpsel p1, v32, v21  }
0x172: {  	v35 =	vmovc @p1 v50;
	v40 =	vshll.u32 @p2 v45, $0x4;
	v57 =	vld.idx.msk [tilespmem:v63+s13+$0x0], $0xffff;
	v18 =	vpsel p1, v18, v52;
	v21 =	vadd.s32 @p1 v21, v38  }
0x173: {  	v16 =	vpsel p1, v35, v16;
	v40 =	vand.u32 @p2 $0xFF0, v40;
	v32 =	vld.idx.msk [tilespmem:v47+s8+$0x0], $0xffff;
	v18 =	vadd.s32 @p1 v18, v21  }
0x174: {  	v40 =	vor.u32 @p2 v0, v40;
	v26 =	vadd.s32 @p1 v27, v26;
	v25 =	vld.idx.msk [tilespmem:v25+s10+$0x0], $0xffff;
	v41 =	vshrl.u32 @p1 v18, $0xA  }
0x175: {  	v58 =	vld.idx.msk [tilespmem:v55+s13+$0x0], $0xffff;
	v46 =	vshll.u32 @p2 v36, $0x4;
	v37 =	vadd.s32 @p1 v18, v41;
	v18 =	vadd.s32 @p1 v23, v26  }
0x176: {  	v38 =	vor.u32 @p0 v0, v44;
	v21 =	vadd.s32 v56, v54;
	v41 =	vshrl.u32 @p1 v18, $0xA  }
0x177: {  	v44 =	vmovc @p1 v53;
	v21 =	vadd.s32 v57, v21;
	v41 =	vadd.s32 @p1 v18, v41;
	v18 =	vpsel p1, v43, v24  }
0x178: {  	v13 =	vpsel p1, v44, v13;
	v26 =	vadd.s32 @p2 s23, v10;
	s23 =	smov.u32 @p1 s28;
	v59 =	vshrl.u32 v21, $0xA  }
0x179: {  	v27 =	vmovc @p2 v36;
	v36 =	vld.idx.msk @p2 [tilespmem:v40+s11+$0x0], $0xffff;
	s20 =	smov.u32 @p1 s23;
	v60 =	vadd.s32 v25, v32;
	v32 =	vadd.s32 @p0 v48, v34;
	v34 =	vand.u32 @p2 $0xFF0, v46  }
0x17a: {  	v14 =	vor.u32 @p1 s20, v9;
	v61 =	vadd.s32 v58, v60;
	v34 =	vpsel p2, v34, v0;
	[tilespmem:v37+s14+$0x0] =	vst.idx.msk @p1 $0xffff, v42  }
0x17b: {  	v23 =	vand.u32 @p2 $0xFF, v27;
	v34 =	vor.u32 @p2 v0, v34;
	[tilespmem:v37+s15+$0x0] =	vst.idx.msk @p1 $0xffff, v13;
	v13 =	vadd.s32 v21, v59  }
0x17c: {  	v62 =	vshrl.u32 v61, $0xA;
	v21 =	vpsel p2, v23, v0;
	[tilespmem:v41+s14+$0x0] =	vst.idx.msk @p1 $0xffff, v17;
	v23 =	vld.idx.msk @p1 [tilespmem:v18+s2+$0x0], $0xffff  }
0x17d: {  	v35 =	vadd.s32 @p2 s22, v10;
	v25 =	vor.u32 s19, v9;
	v33 =	vld.idx.msk @p0 [tilespmem:v38+s11+$0x0], $0xffff;
	[tilespmem:v41+s15+$0x0] =	vst.idx.msk @p1 $0xffff, v16;
	v16 =	vadd.s32 v61, v62  }
0x17e: {  	v35 =	vpsel p2, v35, v0;
	v43 =	vmov @p2 v45;
	v26 =	vld.idx.msk @p2 [tilespmem:v26+s8+$0x0], $0xffff  }
0x17f: {  	v37 =	vor.u32 s21, v9;
	v17 =	vand.u32 @p2 $0xFF, v43;
	v24 =	vld.idx.msk @p1 [tilespmem:v14+s2+$0x0], $0xffff  }
0x180: {  	v48 =	vadd.s32 s19, v10;
	v17 =	vpsel p2, v17, v0;
	v34 =	vld.idx.msk @p2 [tilespmem:v34+s11+$0x0], $0xffff;
	[tilespmem:v13+s14+$0x0] =	vst.idx.msk $0xffff, v49  }
0x181: {  	v36 =	vpsel p2, v36, v0;
	v38 =	vshrl.u32 @p0 v32, $0xA;
	v21 =	vld.idx.msk @p2 [tilespmem:v21+s13+$0x0], $0xffff;
	v40 =	vshll.u32 @p1 v23, $0x4;
	[tilespmem:v13+s15+$0x0] =	vst.idx.msk $0xffff, v39  }
0x182: {  	s18 =	smov.u32 @p1 s0;
	v52 =	vadd.s32 s21, v10;
	v13 =	vadd.s32 @p0 v32, v38;
	v38 =	vand.u32 @p1 $0xFF0, v40;
	v40 =	vld.idx.msk [tilespmem:v25+s2+$0x0], $0xffff;
	[tilespmem:v16+s14+$0x0] =	vst.idx.msk $0xffff, v31  }
0x183: {  	v33 =	vadd.s32 @p0 v33, v51;
	v32 =	vadd.s32 @p1 s18, v10;
	v31 =	vld.idx.msk @p2 [tilespmem:v35+s8+$0x0], $0xffff;
	v35 =	vand.u32 @p1 $0xFF, v23;
	[tilespmem:v16+s15+$0x0] =	vst.idx.msk $0xffff, v29  }
0x184: {  	v39 =	vmovc @p1 v24;
	v38 =	vor.u32 @p1 v0, v38;
	v24 =	vshll.u32 @p1 v24, $0x4;
	v29 =	vpsel p1, v35, v0;
	v35 =	vld.idx.msk [tilespmem:v37+s2+$0x0], $0xffff  }
0x185: {  	v15 =	vadd.s32 @p0 v15, v33;
	v17 =	vld.idx.msk @p2 [tilespmem:v17+s13+$0x0], $0xffff;
	v16 =	vand.u32 @p1 $0xFF0, v24;
	v24 =	vadd.s32 @p1 s20, v10  }
0x186: {  	v42 =	vshrl.u32 @p0 v15, $0xA;
	v54 =	vld.idx.msk [tilespmem:v48+s8+$0x0], $0xffff;
	v16 =	vpsel p1, v16, v0;
	v24 =	vpsel p1, v24, v0  }
0x187: {  	v41 =	vand.u32 @p1 $0xFF, v39;
	v58 =	vld.idx.msk [tilespmem:v52+s8+$0x0], $0xffff;
	v16 =	vor.u32 @p1 v0, v16;
	v63 =	vshll.u32 v40, $0x4  }
0x188: {  	v15 =	vadd.s32 @p0 v15, v42;
	v41 =	vpsel p1, v41, v0;
	v32 =	vld.idx.msk @p1 [tilespmem:v32+s8+$0x0], $0xffff;
	v33 =	vand.u32 $0xFF0, v63  }
0x189: {  	v26 =	vpsel p2, v26, v0;
	v38 =	vld.idx.msk @p1 [tilespmem:v38+s11+$0x0], $0xffff;
	v33 =	vor.u32 v0, v33;
	v49 =	vshll.u32 v35, $0x4  }
0x18a: {  	v26 =	vadd.s32 @p2 v36, v26;
	v50 =	vand.u32 $0xFF, v40;
	v29 =	vld.idx.msk @p1 [tilespmem:v29+s13+$0x0], $0xffff;
	v51 =	vand.u32 $0xFF0, v49  }
0x18b: {  	[tilespmem:v13+s14+$0x0] =	vst.idx.msk @p0 $0xffff, v19;
	v17 =	vadd.s32 @p2 v17, v26;
	v24 =	vld.idx.msk @p1 [tilespmem:v24+s8+$0x0], $0xffff;
	v53 =	vor.u32 v0, v51  }
0x18c: {  	[tilespmem:v13+s15+$0x0] =	vst.idx.msk @p0 $0xffff, v30;
	v26 =	vadd.s32 @p2 v34, v31;
	v13 =	vshrl.u32 @p2 v17, $0xA;
	v55 =	vand.u32 $0xFF, v35;
	v16 =	vld.idx.msk @p1 [tilespmem:v16+s11+$0x0], $0xffff  }
0x18d: {  	[tilespmem:v15+s14+$0x0] =	vst.idx.msk @p0 $0xffff, v22;
	v13 =	vadd.s32 @p2 v17, v13;
	v17 =	vadd.s32 @p2 v21, v26;
	v41 =	vld.idx.msk @p1 [tilespmem:v41+s13+$0x0], $0xffff  }
0x18e: {  	v22 =	vmovc @p2 v28;
	v26 =	vshrl.u32 @p2 v17, $0xA;
	v28 =	vpsel p1, v32, v0;
	v32 =	vpsel p1, v38, v0;
	v56 =	vld.idx.msk [tilespmem:v33+s11+$0x0], $0xffff  }
0x18f: {  	[tilespmem:v15+s15+$0x0] =	vst.idx.msk @p0 $0xffff, v20;
	v15 =	vadd.s32 @p2 v17, v26;
	v57 =	vld.idx.msk [tilespmem:v50+s13+$0x0], $0xffff;
	v17 =	vadd.s32 @p1 v32, v28  }
0x190: {  	v12 =	vpsel p2, v12, v0;
	v22 =	vpsel p2, v22, v0;
	v17 =	vadd.s32 @p1 v29, v17;
	v19 =	vld.idx.msk [tilespmem:v53+s11+$0x0], $0xffff  }
0x191: {  	v26 =	vpsel p2, v43, v0;
	v59 =	vld.idx.msk [tilespmem:v55+s13+$0x0], $0xffff;
	v28 =	vshrl.u32 @p1 v17, $0xA;
	v16 =	vadd.s32 @p1 v16, v24  }
0x192: {  	[tilespmem:v13+s14+$0x0] =	vst.idx.msk @p2 $0xffff, v26;
	v17 =	vadd.s32 @p1 v17, v28;
	v16 =	vadd.s32 @p1 v41, v16  }
0x193: {  	v27 =	vpsel p2, v27, v0;
	[tilespmem:v13+s15+$0x0] =	vst.idx.msk @p2 $0xffff, v22;
	v13 =	vshrl.u32 @p1 v16, $0xA;
	v21 =	vadd.s32 v56, v54  }
0x194: {  	[tilespmem:v15+s14+$0x0] =	vst.idx.msk @p2 $0xffff, v27;
	v13 =	vadd.s32 @p1 v16, v13;
	v60 =	vadd.s32 v57, v21  }
0x195: {  	[tilespmem:v15+s15+$0x0] =	vst.idx.msk @p2 $0xffff, v12;
	v61 =	vshrl.u32 v60, $0xA;
	v62 =	vadd.s32 v19, v58  }
0x196: {  	v19 =	vpsel p1, v23, v0;
	v12 =	vadd.s32 v60, v61;
	v15 =	vadd.s32 v59, v62  }
0x197: {  	v16 =	vpsel p1, v18, v0;
	[tilespmem:v17+s14+$0x0] =	vst.idx.msk @p1 $0xffff, v19;
	v63 =	vshrl.u32 v15, $0xA  }
0x198: {  	v19 =	vpsel p1, v39, v0;
	[tilespmem:v17+s15+$0x0] =	vst.idx.msk @p1 $0xffff, v16;
	v15 =	vadd.s32 v15, v63  }
0x199: {  	v14 =	vpsel p1, v14, v0;
	[tilespmem:v13+s14+$0x0] =	vst.idx.msk @p1 $0xffff, v19  }
0x19a: {  	[tilespmem:v13+s15+$0x0] =	vst.idx.msk @p1 $0xffff, v14  }
0x19b: {  	[tilespmem:v12+s14+$0x0] =	vst.idx.msk $0xffff, v40  }
0x19c: {  	[tilespmem:v12+s15+$0x0] =	vst.idx.msk $0xffff, v25  }
0x19d: {  	[tilespmem:v15+s14+$0x0] =	vst.idx.msk $0xffff, v35  }
0x19e: {  	s18 =	simm.s32 $0x10050;
	[tilespmem:v15+s15+$0x0] =	vst.idx.msk $0xffff, v37  }
0x19f: {  	p0 =	por $0x1, $0x1;
	[tilespmem:s18+$0xFFFFFFF0] =	vst v3  }
.Ltmp13:
0x1a0: {  	s19 =	simm.s32 $0x11050;
	[tilespmem:s18+$0x0] =	vst v3;
	(pc) =	sbr.rel @!p0 .LBB2_27-.Ltmp13, $4  }
0x1a1: {  	[tilespmem:s19+$0x0] =	vst v3  }
0x1a2: {  	s31 =	simm.s32 $0x12050;
	[tilespmem:s19+$0xFFFFFFF0] =	vst v3  }
0x1a3: {  	s0 =	simm.s32 $0x0;
	s22 =	simm.s32 $0x12070;
	[tilespmem:s31+$0x0] =	vst v3  }
0x1a4: {  	s23 =	simm.s32 $0x13070;
	s21 =	simm.s32 $0x0;
	s20 =	simm.s32 $0x13050;
	[tilespmem:s31+$0xFFFFFFF0] =	vst v3  }
.LBB2_26:
0x1a5: {  	s21 =	sadd.s32 $0x2, s21;
	[tilespmem:s20+$0xFFFFFFF0] =	vst v3;
	s18 =	sadd.s32 $0x20, s18;
	s19 =	sadd.s32 $0x20, s19  }
0x1a6: {  	p0 =	slt.u32 s21, $0xFE;
	[tilespmem:s20+$0x0] =	vst v3;
	s20 =	smov.u32 s23  }
0x1a7: {  	[tilespmem:s18+$0xFFFFFFF0] =	vst v3  }
.Ltmp14:
0x1a8: {  	[tilespmem:s18+$0x0] =	vst v3;
	(pc) =	sbr.rel @p0 .LBB2_26-.Ltmp14, $4  }
0x1a9: {  	[tilespmem:s19+$0x0] =	vst v3  }
0x1aa: {  	[tilespmem:s22+$0x0] =	vst v3  }
0x1ab: {  	[tilespmem:s19+$0xFFFFFFF0] =	vst v3  }
0x1ac: {  	s23 =	sadd.s32 $0x20, s23;
	[tilespmem:s22+$0xFFFFFFF0] =	vst v3;
	s22 =	sadd.s32 $0x20, s22  }
.LBB2_27:
0x1ad: {  	[tilespmem:s20+$0xFFFFFFF0] =	vst v3  }
0x1ae: {  	[tilespmem:s20+$0x0] =	vst v3  }
.LBB2_28:
0x1af: {  	v12 =	vadd.s32 s0, v2;
	_ =	sdelay $0x4  }
0x1b0: {  	v13 =	vld.idx.msk [tilespmem:v12+s14+$0x0], $0xffff;
	_ =	sdelay $0x4  }
0x1b1: {  	v13 =	vshrl.u32 v13, $0x4  }
0x1b2: {  	v13 =	vand.u32 $0xFF0, v13  }
0x1b3: {  	v13 =	vor.u32 v0, v13;
	_ =	sdelay $0x4  }
0x1b4: {  	v14 =	vld.idx.msk [tilespmem:v13+s7+$0x0], $0xffff;
	_ =	sdelay $0x2  }
0x1b5: {  	v15 =	vadd.s32 s0, v6;
	_ =	sdelay $0x1  }
0x1b6: {  	v16 =	vadd.s32 $0x1, v14  }
0x1b7: {  	[tilespmem:v13+s7+$0x0] =	vst.idx.msk $0xffff, v16  }
0x1b8: {  	[tilespmem:v12+s8+$0x0] =	vst.idx.msk $0xffff, v14  }
0x1b9: {  	v12 =	vld.idx.msk [tilespmem:v15+s14+$0x0], $0xffff;
	_ =	sdelay $0x4  }
0x1ba: {  	v12 =	vshrl.u32 v12, $0x4  }
0x1bb: {  	v12 =	vand.u32 $0xFF0, v12  }
0x1bc: {  	v12 =	vor.u32 v0, v12;
	_ =	sdelay $0x4  }
0x1bd: {  	v13 =	vld.idx.msk [tilespmem:v12+s9+$0x0], $0xffff;
	_ =	sdelay $0x2  }
0x1be: {  	v59 =	vadd.s32 s0, v8;
	_ =	sdelay $0x1  }
0x1bf: {  	v60 =	vadd.s32 $0x1, v13  }
0x1c0: {  	[tilespmem:v12+s9+$0x0] =	vst.idx.msk $0xffff, v60  }
0x1c1: {  	[tilespmem:v15+s8+$0x0] =	vst.idx.msk $0xffff, v13  }
0x1c2: {  	v12 =	vld.idx.msk [tilespmem:v59+s14+$0x0], $0xffff;
	_ =	sdelay $0x4  }
0x1c3: {  	v12 =	vshrl.u32 v12, $0x4  }
0x1c4: {  	v12 =	vand.u32 $0xFF0, v12  }
0x1c5: {  	v12 =	vor.u32 v0, v12;
	_ =	sdelay $0x4  }
0x1c6: {  	v13 =	vld.idx.msk [tilespmem:v12+s10+$0x0], $0xffff;
	_ =	sdelay $0x2  }
0x1c7: {  	v61 =	vadd.s32 s0, v10;
	_ =	sdelay $0x1  }
0x1c8: {  	v62 =	vadd.s32 $0x1, v13  }
0x1c9: {  	[tilespmem:v12+s10+$0x0] =	vst.idx.msk $0xffff, v62  }
0x1ca: {  	[tilespmem:v59+s8+$0x0] =	vst.idx.msk $0xffff, v13  }
0x1cb: {  	v12 =	vld.idx.msk [tilespmem:v61+s14+$0x0], $0xffff;
	_ =	sdelay $0x4  }
0x1cc: {  	v12 =	vshrl.u32 v12, $0x4  }
0x1cd: {  	v12 =	vand.u32 $0xFF0, v12  }
0x1ce: {  	v12 =	vor.u32 v0, v12;
	_ =	sdelay $0x4  }
0x1cf: {  	v13 =	vld.idx.msk [tilespmem:v12+s11+$0x0], $0xffff;
	_ =	sdelay $0x1  }
0x1d0: {  	p0 =	sne.s32 s0, $0xFF  }
.Ltmp15:
0x1d1: {  	_ = 	snop;
	(pc) =	sbr.rel @p0 .LBB2_28-.Ltmp15, $4  }
0x1d2: {  	_ = 	snop  }
0x1d3: {  	v63 =	vadd.s32 $0x1, v13  }
0x1d4: {  	[tilespmem:v12+s11+$0x0] =	vst.idx.msk $0xffff, v63  }
0x1d5: {  	s0 =	sadd.s32 $0x1, s0;
	[tilespmem:v61+s8+$0x0] =	vst.idx.msk $0xffff, v13  }
0x1d6: {  	s29 =	simm.s32 $0x10050  }
0x1d7: {  	s26 =	simm.s32 $0x11050;
	v15 =	vld [tilespmem:s29+$0x0]  }
0x1d8: {  	s25 =	simm.s32 $0x12050;
	v16 =	vld [tilespmem:s26+$0x0]  }
0x1d9: {  	s0 =	simm.s32 $0x13050;
	v17 =	vld [tilespmem:s25+$0x0]  }
0x1da: {  	v12 =	vld [tilespmem:s0+$0x0];
	_ =	sdelay $0x1  }
0x1db: {  	v18 =	vld [tilespmem:s26+$0xFFFFFFF0]  }
0x1dc: {  	v19 =	vld [tilespmem:s29+$0xFFFFFFF0];
	v13 =	vadd.s32 v15, v16  }
0x1dd: {  	v20 =	vld [tilespmem:s25+$0xFFFFFFF0];
	v13 =	vadd.s32 v17, v13  }
0x1de: {  	s20 =	simm.s32 $0x10070;
	v14 =	vld [tilespmem:s0+$0xFFFFFFF0];
	v21 =	vadd.s32 v12, v13  }
0x1df: {  	s21 =	simm.s32 $0x11070;
	v22 =	vld [tilespmem:s20+$0x0];
	(xrf0) =	vadd.scan.msk.s32 $0xffff, v21  }
0x1e0: {  	s18 =	simm.s32 $0x12070;
	v23 =	vld [tilespmem:s21+$0x0]  }
0x1e1: {  	s19 =	simm.s32 $0x13070;
	v24 =	vld [tilespmem:s18+$0x0];
	v12 =	vadd.s32 v19, v18  }
0x1e2: {  	v26 =	vld [tilespmem:s19+$0x0];
	v12 =	vadd.s32 v20, v12  }
0x1e3: {  	v25 =	vadd.s32 v14, v12  }
0x1e4: {  	(xrf0) =	vadd.scan.msk.s32 $0xffff, v25  }
0x1e5: {  	v28 =	vadd.s32 v22, v23;
	v13 =	vld [tilespmem:s21+$0xFFFFFFF0];
	v27, _, _ =	vpop (xrf0)  }
0x1e6: {  	v28 =	vadd.s32 v24, v28;
	v14 =	vld [tilespmem:s20+$0xFFFFFFF0];
	v21 =	vsub.s32 v27, v21  }
0x1e7: {  	v26 =	vadd.s32 v26, v28;
	v12 =	vld [tilespmem:s18+$0xFFFFFFF0];
	[tilespmem:s29+$0x0] =	vst v21;
	v15 =	vadd.s32 v15, v21  }
0x1e8: {  	s22 =	simm.s32 $0x10090;
	v29 =	vld [tilespmem:s19+$0xFFFFFFF0];
	(xrf0) =	vadd.scan.msk.s32 $0xffff, v26;
	[tilespmem:s26+$0x0] =	vst v15;
	v15 =	vadd.s32 v16, v15  }
0x1e9: {  	s24 =	simm.s32 $0x11090;
	[tilespmem:s25+$0x0] =	vst v15;
	v16 =	vadd.s32 v17, v15;
	v17 =	vbroadcast v27, $0xF;
	v15 =	vld [tilespmem:s22+$0x0]  }
0x1ea: {  	s23 =	simm.s32 $0x18060;
	s28 =	simm.s32 $0x12090;
	v27, _, _ =	vpop (xrf0);
	[tilespmem:s0+$0x0] =	vst v16;
	v16 =	vld [tilespmem:s24+$0x0]  }
0x1eb: {  	s30 =	simm.s32 $0x13090;
	v21 =	vadd.s32 v14, v13;
	v25 =	vsub.s32 v27, v25;
	[tilespmem:s23+$0x0] =	vst v17;
	v17 =	vld [tilespmem:s28+$0x0]  }
0x1ec: {  	v21 =	vadd.s32 v12, v21;
	v19 =	vadd.s32 v19, v25;
	[tilespmem:s29+$0xFFFFFFF0] =	vst v25;
	v25 =	vld [tilespmem:s30+$0x0]  }
0x1ed: {  	v21 =	vadd.s32 v29, v21;
	v18 =	vadd.s32 v18, v19;
	[tilespmem:s26+$0xFFFFFFF0] =	vst v19  }
0x1ee: {  	(xrf0) =	vadd.scan.msk.s32 $0xffff, v21;
	v19 =	vbroadcast v27, $0xF;
	v27, _, _ =	vpop (xrf0);
	v20 =	vadd.s32 v20, v18;
	[tilespmem:s25+$0xFFFFFFF0] =	vst v18  }
0x1ef: {  	v18 =	vld [tilespmem:s24+$0xFFFFFFF0];
	v26 =	vsub.s32 v27, v26;
	[tilespmem:s0+$0xFFFFFFF0] =	vst v20;
	v63 =	vadd.s32 v15, v16  }
0x1f0: {  	v20 =	vld [tilespmem:s22+$0xFFFFFFF0];
	[tilespmem:s20+$0x0] =	vst v26;
	v26 =	vadd.s32 v22, v26;
	v28 =	vadd.s32 v17, v63  }
0x1f1: {  	[tilespmem:s23+$0xFFFFFFF0] =	vst v19;
	v19 =	vld [tilespmem:s28+$0xFFFFFFF0];
	v22 =	vadd.s32 v25, v28;
	v25 =	vadd.s32 v23, v26  }
0x1f2: {  	v23 =	vld [tilespmem:s30+$0xFFFFFFF0]  }
0x1f3: {  	s31 =	simm.s32 $0x4;
	s29 =	simm.s32 $0x11090;
	[tilespmem:s21+$0x0] =	vst v26  }
0x1f4: {  	s26 =	simm.s32 $0x12090;
	s25 =	simm.s32 $0x13090;
	s0 =	simm.s32 $0x100B0;
	(xrf0) =	vadd.scan.msk.s32 $0xffff, v22;
	[tilespmem:s18+$0x0] =	vst v25;
	v26 =	vadd.s32 v24, v25;
	v24 =	vbroadcast v27, $0xF;
	v25, _, _ =	vpop (xrf0)  }
.LBB2_30:
0x1f5: {  	v27 =	vld [tilespmem:s0+$0x0];
	v28 =	vadd.s32 v20, v18;
	s24 =	sadd.s32 $0x20, s24;
	v29 =	vsub.s32 v25, v21;
	v25 =	vbroadcast v25, $0xF;
	[tilespmem:s19+$0x0] =	vst v26;
	s23 =	sadd.s32 $0x20, s23;
	v26 =	vmovc v17  }
0x1f6: {  	s28 =	sadd.s32 $0x20, s28;
	v30 =	vld [tilespmem:s24+$0x0];
	v21 =	vadd.s32 v19, v28;
	v28 =	vadd.s32 v14, v29;
	[tilespmem:s23+$0x0] =	vst v24;
	v14 =	vmov v20  }
0x1f7: {  	s31 =	sadd.s32 $0x2, s31;
	s30 =	sadd.s32 $0x20, s30;
	v17 =	vld [tilespmem:s28+$0x0];
	v21 =	vadd.s32 v23, v21;
	[tilespmem:s20+$0xFFFFFFF0] =	vst v29;
	v20 =	vadd.s32 v13, v28;
	v13 =	vmov v18;
	s20 =	smov.u32 s22  }
0x1f8: {  	p0 =	slt.u32 s31, $0xFE;
	v24 =	vld [tilespmem:s30+$0x0];
	(xrf0) =	vadd.scan.msk.s32 $0xffff, v21;
	[tilespmem:s21+$0xFFFFFFF0] =	vst v28;
	v23 =	vadd.s32 v12, v20;
	v12 =	vmov v19;
	s21 =	smov.u32 s29;
	s29 =	smov.u32 s24  }
0x1f9: {  	s22 =	smov.u32 s0;
	v18 =	vld [tilespmem:s24+$0xFFFFFFF0];
	[tilespmem:s18+$0xFFFFFFF0] =	vst v20;
	s18 =	smov.u32 s26;
	s26 =	smov.u32 s28  }
.Ltmp16:
0x1fa: {  	v20 =	vld [tilespmem:s0+$0xFFFFFFF0];
	v28, _, _ =	vpop (xrf0);
	[tilespmem:s19+$0xFFFFFFF0] =	vst v23;
	s19 =	smov.u32 s25;
	s25 =	smov.u32 s30;
	(pc) =	sbr.rel @p0 .LBB2_30-.Ltmp16, $4  }
0x1fb: {  	v19 =	vld [tilespmem:s28+$0xFFFFFFF0];
	v29 =	vadd.s32 v27, v30;
	v22 =	vsub.s32 v28, v22;
	[tilespmem:s23+$0xFFFFFFF0] =	vst v25  }
0x1fc: {  	v23 =	vld [tilespmem:s30+$0xFFFFFFF0];
	v31 =	vadd.s32 v17, v29;
	[tilespmem:s20+$0x0] =	vst v22;
	v29 =	vadd.s32 v15, v22;
	v15 =	vmov v27  }
0x1fd: {  	v22 =	vadd.s32 v24, v31;
	[tilespmem:s21+$0x0] =	vst v29;
	v24 =	vadd.s32 v16, v29;
	v16 =	vmov v30  }
0x1fe: {  	s0 =	sadd.s32 $0x20, s0;
	(xrf0) =	vadd.scan.msk.s32 $0xffff, v22;
	[tilespmem:s18+$0x0] =	vst v24;
	v26 =	vadd.s32 v26, v24;
	v24 =	vbroadcast v28, $0xF;
	v25, _, _ =	vpop (xrf0)  }
0x1ff: {  	[tilespmem:s19+$0x0] =	vst v26;
	s0 =	sadd.s32 $0x20, s23;
	v21 =	vsub.s32 v25, v21  }
0x200: {  	v61 =	vadd.s32 v20, v18;
	[tilespmem:s0+$0x0] =	vst v24;
	v14 =	vadd.s32 v14, v21  }
0x201: {  	v62 =	vadd.s32 v19, v61;
	[tilespmem:s20+$0xFFFFFFF0] =	vst v21;
	v13 =	vadd.s32 v13, v14  }
0x202: {  	v63 =	vadd.s32 v23, v62;
	[tilespmem:s21+$0xFFFFFFF0] =	vst v14  }
0x203: {  	v14 =	vbroadcast v25, $0xF;
	(xrf0) =	vadd.scan.msk.s32 $0xffff, v63;
	v12 =	vadd.s32 v12, v13;
	[tilespmem:s18+$0xFFFFFFF0] =	vst v13  }
0x204: {  	[tilespmem:s19+$0xFFFFFFF0] =	vst v12;
	v13, _, _ =	vpop (xrf0)  }
0x205: {  	[tilespmem:s0+$0xFFFFFFF0] =	vst v14;
	v12 =	vsub.s32 v13, v22  }
0x206: {  	[tilespmem:s22+$0x0] =	vst v12;
	v12 =	vadd.s32 v15, v12  }
0x207: {  	[tilespmem:s29+$0x0] =	vst v12;
	v12 =	vadd.s32 v16, v12  }
0x208: {  	v13 =	vbroadcast v13, $0xF;
	[tilespmem:s26+$0x0] =	vst v12;
	v12 =	vadd.s32 v17, v12  }
0x209: {  	s0 =	sadd.s32 $0x20, s0;
	v14, _, _ =	vpop (xrf0);
	[tilespmem:s25+$0x0] =	vst v12  }
0x20a: {  	p2 =	por $0x1, $0x1;
	v12 =	vsub.s32 v14, v63;
	[tilespmem:s0+$0x0] =	vst v13  }
.Ltmp17:
0x20b: {  	v13 =	vadd.s32 v20, v12;
	[tilespmem:s22+$0xFFFFFFF0] =	vst v12;
	(pc) =	sbr.rel @!p2 .LBB2_32-.Ltmp17, $4  }
0x20c: {  	v12 =	vadd.s32 v18, v13;
	[tilespmem:s29+$0xFFFFFFF0] =	vst v13  }
0x20d: {  	v13 =	vbroadcast v14, $0xF;
	v14 =	vadd.s32 v19, v12;
	[tilespmem:s26+$0xFFFFFFF0] =	vst v12  }
0x20e: {  	p1 =	por $0x0, $0x0;
	s20 =	simm.s32 $0x0;
	[tilespmem:s25+$0xFFFFFFF0] =	vst v14  }
0x20f: {  	p0 =	por $0x0, $0x0;
	s18 =	simm.s32 $0x19050;
	[tilespmem:s0+$0xFFFFFFF0] =	vst v13;
	v13 =	vmov s20;
	s0 =	simm.s32 $0x10  }
0x210: {  	v12 =	vshll.u32 v13, $0x4  }
0x211: {  	v12 =	vor.u32 v11, v12  }
0x212: {  	v12 =	vor.u32 v0, v12;
	_ =	sdelay $0x4  }
0x213: {  	p2 =	por $0x1, $0x1;
	v12 =	vld.idx.msk [tilespmem:v12+s12+$0x0], $0xffff  }
.Ltmp18:
0x214: {  	_ = 	snop;
	(pc) =	sbr.rel @!p2 .LBB2_34-.Ltmp18, $2  }
0x215: {  	_ =	sdelay $0x2  }
0x216: {  	v13 =	vmov s0;
	s0 =	simm.s32 $0x20;
	p1 =	por $0x1, $0x1;
	(xrf0) =	vadd.scan.msk.s32 $0xffff, v12  }
0x217: {  	_ =	sdelay $0x3  }
0x218: {  	v13 =	vshll.u32 v13, $0x4  }
0x219: {  	v13 =	vor.u32 v11, v13;
	v14, _, _ =	vpop (xrf0)  }
0x21a: {  	v13 =	vor.u32 v0, v13;
	(v2sf) =	vpush v14, $0xF;
	_ =	sdelay $0x1  }
0x21b: {  	v12 =	vsub.s32 s20, v12  }
0x21c: {  	v12 =	vadd.s32 v14, v12  }
0x21d: {  	[tilespmem:s18+$0x0] =	vst v12  }
0x21e: {  	v12 =	vld.idx.msk [tilespmem:v13+s12+$0x0], $0xffff;
	_ =	sdelay $0x2  }
0x21f: {  	p3 =	por $0x1, $0x1  }
.Ltmp19:
0x220: {  	_ = 	snop;
	(pc) =	sbr.rel @!p3 .LBB2_36-.Ltmp19, $3  }
0x221: {  	(xrf0) =	vadd.scan.msk.s32 $0xffff, v12;
	_ =	sdelay $0x1  }
0x222: {  	s21 =	simm.s32 $0x30  }
0x223: {  	p2 =	por $0x1, $0x1;
	s19 =	simm.s32 $0x19050;
	v13 =	vmov s0;
	s0 =	simm.s32 $0x0  }
.LBB2_37:
0x224: {  	p3 =	sne.s32 s21, $0xF0;
	v13 =	vshll.u32 v13, $0x4  }
0x225: {  	v13 =	vor.u32 v11, v13;
	s22 =	spop (v2sf)  }
0x226: {  	v13 =	vor.u32 v0, v13;
	v14, _, _ =	vpop (xrf0);
	s0 =	sadd.s32 s0, s22  }
0x227: {  	v12 =	vsub.s32 s0, v12;
	(v2sf) =	vpush v14, $0xF  }
0x228: {  	s19 =	sadd.s32 $0x10, s19;
	v12 =	vadd.s32 v14, v12  }
0x229: {  	[tilespmem:s19+$0x0] =	vst v12;
	_ =	sdelay $0x1  }
0x22a: {  	v12 =	vld.idx.msk [tilespmem:v13+s12+$0x0], $0xffff;
	_ =	sdelay $0x4  }
.Ltmp20:
0x22b: {  	(pc) =	sbr.rel @p3 .LBB2_37-.Ltmp20, $2  }
0x22c: {  	(xrf0) =	vadd.scan.msk.s32 $0xffff, v12;
	_ =	sdelay $0x2  }
0x22d: {  	v13 =	vmov s21;
	s21 =	sadd.s32 $0x10, s21  }
.LBB2_38:
0x22e: {  	_ =	sdelay $0x1  }
0x22f: {  	v14, _, _ =	vpop @p1 (xrf0)  }
0x230: {  	v13 =	vshll.u32 v13, $0x4;
	(v2sf) =	vpush @p1 v14, $0xF  }
0x231: {  	s21 =	spop @p2 (v2sf);
	v13 =	vor.u32 v11, v13  }
0x232: {  	v13 =	vor.u32 v0, v13;
	s0 =	sadd.s32 @p2 s0, s21;
	s21 =	simm.s32 $0x0  }
0x233: {  	s21 =	smov.u32 @p2 s0  }
0x234: {  	s0 =	sadd.s32 @p2 $0x10, s19;
	s19 =	simm.s32 $0x19050;
	v12 =	vsub.s32 @p1 s21, v12  }
0x235: {  	s19 =	smov.u32 @p2 s0;
	v12 =	vadd.s32 @p1 v14, v12  }
0x236: {  	[tilespmem:s19+$0x0] =	vst @p1 v12  }
0x237: {  	v12 =	vld.idx.msk [tilespmem:v13+s12+$0x0], $0xffff;
	_ =	sdelay $0x4  }
0x238: {  	(xrf0) =	vadd.scan.msk.s32 $0xffff, v12;
	_ =	sdelay $0x2  }
0x239: {  	s0 =	spop @p1 (v2sf)  }
0x23a: {  	s23 =	simm.s32 $0x1;
	v13 =	vadd.s32 s20, v2;
	s0 =	sadd.s32 @p1 s21, s0;
	s21 =	simm.s32 $0x0  }
0x23b: {  	v14 =	vadd.s32 s23, v2;
	s21 =	smov.u32 @p1 s0  }
0x23c: {  	v15, _, _ =	vpop (xrf0);
	s0 =	sadd.s32 @p1 $0x10, s19;
	v12 =	vsub.s32 s21, v12  }
0x23d: {  	s18 =	smov.u32 @p1 s0;
	v12 =	vadd.s32 v15, v12  }
0x23e: {  	[tilespmem:s18+$0x0] =	vst v12  }
0x23f: {  	v12 =	vld.idx.msk [tilespmem:v13+s14+$0x0], $0xffff  }
0x240: {  	v16 =	vld.idx.msk [tilespmem:v14+s14+$0x0], $0xffff;
	_ =	sdelay $0x3  }
0x241: {  	v17 =	vshrl.u32 v12, $0x8  }
0x242: {  	v19 =	vshrl.u32 v16, $0x8;
	v18 =	vshll.u32 v17, $0x4  }
0x243: {  	v17 =	vand.u32 $0xFF, v17;
	v20 =	vshll.u32 v19, $0x4;
	v18 =	vor.u32 v0, v18  }
0x244: {  	v20 =	vor.u32 v0, v20;
	v18 =	vand.u32 v4, v18  }
0x245: {  	v20 =	vand.u32 v4, v20  }
0x246: {  	v21 =	vld.idx.msk [tilespmem:v14+s8+$0x0], $0xffff;
	v19 =	vand.u32 $0xFF, v19  }
0x247: {  	v22 =	vld.idx.msk [tilespmem:v13+s8+$0x0], $0xffff  }
0x248: {  	v17 =	vld.idx.msk [tilespmem:v17+s13+$0x0], $0xffff  }
0x249: {  	v18 =	vld.idx.msk [tilespmem:v18+s7+$0x0], $0xffff  }
0x24a: {  	v20 =	vld.idx.msk [tilespmem:v20+s7+$0x0], $0xffff  }
0x24b: {  	v19 =	vld.idx.msk [tilespmem:v19+s13+$0x0], $0xffff  }
0x24c: {  	(v2sf) =	vpush v15, $0xF;
	_ =	sdelay $0x1  }
0x24d: {  	v15 =	vadd.s32 v18, v22  }
0x24e: {  	v63 =	vadd.s32 v20, v21;
	v15 =	vadd.s32 v17, v15  }
0x24f: {  	v17 =	vadd.s32 v19, v63;
	v18 =	vshrl.u32 v15, $0xA  }
0x250: {  	v15 =	vadd.s32 v15, v18;
	v18 =	vshrl.u32 v17, $0xA  }
0x251: {  	v17 =	vadd.s32 v17, v18  }
0x252: {  	v13 =	vld.idx.msk [tilespmem:v13+s15+$0x0], $0xffff  }
0x253: {  	v24 =	vadd.s32 s20, v6;
	v14 =	vld.idx.msk [tilespmem:v14+s15+$0x0], $0xffff  }
0x254: {  	v26 =	vadd.s32 s23, v6  }
0x255: {  	p1 =	por $0x1, $0x1;
	[tilespmem:v15+s2+$0x0] =	vst.idx.msk $0xffff, v12  }
.Ltmp21:
0x256: {  	[tilespmem:v17+s2+$0x0] =	vst.idx.msk $0xffff, v16;
	(pc) =	sbr.rel @!p1 .LBB2_39-.Ltmp21, $4  }
0x257: {  	[tilespmem:v15+s16+$0x0] =	vst.idx.msk $0xffff, v13  }
0x258: {  	[tilespmem:v17+s16+$0x0] =	vst.idx.msk $0xffff, v14;
	v20 =	vld.idx.msk [tilespmem:v24+s14+$0x0], $0xffff  }
0x259: {  	v12 =	vld.idx.msk [tilespmem:v26+s14+$0x0], $0xffff  }
0x25a: {  	s18 =	simm.s32 $0x2;
	s31 =	spop (v2sf);
	v14 =	vld.idx.msk [tilespmem:v26+s15+$0x0], $0xffff  }
0x25b: {  	v13 =	vadd.s32 s18, v2;
	s19 =	simm.s32 $0x3  }
0x25c: {  	v15 =	vadd.s32 s19, v2;
	_ =	sdelay $0x1  }
0x25d: {  	v17 =	vshrl.u32 v20, $0x8  }
0x25e: {  	v18 =	vshll.u32 v17, $0x4  }
0x25f: {  	v18 =	vor.u32 v0, v18;
	v21 =	vld.idx.msk [tilespmem:v13+s14+$0x0], $0xffff  }
0x260: {  	v16 =	vshrl.u32 v12, $0x8;
	v18 =	vand.u32 v4, v18;
	v22 =	vld.idx.msk [tilespmem:v15+s14+$0x0], $0xffff  }
0x261: {  	v17 =	vand.u32 $0xFF, v17;
	v19 =	vand.u32 $0xFF, v16;
	v16 =	vshll.u32 v16, $0x4  }
0x262: {  	v23 =	vld.idx.msk [tilespmem:v24+s8+$0x0], $0xffff;
	v16 =	vor.u32 v0, v16  }
0x263: {  	v25 =	vld.idx.msk [tilespmem:v26+s8+$0x0], $0xffff;
	v16 =	vand.u32 v4, v16  }
0x264: {  	v24 =	vld.idx.msk [tilespmem:v24+s15+$0x0], $0xffff;
	v26 =	vshrl.u32 v21, $0x8  }
0x265: {  	v18 =	vld.idx.msk [tilespmem:v18+s9+$0x0], $0xffff;
	v27 =	vshll.u32 v26, $0x4;
	v28 =	vshrl.u32 v22, $0x8  }
0x266: {  	v17 =	vld.idx.msk [tilespmem:v17+s13+$0x0], $0xffff;
	v26 =	vand.u32 $0xFF, v26;
	v27 =	vor.u32 v0, v27;
	v29 =	vshll.u32 v28, $0x4  }
0x267: {  	v31 =	vld.idx.msk [tilespmem:v13+s8+$0x0], $0xffff;
	v27 =	vand.u32 v4, v27;
	v29 =	vor.u32 v0, v29  }
0x268: {  	v16 =	vld.idx.msk [tilespmem:v16+s9+$0x0], $0xffff;
	v29 =	vand.u32 v4, v29  }
0x269: {  	v19 =	vld.idx.msk [tilespmem:v19+s13+$0x0], $0xffff;
	v28 =	vand.u32 $0xFF, v28  }
0x26a: {  	v30 =	vld.idx.msk [tilespmem:v15+s8+$0x0], $0xffff;
	v18 =	vadd.s32 v18, v23  }
0x26b: {  	v23 =	vld.idx.msk [tilespmem:v26+s13+$0x0], $0xffff;
	v17 =	vadd.s32 v17, v18  }
0x26c: {  	v26 =	vshrl.u32 v17, $0xA;
	v18 =	vld.idx.msk [tilespmem:v27+s7+$0x0], $0xffff  }
0x26d: {  	v16 =	vadd.s32 v16, v25;
	v17 =	vadd.s32 v17, v26;
	v25 =	vld.idx.msk [tilespmem:v29+s7+$0x0], $0xffff  }
0x26e: {  	v16 =	vadd.s32 v19, v16;
	v19 =	vld.idx.msk [tilespmem:v28+s13+$0x0], $0xffff  }
0x26f: {  	v26 =	vshrl.u32 v16, $0xA  }
0x270: {  	v16 =	vadd.s32 v16, v26  }
0x271: {  	v29 =	vadd.s32 s20, v8;
	v18 =	vadd.s32 v18, v31  }
0x272: {  	v31 =	vadd.s32 s23, v8;
	[tilespmem:v17+s2+$0x0] =	vst.idx.msk $0xffff, v20;
	v18 =	vadd.s32 v23, v18;
	v20 =	vadd.s32 v25, v30  }
0x273: {  	[tilespmem:v17+s16+$0x0] =	vst.idx.msk $0xffff, v24;
	v17 =	vshrl.u32 v18, $0xA;
	v19 =	vadd.s32 v19, v20  }
0x274: {  	v13 =	vld.idx.msk [tilespmem:v13+s15+$0x0], $0xffff;
	v17 =	vadd.s32 v18, v17;
	v18 =	vshrl.u32 v19, $0xA  }
0x275: {  	v15 =	vld.idx.msk [tilespmem:v15+s15+$0x0], $0xffff;
	[tilespmem:v16+s2+$0x0] =	vst.idx.msk $0xffff, v12;
	v12 =	vadd.s32 v19, v18  }
0x276: {  	[tilespmem:v16+s16+$0x0] =	vst.idx.msk $0xffff, v14;
	v18 =	vld.idx.msk [tilespmem:v29+s14+$0x0], $0xffff  }
0x277: {  	v19 =	vld.idx.msk [tilespmem:v31+s14+$0x0], $0xffff  }
0x278: {  	v24 =	vadd.s32 s18, v6  }
0x279: {  	v26 =	vadd.s32 s19, v6;
	v28 =	vld.idx.msk [tilespmem:v29+s8+$0x0], $0xffff;
	[tilespmem:v17+s2+$0x0] =	vst.idx.msk $0xffff, v21  }
0x27a: {  	p2 =	por $0x1, $0x1;
	v23 =	vld.idx.msk [tilespmem:v29+s15+$0x0], $0xffff;
	[tilespmem:v12+s2+$0x0] =	vst.idx.msk $0xffff, v22  }
.Ltmp22:
0x27b: {  	v27 =	vld.idx.msk [tilespmem:v31+s8+$0x0], $0xffff;
	[tilespmem:v17+s16+$0x0] =	vst.idx.msk $0xffff, v13;
	(pc) =	sbr.rel @!p2 .LBB2_41-.Ltmp22, $4  }
0x27c: {  	v21 =	vld.idx.msk [tilespmem:v31+s15+$0x0], $0xffff;
	v14 =	vshrl.u32 v18, $0x8;
	[tilespmem:v12+s16+$0x0] =	vst.idx.msk $0xffff, v15;
	v15 =	vshrl.u32 v19, $0x8  }
0x27d: {  	v13 =	vshll.u32 v14, $0x4;
	v20 =	vld.idx.msk [tilespmem:v24+s14+$0x0], $0xffff;
	v16 =	vshll.u32 v15, $0x4  }
0x27e: {  	v33 =	vand.u32 $0xFF, v14;
	v12 =	vld.idx.msk [tilespmem:v26+s14+$0x0], $0xffff;
	v13 =	vor.u32 v0, v13;
	v16 =	vor.u32 v0, v16  }
0x27f: {  	s21 =	simm.s32 $0x4;
	p1 =	por $0x1, $0x1;
	v35 =	vand.u32 $0xFF, v15;
	v14 =	vld.idx.msk [tilespmem:v26+s15+$0x0], $0xffff;
	v36 =	vand.u32 v4, v13;
	v37 =	vand.u32 v4, v16  }
0x280: {  	_ =	sdelay $0x2  }
0x281: {  	v29 =	vadd.s32 s21, v2;
	s22 =	simm.s32 $0x5  }
0x282: {  	v13 =	vld.idx.msk [tilespmem:v33+s13+$0x0], $0xffff;
	v30 =	vadd.s32 s22, v2  }
0x283: {  	v22 =	vld.idx.msk [tilespmem:v36+s10+$0x0], $0xffff  }
0x284: {  	v32 =	vld.idx.msk [tilespmem:v37+s10+$0x0], $0xffff;
	v17 =	vshrl.u32 v20, $0x8  }
0x285: {  	v15 =	vld.idx.msk [tilespmem:v35+s13+$0x0], $0xffff;
	v16 =	vshrl.u32 v12, $0x8;
	v25 =	vshll.u32 v17, $0x4  }
0x286: {  	v31 =	vand.u32 $0xFF, v16;
	v25 =	vor.u32 v0, v25;
	v48 =	vld.idx.msk [tilespmem:v29+s14+$0x0], $0xffff  }
0x287: {  	v16 =	vshll.u32 v16, $0x4;
	v25 =	vand.u32 v4, v25;
	v34 =	vld.idx.msk [tilespmem:v30+s14+$0x0], $0xffff  }
0x288: {  	v49 =	vld.idx.msk [tilespmem:v24+s8+$0x0], $0xffff;
	v17 =	vand.u32 $0xFF, v17;
	v16 =	vor.u32 v0, v16;
	v22 =	vadd.s32 v22, v28  }
0x289: {  	v26 =	vld.idx.msk [tilespmem:v26+s8+$0x0], $0xffff;
	v16 =	vand.u32 v4, v16;
	v13 =	vadd.s32 v13, v22;
	v22 =	vadd.s32 v32, v27  }
0x28a: {  	v24 =	vld.idx.msk [tilespmem:v24+s15+$0x0], $0xffff;
	v15 =	vadd.s32 v15, v22  }
0x28b: {  	v51 =	vshrl.u32 v15, $0xA;
	v28 =	vld.idx.msk [tilespmem:v31+s13+$0x0], $0xffff;
	v27 =	vshrl.u32 v48, $0x8  }
0x28c: {  	v31 =	vshrl.u32 v13, $0xA;
	v22 =	vld.idx.msk [tilespmem:v25+s9+$0x0], $0xffff;
	v25 =	vshll.u32 v27, $0x4;
	v50 =	vshrl.u32 v34, $0x8  }
0x28d: {  	v52 =	vld.idx.msk [tilespmem:v17+s13+$0x0], $0xffff;
	v17 =	vor.u32 v0, v25;
	v25 =	vand.u32 $0xFF, v27;
	v27 =	vshll.u32 v50, $0x4  }
0x28e: {  	v13 =	vadd.s32 v13, v31;
	v16 =	vld.idx.msk [tilespmem:v16+s9+$0x0], $0xffff;
	v38 =	vand.u32 v4, v17;
	v17 =	vor.u32 v0, v27  }
0x28f: {  	v53 =	vld.idx.msk [tilespmem:v29+s8+$0x0], $0xffff;
	v15 =	vadd.s32 v15, v51;
	v27 =	vand.u32 v4, v17  }
0x290: {  	v57 =	vld.idx.msk [tilespmem:v29+s15+$0x0], $0xffff;
	v32 =	vand.u32 $0xFF, v50  }
0x291: {  	v39 =	vadd.s32 s20, v10;
	v31 =	vld.idx.msk [tilespmem:v30+s8+$0x0], $0xffff;
	v22 =	vadd.s32 v22, v49  }
0x292: {  	v17 =	vadd.s32 s23, v10;
	v22 =	vadd.s32 v52, v22;
	v54 =	vld.idx.msk [tilespmem:v25+s13+$0x0], $0xffff  }
0x293: {  	[tilespmem:v13+s2+$0x0] =	vst.idx.msk $0xffff, v18;
	v16 =	vadd.s32 v16, v26;
	v18 =	vshrl.u32 v22, $0xA;
	v55 =	vld.idx.msk [tilespmem:v38+s7+$0x0], $0xffff  }
0x294: {  	[tilespmem:v15+s2+$0x0] =	vst.idx.msk $0xffff, v19;
	v18 =	vadd.s32 v22, v18;
	v22 =	vadd.s32 v28, v16;
	v27 =	vld.idx.msk [tilespmem:v27+s7+$0x0], $0xffff  }
0x295: {  	[tilespmem:v13+s16+$0x0] =	vst.idx.msk $0xffff, v23;
	v19 =	vld.idx.msk [tilespmem:v32+s13+$0x0], $0xffff;
	v13 =	vshrl.u32 v22, $0xA  }
0x296: {  	[tilespmem:v15+s16+$0x0] =	vst.idx.msk $0xffff, v21;
	v16 =	vld.idx.msk [tilespmem:v39+s14+$0x0], $0xffff;
	v21 =	vadd.s32 v22, v13  }
0x297: {  	v23 =	vadd.s32 s18, v8;
	v15 =	vld.idx.msk [tilespmem:v17+s14+$0x0], $0xffff  }
0x298: {  	v56 =	vadd.s32 s19, v8;
	v25 =	vld.idx.msk [tilespmem:v17+s8+$0x0], $0xffff;
	v13 =	vadd.s32 v55, v53  }
0x299: {  	v22 =	vld.idx.msk [tilespmem:v39+s8+$0x0], $0xffff;
	[tilespmem:v18+s2+$0x0] =	vst.idx.msk $0xffff, v20;
	v20 =	vadd.s32 v54, v13;
	v26 =	vadd.s32 v27, v31  }
0x29a: {  	v13 =	vld.idx.msk [tilespmem:v39+s15+$0x0], $0xffff;
	[tilespmem:v18+s16+$0x0] =	vst.idx.msk $0xffff, v24;
	v18 =	vshrl.u32 v20, $0xA;
	v19 =	vadd.s32 v19, v26  }
0x29b: {  	v31 =	vld.idx.msk [tilespmem:v30+s15+$0x0], $0xffff;
	[tilespmem:v21+s2+$0x0] =	vst.idx.msk $0xffff, v12;
	v20 =	vadd.s32 v20, v18;
	v18 =	vshrl.u32 v19, $0xA  }
0x29c: {  	v28 =	vld.idx.msk [tilespmem:v23+s8+$0x0], $0xffff;
	[tilespmem:v21+s16+$0x0] =	vst.idx.msk $0xffff, v14;
	v14 =	vshrl.u32 v15, $0x8;
	v12 =	vadd.s32 v19, v18  }
0x29d: {  	v18 =	vld.idx.msk [tilespmem:v23+s14+$0x0], $0xffff;
	v29 =	vand.u32 $0xFF, v14  }
0x29e: {  	v24 =	vadd.s32 s21, v6;
	v19 =	vld.idx.msk [tilespmem:v56+s14+$0x0], $0xffff;
	v14 =	vshll.u32 v14, $0x4  }
0x29f: {  	v26 =	vadd.s32 s22, v6;
	v27 =	vld.idx.msk [tilespmem:v56+s8+$0x0], $0xffff;
	v14 =	vor.u32 v0, v14  }
0x2a0: {  	v21 =	vld.idx.msk [tilespmem:v56+s15+$0x0], $0xffff;
	v14 =	vand.u32 v4, v14;
	[tilespmem:v20+s2+$0x0] =	vst.idx.msk $0xffff, v48  }
0x2a1: {  	p2 =	por $0x1, $0x1;
	v23 =	vld.idx.msk [tilespmem:v23+s15+$0x0], $0xffff;
	[tilespmem:v12+s2+$0x0] =	vst.idx.msk $0xffff, v34  }
.Ltmp23:
0x2a2: {  	v30 =	vshrl.u32 v16, $0x8;
	v29 =	vld.idx.msk [tilespmem:v29+s13+$0x0], $0xffff;
	[tilespmem:v20+s16+$0x0] =	vst.idx.msk $0xffff, v57;
	(pc) =	sbr.rel @!p2 .LBB2_43-.Ltmp23, $4  }
0x2a3: {  	v58 =	vshrl.u32 v18, $0x8;
	v59 =	vshrl.u32 v19, $0x8;
	[tilespmem:v12+s16+$0x0] =	vst.idx.msk $0xffff, v31;
	v31 =	vshll.u32 v30, $0x4;
	v20 =	vld.idx.msk [tilespmem:v24+s14+$0x0], $0xffff  }
0x2a4: {  	v60 =	vshll.u32 v58, $0x4;
	v61 =	vshll.u32 v59, $0x4;
	v33 =	vand.u32 $0xFF, v58;
	v12 =	vld.idx.msk [tilespmem:v26+s14+$0x0], $0xffff  }
0x2a5: {  	v35 =	vand.u32 $0xFF, v59;
	v62 =	vor.u32 v0, v60;
	v63 =	vor.u32 v0, v61;
	v32 =	vld.idx.msk [tilespmem:v14+s11+$0x0], $0xffff  }
0x2a6: {  	s20 =	simm.s32 $0x6;
	p0 =	por $0x1, $0x1;
	v31 =	vor.u32 v0, v31;
	v14 =	vld.idx.msk [tilespmem:v26+s15+$0x0], $0xffff;
	v36 =	vand.u32 v4, v62;
	v37 =	vand.u32 v4, v63  }
.LBB2_44:
0x2a7: {  	s23 =	sadd.s32 $0x1, s20  }
0x2a8: {  	v34 =	vadd.s32 s20, v2;
	p2 =	slt.u32 s20, $0xFE;
	v38 =	vld.idx.msk [tilespmem:v24+s8+$0x0], $0xffff;
	s0 =	smov.u32 s20;
	s20 =	sadd.s32 $0x2, s20  }
0x2a9: {  	v39 =	vadd.s32 s23, v2;
	v33 =	vld.idx.msk [tilespmem:v33+s13+$0x0], $0xffff  }
0x2aa: {  	v31 =	vand.u32 v4, v31;
	v40 =	vshrl.u32 v12, $0x8;
	v35 =	vld.idx.msk [tilespmem:v35+s13+$0x0], $0xffff  }
0x2ab: {  	v30 =	vand.u32 $0xFF, v30;
	v41 =	vshrl.u32 v20, $0x8;
	v42 =	vshll.u32 v40, $0x4;
	v36 =	vld.idx.msk [tilespmem:v36+s10+$0x0], $0xffff  }
0x2ac: {  	v40 =	vand.u32 $0xFF, v40;
	v43 =	vshll.u32 v41, $0x4;
	v25 =	vadd.s32 v32, v25;
	v37 =	vld.idx.msk [tilespmem:v37+s10+$0x0], $0xffff  }
0x2ad: {  	v42 =	vor.u32 v0, v42;
	v43 =	vor.u32 v0, v43;
	v25 =	vadd.s32 v29, v25;
	v32 =	vld.idx.msk [tilespmem:v34+s14+$0x0], $0xffff  }
0x2ae: {  	v43 =	vand.u32 v4, v43;
	v44 =	vshrl.u32 v25, $0xA;
	v29 =	vld.idx.msk [tilespmem:v39+s14+$0x0], $0xffff  }
0x2af: {  	v41 =	vand.u32 $0xFF, v41;
	v44 =	vadd.s32 v25, v44;
	v31 =	vld.idx.msk [tilespmem:v31+s11+$0x0], $0xffff  }
0x2b0: {  	v25 =	vld.idx.msk [tilespmem:v30+s13+$0x0], $0xffff  }
0x2b1: {  	v30 =	vand.u32 v4, v42;
	v28 =	vadd.s32 v36, v28;
	v40 =	vld.idx.msk [tilespmem:v40+s13+$0x0], $0xffff  }
0x2b2: {  	v28 =	vadd.s32 v33, v28;
	v27 =	vadd.s32 v37, v27;
	v26 =	vld.idx.msk [tilespmem:v26+s8+$0x0], $0xffff  }
0x2b3: {  	v33 =	vshrl.u32 v32, $0x8;
	v37 =	vshrl.u32 v28, $0xA;
	v27 =	vadd.s32 v35, v27;
	v36 =	vld.idx.msk [tilespmem:v43+s9+$0x0], $0xffff  }
0x2b4: {  	v35 =	vshll.u32 v33, $0x4;
	v42 =	vshrl.u32 v29, $0x8;
	v43 =	vshrl.u32 v27, $0xA;
	v41 =	vld.idx.msk [tilespmem:v41+s13+$0x0], $0xffff  }
0x2b5: {  	v33 =	vand.u32 $0xFF, v33;
	v35 =	vor.u32 v0, v35;
	v45 =	vshll.u32 v42, $0x4;
	v46 =	vld.idx.msk [tilespmem:v17+s15+$0x0], $0xffff  }
0x2b6: {  	v28 =	vadd.s32 v28, v37;
	v35 =	vand.u32 v4, v35;
	v17 =	vor.u32 v0, v45;
	v30 =	vld.idx.msk [tilespmem:v30+s9+$0x0], $0xffff  }
0x2b7: {  	v27 =	vadd.s32 v27, v43;
	v37 =	vand.u32 v4, v17;
	v17 =	vadd.s32 v31, v22;
	v45 =	vld.idx.msk [tilespmem:v39+s8+$0x0], $0xffff  }
0x2b8: {  	v22 =	vand.u32 $0xFF, v42;
	v25 =	vadd.s32 v25, v17;
	v24 =	vld.idx.msk [tilespmem:v24+s15+$0x0], $0xffff;
	[tilespmem:v44+s2+$0x0] =	vst.idx.msk $0xffff, v15  }
0x2b9: {  	v15 =	vadd.s32 v36, v38;
	v36 =	vadd.s32 s18, v10;
	v38 =	vshrl.u32 v25, $0xA;
	s18 =	smov.u32 s21;
	s21 =	smov.u32 s0;
	v31 =	vld.idx.msk [tilespmem:v34+s8+$0x0], $0xffff  }
0x2ba: {  	v17 =	vadd.s32 s19, v10;
	s19 =	smov.u32 s22;
	s22 =	smov.u32 s23;
	v15 =	vadd.s32 v41, v15;
	v38 =	vadd.s32 v25, v38;
	v33 =	vld.idx.msk [tilespmem:v33+s13+$0x0], $0xffff  }
0x2bb: {  	v25 =	vshrl.u32 v15, $0xA;
	v35 =	vld.idx.msk [tilespmem:v35+s7+$0x0], $0xffff;
	[tilespmem:v28+s2+$0x0] =	vst.idx.msk $0xffff, v18  }
0x2bc: {  	v18 =	vld.idx.msk [tilespmem:v37+s7+$0x0], $0xffff;
	v37 =	vadd.s32 v15, v25;
	v15 =	vadd.s32 v30, v26;
	[tilespmem:v27+s2+$0x0] =	vst.idx.msk $0xffff, v19  }
0x2bd: {  	v19 =	vld.idx.msk [tilespmem:v22+s13+$0x0], $0xffff;
	v15 =	vadd.s32 v40, v15;
	[tilespmem:v28+s16+$0x0] =	vst.idx.msk $0xffff, v23  }
0x2be: {  	v22 =	vshrl.u32 v15, $0xA;
	v23 =	vld.idx.msk [tilespmem:v36+s14+$0x0], $0xffff;
	[tilespmem:v27+s16+$0x0] =	vst.idx.msk $0xffff, v21  }
0x2bf: {  	v21 =	vadd.s32 v15, v22;
	v15 =	vld.idx.msk [tilespmem:v17+s14+$0x0], $0xffff;
	[tilespmem:v38+s2+$0x0] =	vst.idx.msk $0xffff, v16  }
0x2c0: {  	v40 =	vadd.s32 s18, v8;
	v25 =	vld.idx.msk [tilespmem:v17+s8+$0x0], $0xffff;
	[tilespmem:v38+s16+$0x0] =	vst.idx.msk $0xffff, v13  }
0x2c1: {  	v13 =	vadd.s32 v35, v31;
	[tilespmem:v37+s2+$0x0] =	vst.idx.msk $0xffff, v20;
	v20 =	vadd.s32 s19, v8;
	v22 =	vld.idx.msk [tilespmem:v36+s8+$0x0], $0xffff  }
0x2c2: {  	v16 =	vadd.s32 v33, v13;
	v18 =	vadd.s32 v18, v45;
	[tilespmem:v37+s16+$0x0] =	vst.idx.msk $0xffff, v24;
	v13 =	vld.idx.msk [tilespmem:v36+s15+$0x0], $0xffff  }
0x2c3: {  	v24 =	vshrl.u32 v16, $0xA;
	v18 =	vadd.s32 v19, v18;
	v33 =	vld.idx.msk [tilespmem:v39+s15+$0x0], $0xffff;
	[tilespmem:v44+s16+$0x0] =	vst.idx.msk $0xffff, v46  }
0x2c4: {  	v35 =	vadd.s32 v16, v24;
	v24 =	vshrl.u32 v18, $0xA;
	v30 =	vshrl.u32 v23, $0x8;
	v34 =	vld.idx.msk [tilespmem:v34+s15+$0x0], $0xffff;
	[tilespmem:v21+s2+$0x0] =	vst.idx.msk $0xffff, v12  }
0x2c5: {  	v12 =	vadd.s32 v18, v24;
	v18 =	vld.idx.msk [tilespmem:v40+s14+$0x0], $0xffff;
	[tilespmem:v21+s16+$0x0] =	vst.idx.msk $0xffff, v14;
	v14 =	vshll.u32 v30, $0x4;
	v21 =	vshrl.u32 v15, $0x8  }
0x2c6: {  	v16 =	vmovc v23;
	v19 =	vld.idx.msk [tilespmem:v20+s14+$0x0], $0xffff;
	v31 =	vor.u32 v0, v14;
	v14 =	vshll.u32 v21, $0x4;
	v36 =	vand.u32 $0xFF, v21  }
0x2c7: {  	v26 =	vadd.s32 s22, v6;
	v27 =	vld.idx.msk [tilespmem:v20+s8+$0x0], $0xffff;
	v14 =	vor.u32 v0, v14  }
0x2c8: {  	v24 =	vadd.s32 s21, v6;
	v28 =	vld.idx.msk [tilespmem:v40+s8+$0x0], $0xffff  }
0x2c9: {  	v14 =	vand.u32 v4, v14;
	[tilespmem:v35+s2+$0x0] =	vst.idx.msk $0xffff, v32;
	v21 =	vld.idx.msk [tilespmem:v20+s15+$0x0], $0xffff  }
0x2ca: {  	[tilespmem:v12+s2+$0x0] =	vst.idx.msk $0xffff, v29;
	v23 =	vld.idx.msk [tilespmem:v40+s15+$0x0], $0xffff  }
.Ltmp24:
0x2cb: {  	v20 =	vshrl.u32 v18, $0x8;
	[tilespmem:v12+s16+$0x0] =	vst.idx.msk $0xffff, v33;
	v29 =	vld.idx.msk [tilespmem:v36+s13+$0x0], $0xffff;
	(pc) =	sbr.rel @p2 .LBB2_44-.Ltmp24, $4  }
0x2cc: {  	v32 =	vshll.u32 v20, $0x4;
	v33 =	vand.u32 $0xFF, v20;
	[tilespmem:v35+s16+$0x0] =	vst.idx.msk $0xffff, v34;
	v12 =	vld.idx.msk [tilespmem:v26+s14+$0x0], $0xffff;
	v34 =	vshrl.u32 v19, $0x8  }
0x2cd: {  	v32 =	vor.u32 v0, v32;
	v20 =	vld.idx.msk [tilespmem:v24+s14+$0x0], $0xffff;
	v37 =	vshll.u32 v34, $0x4;
	v35 =	vand.u32 $0xFF, v34  }
0x2ce: {  	v36 =	vand.u32 v4, v32;
	v34 =	vor.u32 v0, v37;
	v32 =	vld.idx.msk [tilespmem:v14+s11+$0x0], $0xffff  }
0x2cf: {  	v14 =	vld.idx.msk [tilespmem:v26+s15+$0x0], $0xffff;
	v37 =	vand.u32 v4, v34  }
0x2d0: {  	s20 =	smov.u32 s21;
	s23 =	smov.u32 s22  }
.LBB2_46:
0x2d1: {  	v39 =	vshrl.u32 v12, $0x8  }
0x2d2: {  	v34 =	vshrl.u32 v20, $0x8;
	v40 =	vshll.u32 v39, $0x4  }
0x2d3: {  	v39 =	vand.u32 $0xFF, v39;
	v38 =	vshll.u32 v34, $0x4;
	v40 =	vor.u32 v0, v40  }
0x2d4: {  	v38 =	vor.u32 v0, v38;
	v40 =	vand.u32 v4, v40  }
0x2d5: {  	v38 =	vand.u32 v4, v38  }
0x2d6: {  	v41 =	vld.idx.msk [tilespmem:v24+s8+$0x0], $0xffff;
	v34 =	vand.u32 $0xFF, v34  }
0x2d7: {  	v26 =	vld.idx.msk [tilespmem:v26+s8+$0x0], $0xffff  }
0x2d8: {  	v39 =	vld.idx.msk [tilespmem:v39+s13+$0x0], $0xffff  }
0x2d9: {  	v40 =	vld.idx.msk [tilespmem:v40+s9+$0x0], $0xffff  }
0x2da: {  	v38 =	vld.idx.msk [tilespmem:v38+s9+$0x0], $0xffff  }
0x2db: {  	v34 =	vld.idx.msk [tilespmem:v34+s13+$0x0], $0xffff;
	_ =	sdelay $0x2  }
0x2dc: {  	v26 =	vadd.s32 v40, v26  }
0x2dd: {  	v38 =	vadd.s32 v38, v41;
	v26 =	vadd.s32 v39, v26  }
0x2de: {  	v34 =	vadd.s32 v34, v38;
	v51 =	vshrl.u32 v26, $0xA  }
0x2df: {  	v38 =	vshrl.u32 v34, $0xA;
	v26 =	vadd.s32 v26, v51  }
0x2e0: {  	v34 =	vadd.s32 v34, v38;
	_ =	sdelay $0x1  }
0x2e1: {  	v50 =	vld.idx.msk [tilespmem:v24+s15+$0x0], $0xffff;
	v53 =	vadd.s32 s23, v8  }
0x2e2: {  	v52 =	vadd.s32 s20, v8  }
0x2e3: {  	[tilespmem:v26+s2+$0x0] =	vst.idx.msk $0xffff, v12  }
0x2e4: {  	[tilespmem:v34+s2+$0x0] =	vst.idx.msk $0xffff, v20  }
0x2e5: {  	[tilespmem:v26+s16+$0x0] =	vst.idx.msk $0xffff, v14  }
0x2e6: {  	[tilespmem:v34+s16+$0x0] =	vst.idx.msk $0xffff, v50;
	v14 =	vld.idx.msk [tilespmem:v53+s14+$0x0], $0xffff  }
0x2e7: {  	v54 =	vld.idx.msk [tilespmem:v52+s14+$0x0], $0xffff;
	_ =	sdelay $0x2  }
0x2e8: {  	v24 =	vld.idx.msk @p1 [tilespmem:v36+s10+$0x0], $0xffff  }
0x2e9: {  	v20 =	vld.idx.msk @p1 [tilespmem:v33+s13+$0x0], $0xffff;
	v57 =	vshrl.u32 v14, $0x8  }
0x2ea: {  	v33 =	vld.idx.msk @p1 [tilespmem:v37+s10+$0x0], $0xffff;
	v55 =	vshrl.u32 v54, $0x8;
	v58 =	vshll.u32 v57, $0x4  }
0x2eb: {  	v35 =	vld.idx.msk @p1 [tilespmem:v35+s13+$0x0], $0xffff;
	v36 =	vand.u32 $0xFF, v57;
	v56 =	vshll.u32 v55, $0x4;
	v37 =	vor.u32 v0, v58  }
0x2ec: {  	v34 =	vor.u32 v0, v56;
	v37 =	vand.u32 v4, v37  }
0x2ed: {  	v34 =	vand.u32 v4, v34  }
0x2ee: {  	v24 =	vadd.s32 @p1 v24, v28;
	v59 =	vld.idx.msk [tilespmem:v53+s8+$0x0], $0xffff;
	v26 =	vand.u32 $0xFF, v55  }
0x2ef: {  	v60 =	vld.idx.msk [tilespmem:v52+s8+$0x0], $0xffff;
	v20 =	vadd.s32 @p1 v20, v24;
	v24 =	vadd.s32 @p1 v33, v27  }
0x2f0: {  	v24 =	vadd.s32 @p1 v35, v24;
	v63 =	vld.idx.msk [tilespmem:v36+s13+$0x0], $0xffff  }
0x2f1: {  	v35 =	vshrl.u32 @p1 v24, $0xA;
	v62 =	vld.idx.msk [tilespmem:v37+s10+$0x0], $0xffff  }
0x2f2: {  	v33 =	vshrl.u32 @p1 v20, $0xA;
	v24 =	vadd.s32 @p1 v24, v35;
	v61 =	vld.idx.msk [tilespmem:v34+s10+$0x0], $0xffff  }
0x2f3: {  	v20 =	vadd.s32 @p1 v20, v33;
	v26 =	vld.idx.msk [tilespmem:v26+s13+$0x0], $0xffff;
	_ =	sdelay $0x2  }
0x2f4: {  	v34 =	vadd.s32 v62, v59  }
0x2f5: {  	[tilespmem:v24+s2+$0x0] =	vst.idx.msk @p1 $0xffff, v19;
	v37 =	vadd.s32 @p1 s19, v10;
	v33 =	vadd.s32 v61, v60;
	v19 =	vadd.s32 v63, v34  }
0x2f6: {  	[tilespmem:v20+s2+$0x0] =	vst.idx.msk @p1 $0xffff, v18;
	v18 =	vadd.s32 v26, v33;
	v41 =	vshrl.u32 v19, $0xA  }
0x2f7: {  	v36 =	vadd.s32 @p1 s18, v10;
	v40 =	vshrl.u32 v18, $0xA;
	v19 =	vadd.s32 v19, v41  }
0x2f8: {  	v42 =	vld.idx.msk [tilespmem:v53+s15+$0x0], $0xffff;
	v18 =	vadd.s32 v18, v40  }
0x2f9: {  	v43 =	vld.idx.msk [tilespmem:v52+s15+$0x0], $0xffff;
	[tilespmem:v24+s16+$0x0] =	vst.idx.msk @p1 $0xffff, v21;
	v21 =	vand.u32 @p0 v4, v31  }
0x2fa: {  	v44 =	vadd.s32 s23, v10;
	[tilespmem:v20+s16+$0x0] =	vst.idx.msk @p1 $0xffff, v23;
	v20 =	vld.idx.msk @p1 [tilespmem:v37+s14+$0x0], $0xffff  }
0x2fb: {  	v45 =	vadd.s32 s20, v10  }
0x2fc: {  	v23 =	vld.idx.msk @p1 [tilespmem:v36+s14+$0x0], $0xffff;
	[tilespmem:v19+s2+$0x0] =	vst.idx.msk $0xffff, v14  }
0x2fd: {  	v30 =	vand.u32 @p0 $0xFF, v30;
	[tilespmem:v18+s2+$0x0] =	vst.idx.msk $0xffff, v54  }
0x2fe: {  	v12 =	vld.idx.msk @p0 [tilespmem:v21+s11+$0x0], $0xffff;
	[tilespmem:v19+s16+$0x0] =	vst.idx.msk $0xffff, v42  }
0x2ff: {  	v21 =	vshrl.u32 @p1 v20, $0x8;
	[tilespmem:v18+s16+$0x0] =	vst.idx.msk $0xffff, v43;
	v46 =	vld.idx.msk [tilespmem:v44+s14+$0x0], $0xffff  }
0x300: {  	v24 =	vshll.u32 @p1 v21, $0x4;
	v26 =	vld.idx.msk [tilespmem:v45+s14+$0x0], $0xffff  }
0x301: {  	v17 =	vld.idx.msk @p0 [tilespmem:v17+s15+$0x0], $0xffff;
	v21 =	vand.u32 @p1 $0xFF, v21;
	v24 =	vor.u32 @p1 v0, v24;
	v14 =	vshrl.u32 @p1 v23, $0x8  }
0x302: {  	v30 =	vld.idx.msk @p0 [tilespmem:v30+s13+$0x0], $0xffff;
	v24 =	vand.u32 @p1 v4, v24;
	v19 =	vshll.u32 @p1 v14, $0x4  }
0x303: {  	v31 =	vld.idx.msk @p1 [tilespmem:v37+s8+$0x0], $0xffff;
	v14 =	vpsel p1, v14, v0;
	v19 =	vor.u32 @p1 v0, v19  }
0x304: {  	v33 =	vld.idx.msk @p1 [tilespmem:v36+s8+$0x0], $0xffff;
	v14 =	vand.u32 @p1 $0xFF, v14;
	v19 =	vpsel p1, v19, v0;
	v47 =	vshrl.u32 v46, $0x8  }
0x305: {  	v52 =	vld.idx.msk [tilespmem:v44+s8+$0x0], $0xffff;
	v19 =	vand.u32 @p1 v4, v19;
	v48 =	vshrl.u32 v26, $0x8;
	v49 =	vshll.u32 v47, $0x4  }
0x306: {  	v21 =	vld.idx.msk @p1 [tilespmem:v21+s13+$0x0], $0xffff;
	v34 =	vand.u32 $0xFF, v47;
	v50 =	vshll.u32 v48, $0x4;
	v38 =	vor.u32 v0, v49  }
0x307: {  	v25 =	vadd.s32 @p0 v32, v25;
	v24 =	vld.idx.msk @p1 [tilespmem:v24+s11+$0x0], $0xffff;
	v39 =	vor.u32 v0, v50;
	v38 =	vand.u32 v4, v38  }
0x308: {  	v25 =	vadd.s32 @p0 v29, v25;
	v54 =	vld.idx.msk [tilespmem:v45+s8+$0x0], $0xffff;
	v51 =	vand.u32 v4, v39  }
0x309: {  	v35 =	vshrl.u32 @p0 v25, $0xA;
	v12 =	vadd.s32 @p0 v12, v22;
	v14 =	vld.idx.msk @p1 [tilespmem:v14+s13+$0x0], $0xffff;
	v53 =	vand.u32 $0xFF, v48  }
0x30a: {  	v25 =	vadd.s32 @p0 v25, v35;
	v12 =	vadd.s32 @p0 v30, v12;
	v19 =	vld.idx.msk @p1 [tilespmem:v19+s11+$0x0], $0xffff  }
0x30b: {  	v32 =	vpsel p1, v37, v0;
	v35 =	vshrl.u32 @p0 v12, $0xA;
	v34 =	vld.idx.msk [tilespmem:v34+s13+$0x0], $0xffff  }
0x30c: {  	v31 =	vpsel p1, v31, v0;
	v12 =	vadd.s32 @p0 v12, v35;
	v24 =	vpsel p1, v24, v0;
	v55 =	vld.idx.msk [tilespmem:v38+s11+$0x0], $0xffff  }
0x30d: {  	v21 =	vpsel p1, v21, v0;
	v24 =	vadd.s32 @p1 v24, v31;
	v56 =	vld.idx.msk [tilespmem:v51+s11+$0x0], $0xffff  }
0x30e: {  	v33 =	vpsel p1, v33, v0;
	v21 =	vadd.s32 @p1 v21, v24;
	v57 =	vld.idx.msk [tilespmem:v53+s13+$0x0], $0xffff  }
0x30f: {  	[tilespmem:v25+s2+$0x0] =	vst.idx.msk @p0 $0xffff, v15;
	v29 =	vshrl.u32 @p1 v21, $0xA;
	v19 =	vadd.s32 @p1 v19, v33  }
0x310: {  	[tilespmem:v25+s16+$0x0] =	vst.idx.msk @p0 $0xffff, v17;
	v15 =	vadd.s32 @p1 v21, v29;
	v14 =	vadd.s32 @p1 v14, v19  }
0x311: {  	v17 =	vld.idx.msk @p1 [tilespmem:v32+s15+$0x0], $0xffff;
	[tilespmem:v12+s2+$0x0] =	vst.idx.msk @p0 $0xffff, v16;
	v19 =	vshrl.u32 @p1 v14, $0xA;
	v58 =	vadd.s32 v55, v52  }
0x312: {  	v16 =	vld.idx.msk @p1 [tilespmem:v36+s15+$0x0], $0xffff;
	v14 =	vadd.s32 @p1 v14, v19;
	v59 =	vadd.s32 v34, v58;
	v60 =	vadd.s32 v56, v54  }
0x313: {  	[tilespmem:v12+s16+$0x0] =	vst.idx.msk @p0 $0xffff, v13;
	v19 =	vshrl.u32 v59, $0xA;
	v13 =	vadd.s32 v57, v60  }
0x314: {  	v20 =	vpsel p1, v20, v0;
	v12 =	vadd.s32 v59, v19;
	v61 =	vshrl.u32 v13, $0xA  }
0x315: {  	v21 =	vmov @p1 v23;
	[tilespmem:v15+s2+$0x0] =	vst.idx.msk @p1 $0xffff, v20;
	v13 =	vadd.s32 v13, v61  }
0x316: {  	v63 =	vld.idx.msk [tilespmem:v44+s15+$0x0], $0xffff;
	v21 =	vpsel p1, v21, v0;
	[tilespmem:v15+s16+$0x0] =	vst.idx.msk @p1 $0xffff, v17  }
0x317: {  	v62 =	vld.idx.msk [tilespmem:v45+s15+$0x0], $0xffff;
	v16 =	vpsel p1, v16, v0;
	[tilespmem:v14+s2+$0x0] =	vst.idx.msk @p1 $0xffff, v21  }
0x318: {  	[tilespmem:v14+s16+$0x0] =	vst.idx.msk @p1 $0xffff, v16  }
0x319: {  	[tilespmem:v12+s2+$0x0] =	vst.idx.msk $0xffff, v46  }
0x31a: {  	[tilespmem:v13+s2+$0x0] =	vst.idx.msk $0xffff, v26  }
0x31b: {  	[tilespmem:v12+s16+$0x0] =	vst.idx.msk $0xffff, v63  }
0x31c: {  	s18 =	simm.s32 $0x10050;
	[tilespmem:v13+s16+$0x0] =	vst.idx.msk $0xffff, v62  }
0x31d: {  	[tilespmem:s18+$0xFFFFFFF0] =	vst v3  }
0x31e: {  	s19 =	simm.s32 $0x11050;
	[tilespmem:s18+$0x0] =	vst v3  }
0x31f: {  	[tilespmem:s19+$0x0] =	vst v3  }
0x320: {  	s0 =	simm.s32 $0x12050;
	[tilespmem:s19+$0xFFFFFFF0] =	vst v3  }
0x321: {  	s20 =	simm.s32 $0x13050;
	[tilespmem:s0+$0x0] =	vst v3  }
0x322: {  	s21 =	simm.s32 $0x0;
	s22 =	simm.s32 $0x12070;
	s23 =	simm.s32 $0x13070;
	[tilespmem:s0+$0xFFFFFFF0] =	vst v3  }
.LBB2_47:
0x323: {  	s21 =	sadd.s32 $0x2, s21;
	[tilespmem:s20+$0xFFFFFFF0] =	vst v3;
	s18 =	sadd.s32 $0x20, s18;
	s19 =	sadd.s32 $0x20, s19  }
0x324: {  	p0 =	slt.u32 s21, $0xFE;
	[tilespmem:s20+$0x0] =	vst v3;
	s20 =	smov.u32 s23  }
0x325: {  	[tilespmem:s18+$0xFFFFFFF0] =	vst v3  }
.Ltmp25:
0x326: {  	[tilespmem:s18+$0x0] =	vst v3;
	(pc) =	sbr.rel @p0 .LBB2_47-.Ltmp25, $4  }
0x327: {  	[tilespmem:s19+$0x0] =	vst v3  }
0x328: {  	[tilespmem:s22+$0x0] =	vst v3  }
0x329: {  	[tilespmem:s19+$0xFFFFFFF0] =	vst v3  }
0x32a: {  	s0 =	simm.s32 $0x0;
	s23 =	sadd.s32 $0x20, s23;
	[tilespmem:s22+$0xFFFFFFF0] =	vst v3;
	s22 =	sadd.s32 $0x20, s22  }
0x32b: {  	[tilespmem:s20+$0xFFFFFFF0] =	vst v3  }
0x32c: {  	[tilespmem:s20+$0x0] =	vst v3  }
.LBB2_49:
0x32d: {  	v12 =	vadd.s32 s0, v2;
	_ =	sdelay $0x4  }
0x32e: {  	v13 =	vld.idx.msk [tilespmem:v12+s2+$0x0], $0xffff;
	_ =	sdelay $0x4  }
0x32f: {  	v13 =	vshrl.u32 v13, $0xC  }
0x330: {  	v13 =	vand.u32 $0xFF0, v13  }
0x331: {  	v13 =	vor.u32 v0, v13;
	_ =	sdelay $0x4  }
0x332: {  	v14 =	vld.idx.msk [tilespmem:v13+s7+$0x0], $0xffff;
	_ =	sdelay $0x2  }
0x333: {  	v15 =	vadd.s32 s0, v6;
	_ =	sdelay $0x1  }
0x334: {  	v16 =	vadd.s32 $0x1, v14  }
0x335: {  	[tilespmem:v13+s7+$0x0] =	vst.idx.msk $0xffff, v16  }
0x336: {  	[tilespmem:v12+s8+$0x0] =	vst.idx.msk $0xffff, v14  }
0x337: {  	v12 =	vld.idx.msk [tilespmem:v15+s2+$0x0], $0xffff;
	_ =	sdelay $0x4  }
0x338: {  	v12 =	vshrl.u32 v12, $0xC  }
0x339: {  	v12 =	vand.u32 $0xFF0, v12  }
0x33a: {  	v12 =	vor.u32 v0, v12;
	_ =	sdelay $0x4  }
0x33b: {  	v13 =	vld.idx.msk [tilespmem:v12+s9+$0x0], $0xffff;
	_ =	sdelay $0x2  }
0x33c: {  	v59 =	vadd.s32 s0, v8;
	_ =	sdelay $0x1  }
0x33d: {  	v60 =	vadd.s32 $0x1, v13  }
0x33e: {  	[tilespmem:v12+s9+$0x0] =	vst.idx.msk $0xffff, v60  }
0x33f: {  	[tilespmem:v15+s8+$0x0] =	vst.idx.msk $0xffff, v13  }
0x340: {  	v12 =	vld.idx.msk [tilespmem:v59+s2+$0x0], $0xffff;
	_ =	sdelay $0x4  }
0x341: {  	v12 =	vshrl.u32 v12, $0xC  }
0x342: {  	v12 =	vand.u32 $0xFF0, v12  }
0x343: {  	v12 =	vor.u32 v0, v12;
	_ =	sdelay $0x4  }
0x344: {  	v13 =	vld.idx.msk [tilespmem:v12+s10+$0x0], $0xffff;
	_ =	sdelay $0x2  }
0x345: {  	v61 =	vadd.s32 s0, v10;
	_ =	sdelay $0x1  }
0x346: {  	v62 =	vadd.s32 $0x1, v13  }
0x347: {  	[tilespmem:v12+s10+$0x0] =	vst.idx.msk $0xffff, v62  }
0x348: {  	[tilespmem:v59+s8+$0x0] =	vst.idx.msk $0xffff, v13  }
0x349: {  	v12 =	vld.idx.msk [tilespmem:v61+s2+$0x0], $0xffff;
	_ =	sdelay $0x4  }
0x34a: {  	v12 =	vshrl.u32 v12, $0xC  }
0x34b: {  	v12 =	vand.u32 $0xFF0, v12  }
0x34c: {  	v12 =	vor.u32 v0, v12;
	_ =	sdelay $0x4  }
0x34d: {  	v13 =	vld.idx.msk [tilespmem:v12+s11+$0x0], $0xffff;
	_ =	sdelay $0x1  }
0x34e: {  	p0 =	sne.s32 s0, $0xFF  }
.Ltmp26:
0x34f: {  	_ = 	snop;
	(pc) =	sbr.rel @p0 .LBB2_49-.Ltmp26, $4  }
0x350: {  	_ = 	snop  }
0x351: {  	v63 =	vadd.s32 $0x1, v13  }
0x352: {  	[tilespmem:v12+s11+$0x0] =	vst.idx.msk $0xffff, v63  }
0x353: {  	s0 =	sadd.s32 $0x1, s0;
	[tilespmem:v61+s8+$0x0] =	vst.idx.msk $0xffff, v13  }
0x354: {  	s29 =	simm.s32 $0x10050  }
0x355: {  	s26 =	simm.s32 $0x11050;
	v15 =	vld [tilespmem:s29+$0x0]  }
0x356: {  	s25 =	simm.s32 $0x12050;
	v16 =	vld [tilespmem:s26+$0x0]  }
0x357: {  	s0 =	simm.s32 $0x13050;
	v17 =	vld [tilespmem:s25+$0x0]  }
0x358: {  	v12 =	vld [tilespmem:s0+$0x0];
	_ =	sdelay $0x1  }
0x359: {  	v18 =	vld [tilespmem:s26+$0xFFFFFFF0]  }
0x35a: {  	v19 =	vld [tilespmem:s29+$0xFFFFFFF0];
	v13 =	vadd.s32 v15, v16  }
0x35b: {  	v20 =	vld [tilespmem:s25+$0xFFFFFFF0];
	v13 =	vadd.s32 v17, v13  }
0x35c: {  	s20 =	simm.s32 $0x10070;
	v14 =	vld [tilespmem:s0+$0xFFFFFFF0];
	v21 =	vadd.s32 v12, v13  }
0x35d: {  	s21 =	simm.s32 $0x11070;
	v22 =	vld [tilespmem:s20+$0x0];
	(xrf0) =	vadd.scan.msk.s32 $0xffff, v21  }
0x35e: {  	s18 =	simm.s32 $0x12070;
	v23 =	vld [tilespmem:s21+$0x0]  }
0x35f: {  	s19 =	simm.s32 $0x13070;
	v24 =	vld [tilespmem:s18+$0x0];
	v12 =	vadd.s32 v19, v18  }
0x360: {  	v26 =	vld [tilespmem:s19+$0x0];
	v12 =	vadd.s32 v20, v12  }
0x361: {  	v25 =	vadd.s32 v14, v12  }
0x362: {  	(xrf0) =	vadd.scan.msk.s32 $0xffff, v25  }
0x363: {  	v28 =	vadd.s32 v22, v23;
	v13 =	vld [tilespmem:s21+$0xFFFFFFF0];
	v27, _, _ =	vpop (xrf0)  }
0x364: {  	v28 =	vadd.s32 v24, v28;
	v14 =	vld [tilespmem:s20+$0xFFFFFFF0];
	v21 =	vsub.s32 v27, v21  }
0x365: {  	v26 =	vadd.s32 v26, v28;
	v12 =	vld [tilespmem:s18+$0xFFFFFFF0];
	[tilespmem:s29+$0x0] =	vst v21;
	v15 =	vadd.s32 v15, v21  }
0x366: {  	s22 =	simm.s32 $0x10090;
	v29 =	vld [tilespmem:s19+$0xFFFFFFF0];
	(xrf0) =	vadd.scan.msk.s32 $0xffff, v26;
	[tilespmem:s26+$0x0] =	vst v15;
	v15 =	vadd.s32 v16, v15  }
0x367: {  	s24 =	simm.s32 $0x11090;
	[tilespmem:s25+$0x0] =	vst v15;
	v16 =	vadd.s32 v17, v15;
	v17 =	vbroadcast v27, $0xF;
	v15 =	vld [tilespmem:s22+$0x0]  }
0x368: {  	s23 =	simm.s32 $0x18060;
	s28 =	simm.s32 $0x12090;
	v27, _, _ =	vpop (xrf0);
	[tilespmem:s0+$0x0] =	vst v16;
	v16 =	vld [tilespmem:s24+$0x0]  }
0x369: {  	s30 =	simm.s32 $0x13090;
	v21 =	vadd.s32 v14, v13;
	v25 =	vsub.s32 v27, v25;
	[tilespmem:s23+$0x0] =	vst v17;
	v17 =	vld [tilespmem:s28+$0x0]  }
0x36a: {  	v21 =	vadd.s32 v12, v21;
	v19 =	vadd.s32 v19, v25;
	[tilespmem:s29+$0xFFFFFFF0] =	vst v25;
	v25 =	vld [tilespmem:s30+$0x0]  }
0x36b: {  	v21 =	vadd.s32 v29, v21;
	v18 =	vadd.s32 v18, v19;
	[tilespmem:s26+$0xFFFFFFF0] =	vst v19  }
0x36c: {  	(xrf0) =	vadd.scan.msk.s32 $0xffff, v21;
	v19 =	vbroadcast v27, $0xF;
	v27, _, _ =	vpop (xrf0);
	v20 =	vadd.s32 v20, v18;
	[tilespmem:s25+$0xFFFFFFF0] =	vst v18  }
0x36d: {  	v18 =	vld [tilespmem:s24+$0xFFFFFFF0];
	v26 =	vsub.s32 v27, v26;
	[tilespmem:s0+$0xFFFFFFF0] =	vst v20;
	v63 =	vadd.s32 v15, v16  }
0x36e: {  	v20 =	vld [tilespmem:s22+$0xFFFFFFF0];
	[tilespmem:s20+$0x0] =	vst v26;
	v26 =	vadd.s32 v22, v26;
	v28 =	vadd.s32 v17, v63  }
0x36f: {  	[tilespmem:s23+$0xFFFFFFF0] =	vst v19;
	v19 =	vld [tilespmem:s28+$0xFFFFFFF0];
	v22 =	vadd.s32 v25, v28;
	v25 =	vadd.s32 v23, v26  }
0x370: {  	v23 =	vld [tilespmem:s30+$0xFFFFFFF0]  }
0x371: {  	s31 =	simm.s32 $0x4;
	s29 =	simm.s32 $0x11090;
	[tilespmem:s21+$0x0] =	vst v26  }
0x372: {  	s26 =	simm.s32 $0x12090;
	s25 =	simm.s32 $0x13090;
	s0 =	simm.s32 $0x100B0;
	(xrf0) =	vadd.scan.msk.s32 $0xffff, v22;
	[tilespmem:s18+$0x0] =	vst v25;
	v26 =	vadd.s32 v24, v25;
	v24 =	vbroadcast v27, $0xF;
	v25, _, _ =	vpop (xrf0)  }
.LBB2_51:
0x373: {  	v27 =	vld [tilespmem:s0+$0x0];
	v28 =	vadd.s32 v20, v18;
	s24 =	sadd.s32 $0x20, s24;
	v29 =	vsub.s32 v25, v21;
	v25 =	vbroadcast v25, $0xF;
	[tilespmem:s19+$0x0] =	vst v26;
	s23 =	sadd.s32 $0x20, s23;
	v26 =	vmovc v17  }
0x374: {  	s28 =	sadd.s32 $0x20, s28;
	v30 =	vld [tilespmem:s24+$0x0];
	v21 =	vadd.s32 v19, v28;
	v28 =	vadd.s32 v14, v29;
	[tilespmem:s23+$0x0] =	vst v24;
	v14 =	vmov v20  }
0x375: {  	s31 =	sadd.s32 $0x2, s31;
	s30 =	sadd.s32 $0x20, s30;
	v17 =	vld [tilespmem:s28+$0x0];
	v21 =	vadd.s32 v23, v21;
	[tilespmem:s20+$0xFFFFFFF0] =	vst v29;
	v20 =	vadd.s32 v13, v28;
	v13 =	vmov v18;
	s20 =	smov.u32 s22  }
0x376: {  	p0 =	slt.u32 s31, $0xFE;
	v24 =	vld [tilespmem:s30+$0x0];
	(xrf0) =	vadd.scan.msk.s32 $0xffff, v21;
	[tilespmem:s21+$0xFFFFFFF0] =	vst v28;
	v23 =	vadd.s32 v12, v20;
	v12 =	vmov v19;
	s21 =	smov.u32 s29;
	s29 =	smov.u32 s24  }
0x377: {  	s22 =	smov.u32 s0;
	v18 =	vld [tilespmem:s24+$0xFFFFFFF0];
	[tilespmem:s18+$0xFFFFFFF0] =	vst v20;
	s18 =	smov.u32 s26;
	s26 =	smov.u32 s28  }
.Ltmp27:
0x378: {  	v20 =	vld [tilespmem:s0+$0xFFFFFFF0];
	v28, _, _ =	vpop (xrf0);
	[tilespmem:s19+$0xFFFFFFF0] =	vst v23;
	s19 =	smov.u32 s25;
	s25 =	smov.u32 s30;
	(pc) =	sbr.rel @p0 .LBB2_51-.Ltmp27, $4  }
0x379: {  	v19 =	vld [tilespmem:s28+$0xFFFFFFF0];
	v29 =	vadd.s32 v27, v30;
	v22 =	vsub.s32 v28, v22;
	[tilespmem:s23+$0xFFFFFFF0] =	vst v25  }
0x37a: {  	v23 =	vld [tilespmem:s30+$0xFFFFFFF0];
	v31 =	vadd.s32 v17, v29;
	[tilespmem:s20+$0x0] =	vst v22;
	v29 =	vadd.s32 v15, v22;
	v15 =	vmov v27  }
0x37b: {  	v22 =	vadd.s32 v24, v31;
	[tilespmem:s21+$0x0] =	vst v29;
	v24 =	vadd.s32 v16, v29;
	v16 =	vmov v30  }
0x37c: {  	s0 =	sadd.s32 $0x20, s0;
	(xrf0) =	vadd.scan.msk.s32 $0xffff, v22;
	[tilespmem:s18+$0x0] =	vst v24;
	v26 =	vadd.s32 v26, v24;
	v24 =	vbroadcast v28, $0xF;
	v25, _, _ =	vpop (xrf0)  }
0x37d: {  	[tilespmem:s19+$0x0] =	vst v26;
	s0 =	sadd.s32 $0x20, s23;
	v21 =	vsub.s32 v25, v21  }
0x37e: {  	v61 =	vadd.s32 v20, v18;
	[tilespmem:s0+$0x0] =	vst v24;
	v14 =	vadd.s32 v14, v21  }
0x37f: {  	v62 =	vadd.s32 v19, v61;
	[tilespmem:s20+$0xFFFFFFF0] =	vst v21;
	v13 =	vadd.s32 v13, v14  }
0x380: {  	v63 =	vadd.s32 v23, v62;
	[tilespmem:s21+$0xFFFFFFF0] =	vst v14  }
0x381: {  	v14 =	vbroadcast v25, $0xF;
	(xrf0) =	vadd.scan.msk.s32 $0xffff, v63;
	v12 =	vadd.s32 v12, v13;
	[tilespmem:s18+$0xFFFFFFF0] =	vst v13  }
0x382: {  	[tilespmem:s19+$0xFFFFFFF0] =	vst v12;
	v13, _, _ =	vpop (xrf0)  }
0x383: {  	[tilespmem:s0+$0xFFFFFFF0] =	vst v14;
	v12 =	vsub.s32 v13, v22  }
0x384: {  	[tilespmem:s22+$0x0] =	vst v12;
	v12 =	vadd.s32 v15, v12  }
0x385: {  	[tilespmem:s29+$0x0] =	vst v12;
	v12 =	vadd.s32 v16, v12  }
0x386: {  	v13 =	vbroadcast v13, $0xF;
	[tilespmem:s26+$0x0] =	vst v12;
	v12 =	vadd.s32 v17, v12  }
0x387: {  	s0 =	sadd.s32 $0x20, s0;
	v14, _, _ =	vpop (xrf0);
	[tilespmem:s25+$0x0] =	vst v12  }
0x388: {  	p2 =	por $0x1, $0x1;
	v12 =	vsub.s32 v14, v63;
	[tilespmem:s0+$0x0] =	vst v13  }
.Ltmp28:
0x389: {  	v13 =	vadd.s32 v20, v12;
	[tilespmem:s22+$0xFFFFFFF0] =	vst v12;
	(pc) =	sbr.rel @!p2 .LBB2_53-.Ltmp28, $4  }
0x38a: {  	v12 =	vadd.s32 v18, v13;
	[tilespmem:s29+$0xFFFFFFF0] =	vst v13  }
0x38b: {  	v13 =	vbroadcast v14, $0xF;
	v14 =	vadd.s32 v19, v12;
	[tilespmem:s26+$0xFFFFFFF0] =	vst v12  }
0x38c: {  	p1 =	por $0x0, $0x0;
	s20 =	simm.s32 $0x0;
	[tilespmem:s25+$0xFFFFFFF0] =	vst v14  }
0x38d: {  	p0 =	por $0x0, $0x0;
	s18 =	simm.s32 $0x19050;
	[tilespmem:s0+$0xFFFFFFF0] =	vst v13;
	v13 =	vmov s20;
	s0 =	simm.s32 $0x10  }
0x38e: {  	v12 =	vshll.u32 v13, $0x4  }
0x38f: {  	v12 =	vor.u32 v11, v12  }
0x390: {  	v12 =	vor.u32 v0, v12;
	_ =	sdelay $0x4  }
0x391: {  	p2 =	por $0x1, $0x1;
	v12 =	vld.idx.msk [tilespmem:v12+s12+$0x0], $0xffff  }
.Ltmp29:
0x392: {  	_ = 	snop;
	(pc) =	sbr.rel @!p2 .LBB2_55-.Ltmp29, $2  }
0x393: {  	_ =	sdelay $0x2  }
0x394: {  	v13 =	vmov s0;
	s0 =	simm.s32 $0x20;
	p1 =	por $0x1, $0x1;
	(xrf0) =	vadd.scan.msk.s32 $0xffff, v12  }
0x395: {  	_ =	sdelay $0x3  }
0x396: {  	v13 =	vshll.u32 v13, $0x4  }
0x397: {  	v13 =	vor.u32 v11, v13;
	v14, _, _ =	vpop (xrf0)  }
0x398: {  	v13 =	vor.u32 v0, v13;
	(v2sf) =	vpush v14, $0xF;
	_ =	sdelay $0x1  }
0x399: {  	v12 =	vsub.s32 s20, v12  }
0x39a: {  	v12 =	vadd.s32 v14, v12  }
0x39b: {  	[tilespmem:s18+$0x0] =	vst v12  }
0x39c: {  	v12 =	vld.idx.msk [tilespmem:v13+s12+$0x0], $0xffff;
	_ =	sdelay $0x2  }
0x39d: {  	p3 =	por $0x1, $0x1  }
.Ltmp30:
0x39e: {  	_ = 	snop;
	(pc) =	sbr.rel @!p3 .LBB2_57-.Ltmp30, $3  }
0x39f: {  	(xrf0) =	vadd.scan.msk.s32 $0xffff, v12;
	_ =	sdelay $0x1  }
0x3a0: {  	s21 =	simm.s32 $0x30  }
0x3a1: {  	p2 =	por $0x1, $0x1;
	s19 =	simm.s32 $0x19050;
	v13 =	vmov s0;
	s0 =	simm.s32 $0x0  }
.LBB2_58:
0x3a2: {  	p3 =	sne.s32 s21, $0xF0;
	v13 =	vshll.u32 v13, $0x4  }
0x3a3: {  	v13 =	vor.u32 v11, v13;
	s22 =	spop (v2sf)  }
0x3a4: {  	v13 =	vor.u32 v0, v13;
	v14, _, _ =	vpop (xrf0);
	s0 =	sadd.s32 s0, s22  }
0x3a5: {  	v12 =	vsub.s32 s0, v12;
	(v2sf) =	vpush v14, $0xF  }
0x3a6: {  	s19 =	sadd.s32 $0x10, s19;
	v12 =	vadd.s32 v14, v12  }
0x3a7: {  	[tilespmem:s19+$0x0] =	vst v12;
	_ =	sdelay $0x1  }
0x3a8: {  	v12 =	vld.idx.msk [tilespmem:v13+s12+$0x0], $0xffff;
	_ =	sdelay $0x4  }
.Ltmp31:
0x3a9: {  	(pc) =	sbr.rel @p3 .LBB2_58-.Ltmp31, $2  }
0x3aa: {  	(xrf0) =	vadd.scan.msk.s32 $0xffff, v12;
	_ =	sdelay $0x2  }
0x3ab: {  	v13 =	vmov s21;
	s21 =	sadd.s32 $0x10, s21  }
.LBB2_59:
0x3ac: {  	_ =	sdelay $0x1  }
0x3ad: {  	v14, _, _ =	vpop @p1 (xrf0)  }
0x3ae: {  	v13 =	vshll.u32 v13, $0x4;
	(v2sf) =	vpush @p1 v14, $0xF  }
0x3af: {  	s21 =	spop @p2 (v2sf);
	v13 =	vor.u32 v11, v13  }
0x3b0: {  	v13 =	vor.u32 v0, v13;
	s0 =	sadd.s32 @p2 s0, s21;
	s21 =	simm.s32 $0x0  }
0x3b1: {  	s21 =	smov.u32 @p2 s0  }
0x3b2: {  	s0 =	sadd.s32 @p2 $0x10, s19;
	s19 =	simm.s32 $0x19050;
	v12 =	vsub.s32 @p1 s21, v12  }
0x3b3: {  	s19 =	smov.u32 @p2 s0;
	v12 =	vadd.s32 @p1 v14, v12  }
0x3b4: {  	[tilespmem:s19+$0x0] =	vst @p1 v12  }
0x3b5: {  	v12 =	vld.idx.msk [tilespmem:v13+s12+$0x0], $0xffff;
	_ =	sdelay $0x4  }
0x3b6: {  	(xrf0) =	vadd.scan.msk.s32 $0xffff, v12;
	_ =	sdelay $0x2  }
0x3b7: {  	s0 =	spop @p1 (v2sf)  }
0x3b8: {  	s23 =	simm.s32 $0x1;
	v13 =	vadd.s32 s20, v2;
	s0 =	sadd.s32 @p1 s21, s0;
	s21 =	simm.s32 $0x0  }
0x3b9: {  	v14 =	vadd.s32 s23, v2;
	s21 =	smov.u32 @p1 s0  }
0x3ba: {  	v15, _, _ =	vpop (xrf0);
	s0 =	sadd.s32 @p1 $0x10, s19;
	v12 =	vsub.s32 s21, v12  }
0x3bb: {  	s18 =	smov.u32 @p1 s0;
	v12 =	vadd.s32 v15, v12  }
0x3bc: {  	[tilespmem:s18+$0x0] =	vst v12  }
0x3bd: {  	v12 =	vld.idx.msk [tilespmem:v13+s2+$0x0], $0xffff  }
0x3be: {  	v16 =	vld.idx.msk [tilespmem:v14+s2+$0x0], $0xffff;
	_ =	sdelay $0x3  }
0x3bf: {  	v17 =	vshrl.u32 v12, $0x10  }
0x3c0: {  	v19 =	vshrl.u32 v16, $0x10;
	v18 =	vshll.u32 v17, $0x4  }
0x3c1: {  	v17 =	vand.u32 $0xFF, v17;
	v20 =	vshll.u32 v19, $0x4;
	v18 =	vor.u32 v0, v18  }
0x3c2: {  	v20 =	vor.u32 v0, v20;
	v18 =	vand.u32 v4, v18  }
0x3c3: {  	v20 =	vand.u32 v4, v20  }
0x3c4: {  	v21 =	vld.idx.msk [tilespmem:v14+s8+$0x0], $0xffff;
	v19 =	vand.u32 $0xFF, v19  }
0x3c5: {  	v22 =	vld.idx.msk [tilespmem:v13+s8+$0x0], $0xffff  }
0x3c6: {  	v17 =	vld.idx.msk [tilespmem:v17+s13+$0x0], $0xffff  }
0x3c7: {  	v18 =	vld.idx.msk [tilespmem:v18+s7+$0x0], $0xffff  }
0x3c8: {  	v20 =	vld.idx.msk [tilespmem:v20+s7+$0x0], $0xffff  }
0x3c9: {  	v19 =	vld.idx.msk [tilespmem:v19+s13+$0x0], $0xffff  }
0x3ca: {  	(v2sf) =	vpush v15, $0xF;
	_ =	sdelay $0x1  }
0x3cb: {  	v15 =	vadd.s32 v18, v22  }
0x3cc: {  	v63 =	vadd.s32 v20, v21;
	v15 =	vadd.s32 v17, v15  }
0x3cd: {  	v17 =	vadd.s32 v19, v63;
	v18 =	vshrl.u32 v15, $0xA  }
0x3ce: {  	v15 =	vadd.s32 v15, v18;
	v18 =	vshrl.u32 v17, $0xA  }
0x3cf: {  	v17 =	vadd.s32 v17, v18  }
0x3d0: {  	v13 =	vld.idx.msk [tilespmem:v13+s16+$0x0], $0xffff  }
0x3d1: {  	v24 =	vadd.s32 s20, v6;
	v14 =	vld.idx.msk [tilespmem:v14+s16+$0x0], $0xffff  }
0x3d2: {  	v26 =	vadd.s32 s23, v6  }
0x3d3: {  	p1 =	por $0x1, $0x1;
	[tilespmem:v15+s14+$0x0] =	vst.idx.msk $0xffff, v12  }
.Ltmp32:
0x3d4: {  	[tilespmem:v17+s14+$0x0] =	vst.idx.msk $0xffff, v16;
	(pc) =	sbr.rel @!p1 .LBB2_60-.Ltmp32, $4  }
0x3d5: {  	[tilespmem:v15+s15+$0x0] =	vst.idx.msk $0xffff, v13  }
0x3d6: {  	[tilespmem:v17+s15+$0x0] =	vst.idx.msk $0xffff, v14;
	v20 =	vld.idx.msk [tilespmem:v24+s2+$0x0], $0xffff  }
0x3d7: {  	v12 =	vld.idx.msk [tilespmem:v26+s2+$0x0], $0xffff  }
0x3d8: {  	s18 =	simm.s32 $0x2;
	s31 =	spop (v2sf);
	v14 =	vld.idx.msk [tilespmem:v26+s16+$0x0], $0xffff  }
0x3d9: {  	v13 =	vadd.s32 s18, v2;
	s19 =	simm.s32 $0x3  }
0x3da: {  	v15 =	vadd.s32 s19, v2;
	_ =	sdelay $0x1  }
0x3db: {  	v17 =	vshrl.u32 v20, $0x10  }
0x3dc: {  	v18 =	vshll.u32 v17, $0x4  }
0x3dd: {  	v18 =	vor.u32 v0, v18;
	v21 =	vld.idx.msk [tilespmem:v13+s2+$0x0], $0xffff  }
0x3de: {  	v16 =	vshrl.u32 v12, $0x10;
	v18 =	vand.u32 v4, v18;
	v22 =	vld.idx.msk [tilespmem:v15+s2+$0x0], $0xffff  }
0x3df: {  	v17 =	vand.u32 $0xFF, v17;
	v19 =	vand.u32 $0xFF, v16;
	v16 =	vshll.u32 v16, $0x4  }
0x3e0: {  	v23 =	vld.idx.msk [tilespmem:v24+s8+$0x0], $0xffff;
	v16 =	vor.u32 v0, v16  }
0x3e1: {  	v25 =	vld.idx.msk [tilespmem:v26+s8+$0x0], $0xffff;
	v16 =	vand.u32 v4, v16  }
0x3e2: {  	v24 =	vld.idx.msk [tilespmem:v24+s16+$0x0], $0xffff;
	v26 =	vshrl.u32 v21, $0x10  }
0x3e3: {  	v18 =	vld.idx.msk [tilespmem:v18+s9+$0x0], $0xffff;
	v27 =	vshll.u32 v26, $0x4;
	v28 =	vshrl.u32 v22, $0x10  }
0x3e4: {  	v17 =	vld.idx.msk [tilespmem:v17+s13+$0x0], $0xffff;
	v26 =	vand.u32 $0xFF, v26;
	v27 =	vor.u32 v0, v27;
	v29 =	vshll.u32 v28, $0x4  }
0x3e5: {  	v31 =	vld.idx.msk [tilespmem:v13+s8+$0x0], $0xffff;
	v27 =	vand.u32 v4, v27;
	v29 =	vor.u32 v0, v29  }
0x3e6: {  	v16 =	vld.idx.msk [tilespmem:v16+s9+$0x0], $0xffff;
	v29 =	vand.u32 v4, v29  }
0x3e7: {  	v19 =	vld.idx.msk [tilespmem:v19+s13+$0x0], $0xffff;
	v28 =	vand.u32 $0xFF, v28  }
0x3e8: {  	v30 =	vld.idx.msk [tilespmem:v15+s8+$0x0], $0xffff;
	v18 =	vadd.s32 v18, v23  }
0x3e9: {  	v23 =	vld.idx.msk [tilespmem:v26+s13+$0x0], $0xffff;
	v17 =	vadd.s32 v17, v18  }
0x3ea: {  	v26 =	vshrl.u32 v17, $0xA;
	v18 =	vld.idx.msk [tilespmem:v27+s7+$0x0], $0xffff  }
0x3eb: {  	v16 =	vadd.s32 v16, v25;
	v17 =	vadd.s32 v17, v26;
	v25 =	vld.idx.msk [tilespmem:v29+s7+$0x0], $0xffff  }
0x3ec: {  	v16 =	vadd.s32 v19, v16;
	v19 =	vld.idx.msk [tilespmem:v28+s13+$0x0], $0xffff  }
0x3ed: {  	v26 =	vshrl.u32 v16, $0xA  }
0x3ee: {  	v16 =	vadd.s32 v16, v26  }
0x3ef: {  	v29 =	vadd.s32 s20, v8;
	v18 =	vadd.s32 v18, v31  }
0x3f0: {  	v31 =	vadd.s32 s23, v8;
	[tilespmem:v17+s14+$0x0] =	vst.idx.msk $0xffff, v20;
	v18 =	vadd.s32 v23, v18;
	v20 =	vadd.s32 v25, v30  }
0x3f1: {  	[tilespmem:v17+s15+$0x0] =	vst.idx.msk $0xffff, v24;
	v17 =	vshrl.u32 v18, $0xA;
	v19 =	vadd.s32 v19, v20  }
0x3f2: {  	v13 =	vld.idx.msk [tilespmem:v13+s16+$0x0], $0xffff;
	v17 =	vadd.s32 v18, v17;
	v18 =	vshrl.u32 v19, $0xA  }
0x3f3: {  	v15 =	vld.idx.msk [tilespmem:v15+s16+$0x0], $0xffff;
	[tilespmem:v16+s14+$0x0] =	vst.idx.msk $0xffff, v12;
	v12 =	vadd.s32 v19, v18  }
0x3f4: {  	[tilespmem:v16+s15+$0x0] =	vst.idx.msk $0xffff, v14;
	v18 =	vld.idx.msk [tilespmem:v29+s2+$0x0], $0xffff  }
0x3f5: {  	v19 =	vld.idx.msk [tilespmem:v31+s2+$0x0], $0xffff  }
0x3f6: {  	v24 =	vadd.s32 s18, v6  }
0x3f7: {  	v26 =	vadd.s32 s19, v6;
	v28 =	vld.idx.msk [tilespmem:v29+s8+$0x0], $0xffff;
	[tilespmem:v17+s14+$0x0] =	vst.idx.msk $0xffff, v21  }
0x3f8: {  	p2 =	por $0x1, $0x1;
	v23 =	vld.idx.msk [tilespmem:v29+s16+$0x0], $0xffff;
	[tilespmem:v12+s14+$0x0] =	vst.idx.msk $0xffff, v22  }
.Ltmp33:
0x3f9: {  	v27 =	vld.idx.msk [tilespmem:v31+s8+$0x0], $0xffff;
	[tilespmem:v17+s15+$0x0] =	vst.idx.msk $0xffff, v13;
	(pc) =	sbr.rel @!p2 .LBB2_62-.Ltmp33, $4  }
0x3fa: {  	v21 =	vld.idx.msk [tilespmem:v31+s16+$0x0], $0xffff;
	v14 =	vshrl.u32 v18, $0x10;
	[tilespmem:v12+s15+$0x0] =	vst.idx.msk $0xffff, v15;
	v15 =	vshrl.u32 v19, $0x10  }
0x3fb: {  	v13 =	vshll.u32 v14, $0x4;
	v20 =	vld.idx.msk [tilespmem:v24+s2+$0x0], $0xffff;
	v16 =	vshll.u32 v15, $0x4  }
0x3fc: {  	v33 =	vand.u32 $0xFF, v14;
	v12 =	vld.idx.msk [tilespmem:v26+s2+$0x0], $0xffff;
	v13 =	vor.u32 v0, v13;
	v16 =	vor.u32 v0, v16  }
0x3fd: {  	s21 =	simm.s32 $0x4;
	p1 =	por $0x1, $0x1;
	v35 =	vand.u32 $0xFF, v15;
	v14 =	vld.idx.msk [tilespmem:v26+s16+$0x0], $0xffff;
	v36 =	vand.u32 v4, v13;
	v37 =	vand.u32 v4, v16  }
0x3fe: {  	_ =	sdelay $0x2  }
0x3ff: {  	v29 =	vadd.s32 s21, v2;
	s22 =	simm.s32 $0x5  }
0x400: {  	v13 =	vld.idx.msk [tilespmem:v33+s13+$0x0], $0xffff;
	v30 =	vadd.s32 s22, v2  }
0x401: {  	v22 =	vld.idx.msk [tilespmem:v36+s10+$0x0], $0xffff  }
0x402: {  	v32 =	vld.idx.msk [tilespmem:v37+s10+$0x0], $0xffff;
	v17 =	vshrl.u32 v20, $0x10  }
0x403: {  	v15 =	vld.idx.msk [tilespmem:v35+s13+$0x0], $0xffff;
	v16 =	vshrl.u32 v12, $0x10;
	v25 =	vshll.u32 v17, $0x4  }
0x404: {  	v31 =	vand.u32 $0xFF, v16;
	v25 =	vor.u32 v0, v25;
	v48 =	vld.idx.msk [tilespmem:v29+s2+$0x0], $0xffff  }
0x405: {  	v16 =	vshll.u32 v16, $0x4;
	v25 =	vand.u32 v4, v25;
	v34 =	vld.idx.msk [tilespmem:v30+s2+$0x0], $0xffff  }
0x406: {  	v49 =	vld.idx.msk [tilespmem:v24+s8+$0x0], $0xffff;
	v17 =	vand.u32 $0xFF, v17;
	v16 =	vor.u32 v0, v16;
	v22 =	vadd.s32 v22, v28  }
0x407: {  	v26 =	vld.idx.msk [tilespmem:v26+s8+$0x0], $0xffff;
	v16 =	vand.u32 v4, v16;
	v13 =	vadd.s32 v13, v22;
	v22 =	vadd.s32 v32, v27  }
0x408: {  	v24 =	vld.idx.msk [tilespmem:v24+s16+$0x0], $0xffff;
	v15 =	vadd.s32 v15, v22  }
0x409: {  	v51 =	vshrl.u32 v15, $0xA;
	v28 =	vld.idx.msk [tilespmem:v31+s13+$0x0], $0xffff;
	v27 =	vshrl.u32 v48, $0x10  }
0x40a: {  	v31 =	vshrl.u32 v13, $0xA;
	v22 =	vld.idx.msk [tilespmem:v25+s9+$0x0], $0xffff;
	v25 =	vshll.u32 v27, $0x4;
	v50 =	vshrl.u32 v34, $0x10  }
0x40b: {  	v52 =	vld.idx.msk [tilespmem:v17+s13+$0x0], $0xffff;
	v17 =	vor.u32 v0, v25;
	v25 =	vand.u32 $0xFF, v27;
	v27 =	vshll.u32 v50, $0x4  }
0x40c: {  	v13 =	vadd.s32 v13, v31;
	v16 =	vld.idx.msk [tilespmem:v16+s9+$0x0], $0xffff;
	v38 =	vand.u32 v4, v17;
	v17 =	vor.u32 v0, v27  }
0x40d: {  	v53 =	vld.idx.msk [tilespmem:v29+s8+$0x0], $0xffff;
	v15 =	vadd.s32 v15, v51;
	v27 =	vand.u32 v4, v17  }
0x40e: {  	v57 =	vld.idx.msk [tilespmem:v29+s16+$0x0], $0xffff;
	v32 =	vand.u32 $0xFF, v50  }
0x40f: {  	v39 =	vadd.s32 s20, v10;
	v31 =	vld.idx.msk [tilespmem:v30+s8+$0x0], $0xffff;
	v22 =	vadd.s32 v22, v49  }
0x410: {  	v17 =	vadd.s32 s23, v10;
	v22 =	vadd.s32 v52, v22;
	v54 =	vld.idx.msk [tilespmem:v25+s13+$0x0], $0xffff  }
0x411: {  	[tilespmem:v13+s14+$0x0] =	vst.idx.msk $0xffff, v18;
	v16 =	vadd.s32 v16, v26;
	v18 =	vshrl.u32 v22, $0xA;
	v55 =	vld.idx.msk [tilespmem:v38+s7+$0x0], $0xffff  }
0x412: {  	[tilespmem:v15+s14+$0x0] =	vst.idx.msk $0xffff, v19;
	v18 =	vadd.s32 v22, v18;
	v22 =	vadd.s32 v28, v16;
	v27 =	vld.idx.msk [tilespmem:v27+s7+$0x0], $0xffff  }
0x413: {  	[tilespmem:v13+s15+$0x0] =	vst.idx.msk $0xffff, v23;
	v19 =	vld.idx.msk [tilespmem:v32+s13+$0x0], $0xffff;
	v13 =	vshrl.u32 v22, $0xA  }
0x414: {  	[tilespmem:v15+s15+$0x0] =	vst.idx.msk $0xffff, v21;
	v16 =	vld.idx.msk [tilespmem:v39+s2+$0x0], $0xffff;
	v21 =	vadd.s32 v22, v13  }
0x415: {  	v23 =	vadd.s32 s18, v8;
	v15 =	vld.idx.msk [tilespmem:v17+s2+$0x0], $0xffff  }
0x416: {  	v56 =	vadd.s32 s19, v8;
	v25 =	vld.idx.msk [tilespmem:v17+s8+$0x0], $0xffff;
	v13 =	vadd.s32 v55, v53  }
0x417: {  	v22 =	vld.idx.msk [tilespmem:v39+s8+$0x0], $0xffff;
	[tilespmem:v18+s14+$0x0] =	vst.idx.msk $0xffff, v20;
	v20 =	vadd.s32 v54, v13;
	v26 =	vadd.s32 v27, v31  }
0x418: {  	v13 =	vld.idx.msk [tilespmem:v39+s16+$0x0], $0xffff;
	[tilespmem:v18+s15+$0x0] =	vst.idx.msk $0xffff, v24;
	v18 =	vshrl.u32 v20, $0xA;
	v19 =	vadd.s32 v19, v26  }
0x419: {  	v31 =	vld.idx.msk [tilespmem:v30+s16+$0x0], $0xffff;
	[tilespmem:v21+s14+$0x0] =	vst.idx.msk $0xffff, v12;
	v20 =	vadd.s32 v20, v18;
	v18 =	vshrl.u32 v19, $0xA  }
0x41a: {  	v28 =	vld.idx.msk [tilespmem:v23+s8+$0x0], $0xffff;
	[tilespmem:v21+s15+$0x0] =	vst.idx.msk $0xffff, v14;
	v14 =	vshrl.u32 v15, $0x10;
	v12 =	vadd.s32 v19, v18  }
0x41b: {  	v18 =	vld.idx.msk [tilespmem:v23+s2+$0x0], $0xffff;
	v29 =	vand.u32 $0xFF, v14  }
0x41c: {  	v24 =	vadd.s32 s21, v6;
	v19 =	vld.idx.msk [tilespmem:v56+s2+$0x0], $0xffff;
	v14 =	vshll.u32 v14, $0x4  }
0x41d: {  	v26 =	vadd.s32 s22, v6;
	v27 =	vld.idx.msk [tilespmem:v56+s8+$0x0], $0xffff;
	v14 =	vor.u32 v0, v14  }
0x41e: {  	v21 =	vld.idx.msk [tilespmem:v56+s16+$0x0], $0xffff;
	v14 =	vand.u32 v4, v14;
	[tilespmem:v20+s14+$0x0] =	vst.idx.msk $0xffff, v48  }
0x41f: {  	p2 =	por $0x1, $0x1;
	v23 =	vld.idx.msk [tilespmem:v23+s16+$0x0], $0xffff;
	[tilespmem:v12+s14+$0x0] =	vst.idx.msk $0xffff, v34  }
.Ltmp34:
0x420: {  	v30 =	vshrl.u32 v16, $0x10;
	v29 =	vld.idx.msk [tilespmem:v29+s13+$0x0], $0xffff;
	[tilespmem:v20+s15+$0x0] =	vst.idx.msk $0xffff, v57;
	(pc) =	sbr.rel @!p2 .LBB2_64-.Ltmp34, $4  }
0x421: {  	v58 =	vshrl.u32 v18, $0x10;
	v59 =	vshrl.u32 v19, $0x10;
	[tilespmem:v12+s15+$0x0] =	vst.idx.msk $0xffff, v31;
	v31 =	vshll.u32 v30, $0x4;
	v20 =	vld.idx.msk [tilespmem:v24+s2+$0x0], $0xffff  }
0x422: {  	v60 =	vshll.u32 v58, $0x4;
	v61 =	vshll.u32 v59, $0x4;
	v33 =	vand.u32 $0xFF, v58;
	v12 =	vld.idx.msk [tilespmem:v26+s2+$0x0], $0xffff  }
0x423: {  	v35 =	vand.u32 $0xFF, v59;
	v62 =	vor.u32 v0, v60;
	v63 =	vor.u32 v0, v61;
	v32 =	vld.idx.msk [tilespmem:v14+s11+$0x0], $0xffff  }
0x424: {  	s20 =	simm.s32 $0x6;
	p0 =	por $0x1, $0x1;
	v31 =	vor.u32 v0, v31;
	v14 =	vld.idx.msk [tilespmem:v26+s16+$0x0], $0xffff;
	v36 =	vand.u32 v4, v62;
	v37 =	vand.u32 v4, v63  }
.LBB2_65:
0x425: {  	s23 =	sadd.s32 $0x1, s20  }
0x426: {  	v34 =	vadd.s32 s20, v2;
	p2 =	slt.u32 s20, $0xFE;
	v38 =	vld.idx.msk [tilespmem:v24+s8+$0x0], $0xffff;
	s0 =	smov.u32 s20;
	s20 =	sadd.s32 $0x2, s20  }
0x427: {  	v39 =	vadd.s32 s23, v2;
	v33 =	vld.idx.msk [tilespmem:v33+s13+$0x0], $0xffff  }
0x428: {  	v31 =	vand.u32 v4, v31;
	v40 =	vshrl.u32 v12, $0x10;
	v35 =	vld.idx.msk [tilespmem:v35+s13+$0x0], $0xffff  }
0x429: {  	v30 =	vand.u32 $0xFF, v30;
	v41 =	vshrl.u32 v20, $0x10;
	v42 =	vshll.u32 v40, $0x4;
	v36 =	vld.idx.msk [tilespmem:v36+s10+$0x0], $0xffff  }
0x42a: {  	v40 =	vand.u32 $0xFF, v40;
	v43 =	vshll.u32 v41, $0x4;
	v25 =	vadd.s32 v32, v25;
	v37 =	vld.idx.msk [tilespmem:v37+s10+$0x0], $0xffff  }
0x42b: {  	v42 =	vor.u32 v0, v42;
	v43 =	vor.u32 v0, v43;
	v25 =	vadd.s32 v29, v25;
	v32 =	vld.idx.msk [tilespmem:v34+s2+$0x0], $0xffff  }
0x42c: {  	v43 =	vand.u32 v4, v43;
	v44 =	vshrl.u32 v25, $0xA;
	v29 =	vld.idx.msk [tilespmem:v39+s2+$0x0], $0xffff  }
0x42d: {  	v41 =	vand.u32 $0xFF, v41;
	v44 =	vadd.s32 v25, v44;
	v31 =	vld.idx.msk [tilespmem:v31+s11+$0x0], $0xffff  }
0x42e: {  	v25 =	vld.idx.msk [tilespmem:v30+s13+$0x0], $0xffff  }
0x42f: {  	v30 =	vand.u32 v4, v42;
	v28 =	vadd.s32 v36, v28;
	v40 =	vld.idx.msk [tilespmem:v40+s13+$0x0], $0xffff  }
0x430: {  	v28 =	vadd.s32 v33, v28;
	v27 =	vadd.s32 v37, v27;
	v26 =	vld.idx.msk [tilespmem:v26+s8+$0x0], $0xffff  }
0x431: {  	v33 =	vshrl.u32 v32, $0x10;
	v37 =	vshrl.u32 v28, $0xA;
	v27 =	vadd.s32 v35, v27;
	v36 =	vld.idx.msk [tilespmem:v43+s9+$0x0], $0xffff  }
0x432: {  	v35 =	vshll.u32 v33, $0x4;
	v42 =	vshrl.u32 v29, $0x10;
	v43 =	vshrl.u32 v27, $0xA;
	v41 =	vld.idx.msk [tilespmem:v41+s13+$0x0], $0xffff  }
0x433: {  	v33 =	vand.u32 $0xFF, v33;
	v35 =	vor.u32 v0, v35;
	v45 =	vshll.u32 v42, $0x4;
	v46 =	vld.idx.msk [tilespmem:v17+s16+$0x0], $0xffff  }
0x434: {  	v28 =	vadd.s32 v28, v37;
	v35 =	vand.u32 v4, v35;
	v17 =	vor.u32 v0, v45;
	v30 =	vld.idx.msk [tilespmem:v30+s9+$0x0], $0xffff  }
0x435: {  	v27 =	vadd.s32 v27, v43;
	v37 =	vand.u32 v4, v17;
	v17 =	vadd.s32 v31, v22;
	v45 =	vld.idx.msk [tilespmem:v39+s8+$0x0], $0xffff  }
0x436: {  	v22 =	vand.u32 $0xFF, v42;
	v25 =	vadd.s32 v25, v17;
	v24 =	vld.idx.msk [tilespmem:v24+s16+$0x0], $0xffff;
	[tilespmem:v44+s14+$0x0] =	vst.idx.msk $0xffff, v15  }
0x437: {  	v15 =	vadd.s32 v36, v38;
	v36 =	vadd.s32 s18, v10;
	v38 =	vshrl.u32 v25, $0xA;
	s18 =	smov.u32 s21;
	s21 =	smov.u32 s0;
	v31 =	vld.idx.msk [tilespmem:v34+s8+$0x0], $0xffff  }
0x438: {  	v17 =	vadd.s32 s19, v10;
	s19 =	smov.u32 s22;
	s22 =	smov.u32 s23;
	v15 =	vadd.s32 v41, v15;
	v38 =	vadd.s32 v25, v38;
	v33 =	vld.idx.msk [tilespmem:v33+s13+$0x0], $0xffff  }
0x439: {  	v25 =	vshrl.u32 v15, $0xA;
	v35 =	vld.idx.msk [tilespmem:v35+s7+$0x0], $0xffff;
	[tilespmem:v28+s14+$0x0] =	vst.idx.msk $0xffff, v18  }
0x43a: {  	v18 =	vld.idx.msk [tilespmem:v37+s7+$0x0], $0xffff;
	v37 =	vadd.s32 v15, v25;
	v15 =	vadd.s32 v30, v26;
	[tilespmem:v27+s14+$0x0] =	vst.idx.msk $0xffff, v19  }
0x43b: {  	v19 =	vld.idx.msk [tilespmem:v22+s13+$0x0], $0xffff;
	v15 =	vadd.s32 v40, v15;
	[tilespmem:v28+s15+$0x0] =	vst.idx.msk $0xffff, v23  }
0x43c: {  	v22 =	vshrl.u32 v15, $0xA;
	v23 =	vld.idx.msk [tilespmem:v36+s2+$0x0], $0xffff;
	[tilespmem:v27+s15+$0x0] =	vst.idx.msk $0xffff, v21  }
0x43d: {  	v21 =	vadd.s32 v15, v22;
	v15 =	vld.idx.msk [tilespmem:v17+s2+$0x0], $0xffff;
	[tilespmem:v38+s14+$0x0] =	vst.idx.msk $0xffff, v16  }
0x43e: {  	v40 =	vadd.s32 s18, v8;
	v25 =	vld.idx.msk [tilespmem:v17+s8+$0x0], $0xffff;
	[tilespmem:v38+s15+$0x0] =	vst.idx.msk $0xffff, v13  }
0x43f: {  	v13 =	vadd.s32 v35, v31;
	[tilespmem:v37+s14+$0x0] =	vst.idx.msk $0xffff, v20;
	v20 =	vadd.s32 s19, v8;
	v22 =	vld.idx.msk [tilespmem:v36+s8+$0x0], $0xffff  }
0x440: {  	v16 =	vadd.s32 v33, v13;
	v18 =	vadd.s32 v18, v45;
	[tilespmem:v37+s15+$0x0] =	vst.idx.msk $0xffff, v24;
	v13 =	vld.idx.msk [tilespmem:v36+s16+$0x0], $0xffff  }
0x441: {  	v24 =	vshrl.u32 v16, $0xA;
	v18 =	vadd.s32 v19, v18;
	v33 =	vld.idx.msk [tilespmem:v39+s16+$0x0], $0xffff;
	[tilespmem:v44+s15+$0x0] =	vst.idx.msk $0xffff, v46  }
0x442: {  	v35 =	vadd.s32 v16, v24;
	v24 =	vshrl.u32 v18, $0xA;
	v30 =	vshrl.u32 v23, $0x10;
	v34 =	vld.idx.msk [tilespmem:v34+s16+$0x0], $0xffff;
	[tilespmem:v21+s14+$0x0] =	vst.idx.msk $0xffff, v12  }
0x443: {  	v12 =	vadd.s32 v18, v24;
	v18 =	vld.idx.msk [tilespmem:v40+s2+$0x0], $0xffff;
	[tilespmem:v21+s15+$0x0] =	vst.idx.msk $0xffff, v14;
	v14 =	vshll.u32 v30, $0x4;
	v21 =	vshrl.u32 v15, $0x10  }
0x444: {  	v16 =	vmovc v23;
	v19 =	vld.idx.msk [tilespmem:v20+s2+$0x0], $0xffff;
	v31 =	vor.u32 v0, v14;
	v14 =	vshll.u32 v21, $0x4;
	v36 =	vand.u32 $0xFF, v21  }
0x445: {  	v26 =	vadd.s32 s22, v6;
	v27 =	vld.idx.msk [tilespmem:v20+s8+$0x0], $0xffff;
	v14 =	vor.u32 v0, v14  }
0x446: {  	v24 =	vadd.s32 s21, v6;
	v28 =	vld.idx.msk [tilespmem:v40+s8+$0x0], $0xffff  }
0x447: {  	v14 =	vand.u32 v4, v14;
	[tilespmem:v35+s14+$0x0] =	vst.idx.msk $0xffff, v32;
	v21 =	vld.idx.msk [tilespmem:v20+s16+$0x0], $0xffff  }
0x448: {  	[tilespmem:v12+s14+$0x0] =	vst.idx.msk $0xffff, v29;
	v23 =	vld.idx.msk [tilespmem:v40+s16+$0x0], $0xffff  }
.Ltmp35:
0x449: {  	v20 =	vshrl.u32 v18, $0x10;
	[tilespmem:v12+s15+$0x0] =	vst.idx.msk $0xffff, v33;
	v29 =	vld.idx.msk [tilespmem:v36+s13+$0x0], $0xffff;
	(pc) =	sbr.rel @p2 .LBB2_65-.Ltmp35, $4  }
0x44a: {  	v32 =	vshll.u32 v20, $0x4;
	v33 =	vand.u32 $0xFF, v20;
	[tilespmem:v35+s15+$0x0] =	vst.idx.msk $0xffff, v34;
	v12 =	vld.idx.msk [tilespmem:v26+s2+$0x0], $0xffff;
	v34 =	vshrl.u32 v19, $0x10  }
0x44b: {  	v32 =	vor.u32 v0, v32;
	v20 =	vld.idx.msk [tilespmem:v24+s2+$0x0], $0xffff;
	v37 =	vshll.u32 v34, $0x4;
	v35 =	vand.u32 $0xFF, v34  }
0x44c: {  	v36 =	vand.u32 v4, v32;
	v34 =	vor.u32 v0, v37;
	v32 =	vld.idx.msk [tilespmem:v14+s11+$0x0], $0xffff  }
0x44d: {  	v14 =	vld.idx.msk [tilespmem:v26+s16+$0x0], $0xffff;
	v37 =	vand.u32 v4, v34  }
0x44e: {  	s20 =	smov.u32 s21;
	s23 =	smov.u32 s22  }
.LBB2_67:
0x44f: {  	v39 =	vshrl.u32 v12, $0x10  }
0x450: {  	v34 =	vshrl.u32 v20, $0x10;
	v40 =	vshll.u32 v39, $0x4  }
0x451: {  	v39 =	vand.u32 $0xFF, v39;
	v38 =	vshll.u32 v34, $0x4;
	v40 =	vor.u32 v0, v40  }
0x452: {  	v38 =	vor.u32 v0, v38;
	v40 =	vand.u32 v4, v40  }
0x453: {  	v38 =	vand.u32 v4, v38  }
0x454: {  	v41 =	vld.idx.msk [tilespmem:v24+s8+$0x0], $0xffff;
	v34 =	vand.u32 $0xFF, v34  }
0x455: {  	v26 =	vld.idx.msk [tilespmem:v26+s8+$0x0], $0xffff  }
0x456: {  	v39 =	vld.idx.msk [tilespmem:v39+s13+$0x0], $0xffff  }
0x457: {  	v40 =	vld.idx.msk [tilespmem:v40+s9+$0x0], $0xffff  }
0x458: {  	v38 =	vld.idx.msk [tilespmem:v38+s9+$0x0], $0xffff  }
0x459: {  	v34 =	vld.idx.msk [tilespmem:v34+s13+$0x0], $0xffff;
	_ =	sdelay $0x2  }
0x45a: {  	v26 =	vadd.s32 v40, v26  }
0x45b: {  	v38 =	vadd.s32 v38, v41;
	v26 =	vadd.s32 v39, v26  }
0x45c: {  	v34 =	vadd.s32 v34, v38;
	v51 =	vshrl.u32 v26, $0xA  }
0x45d: {  	v38 =	vshrl.u32 v34, $0xA;
	v26 =	vadd.s32 v26, v51  }
0x45e: {  	v34 =	vadd.s32 v34, v38;
	_ =	sdelay $0x1  }
0x45f: {  	v50 =	vld.idx.msk [tilespmem:v24+s16+$0x0], $0xffff;
	v53 =	vadd.s32 s23, v8  }
0x460: {  	v52 =	vadd.s32 s20, v8  }
0x461: {  	[tilespmem:v26+s14+$0x0] =	vst.idx.msk $0xffff, v12  }
0x462: {  	[tilespmem:v34+s14+$0x0] =	vst.idx.msk $0xffff, v20  }
0x463: {  	[tilespmem:v26+s15+$0x0] =	vst.idx.msk $0xffff, v14  }
0x464: {  	[tilespmem:v34+s15+$0x0] =	vst.idx.msk $0xffff, v50;
	v14 =	vld.idx.msk [tilespmem:v53+s2+$0x0], $0xffff  }
0x465: {  	v54 =	vld.idx.msk [tilespmem:v52+s2+$0x0], $0xffff;
	_ =	sdelay $0x2  }
0x466: {  	v24 =	vld.idx.msk @p1 [tilespmem:v36+s10+$0x0], $0xffff  }
0x467: {  	v20 =	vld.idx.msk @p1 [tilespmem:v33+s13+$0x0], $0xffff;
	v57 =	vshrl.u32 v14, $0x10  }
0x468: {  	v33 =	vld.idx.msk @p1 [tilespmem:v37+s10+$0x0], $0xffff;
	v55 =	vshrl.u32 v54, $0x10;
	v58 =	vshll.u32 v57, $0x4  }
0x469: {  	v35 =	vld.idx.msk @p1 [tilespmem:v35+s13+$0x0], $0xffff;
	v36 =	vand.u32 $0xFF, v57;
	v56 =	vshll.u32 v55, $0x4;
	v37 =	vor.u32 v0, v58  }
0x46a: {  	v34 =	vor.u32 v0, v56;
	v37 =	vand.u32 v4, v37  }
0x46b: {  	v34 =	vand.u32 v4, v34  }
0x46c: {  	v24 =	vadd.s32 @p1 v24, v28;
	v59 =	vld.idx.msk [tilespmem:v53+s8+$0x0], $0xffff;
	v26 =	vand.u32 $0xFF, v55  }
0x46d: {  	v60 =	vld.idx.msk [tilespmem:v52+s8+$0x0], $0xffff;
	v20 =	vadd.s32 @p1 v20, v24;
	v24 =	vadd.s32 @p1 v33, v27  }
0x46e: {  	v24 =	vadd.s32 @p1 v35, v24;
	v63 =	vld.idx.msk [tilespmem:v36+s13+$0x0], $0xffff  }
0x46f: {  	v35 =	vshrl.u32 @p1 v24, $0xA;
	v62 =	vld.idx.msk [tilespmem:v37+s10+$0x0], $0xffff  }
0x470: {  	v33 =	vshrl.u32 @p1 v20, $0xA;
	v24 =	vadd.s32 @p1 v24, v35;
	v61 =	vld.idx.msk [tilespmem:v34+s10+$0x0], $0xffff  }
0x471: {  	v20 =	vadd.s32 @p1 v20, v33;
	v26 =	vld.idx.msk [tilespmem:v26+s13+$0x0], $0xffff;
	_ =	sdelay $0x2  }
0x472: {  	v34 =	vadd.s32 v62, v59  }
0x473: {  	[tilespmem:v24+s14+$0x0] =	vst.idx.msk @p1 $0xffff, v19;
	v37 =	vadd.s32 @p1 s19, v10;
	v33 =	vadd.s32 v61, v60;
	v19 =	vadd.s32 v63, v34  }
0x474: {  	[tilespmem:v20+s14+$0x0] =	vst.idx.msk @p1 $0xffff, v18;
	v18 =	vadd.s32 v26, v33;
	v41 =	vshrl.u32 v19, $0xA  }
0x475: {  	v36 =	vadd.s32 @p1 s18, v10;
	v40 =	vshrl.u32 v18, $0xA;
	v19 =	vadd.s32 v19, v41  }
0x476: {  	v42 =	vld.idx.msk [tilespmem:v53+s16+$0x0], $0xffff;
	v18 =	vadd.s32 v18, v40  }
0x477: {  	v43 =	vld.idx.msk [tilespmem:v52+s16+$0x0], $0xffff;
	[tilespmem:v24+s15+$0x0] =	vst.idx.msk @p1 $0xffff, v21;
	v21 =	vand.u32 @p0 v4, v31  }
0x478: {  	v44 =	vadd.s32 s23, v10;
	[tilespmem:v20+s15+$0x0] =	vst.idx.msk @p1 $0xffff, v23;
	v20 =	vld.idx.msk @p1 [tilespmem:v37+s2+$0x0], $0xffff  }
0x479: {  	v45 =	vadd.s32 s20, v10  }
0x47a: {  	v23 =	vld.idx.msk @p1 [tilespmem:v36+s2+$0x0], $0xffff;
	[tilespmem:v19+s14+$0x0] =	vst.idx.msk $0xffff, v14  }
0x47b: {  	v30 =	vand.u32 @p0 $0xFF, v30;
	[tilespmem:v18+s14+$0x0] =	vst.idx.msk $0xffff, v54  }
0x47c: {  	v12 =	vld.idx.msk @p0 [tilespmem:v21+s11+$0x0], $0xffff;
	[tilespmem:v19+s15+$0x0] =	vst.idx.msk $0xffff, v42  }
0x47d: {  	v21 =	vshrl.u32 @p1 v20, $0x10;
	[tilespmem:v18+s15+$0x0] =	vst.idx.msk $0xffff, v43;
	v46 =	vld.idx.msk [tilespmem:v44+s2+$0x0], $0xffff  }
0x47e: {  	v24 =	vshll.u32 @p1 v21, $0x4;
	v26 =	vld.idx.msk [tilespmem:v45+s2+$0x0], $0xffff  }
0x47f: {  	v17 =	vld.idx.msk @p0 [tilespmem:v17+s16+$0x0], $0xffff;
	v21 =	vand.u32 @p1 $0xFF, v21;
	v24 =	vor.u32 @p1 v0, v24;
	v14 =	vshrl.u32 @p1 v23, $0x10  }
0x480: {  	v30 =	vld.idx.msk @p0 [tilespmem:v30+s13+$0x0], $0xffff;
	v24 =	vand.u32 @p1 v4, v24;
	v19 =	vshll.u32 @p1 v14, $0x4  }
0x481: {  	v31 =	vld.idx.msk @p1 [tilespmem:v37+s8+$0x0], $0xffff;
	v14 =	vpsel p1, v14, v0;
	v19 =	vor.u32 @p1 v0, v19  }
0x482: {  	v33 =	vld.idx.msk @p1 [tilespmem:v36+s8+$0x0], $0xffff;
	v14 =	vand.u32 @p1 $0xFF, v14;
	v19 =	vpsel p1, v19, v0;
	v47 =	vshrl.u32 v46, $0x10  }
0x483: {  	v52 =	vld.idx.msk [tilespmem:v44+s8+$0x0], $0xffff;
	v19 =	vand.u32 @p1 v4, v19;
	v48 =	vshrl.u32 v26, $0x10;
	v49 =	vshll.u32 v47, $0x4  }
0x484: {  	v21 =	vld.idx.msk @p1 [tilespmem:v21+s13+$0x0], $0xffff;
	v34 =	vand.u32 $0xFF, v47;
	v50 =	vshll.u32 v48, $0x4;
	v38 =	vor.u32 v0, v49  }
0x485: {  	v25 =	vadd.s32 @p0 v32, v25;
	v24 =	vld.idx.msk @p1 [tilespmem:v24+s11+$0x0], $0xffff;
	v39 =	vor.u32 v0, v50;
	v38 =	vand.u32 v4, v38  }
0x486: {  	v25 =	vadd.s32 @p0 v29, v25;
	v54 =	vld.idx.msk [tilespmem:v45+s8+$0x0], $0xffff;
	v51 =	vand.u32 v4, v39  }
0x487: {  	v35 =	vshrl.u32 @p0 v25, $0xA;
	v12 =	vadd.s32 @p0 v12, v22;
	v14 =	vld.idx.msk @p1 [tilespmem:v14+s13+$0x0], $0xffff;
	v53 =	vand.u32 $0xFF, v48  }
0x488: {  	v25 =	vadd.s32 @p0 v25, v35;
	v12 =	vadd.s32 @p0 v30, v12;
	v19 =	vld.idx.msk @p1 [tilespmem:v19+s11+$0x0], $0xffff  }
0x489: {  	v32 =	vpsel p1, v37, v0;
	v35 =	vshrl.u32 @p0 v12, $0xA;
	v34 =	vld.idx.msk [tilespmem:v34+s13+$0x0], $0xffff  }
0x48a: {  	v31 =	vpsel p1, v31, v0;
	v12 =	vadd.s32 @p0 v12, v35;
	v24 =	vpsel p1, v24, v0;
	v55 =	vld.idx.msk [tilespmem:v38+s11+$0x0], $0xffff  }
0x48b: {  	v21 =	vpsel p1, v21, v0;
	v24 =	vadd.s32 @p1 v24, v31;
	v56 =	vld.idx.msk [tilespmem:v51+s11+$0x0], $0xffff  }
0x48c: {  	v33 =	vpsel p1, v33, v0;
	v21 =	vadd.s32 @p1 v21, v24;
	v57 =	vld.idx.msk [tilespmem:v53+s13+$0x0], $0xffff  }
0x48d: {  	[tilespmem:v25+s14+$0x0] =	vst.idx.msk @p0 $0xffff, v15;
	v29 =	vshrl.u32 @p1 v21, $0xA;
	v19 =	vadd.s32 @p1 v19, v33  }
0x48e: {  	[tilespmem:v25+s15+$0x0] =	vst.idx.msk @p0 $0xffff, v17;
	v15 =	vadd.s32 @p1 v21, v29;
	v14 =	vadd.s32 @p1 v14, v19  }
0x48f: {  	v17 =	vld.idx.msk @p1 [tilespmem:v32+s16+$0x0], $0xffff;
	[tilespmem:v12+s14+$0x0] =	vst.idx.msk @p0 $0xffff, v16;
	v19 =	vshrl.u32 @p1 v14, $0xA;
	v58 =	vadd.s32 v55, v52  }
0x490: {  	v16 =	vld.idx.msk @p1 [tilespmem:v36+s16+$0x0], $0xffff;
	v14 =	vadd.s32 @p1 v14, v19;
	v59 =	vadd.s32 v34, v58;
	v60 =	vadd.s32 v56, v54  }
0x491: {  	[tilespmem:v12+s15+$0x0] =	vst.idx.msk @p0 $0xffff, v13;
	v19 =	vshrl.u32 v59, $0xA;
	v13 =	vadd.s32 v57, v60  }
0x492: {  	v20 =	vpsel p1, v20, v0;
	v12 =	vadd.s32 v59, v19;
	v61 =	vshrl.u32 v13, $0xA  }
0x493: {  	v21 =	vmov @p1 v23;
	[tilespmem:v15+s14+$0x0] =	vst.idx.msk @p1 $0xffff, v20;
	v13 =	vadd.s32 v13, v61  }
0x494: {  	v63 =	vld.idx.msk [tilespmem:v44+s16+$0x0], $0xffff;
	v21 =	vpsel p1, v21, v0;
	[tilespmem:v15+s15+$0x0] =	vst.idx.msk @p1 $0xffff, v17  }
0x495: {  	v62 =	vld.idx.msk [tilespmem:v45+s16+$0x0], $0xffff;
	v16 =	vpsel p1, v16, v0;
	[tilespmem:v14+s14+$0x0] =	vst.idx.msk @p1 $0xffff, v21  }
0x496: {  	[tilespmem:v14+s15+$0x0] =	vst.idx.msk @p1 $0xffff, v16  }
0x497: {  	[tilespmem:v12+s14+$0x0] =	vst.idx.msk $0xffff, v46  }
0x498: {  	[tilespmem:v13+s14+$0x0] =	vst.idx.msk $0xffff, v26  }
0x499: {  	[tilespmem:v12+s15+$0x0] =	vst.idx.msk $0xffff, v63  }
0x49a: {  	s18 =	simm.s32 $0x10050;
	[tilespmem:v13+s15+$0x0] =	vst.idx.msk $0xffff, v62  }
0x49b: {  	[tilespmem:s18+$0xFFFFFFF0] =	vst v3  }
0x49c: {  	s19 =	simm.s32 $0x11050;
	[tilespmem:s18+$0x0] =	vst v3  }
0x49d: {  	[tilespmem:s19+$0x0] =	vst v3  }
0x49e: {  	s0 =	simm.s32 $0x12050;
	[tilespmem:s19+$0xFFFFFFF0] =	vst v3  }
0x49f: {  	s20 =	simm.s32 $0x13050;
	[tilespmem:s0+$0x0] =	vst v3  }
0x4a0: {  	s21 =	simm.s32 $0x0;
	s22 =	simm.s32 $0x12070;
	s23 =	simm.s32 $0x13070;
	[tilespmem:s0+$0xFFFFFFF0] =	vst v3  }
.LBB2_68:
0x4a1: {  	s21 =	sadd.s32 $0x2, s21;
	[tilespmem:s20+$0xFFFFFFF0] =	vst v3;
	s18 =	sadd.s32 $0x20, s18;
	s19 =	sadd.s32 $0x20, s19  }
0x4a2: {  	p0 =	slt.u32 s21, $0xFE;
	[tilespmem:s20+$0x0] =	vst v3;
	s20 =	smov.u32 s23  }
0x4a3: {  	[tilespmem:s18+$0xFFFFFFF0] =	vst v3  }
.Ltmp36:
0x4a4: {  	[tilespmem:s18+$0x0] =	vst v3;
	(pc) =	sbr.rel @p0 .LBB2_68-.Ltmp36, $4  }
0x4a5: {  	[tilespmem:s19+$0x0] =	vst v3  }
0x4a6: {  	[tilespmem:s22+$0x0] =	vst v3  }
0x4a7: {  	[tilespmem:s19+$0xFFFFFFF0] =	vst v3  }
0x4a8: {  	s0 =	simm.s32 $0x0;
	s23 =	sadd.s32 $0x20, s23;
	[tilespmem:s22+$0xFFFFFFF0] =	vst v3;
	s22 =	sadd.s32 $0x20, s22  }
0x4a9: {  	[tilespmem:s20+$0xFFFFFFF0] =	vst v3  }
0x4aa: {  	[tilespmem:s20+$0x0] =	vst v3  }
.LBB2_70:
0x4ab: {  	v12 =	vadd.s32 s0, v2;
	_ =	sdelay $0x4  }
0x4ac: {  	v13 =	vld.idx.msk [tilespmem:v12+s14+$0x0], $0xffff;
	_ =	sdelay $0x4  }
0x4ad: {  	v13 =	vshrl.u32 v13, $0x14  }
0x4ae: {  	v13 =	vand.u32 $0xFF0, v13  }
0x4af: {  	v13 =	vor.u32 v0, v13;
	_ =	sdelay $0x4  }
0x4b0: {  	v14 =	vld.idx.msk [tilespmem:v13+s7+$0x0], $0xffff;
	_ =	sdelay $0x2  }
0x4b1: {  	v15 =	vadd.s32 s0, v6;
	_ =	sdelay $0x1  }
0x4b2: {  	v16 =	vadd.s32 $0x1, v14  }
0x4b3: {  	[tilespmem:v13+s7+$0x0] =	vst.idx.msk $0xffff, v16  }
0x4b4: {  	[tilespmem:v12+s8+$0x0] =	vst.idx.msk $0xffff, v14  }
0x4b5: {  	v12 =	vld.idx.msk [tilespmem:v15+s14+$0x0], $0xffff;
	_ =	sdelay $0x4  }
0x4b6: {  	v12 =	vshrl.u32 v12, $0x14  }
0x4b7: {  	v12 =	vand.u32 $0xFF0, v12  }
0x4b8: {  	v12 =	vor.u32 v0, v12;
	_ =	sdelay $0x4  }
0x4b9: {  	v13 =	vld.idx.msk [tilespmem:v12+s9+$0x0], $0xffff;
	_ =	sdelay $0x2  }
0x4ba: {  	v59 =	vadd.s32 s0, v8;
	_ =	sdelay $0x1  }
0x4bb: {  	v60 =	vadd.s32 $0x1, v13  }
0x4bc: {  	[tilespmem:v12+s9+$0x0] =	vst.idx.msk $0xffff, v60  }
0x4bd: {  	[tilespmem:v15+s8+$0x0] =	vst.idx.msk $0xffff, v13  }
0x4be: {  	v12 =	vld.idx.msk [tilespmem:v59+s14+$0x0], $0xffff;
	_ =	sdelay $0x4  }
0x4bf: {  	v12 =	vshrl.u32 v12, $0x14  }
0x4c0: {  	v12 =	vand.u32 $0xFF0, v12  }
0x4c1: {  	v12 =	vor.u32 v0, v12;
	_ =	sdelay $0x4  }
0x4c2: {  	v13 =	vld.idx.msk [tilespmem:v12+s10+$0x0], $0xffff;
	_ =	sdelay $0x2  }
0x4c3: {  	v61 =	vadd.s32 s0, v10;
	_ =	sdelay $0x1  }
0x4c4: {  	v62 =	vadd.s32 $0x1, v13  }
0x4c5: {  	[tilespmem:v12+s10+$0x0] =	vst.idx.msk $0xffff, v62  }
0x4c6: {  	[tilespmem:v59+s8+$0x0] =	vst.idx.msk $0xffff, v13  }
0x4c7: {  	v12 =	vld.idx.msk [tilespmem:v61+s14+$0x0], $0xffff;
	_ =	sdelay $0x4  }
0x4c8: {  	v12 =	vshrl.u32 v12, $0x14  }
0x4c9: {  	v12 =	vand.u32 $0xFF0, v12  }
0x4ca: {  	v12 =	vor.u32 v0, v12;
	_ =	sdelay $0x4  }
0x4cb: {  	v13 =	vld.idx.msk [tilespmem:v12+s11+$0x0], $0xffff;
	_ =	sdelay $0x1  }
0x4cc: {  	p0 =	sne.s32 s0, $0xFF  }
.Ltmp37:
0x4cd: {  	_ = 	snop;
	(pc) =	sbr.rel @p0 .LBB2_70-.Ltmp37, $4  }
0x4ce: {  	_ = 	snop  }
0x4cf: {  	v63 =	vadd.s32 $0x1, v13  }
0x4d0: {  	[tilespmem:v12+s11+$0x0] =	vst.idx.msk $0xffff, v63  }
0x4d1: {  	s0 =	sadd.s32 $0x1, s0;
	[tilespmem:v61+s8+$0x0] =	vst.idx.msk $0xffff, v13  }
0x4d2: {  	s29 =	simm.s32 $0x10050  }
0x4d3: {  	s26 =	simm.s32 $0x11050;
	v15 =	vld [tilespmem:s29+$0x0]  }
0x4d4: {  	s25 =	simm.s32 $0x12050;
	v16 =	vld [tilespmem:s26+$0x0]  }
0x4d5: {  	s0 =	simm.s32 $0x13050;
	v17 =	vld [tilespmem:s25+$0x0]  }
0x4d6: {  	v12 =	vld [tilespmem:s0+$0x0];
	_ =	sdelay $0x1  }
0x4d7: {  	v18 =	vld [tilespmem:s26+$0xFFFFFFF0]  }
0x4d8: {  	v19 =	vld [tilespmem:s29+$0xFFFFFFF0];
	v13 =	vadd.s32 v15, v16  }
0x4d9: {  	v20 =	vld [tilespmem:s25+$0xFFFFFFF0];
	v13 =	vadd.s32 v17, v13  }
0x4da: {  	s20 =	simm.s32 $0x10070;
	v14 =	vld [tilespmem:s0+$0xFFFFFFF0];
	v21 =	vadd.s32 v12, v13  }
0x4db: {  	s21 =	simm.s32 $0x11070;
	v22 =	vld [tilespmem:s20+$0x0];
	(xrf0) =	vadd.scan.msk.s32 $0xffff, v21  }
0x4dc: {  	s18 =	simm.s32 $0x12070;
	v23 =	vld [tilespmem:s21+$0x0]  }
0x4dd: {  	s19 =	simm.s32 $0x13070;
	v24 =	vld [tilespmem:s18+$0x0];
	v12 =	vadd.s32 v19, v18  }
0x4de: {  	v26 =	vld [tilespmem:s19+$0x0];
	v12 =	vadd.s32 v20, v12  }
0x4df: {  	v25 =	vadd.s32 v14, v12  }
0x4e0: {  	(xrf0) =	vadd.scan.msk.s32 $0xffff, v25  }
0x4e1: {  	v28 =	vadd.s32 v22, v23;
	v13 =	vld [tilespmem:s21+$0xFFFFFFF0];
	v27, _, _ =	vpop (xrf0)  }
0x4e2: {  	v28 =	vadd.s32 v24, v28;
	v14 =	vld [tilespmem:s20+$0xFFFFFFF0];
	v21 =	vsub.s32 v27, v21  }
0x4e3: {  	v26 =	vadd.s32 v26, v28;
	v12 =	vld [tilespmem:s18+$0xFFFFFFF0];
	[tilespmem:s29+$0x0] =	vst v21;
	v15 =	vadd.s32 v15, v21  }
0x4e4: {  	s22 =	simm.s32 $0x10090;
	v29 =	vld [tilespmem:s19+$0xFFFFFFF0];
	(xrf0) =	vadd.scan.msk.s32 $0xffff, v26;
	[tilespmem:s26+$0x0] =	vst v15;
	v15 =	vadd.s32 v16, v15  }
0x4e5: {  	s24 =	simm.s32 $0x11090;
	[tilespmem:s25+$0x0] =	vst v15;
	v16 =	vadd.s32 v17, v15;
	v17 =	vbroadcast v27, $0xF;
	v15 =	vld [tilespmem:s22+$0x0]  }
0x4e6: {  	s23 =	simm.s32 $0x18060;
	s28 =	simm.s32 $0x12090;
	v27, _, _ =	vpop (xrf0);
	[tilespmem:s0+$0x0] =	vst v16;
	v16 =	vld [tilespmem:s24+$0x0]  }
0x4e7: {  	s30 =	simm.s32 $0x13090;
	v21 =	vadd.s32 v14, v13;
	v25 =	vsub.s32 v27, v25;
	[tilespmem:s23+$0x0] =	vst v17;
	v17 =	vld [tilespmem:s28+$0x0]  }
0x4e8: {  	v21 =	vadd.s32 v12, v21;
	v19 =	vadd.s32 v19, v25;
	[tilespmem:s29+$0xFFFFFFF0] =	vst v25;
	v25 =	vld [tilespmem:s30+$0x0]  }
0x4e9: {  	v21 =	vadd.s32 v29, v21;
	v18 =	vadd.s32 v18, v19;
	[tilespmem:s26+$0xFFFFFFF0] =	vst v19  }
0x4ea: {  	(xrf0) =	vadd.scan.msk.s32 $0xffff, v21;
	v19 =	vbroadcast v27, $0xF;
	v27, _, _ =	vpop (xrf0);
	v20 =	vadd.s32 v20, v18;
	[tilespmem:s25+$0xFFFFFFF0] =	vst v18  }
0x4eb: {  	v18 =	vld [tilespmem:s24+$0xFFFFFFF0];
	v26 =	vsub.s32 v27, v26;
	[tilespmem:s0+$0xFFFFFFF0] =	vst v20;
	v63 =	vadd.s32 v15, v16  }
0x4ec: {  	v20 =	vld [tilespmem:s22+$0xFFFFFFF0];
	[tilespmem:s20+$0x0] =	vst v26;
	v26 =	vadd.s32 v22, v26;
	v28 =	vadd.s32 v17, v63  }
0x4ed: {  	[tilespmem:s23+$0xFFFFFFF0] =	vst v19;
	v19 =	vld [tilespmem:s28+$0xFFFFFFF0];
	v22 =	vadd.s32 v25, v28;
	v25 =	vadd.s32 v23, v26  }
0x4ee: {  	v23 =	vld [tilespmem:s30+$0xFFFFFFF0]  }
0x4ef: {  	s31 =	simm.s32 $0x4;
	s29 =	simm.s32 $0x11090;
	[tilespmem:s21+$0x0] =	vst v26  }
0x4f0: {  	s26 =	simm.s32 $0x12090;
	s25 =	simm.s32 $0x13090;
	s0 =	simm.s32 $0x100B0;
	(xrf0) =	vadd.scan.msk.s32 $0xffff, v22;
	[tilespmem:s18+$0x0] =	vst v25;
	v26 =	vadd.s32 v24, v25;
	v24 =	vbroadcast v27, $0xF;
	v25, _, _ =	vpop (xrf0)  }
.LBB2_72:
0x4f1: {  	v27 =	vld [tilespmem:s0+$0x0];
	v28 =	vadd.s32 v20, v18;
	s24 =	sadd.s32 $0x20, s24;
	v29 =	vsub.s32 v25, v21;
	v25 =	vbroadcast v25, $0xF;
	[tilespmem:s19+$0x0] =	vst v26;
	s23 =	sadd.s32 $0x20, s23;
	v26 =	vmovc v17  }
0x4f2: {  	s28 =	sadd.s32 $0x20, s28;
	v30 =	vld [tilespmem:s24+$0x0];
	v21 =	vadd.s32 v19, v28;
	v28 =	vadd.s32 v14, v29;
	[tilespmem:s23+$0x0] =	vst v24;
	v14 =	vmov v20  }
0x4f3: {  	s31 =	sadd.s32 $0x2, s31;
	s30 =	sadd.s32 $0x20, s30;
	v17 =	vld [tilespmem:s28+$0x0];
	v21 =	vadd.s32 v23, v21;
	[tilespmem:s20+$0xFFFFFFF0] =	vst v29;
	v20 =	vadd.s32 v13, v28;
	v13 =	vmov v18;
	s20 =	smov.u32 s22  }
0x4f4: {  	p0 =	slt.u32 s31, $0xFE;
	v24 =	vld [tilespmem:s30+$0x0];
	(xrf0) =	vadd.scan.msk.s32 $0xffff, v21;
	[tilespmem:s21+$0xFFFFFFF0] =	vst v28;
	v23 =	vadd.s32 v12, v20;
	v12 =	vmov v19;
	s21 =	smov.u32 s29;
	s29 =	smov.u32 s24  }
0x4f5: {  	s22 =	smov.u32 s0;
	v18 =	vld [tilespmem:s24+$0xFFFFFFF0];
	[tilespmem:s18+$0xFFFFFFF0] =	vst v20;
	s18 =	smov.u32 s26;
	s26 =	smov.u32 s28  }
.Ltmp38:
0x4f6: {  	v20 =	vld [tilespmem:s0+$0xFFFFFFF0];
	v28, _, _ =	vpop (xrf0);
	[tilespmem:s19+$0xFFFFFFF0] =	vst v23;
	s19 =	smov.u32 s25;
	s25 =	smov.u32 s30;
	(pc) =	sbr.rel @p0 .LBB2_72-.Ltmp38, $4  }
0x4f7: {  	v19 =	vld [tilespmem:s28+$0xFFFFFFF0];
	v29 =	vadd.s32 v27, v30;
	v22 =	vsub.s32 v28, v22;
	[tilespmem:s23+$0xFFFFFFF0] =	vst v25  }
0x4f8: {  	v23 =	vld [tilespmem:s30+$0xFFFFFFF0];
	v31 =	vadd.s32 v17, v29;
	[tilespmem:s20+$0x0] =	vst v22;
	v29 =	vadd.s32 v15, v22;
	v15 =	vmov v27  }
0x4f9: {  	v22 =	vadd.s32 v24, v31;
	[tilespmem:s21+$0x0] =	vst v29;
	v24 =	vadd.s32 v16, v29;
	v16 =	vmov v30  }
0x4fa: {  	s0 =	sadd.s32 $0x20, s0;
	(xrf0) =	vadd.scan.msk.s32 $0xffff, v22;
	[tilespmem:s18+$0x0] =	vst v24;
	v26 =	vadd.s32 v26, v24;
	v24 =	vbroadcast v28, $0xF;
	v25, _, _ =	vpop (xrf0)  }
0x4fb: {  	[tilespmem:s19+$0x0] =	vst v26;
	s0 =	sadd.s32 $0x20, s23;
	v21 =	vsub.s32 v25, v21  }
0x4fc: {  	v61 =	vadd.s32 v20, v18;
	[tilespmem:s0+$0x0] =	vst v24;
	v14 =	vadd.s32 v14, v21  }
0x4fd: {  	v62 =	vadd.s32 v19, v61;
	[tilespmem:s20+$0xFFFFFFF0] =	vst v21;
	v13 =	vadd.s32 v13, v14  }
0x4fe: {  	v63 =	vadd.s32 v23, v62;
	[tilespmem:s21+$0xFFFFFFF0] =	vst v14  }
0x4ff: {  	v14 =	vbroadcast v25, $0xF;
	(xrf0) =	vadd.scan.msk.s32 $0xffff, v63;
	v12 =	vadd.s32 v12, v13;
	[tilespmem:s18+$0xFFFFFFF0] =	vst v13  }
0x500: {  	[tilespmem:s19+$0xFFFFFFF0] =	vst v12;
	v13, _, _ =	vpop (xrf0)  }
0x501: {  	[tilespmem:s0+$0xFFFFFFF0] =	vst v14;
	v12 =	vsub.s32 v13, v22  }
0x502: {  	[tilespmem:s22+$0x0] =	vst v12;
	v12 =	vadd.s32 v15, v12  }
0x503: {  	[tilespmem:s29+$0x0] =	vst v12;
	v12 =	vadd.s32 v16, v12  }
0x504: {  	v13 =	vbroadcast v13, $0xF;
	[tilespmem:s26+$0x0] =	vst v12;
	v12 =	vadd.s32 v17, v12  }
0x505: {  	s0 =	sadd.s32 $0x20, s0;
	v14, _, _ =	vpop (xrf0);
	[tilespmem:s25+$0x0] =	vst v12  }
0x506: {  	p2 =	por $0x1, $0x1;
	v12 =	vsub.s32 v14, v63;
	[tilespmem:s0+$0x0] =	vst v13  }
.Ltmp39:
0x507: {  	v13 =	vadd.s32 v20, v12;
	[tilespmem:s22+$0xFFFFFFF0] =	vst v12;
	(pc) =	sbr.rel @!p2 .LBB2_74-.Ltmp39, $4  }
0x508: {  	v12 =	vadd.s32 v18, v13;
	[tilespmem:s29+$0xFFFFFFF0] =	vst v13  }
0x509: {  	v13 =	vbroadcast v14, $0xF;
	v14 =	vadd.s32 v19, v12;
	[tilespmem:s26+$0xFFFFFFF0] =	vst v12  }
0x50a: {  	p1 =	por $0x0, $0x0;
	s20 =	simm.s32 $0x0;
	[tilespmem:s25+$0xFFFFFFF0] =	vst v14  }
0x50b: {  	p0 =	por $0x0, $0x0;
	s18 =	simm.s32 $0x19050;
	[tilespmem:s0+$0xFFFFFFF0] =	vst v13;
	v13 =	vmov s20;
	s0 =	simm.s32 $0x10  }
0x50c: {  	v12 =	vshll.u32 v13, $0x4  }
0x50d: {  	v12 =	vor.u32 v11, v12  }
0x50e: {  	v12 =	vor.u32 v0, v12;
	_ =	sdelay $0x4  }
0x50f: {  	p2 =	por $0x1, $0x1;
	v12 =	vld.idx.msk [tilespmem:v12+s12+$0x0], $0xffff  }
.Ltmp40:
0x510: {  	_ = 	snop;
	(pc) =	sbr.rel @!p2 .LBB2_76-.Ltmp40, $2  }
0x511: {  	_ =	sdelay $0x2  }
0x512: {  	v13 =	vmov s0;
	s0 =	simm.s32 $0x20;
	p1 =	por $0x1, $0x1;
	(xrf0) =	vadd.scan.msk.s32 $0xffff, v12  }
0x513: {  	_ =	sdelay $0x3  }
0x514: {  	v13 =	vshll.u32 v13, $0x4  }
0x515: {  	v13 =	vor.u32 v11, v13;
	v14, _, _ =	vpop (xrf0)  }
0x516: {  	v13 =	vor.u32 v0, v13;
	(v2sf) =	vpush v14, $0xF;
	_ =	sdelay $0x1  }
0x517: {  	v12 =	vsub.s32 s20, v12  }
0x518: {  	v12 =	vadd.s32 v14, v12  }
0x519: {  	[tilespmem:s18+$0x0] =	vst v12  }
0x51a: {  	v12 =	vld.idx.msk [tilespmem:v13+s12+$0x0], $0xffff;
	_ =	sdelay $0x2  }
0x51b: {  	p3 =	por $0x1, $0x1  }
.Ltmp41:
0x51c: {  	_ = 	snop;
	(pc) =	sbr.rel @!p3 .LBB2_78-.Ltmp41, $3  }
0x51d: {  	(xrf0) =	vadd.scan.msk.s32 $0xffff, v12;
	_ =	sdelay $0x1  }
0x51e: {  	s21 =	simm.s32 $0x30  }
0x51f: {  	p2 =	por $0x1, $0x1;
	s19 =	simm.s32 $0x19050;
	v13 =	vmov s0;
	s0 =	simm.s32 $0x0  }
.LBB2_79:
0x520: {  	p3 =	sne.s32 s21, $0xF0;
	v13 =	vshll.u32 v13, $0x4  }
0x521: {  	v13 =	vor.u32 v11, v13;
	s22 =	spop (v2sf)  }
0x522: {  	v13 =	vor.u32 v0, v13;
	v14, _, _ =	vpop (xrf0);
	s0 =	sadd.s32 s0, s22  }
0x523: {  	v12 =	vsub.s32 s0, v12;
	(v2sf) =	vpush v14, $0xF  }
0x524: {  	s19 =	sadd.s32 $0x10, s19;
	v12 =	vadd.s32 v14, v12  }
0x525: {  	[tilespmem:s19+$0x0] =	vst v12;
	_ =	sdelay $0x1  }
0x526: {  	v12 =	vld.idx.msk [tilespmem:v13+s12+$0x0], $0xffff;
	_ =	sdelay $0x4  }
.Ltmp42:
0x527: {  	(pc) =	sbr.rel @p3 .LBB2_79-.Ltmp42, $2  }
0x528: {  	(xrf0) =	vadd.scan.msk.s32 $0xffff, v12;
	_ =	sdelay $0x2  }
0x529: {  	v13 =	vmov s21;
	s21 =	sadd.s32 $0x10, s21  }
.LBB2_80:
0x52a: {  	v13 =	vshll.u32 v13, $0x4  }
0x52b: {  	v13 =	vor.u32 v11, v13;
	s21 =	spop @p2 (v2sf)  }
0x52c: {  	v13 =	vor.u32 v0, v13;
	s0 =	sadd.s32 @p2 s0, s21;
	s21 =	simm.s32 $0x0  }
0x52d: {  	s21 =	smov.u32 @p2 s0  }
0x52e: {  	v14, _, _ =	vpop @p1 (xrf0);
	s0 =	sadd.s32 @p2 $0x10, s19;
	s19 =	simm.s32 $0x19050;
	v12 =	vsub.s32 @p1 s21, v12  }
0x52f: {  	s19 =	smov.u32 @p2 s0;
	v12 =	vadd.s32 @p1 v14, v12  }
0x530: {  	(v2sf) =	vpush @p1 v14, $0xF;
	[tilespmem:s19+$0x0] =	vst @p1 v12  }
0x531: {  	v12 =	vld.idx.msk [tilespmem:v13+s12+$0x0], $0xffff;
	_ =	sdelay $0x4  }
0x532: {  	(xrf0) =	vadd.scan.msk.s32 $0xffff, v12;
	_ =	sdelay $0x5  }
0x533: {  	v13, _, _ =	vpop (xrf0)  }
0x534: {  	(v2sf) =	vpush v13, $0xF;
	_ =	sdelay $0x1  }
0x535: {  	s0 =	spop @p1 (v2sf)  }
0x536: {  	v22 =	vadd.s32 s20, v2;
	s0 =	sadd.s32 @p1 s21, s0;
	s21 =	simm.s32 $0x0  }
0x537: {  	s21 =	smov.u32 @p1 s0  }
0x538: {  	s0 =	sadd.s32 @p1 $0x10, s19;
	v12 =	vsub.s32 s21, v12  }
0x539: {  	s18 =	smov.u32 @p1 s0;
	v12 =	vadd.s32 v13, v12  }
0x53a: {  	[tilespmem:s18+$0x0] =	vst v12  }
0x53b: {  	v13 =	vld.idx.msk [tilespmem:v22+s14+$0x0], $0xffff  }
0x53c: {  	s21 =	simm.s32 $0x1  }
0x53d: {  	p1 =	por $0x1, $0x1;
	v15 =	vadd.s32 s21, v2  }
.Ltmp43:
0x53e: {  	_ = 	snop;
	(pc) =	sbr.rel @!p1 .LBB2_81-.Ltmp43, $4  }
0x53f: {  	_ = 	snop  }
0x540: {  	v28 =	vshrl.u32 v13, $0x18  }
0x541: {  	v23 =	vld.idx.msk [tilespmem:v22+s15+$0x0], $0xffff;
	v12 =	vshll.u32 v28, $0x4  }
0x542: {  	s18 =	simm.s32 $0x2;
	v18 =	vld.idx.msk [tilespmem:v15+s14+$0x0], $0xffff;
	v32 =	vor.u32 v0, v12;
	s31 =	spop (v2sf)  }
0x543: {  	_ =	sdelay $0x3  }
0x544: {  	v12 =	vld.idx.msk [tilespmem:v22+s8+$0x0], $0xffff  }
0x545: {  	v14 =	vld.idx.msk [tilespmem:v32+s7+$0x0], $0xffff;
	v16 =	vshrl.u32 v18, $0x18  }
0x546: {  	v17 =	vld.idx.msk [tilespmem:v28+s13+$0x0], $0xffff;
	v19 =	vshll.u32 v16, $0x4  }
0x547: {  	v19 =	vor.u32 v0, v19;
	_ =	sdelay $0x2  }
0x548: {  	v12 =	vadd.s32 v14, v12  }
0x549: {  	v14 =	vld.idx.msk [tilespmem:v15+s8+$0x0], $0xffff;
	v12 =	vadd.s32 v17, v12  }
0x54a: {  	v17 =	vld.idx.msk [tilespmem:v19+s7+$0x0], $0xffff  }
0x54b: {  	v19 =	vld.idx.msk [tilespmem:v16+s13+$0x0], $0xffff  }
0x54c: {  	v24 =	vadd.s32 s20, v6;
	_ =	sdelay $0x1  }
0x54d: {  	[tilespmem:v12+s2+$0x0] =	vst.idx.msk $0xffff, v13  }
0x54e: {  	[tilespmem:v12+s16+$0x0] =	vst.idx.msk $0xffff, v23;
	v12 =	vadd.s32 v17, v14  }
0x54f: {  	v13 =	vld.idx.msk [tilespmem:v15+s15+$0x0], $0xffff;
	v12 =	vadd.s32 v19, v12  }
0x550: {  	v16 =	vld.idx.msk [tilespmem:v24+s14+$0x0], $0xffff  }
0x551: {  	v20 =	vadd.s32 s21, v6;
	_ =	sdelay $0x2  }
0x552: {  	[tilespmem:v12+s2+$0x0] =	vst.idx.msk $0xffff, v18  }
0x553: {  	v14 =	vshrl.u32 v16, $0x18;
	[tilespmem:v12+s16+$0x0] =	vst.idx.msk $0xffff, v13  }
0x554: {  	v22 =	vadd.s32 s18, v2;
	v12 =	vshll.u32 v14, $0x4;
	v21 =	vld.idx.msk [tilespmem:v20+s14+$0x0], $0xffff  }
0x555: {  	v12 =	vor.u32 v0, v12;
	_ =	sdelay $0x2  }
0x556: {  	v17 =	vld.idx.msk [tilespmem:v24+s8+$0x0], $0xffff  }
0x557: {  	s19 =	simm.s32 $0x3;
	v13 =	vld.idx.msk [tilespmem:v22+s14+$0x0], $0xffff;
	v25 =	vshrl.u32 v21, $0x18  }
0x558: {  	v15 =	vadd.s32 s19, v2;
	v12 =	vld.idx.msk [tilespmem:v12+s9+$0x0], $0xffff;
	v18 =	vshll.u32 v25, $0x4  }
0x559: {  	p2 =	por $0x1, $0x1;
	v14 =	vld.idx.msk [tilespmem:v14+s13+$0x0], $0xffff;
	v19 =	vor.u32 v0, v18  }
.Ltmp44:
0x55a: {  	v23 =	vld.idx.msk [tilespmem:v22+s15+$0x0], $0xffff;
	(pc) =	sbr.rel @!p2 .LBB2_83-.Ltmp44, $4  }
0x55b: {  	v24 =	vld.idx.msk [tilespmem:v24+s15+$0x0], $0xffff  }
0x55c: {  	v30 =	vld.idx.msk [tilespmem:v20+s8+$0x0], $0xffff;
	v28 =	vshrl.u32 v13, $0x18  }
0x55d: {  	v26 =	vshll.u32 v28, $0x4;
	v18 =	vld.idx.msk [tilespmem:v15+s14+$0x0], $0xffff;
	v12 =	vadd.s32 v12, v17  }
0x55e: {  	s22 =	simm.s32 $0x4;
	p1 =	por $0x1, $0x1;
	v32 =	vor.u32 v0, v26;
	v29 =	vadd.s32 v14, v12;
	v31 =	vld.idx.msk [tilespmem:v19+s9+$0x0], $0xffff  }
0x55f: {  	_ =	sdelay $0x3  }
0x560: {  	v14 =	vld.idx.msk [tilespmem:v25+s13+$0x0], $0xffff  }
0x561: {  	v12 =	vadd.s32 s20, v8;
	v17 =	vld.idx.msk [tilespmem:v22+s8+$0x0], $0xffff  }
0x562: {  	v19 =	vld.idx.msk [tilespmem:v32+s7+$0x0], $0xffff;
	v22 =	vshrl.u32 v18, $0x18  }
0x563: {  	[tilespmem:v29+s2+$0x0] =	vst.idx.msk $0xffff, v16;
	v16 =	vld.idx.msk [tilespmem:v28+s13+$0x0], $0xffff;
	v25 =	vshll.u32 v22, $0x4  }
0x564: {  	[tilespmem:v29+s16+$0x0] =	vst.idx.msk $0xffff, v24;
	v24 =	vadd.s32 v31, v30;
	v25 =	vor.u32 v0, v25  }
0x565: {  	v20 =	vld.idx.msk [tilespmem:v20+s15+$0x0], $0xffff;
	v14 =	vadd.s32 v14, v24  }
0x566: {  	v26 =	vld.idx.msk [tilespmem:v12+s14+$0x0], $0xffff  }
0x567: {  	v27 =	vadd.s32 s21, v8;
	v17 =	vadd.s32 v19, v17  }
0x568: {  	v16 =	vadd.s32 v16, v17;
	v17 =	vld.idx.msk [tilespmem:v15+s8+$0x0], $0xffff  }
0x569: {  	v24 =	vld.idx.msk [tilespmem:v25+s7+$0x0], $0xffff  }
0x56a: {  	v28 =	vadd.s32 s18, v6;
	v25 =	vld.idx.msk [tilespmem:v22+s13+$0x0], $0xffff;
	[tilespmem:v14+s2+$0x0] =	vst.idx.msk $0xffff, v21  }
0x56b: {  	[tilespmem:v14+s16+$0x0] =	vst.idx.msk $0xffff, v20;
	v14 =	vshrl.u32 v26, $0x18  }
0x56c: {  	v19 =	vld.idx.msk [tilespmem:v27+s14+$0x0], $0xffff;
	v20 =	vshll.u32 v14, $0x4  }
0x56d: {  	[tilespmem:v16+s2+$0x0] =	vst.idx.msk $0xffff, v13;
	v13 =	vor.u32 v0, v20  }
0x56e: {  	v15 =	vld.idx.msk [tilespmem:v15+s15+$0x0], $0xffff;
	[tilespmem:v16+s16+$0x0] =	vst.idx.msk $0xffff, v23;
	v17 =	vadd.s32 v24, v17  }
0x56f: {  	v16 =	vld.idx.msk [tilespmem:v28+s14+$0x0], $0xffff;
	v17 =	vadd.s32 v25, v17  }
0x570: {  	v22 =	vadd.s32 s22, v2;
	v23 =	vld.idx.msk [tilespmem:v12+s8+$0x0], $0xffff  }
0x571: {  	v12 =	vld.idx.msk [tilespmem:v12+s15+$0x0], $0xffff;
	v20 =	vadd.s32 s19, v6;
	v24 =	vshrl.u32 v19, $0x18  }
0x572: {  	v25 =	vld.idx.msk [tilespmem:v13+s10+$0x0], $0xffff;
	v13 =	vshll.u32 v24, $0x4  }
0x573: {  	v63 =	vld.idx.msk [tilespmem:v28+s8+$0x0], $0xffff;
	v29 =	vor.u32 v0, v13  }
0x574: {  	v14 =	vld.idx.msk [tilespmem:v14+s13+$0x0], $0xffff;
	v30 =	vshrl.u32 v16, $0x18;
	[tilespmem:v17+s2+$0x0] =	vst.idx.msk $0xffff, v18  }
0x575: {  	v13 =	vld.idx.msk [tilespmem:v22+s14+$0x0], $0xffff;
	v18 =	vshll.u32 v30, $0x4;
	[tilespmem:v17+s16+$0x0] =	vst.idx.msk $0xffff, v15  }
0x576: {  	v15 =	vor.u32 v0, v18;
	v21 =	vld.idx.msk [tilespmem:v20+s14+$0x0], $0xffff  }
0x577: {  	v17 =	vld.idx.msk [tilespmem:v27+s8+$0x0], $0xffff  }
0x578: {  	v18 =	vadd.s32 v25, v23;
	v29 =	vld.idx.msk [tilespmem:v29+s10+$0x0], $0xffff  }
0x579: {  	v31 =	vld.idx.msk [tilespmem:v24+s13+$0x0], $0xffff;
	v18 =	vadd.s32 v14, v18  }
0x57a: {  	v24 =	vld.idx.msk [tilespmem:v28+s15+$0x0], $0xffff  }
0x57b: {  	s23 =	simm.s32 $0x5;
	v14 =	vadd.s32 s20, v10;
	v33 =	vld.idx.msk [tilespmem:v15+s9+$0x0], $0xffff;
	v25 =	vshrl.u32 v21, $0x18  }
0x57c: {  	v34 =	vld.idx.msk [tilespmem:v30+s13+$0x0], $0xffff;
	v15 =	vadd.s32 s23, v2;
	v30 =	vshll.u32 v25, $0x4  }
0x57d: {  	p2 =	por $0x1, $0x1;
	v23 =	vld.idx.msk [tilespmem:v22+s15+$0x0], $0xffff;
	v17 =	vadd.s32 v29, v17;
	v35 =	vor.u32 v0, v30  }
.Ltmp45:
0x57e: {  	[tilespmem:v18+s2+$0x0] =	vst.idx.msk $0xffff, v26;
	v26 =	vld.idx.msk [tilespmem:v27+s15+$0x0], $0xffff;
	v27 =	vadd.s32 v31, v17;
	(pc) =	sbr.rel @!p2 .LBB2_85-.Ltmp45, $4  }
0x57f: {  	v28 =	vshrl.u32 v13, $0x18;
	[tilespmem:v18+s16+$0x0] =	vst.idx.msk $0xffff, v12;
	v30 =	vld.idx.msk [tilespmem:v20+s8+$0x0], $0xffff  }
0x580: {  	v29 =	vshll.u32 v28, $0x4;
	v17 =	vadd.s32 s21, v10;
	v12 =	vld.idx.msk [tilespmem:v14+s14+$0x0], $0xffff;
	v31 =	vadd.s32 v33, v63  }
0x581: {  	v32 =	vor.u32 v0, v29;
	v18 =	vld.idx.msk [tilespmem:v15+s14+$0x0], $0xffff;
	v29 =	vadd.s32 v34, v31  }
0x582: {  	p0 =	por $0x1, $0x1;
	s20 =	simm.s32 $0x6;
	v31 =	vld.idx.msk [tilespmem:v35+s9+$0x0], $0xffff  }
.LBB2_86:
0x583: {  	p2 =	slt.u32 s20, $0xFE;
	v33 =	vadd.s32 s18, v8;
	v25 =	vld.idx.msk [tilespmem:v25+s13+$0x0], $0xffff;
	[tilespmem:v27+s2+$0x0] =	vst.idx.msk $0xffff, v19  }
0x584: {  	v19 =	vld.idx.msk [tilespmem:v22+s8+$0x0], $0xffff;
	[tilespmem:v27+s16+$0x0] =	vst.idx.msk $0xffff, v26  }
0x585: {  	v22 =	vshrl.u32 v12, $0x18;
	v26 =	vld.idx.msk [tilespmem:v17+s14+$0x0], $0xffff  }
0x586: {  	v27 =	vld.idx.msk [tilespmem:v32+s7+$0x0], $0xffff;
	[tilespmem:v29+s2+$0x0] =	vst.idx.msk $0xffff, v16;
	v16 =	vshll.u32 v22, $0x4  }
0x587: {  	v28 =	vld.idx.msk [tilespmem:v28+s13+$0x0], $0xffff;
	[tilespmem:v29+s16+$0x0] =	vst.idx.msk $0xffff, v24;
	v16 =	vor.u32 v0, v16  }
0x588: {  	v24 =	vshrl.u32 v18, $0x18;
	v30 =	vadd.s32 v31, v30;
	v29 =	vld.idx.msk [tilespmem:v33+s14+$0x0], $0xffff  }
0x589: {  	v31 =	vshll.u32 v24, $0x4;
	v25 =	vadd.s32 v25, v30;
	v20 =	vld.idx.msk [tilespmem:v20+s15+$0x0], $0xffff  }
0x58a: {  	v30 =	vor.u32 v0, v31;
	v31 =	vld.idx.msk [tilespmem:v14+s8+$0x0], $0xffff  }
0x58b: {  	v32 =	vadd.s32 s19, v8;
	v34 =	vshrl.u32 v26, $0x18;
	v22 =	vld.idx.msk [tilespmem:v22+s13+$0x0], $0xffff  }
0x58c: {  	v19 =	vadd.s32 v27, v19;
	v27 =	vld.idx.msk [tilespmem:v16+s11+$0x0], $0xffff;
	v16 =	vshll.u32 v34, $0x4  }
0x58d: {  	v28 =	vadd.s32 v28, v19;
	v35 =	vld.idx.msk [tilespmem:v15+s8+$0x0], $0xffff;
	v16 =	vor.u32 v0, v16  }
0x58e: {  	v24 =	vld.idx.msk [tilespmem:v24+s13+$0x0], $0xffff;
	[tilespmem:v25+s2+$0x0] =	vst.idx.msk $0xffff, v21  }
0x58f: {  	v36 =	vadd.s32 s22, v6;
	v21 =	vld.idx.msk [tilespmem:v30+s7+$0x0], $0xffff;
	[tilespmem:v25+s16+$0x0] =	vst.idx.msk $0xffff, v20  }
0x590: {  	v19 =	vld.idx.msk [tilespmem:v32+s14+$0x0], $0xffff  }
0x591: {  	v25 =	vshrl.u32 v29, $0x18;
	v30 =	vld.idx.msk [tilespmem:v17+s8+$0x0], $0xffff  }
0x592: {  	[tilespmem:v28+s2+$0x0] =	vst.idx.msk $0xffff, v13;
	v13 =	vshll.u32 v25, $0x4;
	v37 =	vld.idx.msk [tilespmem:v16+s11+$0x0], $0xffff  }
0x593: {  	[tilespmem:v28+s16+$0x0] =	vst.idx.msk $0xffff, v23;
	v13 =	vor.u32 v0, v13;
	v23 =	vld.idx.msk [tilespmem:v34+s13+$0x0], $0xffff  }
0x594: {  	v20 =	vadd.s32 v27, v31;
	v16 =	vld.idx.msk [tilespmem:v36+s14+$0x0], $0xffff  }
0x595: {  	v28 =	vadd.s32 v22, v20;
	v21 =	vadd.s32 v21, v35;
	v27 =	vld.idx.msk [tilespmem:v33+s8+$0x0], $0xffff  }
0x596: {  	v22 =	vadd.s32 s20, v2;
	v21 =	vadd.s32 v24, v21;
	v15 =	vld.idx.msk [tilespmem:v15+s15+$0x0], $0xffff  }
0x597: {  	v14 =	vld.idx.msk [tilespmem:v14+s15+$0x0], $0xffff  }
0x598: {  	v20 =	vadd.s32 s23, v6;
	v31 =	vshrl.u32 v19, $0x18;
	v24 =	vld.idx.msk [tilespmem:v13+s10+$0x0], $0xffff;
	v13 =	vadd.s32 v37, v30  }
0x599: {  	v30 =	vshll.u32 v31, $0x4;
	v17 =	vld.idx.msk [tilespmem:v17+s15+$0x0], $0xffff;
	v23 =	vadd.s32 v23, v13  }
0x59a: {  	v30 =	vor.u32 v0, v30;
	v25 =	vld.idx.msk [tilespmem:v25+s13+$0x0], $0xffff;
	[tilespmem:v28+s2+$0x0] =	vst.idx.msk $0xffff, v12  }
0x59b: {  	v12 =	vshrl.u32 v16, $0x18;
	v13 =	vld.idx.msk [tilespmem:v22+s14+$0x0], $0xffff;
	[tilespmem:v21+s2+$0x0] =	vst.idx.msk $0xffff, v18  }
0x59c: {  	v18 =	vshll.u32 v12, $0x4;
	[tilespmem:v21+s16+$0x0] =	vst.idx.msk $0xffff, v15;
	v33 =	vld.idx.msk [tilespmem:v33+s15+$0x0], $0xffff  }
0x59d: {  	v15 =	vor.u32 v0, v18;
	v21 =	vld.idx.msk [tilespmem:v20+s14+$0x0], $0xffff;
	[tilespmem:v28+s16+$0x0] =	vst.idx.msk $0xffff, v14  }
0x59e: {  	v18 =	vld.idx.msk [tilespmem:v32+s8+$0x0], $0xffff;
	[tilespmem:v23+s2+$0x0] =	vst.idx.msk $0xffff, v26  }
0x59f: {  	v14 =	vadd.s32 v24, v27;
	v26 =	vld.idx.msk [tilespmem:v30+s10+$0x0], $0xffff;
	[tilespmem:v23+s16+$0x0] =	vst.idx.msk $0xffff, v17  }
0x5a0: {  	v17 =	vadd.s32 v25, v14;
	v27 =	vld.idx.msk [tilespmem:v31+s13+$0x0], $0xffff  }
0x5a1: {  	v30 =	vld.idx.msk [tilespmem:v36+s8+$0x0], $0xffff  }
0x5a2: {  	s0 =	sadd.s32 $0x1, s20;
	v14 =	vadd.s32 s18, v10;
	s18 =	smov.u32 s22;
	s22 =	smov.u32 s20;
	v31 =	vld.idx.msk [tilespmem:v15+s9+$0x0], $0xffff  }
0x5a3: {  	v15 =	vadd.s32 s0, v2;
	v25 =	vshrl.u32 v21, $0x18;
	v34 =	vld.idx.msk [tilespmem:v12+s13+$0x0], $0xffff  }
0x5a4: {  	v12 =	vshll.u32 v25, $0x4;
	v23 =	vld.idx.msk [tilespmem:v22+s15+$0x0], $0xffff  }
0x5a5: {  	v35 =	vor.u32 v0, v12;
	v12 =	vadd.s32 v26, v18;
	v24 =	vld.idx.msk [tilespmem:v36+s15+$0x0], $0xffff;
	[tilespmem:v17+s2+$0x0] =	vst.idx.msk $0xffff, v29  }
.Ltmp46:
0x5a6: {  	v27 =	vadd.s32 v27, v12;
	[tilespmem:v17+s16+$0x0] =	vst.idx.msk $0xffff, v33;
	v26 =	vld.idx.msk [tilespmem:v32+s15+$0x0], $0xffff;
	(pc) =	sbr.rel @p2 .LBB2_86-.Ltmp46, $4  }
0x5a7: {  	v28 =	vshrl.u32 v13, $0x18;
	v12 =	vld.idx.msk [tilespmem:v14+s14+$0x0], $0xffff  }
0x5a8: {  	v29 =	vshll.u32 v28, $0x4;
	v17 =	vadd.s32 s19, v10;
	s19 =	smov.u32 s23;
	s23 =	smov.u32 s0;
	v30 =	vadd.s32 v31, v30;
	v18 =	vld.idx.msk [tilespmem:v15+s14+$0x0], $0xffff  }
0x5a9: {  	v32 =	vor.u32 v0, v29;
	v29 =	vadd.s32 v34, v30;
	v30 =	vld.idx.msk [tilespmem:v20+s8+$0x0], $0xffff  }
0x5aa: {  	s20 =	sadd.s32 $0x2, s20;
	v31 =	vld.idx.msk [tilespmem:v35+s9+$0x0], $0xffff  }
0x5ab: {  	s20 =	smov.u32 s18  }
0x5ac: {  	s21 =	smov.u32 s19;
	s18 =	smov.u32 s22;
	s19 =	smov.u32 s23  }
.LBB2_88:
0x5ad: {  	_ = 	snop  }
0x5ae: {  	v33 =	vshrl.u32 v18, $0x18  }
0x5af: {  	v34 =	vshll.u32 v33, $0x4  }
0x5b0: {  	v34 =	vor.u32 v0, v34  }
0x5b1: {  	v22 =	vld.idx.msk [tilespmem:v22+s8+$0x0], $0xffff  }
0x5b2: {  	v32 =	vld.idx.msk [tilespmem:v32+s7+$0x0], $0xffff  }
0x5b3: {  	v28 =	vld.idx.msk [tilespmem:v28+s13+$0x0], $0xffff  }
0x5b4: {  	v35 =	vld.idx.msk [tilespmem:v15+s8+$0x0], $0xffff  }
0x5b5: {  	v34 =	vld.idx.msk [tilespmem:v34+s7+$0x0], $0xffff  }
0x5b6: {  	v33 =	vld.idx.msk [tilespmem:v33+s13+$0x0], $0xffff;
	_ =	sdelay $0x1  }
0x5b7: {  	v22 =	vadd.s32 v32, v22  }
0x5b8: {  	v22 =	vadd.s32 v28, v22  }
0x5b9: {  	v48 =	vadd.s32 v34, v35  }
0x5ba: {  	v47 =	vadd.s32 s18, v6;
	v32 =	vadd.s32 v33, v48  }
0x5bb: {  	v49 =	vld.idx.msk [tilespmem:v15+s15+$0x0], $0xffff  }
0x5bc: {  	v50 =	vadd.s32 s19, v6  }
0x5bd: {  	[tilespmem:v22+s2+$0x0] =	vst.idx.msk $0xffff, v13  }
0x5be: {  	[tilespmem:v22+s16+$0x0] =	vst.idx.msk $0xffff, v23  }
0x5bf: {  	v22 =	vld.idx.msk [tilespmem:v47+s14+$0x0], $0xffff;
	[tilespmem:v32+s2+$0x0] =	vst.idx.msk $0xffff, v18  }
0x5c0: {  	[tilespmem:v32+s16+$0x0] =	vst.idx.msk $0xffff, v49  }
0x5c1: {  	v15 =	vld.idx.msk [tilespmem:v50+s14+$0x0], $0xffff;
	_ =	sdelay $0x2  }
0x5c2: {  	v51 =	vshrl.u32 v22, $0x18  }
0x5c3: {  	v52 =	vshll.u32 v51, $0x4  }
0x5c4: {  	v23 =	vor.u32 v0, v52;
	v53 =	vshrl.u32 v15, $0x18  }
0x5c5: {  	v25 =	vld.idx.msk @p1 [tilespmem:v25+s13+$0x0], $0xffff;
	v54 =	vshll.u32 v53, $0x4  }
0x5c6: {  	v20 =	vld.idx.msk @p1 [tilespmem:v20+s15+$0x0], $0xffff;
	v33 =	vor.u32 v0, v54  }
0x5c7: {  	v55 =	vld.idx.msk [tilespmem:v47+s8+$0x0], $0xffff  }
0x5c8: {  	v56 =	vld.idx.msk [tilespmem:v50+s8+$0x0], $0xffff  }
0x5c9: {  	v30 =	vadd.s32 @p1 v31, v30;
	v23 =	vld.idx.msk [tilespmem:v23+s9+$0x0], $0xffff  }
0x5ca: {  	v25 =	vadd.s32 @p1 v25, v30;
	v18 =	vld.idx.msk [tilespmem:v51+s13+$0x0], $0xffff  }
0x5cb: {  	[tilespmem:v29+s2+$0x0] =	vst.idx.msk @p1 $0xffff, v16;
	v35 =	vadd.s32 @p1 s20, v8;
	v57 =	vld.idx.msk [tilespmem:v33+s9+$0x0], $0xffff  }
0x5cc: {  	v16 =	vadd.s32 @p1 s21, v8;
	[tilespmem:v27+s2+$0x0] =	vst.idx.msk @p0 $0xffff, v19;
	v58 =	vld.idx.msk [tilespmem:v53+s13+$0x0], $0xffff  }
0x5cd: {  	[tilespmem:v27+s16+$0x0] =	vst.idx.msk @p0 $0xffff, v26  }
0x5ce: {  	v19 =	vshrl.u32 @p0 v12, $0x18;
	[tilespmem:v29+s16+$0x0] =	vst.idx.msk @p1 $0xffff, v24;
	v26 =	vld.idx.msk @p0 [tilespmem:v17+s14+$0x0], $0xffff;
	v23 =	vadd.s32 v23, v55  }
0x5cf: {  	[tilespmem:v25+s2+$0x0] =	vst.idx.msk @p1 $0xffff, v21;
	v59 =	vld.idx.msk [tilespmem:v47+s15+$0x0], $0xffff;
	v18 =	vadd.s32 v18, v23  }
0x5d0: {  	[tilespmem:v25+s16+$0x0] =	vst.idx.msk @p1 $0xffff, v20;
	v29 =	vld.idx.msk @p1 [tilespmem:v35+s14+$0x0], $0xffff;
	v61 =	vadd.s32 v57, v56  }
0x5d1: {  	v60 =	vadd.s32 s18, v8;
	v21 =	vld.idx.msk @p1 [tilespmem:v16+s14+$0x0], $0xffff;
	v24 =	vadd.s32 v58, v61  }
0x5d2: {  	v13 =	vld.idx.msk [tilespmem:v50+s15+$0x0], $0xffff  }
0x5d3: {  	v62 =	vadd.s32 s19, v8;
	v30 =	vld.idx.msk @p0 [tilespmem:v19+s13+$0x0], $0xffff  }
0x5d4: {  	v28 =	vld.idx.msk @p0 [tilespmem:v14+s8+$0x0], $0xffff;
	[tilespmem:v18+s2+$0x0] =	vst.idx.msk $0xffff, v22  }
0x5d5: {  	v14 =	vld.idx.msk @p0 [tilespmem:v14+s15+$0x0], $0xffff;
	v25 =	vshrl.u32 @p1 v29, $0x18;
	[tilespmem:v18+s16+$0x0] =	vst.idx.msk $0xffff, v59  }
0x5d6: {  	v27 =	vshll.u32 @p1 v25, $0x4;
	v18 =	vshrl.u32 @p1 v21, $0x18;
	v20 =	vld.idx.msk [tilespmem:v60+s14+$0x0], $0xffff;
	[tilespmem:v24+s2+$0x0] =	vst.idx.msk $0xffff, v15  }
0x5d7: {  	v32 =	vld.idx.msk @p1 [tilespmem:v16+s8+$0x0], $0xffff;
	v27 =	vor.u32 @p1 v0, v27;
	v31 =	vshll.u32 @p1 v18, $0x4;
	[tilespmem:v24+s16+$0x0] =	vst.idx.msk $0xffff, v13  }
0x5d8: {  	v31 =	vor.u32 @p1 v0, v31;
	v13 =	vld.idx.msk [tilespmem:v62+s14+$0x0], $0xffff  }
0x5d9: {  	v16 =	vld.idx.msk @p1 [tilespmem:v16+s15+$0x0], $0xffff  }
0x5da: {  	v25 =	vld.idx.msk @p1 [tilespmem:v25+s13+$0x0], $0xffff  }
0x5db: {  	v15 =	vld.idx.msk @p1 [tilespmem:v35+s8+$0x0], $0xffff;
	v63 =	vshrl.u32 v20, $0x18  }
0x5dc: {  	v24 =	vld.idx.msk @p1 [tilespmem:v27+s10+$0x0], $0xffff;
	v39 =	vshll.u32 v63, $0x4  }
0x5dd: {  	v31 =	vld.idx.msk @p1 [tilespmem:v31+s10+$0x0], $0xffff;
	v33 =	vor.u32 v0, v39;
	v40 =	vshrl.u32 v13, $0x18  }
0x5de: {  	v18 =	vld.idx.msk @p1 [tilespmem:v18+s13+$0x0], $0xffff;
	v36 =	vshll.u32 v40, $0x4  }
0x5df: {  	v42 =	vld.idx.msk [tilespmem:v60+s8+$0x0], $0xffff;
	v41 =	vor.u32 v0, v36  }
0x5e0: {  	v19 =	vshll.u32 @p0 v19, $0x4;
	v35 =	vld.idx.msk @p1 [tilespmem:v35+s15+$0x0], $0xffff  }
0x5e1: {  	v19 =	vor.u32 @p0 v0, v19;
	v44 =	vld.idx.msk [tilespmem:v62+s8+$0x0], $0xffff;
	v15 =	vadd.s32 @p1 v24, v15  }
0x5e2: {  	v31 =	vadd.s32 @p1 v31, v32;
	v15 =	vadd.s32 @p1 v25, v15;
	v43 =	vld.idx.msk [tilespmem:v33+s10+$0x0], $0xffff  }
0x5e3: {  	v27 =	vld.idx.msk [tilespmem:v63+s13+$0x0], $0xffff;
	v18 =	vadd.s32 @p1 v18, v31  }
0x5e4: {  	v18 =	vpsel p1, v18, v0;
	v24 =	vld.idx.msk [tilespmem:v41+s10+$0x0], $0xffff  }
0x5e5: {  	v33 =	vadd.s32 @p1 s20, v10;
	v34 =	vld.idx.msk [tilespmem:v40+s13+$0x0], $0xffff  }
0x5e6: {  	v37 =	vshrl.u32 @p0 v26, $0x18;
	v19 =	vld.idx.msk @p0 [tilespmem:v19+s11+$0x0], $0xffff  }
0x5e7: {  	v21 =	vpsel p1, v21, v0;
	v36 =	vadd.s32 @p1 s21, v10;
	[tilespmem:v15+s2+$0x0] =	vst.idx.msk @p1 $0xffff, v29;
	v25 =	vadd.s32 v43, v42  }
0x5e8: {  	v46 =	vld.idx.msk [tilespmem:v60+s15+$0x0], $0xffff;
	v29 =	vpsel p1, v36, v0;
	[tilespmem:v15+s16+$0x0] =	vst.idx.msk @p1 $0xffff, v35;
	v45 =	vadd.s32 v27, v25  }
0x5e9: {  	v16 =	vpsel p1, v16, v0;
	v22 =	vld.idx.msk [tilespmem:v62+s15+$0x0], $0xffff;
	[tilespmem:v18+s2+$0x0] =	vst.idx.msk @p1 $0xffff, v21;
	v47 =	vadd.s32 v24, v44  }
0x5ea: {  	v48 =	vadd.s32 s18, v10;
	v36 =	vshll.u32 @p0 v37, $0x4;
	v35 =	vld.idx.msk @p1 [tilespmem:v33+s14+$0x0], $0xffff;
	[tilespmem:v18+s16+$0x0] =	vst.idx.msk @p1 $0xffff, v16;
	v18 =	vadd.s32 v34, v47  }
0x5eb: {  	v32 =	vld.idx.msk @p0 [tilespmem:v17+s8+$0x0], $0xffff;
	v15 =	vor.u32 @p0 v0, v36  }
0x5ec: {  	v49 =	vadd.s32 s19, v10;
	v31 =	vld.idx.msk @p0 [tilespmem:v37+s13+$0x0], $0xffff  }
0x5ed: {  	v33 =	vpsel p1, v33, v0;
	v23 =	vld.idx.msk @p1 [tilespmem:v29+s14+$0x0], $0xffff;
	[tilespmem:v45+s2+$0x0] =	vst.idx.msk $0xffff, v20  }
0x5ee: {  	v36 =	vld.idx.msk @p1 [tilespmem:v29+s8+$0x0], $0xffff;
	[tilespmem:v45+s16+$0x0] =	vst.idx.msk $0xffff, v46  }
0x5ef: {  	v25 =	vpsel p1, v35, v0;
	v21 =	vld.idx.msk [tilespmem:v48+s14+$0x0], $0xffff;
	[tilespmem:v18+s2+$0x0] =	vst.idx.msk $0xffff, v13  }
0x5f0: {  	v15 =	vld.idx.msk @p0 [tilespmem:v15+s11+$0x0], $0xffff;
	v34 =	vshrl.u32 @p1 v25, $0x18;
	[tilespmem:v18+s16+$0x0] =	vst.idx.msk $0xffff, v22  }
0x5f1: {  	v20 =	vshll.u32 @p1 v34, $0x4;
	v18 =	vld.idx.msk [tilespmem:v49+s14+$0x0], $0xffff  }
0x5f2: {  	v19 =	vadd.s32 @p0 v19, v28;
	v28 =	vld.idx.msk @p1 [tilespmem:v33+s15+$0x0], $0xffff;
	v16 =	vor.u32 @p1 v0, v20;
	v20 =	vshrl.u32 @p1 v23, $0x18  }
0x5f3: {  	v13 =	vld.idx.msk @p0 [tilespmem:v17+s15+$0x0], $0xffff;
	v17 =	vshll.u32 @p1 v20, $0x4  }
0x5f4: {  	v53 =	vld.idx.msk [tilespmem:v48+s8+$0x0], $0xffff;
	v50 =	vshrl.u32 v21, $0x18;
	v17 =	vor.u32 @p1 v0, v17  }
0x5f5: {  	v34 =	vld.idx.msk @p1 [tilespmem:v34+s13+$0x0], $0xffff;
	v51 =	vshll.u32 v50, $0x4  }
0x5f6: {  	v22 =	vld.idx.msk @p1 [tilespmem:v33+s8+$0x0], $0xffff;
	v37 =	vor.u32 v0, v51;
	v38 =	vshrl.u32 v18, $0x18  }
0x5f7: {  	v16 =	vld.idx.msk @p1 [tilespmem:v16+s11+$0x0], $0xffff;
	v39 =	vshll.u32 v38, $0x4  }
0x5f8: {  	v20 =	vld.idx.msk @p1 [tilespmem:v20+s13+$0x0], $0xffff;
	v52 =	vor.u32 v0, v39  }
0x5f9: {  	v19 =	vadd.s32 @p0 v30, v19;
	v17 =	vld.idx.msk @p1 [tilespmem:v17+s11+$0x0], $0xffff  }
0x5fa: {  	v15 =	vadd.s32 @p0 v15, v32;
	v56 =	vld.idx.msk [tilespmem:v49+s8+$0x0], $0xffff  }
0x5fb: {  	v15 =	vadd.s32 @p0 v31, v15;
	v55 =	vld.idx.msk [tilespmem:v37+s11+$0x0], $0xffff  }
0x5fc: {  	v54 =	vld.idx.msk [tilespmem:v50+s13+$0x0], $0xffff;
	v16 =	vadd.s32 @p1 v16, v22  }
0x5fd: {  	v16 =	vadd.s32 @p1 v34, v16;
	v33 =	vld.idx.msk [tilespmem:v52+s11+$0x0], $0xffff  }
0x5fe: {  	[tilespmem:v19+s2+$0x0] =	vst.idx.msk @p0 $0xffff, v12;
	v12 =	vadd.s32 @p1 v17, v36;
	v57 =	vld.idx.msk [tilespmem:v38+s13+$0x0], $0xffff  }
0x5ff: {  	[tilespmem:v19+s16+$0x0] =	vst.idx.msk @p0 $0xffff, v14;
	v12 =	vadd.s32 @p1 v20, v12  }
0x600: {  	v14 =	vld.idx.msk @p1 [tilespmem:v29+s15+$0x0], $0xffff;
	[tilespmem:v15+s2+$0x0] =	vst.idx.msk @p0 $0xffff, v26;
	v58 =	vadd.s32 v55, v53  }
0x601: {  	[tilespmem:v15+s16+$0x0] =	vst.idx.msk @p0 $0xffff, v13;
	v59 =	vadd.s32 v54, v58  }
0x602: {  	v60 =	vld.idx.msk [tilespmem:v48+s15+$0x0], $0xffff;
	[tilespmem:v16+s2+$0x0] =	vst.idx.msk @p1 $0xffff, v25;
	v61 =	vadd.s32 v33, v56  }
0x603: {  	[tilespmem:v16+s16+$0x0] =	vst.idx.msk @p1 $0xffff, v28;
	v62 =	vadd.s32 v57, v61  }
0x604: {  	v63 =	vld.idx.msk [tilespmem:v49+s15+$0x0], $0xffff;
	[tilespmem:v12+s2+$0x0] =	vst.idx.msk @p1 $0xffff, v23  }
0x605: {  	[tilespmem:v12+s16+$0x0] =	vst.idx.msk @p1 $0xffff, v14  }
0x606: {  	[tilespmem:v59+s2+$0x0] =	vst.idx.msk $0xffff, v21  }
0x607: {  	[tilespmem:v59+s16+$0x0] =	vst.idx.msk $0xffff, v60  }
0x608: {  	s17 =	sadd.s32 $0x1, s17;
	[tilespmem:v62+s2+$0x0] =	vst.idx.msk $0xffff, v18  }
0x609: {  	p0 =	sne.s32 s17, s5;
	[tilespmem:v62+s16+$0x0] =	vst.idx.msk $0xffff, v63  }
0x60a: {  	[hbm4b:s3+s2] =	stream.linear.scatter [tilespmem:s16], [sflag:$0x1], $0x800, $0x38;
	[tilespmem:$0x19150] =	vst v63  }
.Ltmp47:
0x60b: {  	_ = 	snop;
	(pc) =	sbr.rel @p0 .LBB2_2-.Ltmp47, $4  }
.Ltmp48:
0x60c: {  	_ = 	snop;
	(pc) =	sbr.rel @!p0 .LBB2_89-.Ltmp48, $4  }
0x60d: {  	_ =	swait.ge [sflag:s6], $0x800  }
0x60e: {  	[sflag:s6] =	ssyncset.done $0x0  }
0x60f: {  	[sflag:s6] =	ssyncadd.s32 $0xFFFFF800  }
0x610: {  	_ = 	snop  }
.LBB2_9:
.Ltmp49:
0x611: {  	(pc) =	sbr.rel .LBB2_15-.Ltmp49, $2  }
0x612: {  	_ =	sdelay $0x2  }
0x613: {  	s0 =	simm.s32 $0x0;
	s20 =	simm.s32 $0x19050;
	p2 =	por $0x0, $0x0  }
.LBB2_16:
.Ltmp50:
0x614: {  	(pc) =	sbr.rel .LBB2_25-.Ltmp50, $4  }
0x615: {  	_ = 	snop  }
0x616: {  	_ = 	snop  }
0x617: {  	s19 =	simm.s32 $0x0  }
0x618: {  	s21 =	simm.s32 $0x1;
	p1 =	por $0x0, $0x0;
	p2 =	por $0x0, $0x0  }
.LBB2_32:
.Ltmp51:
0x619: {  	(pc) =	sbr.rel .LBB2_38-.Ltmp51, $2  }
0x61a: {  	_ =	sdelay $0x2  }
0x61b: {  	s0 =	simm.s32 $0x0;
	s19 =	simm.s32 $0x19050;
	p2 =	por $0x0, $0x0  }
.LBB2_39:
.Ltmp52:
0x61c: {  	(pc) =	sbr.rel .LBB2_46-.Ltmp52, $2  }
0x61d: {  	_ =	sdelay $0x2  }
0x61e: {  	p1 =	por $0x0, $0x0  }
.LBB2_53:
.Ltmp53:
0x61f: {  	(pc) =	sbr.rel .LBB2_59-.Ltmp53, $2  }
0x620: {  	_ =	sdelay $0x2  }
0x621: {  	s0 =	simm.s32 $0x0;
	s19 =	simm.s32 $0x19050;
	p2 =	por $0x0, $0x0  }
.LBB2_60:
.Ltmp54:
0x622: {  	(pc) =	sbr.rel .LBB2_67-.Ltmp54, $2  }
0x623: {  	_ =	sdelay $0x2  }
0x624: {  	p1 =	por $0x0, $0x0  }
.LBB2_74:
.Ltmp55:
0x625: {  	(pc) =	sbr.rel .LBB2_80-.Ltmp55, $2  }
0x626: {  	_ =	sdelay $0x2  }
0x627: {  	s0 =	simm.s32 $0x0;
	s19 =	simm.s32 $0x19050;
	p2 =	por $0x0, $0x0  }
.LBB2_81:
.Ltmp56:
0x628: {  	(pc) =	sbr.rel .LBB2_88-.Ltmp56, $2  }
0x629: {  	_ =	sdelay $0x2  }
0x62a: {  	s18 =	simm.s32 $0x0;
	s19 =	simm.s32 $0x1;
	p1 =	por $0x0, $0x0  }
.LBB2_11:
.Ltmp57:
0x62b: {  	(pc) =	sbr.rel .LBB2_15-.Ltmp57, $2  }
0x62c: {  	_ =	sdelay $0x2  }
0x62d: {  	s0 =	simm.s32 $0x0;
	s20 =	simm.s32 $0x19050;
	p2 =	por $0x0, $0x0  }
.LBB2_18:
.Ltmp58:
0x62e: {  	(pc) =	sbr.rel .LBB2_25-.Ltmp58, $4  }
0x62f: {  	_ = 	snop  }
0x630: {  	_ = 	snop  }
0x631: {  	s26 =	simm.s32 $0x0;
	s19 =	simm.s32 $0x2  }
0x632: {  	v46 =	vmov v14;
	s28 =	simm.s32 $0x1;
	v49 =	vmov v20;
	s21 =	simm.s32 $0x3;
	v42 =	vmov v17;
	p2 =	por $0x0, $0x0  }
.LBB2_34:
.Ltmp59:
0x633: {  	(pc) =	sbr.rel .LBB2_38-.Ltmp59, $2  }
0x634: {  	_ =	sdelay $0x2  }
0x635: {  	s0 =	simm.s32 $0x0;
	s19 =	simm.s32 $0x19050;
	p2 =	por $0x0, $0x0  }
.LBB2_41:
.Ltmp60:
0x636: {  	(pc) =	sbr.rel .LBB2_46-.Ltmp60, $3  }
0x637: {  	_ =	sdelay $0x1  }
0x638: {  	s18 =	simm.s32 $0x0  }
0x639: {  	s20 =	simm.s32 $0x2;
	s19 =	simm.s32 $0x1;
	s23 =	simm.s32 $0x3  }
.LBB2_55:
.Ltmp61:
0x63a: {  	(pc) =	sbr.rel .LBB2_59-.Ltmp61, $2  }
0x63b: {  	_ =	sdelay $0x2  }
0x63c: {  	s0 =	simm.s32 $0x0;
	s19 =	simm.s32 $0x19050;
	p2 =	por $0x0, $0x0  }
.LBB2_62:
.Ltmp62:
0x63d: {  	(pc) =	sbr.rel .LBB2_67-.Ltmp62, $3  }
0x63e: {  	_ =	sdelay $0x1  }
0x63f: {  	s18 =	simm.s32 $0x0  }
0x640: {  	s20 =	simm.s32 $0x2;
	s19 =	simm.s32 $0x1;
	s23 =	simm.s32 $0x3  }
.LBB2_76:
.Ltmp63:
0x641: {  	(pc) =	sbr.rel .LBB2_80-.Ltmp63, $2  }
0x642: {  	_ =	sdelay $0x2  }
0x643: {  	s0 =	simm.s32 $0x0;
	s19 =	simm.s32 $0x19050;
	p2 =	por $0x0, $0x0  }
.LBB2_83:
.Ltmp64:
0x644: {  	(pc) =	sbr.rel .LBB2_88-.Ltmp64, $2  }
0x645: {  	_ =	sdelay $0x2  }
0x646: {  	_ = 	snop  }
.LBB2_13:
.Ltmp65:
0x647: {  	(pc) =	sbr.rel .LBB2_15-.Ltmp65, $2  }
0x648: {  	_ =	sdelay $0x2  }
0x649: {  	s0 =	simm.s32 $0x0;
	s20 =	simm.s32 $0x19050  }
.LBB2_20:
.Ltmp66:
0x64a: {  	(pc) =	sbr.rel .LBB2_25-.Ltmp66, $4  }
0x64b: {  	_ = 	snop  }
0x64c: {  	v57 =	vmov v26  }
0x64d: {  	s26 =	simm.s32 $0x2;
	v58 =	vmovc v27;
	v40 =	vmovc v55;
	v59 =	vmov v32;
	v29 =	vmov v19;
	v35 =	vmov v14  }
0x64e: {  	s23 =	simm.s32 $0x0;
	s28 =	simm.s32 $0x3;
	v34 =	vmovc v13;
	v28 =	vmovc v24;
	s22 =	simm.s32 $0x1;
	v33 =	vmov v22;
	v38 =	vmov v17;
	v36 =	vmov v16  }
.LBB2_36:
.Ltmp67:
0x64f: {  	(pc) =	sbr.rel .LBB2_38-.Ltmp67, $2  }
0x650: {  	_ =	sdelay $0x2  }
0x651: {  	s0 =	simm.s32 $0x0;
	s19 =	simm.s32 $0x19050  }
.LBB2_43:
.Ltmp68:
0x652: {  	(pc) =	sbr.rel .LBB2_46-.Ltmp68, $2  }
0x653: {  	_ =	sdelay $0x2  }
0x654: {  	s20 =	simm.s32 $0x4;
	s23 =	simm.s32 $0x5  }
.LBB2_57:
.Ltmp69:
0x655: {  	(pc) =	sbr.rel .LBB2_59-.Ltmp69, $2  }
0x656: {  	_ =	sdelay $0x2  }
0x657: {  	s0 =	simm.s32 $0x0;
	s19 =	simm.s32 $0x19050  }
.LBB2_64:
.Ltmp70:
0x658: {  	(pc) =	sbr.rel .LBB2_67-.Ltmp70, $2  }
0x659: {  	_ =	sdelay $0x2  }
0x65a: {  	s20 =	simm.s32 $0x4;
	s23 =	simm.s32 $0x5  }
.LBB2_78:
.Ltmp71:
0x65b: {  	(pc) =	sbr.rel .LBB2_80-.Ltmp71, $2  }
0x65c: {  	_ =	sdelay $0x2  }
0x65d: {  	s0 =	simm.s32 $0x0;
	s19 =	simm.s32 $0x19050  }
.LBB2_85:
.Ltmp72:
0x65e: {  	(pc) =	sbr.rel .LBB2_88-.Ltmp72, $3  }
0x65f: {  	_ =	sdelay $0x1  }
0x660: {  	s20 =	simm.s32 $0x2  }
0x661: {  	s21 =	simm.s32 $0x3;
	s18 =	simm.s32 $0x4;
	s19 =	simm.s32 $0x5  }
.LBB2_22:
.Ltmp73:
0x662: {  	(pc) =	sbr.rel .LBB2_25-.Ltmp73, $3  }
0x663: {  	_ =	sdelay $0x1  }
0x664: {  	s26 =	simm.s32 $0x4  }
0x665: {  	s19 =	simm.s32 $0x6;
	v46 =	vmovc v50;
	s28 =	simm.s32 $0x5;
	v49 =	vmovc v55;
	s21 =	simm.s32 $0x7;
	v42 =	vmov v45;
	v30 =	vmov v24;
	v55 =	vmov v25  }
.LBB2_89:
0x666: {  	_ =	sfence.sel $0x180000  }
0x667: {  	[bflag:$0x0] =	sbarrier.arrive $0xFFFF  }
0x668: {  	_ =	strace $0x9000004A  }
0x669: {  	[bflag:$0x2] =	sbarrier.arrive $0xFFFF  }
0x66a: {  	p0 =	sne.s32 s1, $0x0;
	s0 =	rddreg [dreg:$0x1]  }
0x66b: {  	s0 =	sadd.s32 @!p0 $0x100000, s0  }
0x66c: {  	[sflag:s0] =	ssyncadd.tile.s32 @!p0 $0x1;
	_ =	shalt  }
.Lfunc_end2:
_tile_overlayer_lowered:
.L_overlay_start_2:
0x66d: {  	(tag) =	ssettag $0x2  }
0x66e: {  	s0 =	rddreg [dreg:$0x0];
	s2 =	stileid.u32  }
0x66f: {  	s1 =	rddreg [dreg:$0x1];
	p0 =	sne.s32 s2, $0x0  }
0x670: {  	s3 =	rddreg [dreg:$0x2];
	[bflag:$0x3] =	sbarrier.arrive $0xFFFF;
	s2 =	simm.s32 @!p0 $0x1C01  }
0x671: {  	[timem:s3], [sflag:s2] =	dma.local @!p0 [hbm:s0], s1  }
0x672: {  	s0 =	simm.s32 @!p0 $0x1  }
0x673: {  	_ =	swait.ge @!p0 [sflag:s0], s1  }
0x674: {  	s1 =	ssub.s32 @!p0 $0x0, s1;
	[sflag:s0] =	ssyncset.done @!p0 $0x0  }
0x675: {  	[sflag:s0] =	ssyncadd.s32 @!p0 s1  }
0x676: {  	[bflag:$0x3] =	sbarrier.arrive $0xFFFF  }
0x677: {  	_ =	shalt  }

// kernel: kernel.8.cloned.1.call-start
scs
__scs_entry_jumppad:
0x0: {  	(pc) =	sbr.rel $0x88, $3  }
0x1: {  	(tag) =	ssettag $0x0;
	lr =	simm.s32 $0x1  }
0x2: {  	[smem:$0x3F9D] =	sst lr;
	_ =	strace $0xD0000000  }
0x3: {  	_ = 	snop  }
0x4: {  	_ = 	snop  }
0x5: {  	_ = 	snop  }
0x6: {  	_ = 	snop  }
0x7: {  	_ = 	snop  }
__scs_overlays_trampoline_lowered:
0x8: {  	[smem:$0x3FAC] =	sst s0  }
0x9: {  	[smem:$0x3FAD] =	sst s1  }
0xa: {  	[smem:$0x3FAE] =	sst s2  }
0xb: {  	[smem:$0x3FAF] =	sst s3  }
0xc: {  	[smem:$0x3FB0] =	sst s4  }
0xd: {  	[smem:$0x3FB1] =	sst s5  }
0xe: {  	[smem:$0x3FB2] =	sst s6  }
0xf: {  	[smem:$0x3FB3] =	sst s7  }
0x10: {  	[smem:$0x3FB4] =	sst s8  }
0x11: {  	[smem:$0x3FB5] =	sst s9;
	s0 =	simm.s32 @!p0 $0x0  }
0x12: {  	s1 =	sld [smem:$0x3F9B];
	s0 =	simm.s32 @p0 $0x1  }
0x13: {  	[smem:$0x3FB6] =	sst s0;
	s0 =	simm.s32 @!p1 $0x0  }
0x14: {  	s2 =	sld [smem:$0x3F9A];
	s0 =	simm.s32 @p1 $0x1  }
0x15: {  	[smem:$0x3FB7] =	sst s0;
	s0 =	simm.s32 @!p2 $0x0  }
0x16: {  	s3 =	sld [smem:$0x3FDB];
	s0 =	simm.s32 @p2 $0x1  }
0x17: {  	s4 =	simm.s32 $0x1BF5;
	[smem:$0x3FB9] =	sst s0  }
0x18: {  	s0 =	sld [smem:$0x3F9C];
	_ =	swait.ge [sflag:s4], $0x0  }
0x19: {  	s7 =	sld [smem:$0x3F9D]  }
0x1a: {  	s8 =	sadd.s32 $0xFFFFE003, lr  }
0x1b: {  	s9 =	sadd.s32 $0xFFFFFEF7, lr;
	s5 =	simm.s32 $0xFFFFFFFF;
	p2 =	slt.u32 s8, $0xFFFFF086  }
0x1c: {  	p1 =	slt.u32 s9, $0xF7A;
	s5 =	simm.s32 @!p2 $0x0  }
0x1d: {  	s5 =	simm.s32 @p1 $0x1;
	p0 =	seq.s32 s7, s2  }
0x1e: {  	s7 =	smul.u32 @!p0 $0xF7A, s2;
	p2 =	seq.s32 @!p0 s5, $0x0  }
0x1f: {  	s9 =	smul.u32 $0xF7A, s1;
	s8 =	simm.s32 @!p0 $0x1BF5;
	p2 =	por !p2, p0  }
0x20: {  	[sflag:s8] =	ssyncset.s32 @!p0 $0xFFFFF086;
	s6 =	sadd.s32 @!p0 s3, s7;
	s7 =	simm.s32 @!p0 $0x108  }
0x21: {  	s3 =	sadd.s32 s3, s9;
	s6 =	sadd.s32 @!p0 $0x88, s6;
	s7 =	simm.s32 @p2 $0x1082  }
0x22: {  	[simem:s7], [sflag:s8] =	dma.local @!p0 [hbm:s6], $0xF7A  }
0x23: {  	s9 =	sor.u32 $0xD0000000, s2;
	s6 =	simm.s32 $0x108;
	_ =	swait.ge @!p0 [sflag:s8], $0x0  }
0x24: {  	s3 =	sadd.s32 $0x88, s3;
	s6 =	simm.s32 @!p1 $0x1082;
	[sflag:s4] =	ssyncset.s32 $0xFFFFF086  }
0x25: {  	[simem:s6], [sflag:s4] =	dma.local [hbm:s3], $0xF7A  }
0x26: {  	[smem:$0x3F9D] =	sst s1;
	(tag) =	ssettag s2;
	_ =	strace s9  }
0x27: {  	s1 =	sld [smem:$0x3FAD]  }
0x28: {  	s2 =	sld [smem:$0x3FAE]  }
0x29: {  	s4 =	sld [smem:$0x3FB0]  }
0x2a: {  	p0 =	seq.s32 s5, $0x0;
	s5 =	sld [smem:$0x3FB1]  }
0x2b: {  	s6 =	sld [smem:$0x3FB2]  }
0x2c: {  	s7 =	sld [smem:$0x3FB3]  }
0x2d: {  	s3 =	simm.s32 $0x108;
	s8 =	sld [smem:$0x3FB4]  }
0x2e: {  	s3 =	simm.s32 @!p0 $0x1082;
	s9 =	sld [smem:$0x3FB5]  }
0x2f: {  	lr =	sadd.s32 s0, s3;
	s0 =	sld [smem:$0x3FAC]  }
0x30: {  	s3 =	sld [smem:$0x3FAF]  }
0x31: {  	[smem:$0x3FB8] =	sst s10  }
0x32: {  	s10 =	sld [smem:$0x3FB6];
	_ =	sdelay $0x3  }
0x33: {  	p0 =	seq.s32 s10, $0x1;
	s10 =	sld [smem:$0x3FB8];
	_ =	sdelay $0x3  }
0x34: {  	[smem:$0x3FB8] =	sst s10  }
0x35: {  	s10 =	sld [smem:$0x3FB7];
	_ =	sdelay $0x3  }
0x36: {  	p1 =	seq.s32 s10, $0x1;
	s10 =	sld [smem:$0x3FB8];
	_ =	sdelay $0x3  }
0x37: {  	[smem:$0x3FB8] =	sst s10  }
0x38: {  	s10 =	sld [smem:$0x3FB9]  }
0x39: {  	_ = 	snop;
	(pc) =	sbr.ind lr, $3  }
0x3a: {  	_ = 	snop  }
0x3b: {  	_ = 	snop  }
0x3c: {  	p2 =	seq.s32 s10, $0x1;
	s10 =	sld [smem:$0x3FB8]  }
0x3d: {  	_ =	shalt  }
0x3e: {  	_ =	shalt  }
0x3f: {  	_ =	shalt  }
0x40: {  	_ =	shalt  }
0x41: {  	_ =	shalt  }
0x42: {  	_ =	shalt  }
0x43: {  	_ =	shalt  }
0x44: {  	_ =	shalt  }
0x45: {  	_ =	shalt  }
0x46: {  	_ =	shalt  }
0x47: {  	_ =	shalt  }
0x48: {  	_ =	shalt  }
0x49: {  	_ =	shalt  }
0x4a: {  	_ =	shalt  }
0x4b: {  	_ =	shalt  }
0x4c: {  	_ =	shalt  }
0x4d: {  	_ =	shalt  }
0x4e: {  	_ =	shalt  }
0x4f: {  	_ =	shalt  }
0x50: {  	_ =	shalt  }
0x51: {  	_ =	shalt  }
0x52: {  	_ =	shalt  }
0x53: {  	_ =	shalt  }
0x54: {  	_ =	shalt  }
0x55: {  	_ =	shalt  }
0x56: {  	_ =	shalt  }
0x57: {  	_ =	shalt  }
0x58: {  	_ =	shalt  }
0x59: {  	_ =	shalt  }
0x5a: {  	_ =	shalt  }
0x5b: {  	_ =	shalt  }
0x5c: {  	_ =	shalt  }
0x5d: {  	_ =	shalt  }
0x5e: {  	_ =	shalt  }
0x5f: {  	_ =	shalt  }
0x60: {  	_ =	shalt  }
0x61: {  	_ =	shalt  }
0x62: {  	_ =	shalt  }
0x63: {  	_ =	shalt  }
0x64: {  	_ =	shalt  }
0x65: {  	_ =	shalt  }
0x66: {  	_ =	shalt  }
0x67: {  	_ =	shalt  }
0x68: {  	_ =	shalt  }
0x69: {  	_ =	shalt  }
0x6a: {  	_ =	shalt  }
0x6b: {  	_ =	shalt  }
0x6c: {  	_ =	shalt  }
0x6d: {  	_ =	shalt  }
0x6e: {  	_ =	shalt  }
0x6f: {  	_ =	shalt  }
0x70: {  	_ =	shalt  }
0x71: {  	_ =	shalt  }
0x72: {  	_ =	shalt  }
0x73: {  	_ =	shalt  }
0x74: {  	_ =	shalt  }
0x75: {  	_ =	shalt  }
0x76: {  	_ =	shalt  }
0x77: {  	_ =	shalt  }
0x78: {  	_ =	shalt  }
0x79: {  	_ =	shalt  }
0x7a: {  	_ =	shalt  }
0x7b: {  	_ =	shalt  }
0x7c: {  	_ =	shalt  }
0x7d: {  	_ =	shalt  }
0x7e: {  	_ =	shalt  }
0x7f: {  	_ =	shalt  }
0x80: {  	_ =	shalt  }
0x81: {  	_ =	shalt  }
0x82: {  	_ =	shalt  }
0x83: {  	_ =	shalt  }
0x84: {  	_ =	shalt  }
0x85: {  	_ =	shalt  }
0x86: {  	_ =	shalt  }
0x87: {  	_ =	shalt  }
.Lfunc_end0:
.L_simem_size_0:
called_computation.2_lowered:
.L_overlay_start_0:
0x88: {  	s2 =	sld [smem:$0x3FD9]  }
0x89: {  	s3 =	sld [smem:$0x3FFE];
	_ =	sdelay $0x1  }
0x8a: {  	s1 =	srdreg.scid  }
0x8b: {  	s0 =	sand.u32 $0x1, s1  }
0x8c: {  	s14 =	sshll.u32 s0, $0xA;
	s2 =	sadd.s32 s3, s2  }
0x8d: {  	s2 =	sadd.s32 s2, s14  }
0x8e: {  	[smem:$0x3FC4] =	sst s2  }
0x8f: {  	_ = 	snop  }
0x90: {  	s2 =	sld [smem:$0x3FD0];
	_ =	sdelay $0x2  }
0x91: {  	s15 =	simm.s32 $0xB;
	s4 =	simm.s32 $0x10  }
0x92: {  	[smem:s4], [sflag:s15] =	dma.local [hbm:s2], $0x1  }
0x93: {  	_ =	swait.eq [sflag:s15], $0x1  }
0x94: {  	s16 =	sld [smem:$0x10];
	[sflag:s15] =	ssyncset.done $0x0  }
0x95: {  	s17 =	sld [smem:$0x11];
	[sflag:s15] =	ssyncadd.s32 $0xFFFFFFFF  }
0x96: {  	s18 =	sld [smem:$0x12];
	(tm) =	ssettm $0x1  }
0x97: {  	s5 =	sld [smem:$0x3FFB];
	_ =	sdelay $0x3  }
0x98: {  	_ =	strace s5  }
0x99: {  	s5 =	sld [smem:$0x3FFC];
	_ =	sdelay $0x3  }
0x9a: {  	_ =	strace s5  }
0x9b: {  	s5 =	sld [smem:$0x3FFD];
	_ =	sdelay $0x3  }
0x9c: {  	_ =	strace s5  }
0x9d: {  	_ =	strace $0x8FFFFFFF  }
0x9e: {  	s19 =	sld [smem:$0x3FDB];
	_ =	sdelay $0x1  }
0x9f: {  	s6 =	simm.s32 $_scs_section_size  }
0xa0: {  	s7 =	simm.s32 $_size__tile_overlayer_lowered;
	s8 =	simm.s32 $_tile_overlayer_lowered  }
0xa1: {  	s22 =	simm.s32 $0x1BFF;
	s21 =	sshll.u32 s8, $0x1;
	s5 =	sadd.s32 s6, s19  }
0xa2: {  	s9 =	simm.s32 $0x0;
	s20 =	sshll.u32 s7, $0x1;
	s7 =	sadd.s32 s21, s5  }
0xa3: {  	[timem:s9], [sflag:s22] =	dma.local [hbm:s7], s20  }
0xa4: {  	_ =	swait.ge [sflag:s22], s20  }
0xa5: {  	s6 =	ssub.s32 $0x0, s20;
	[sflag:s22] =	ssyncset.done $0x0  }
0xa6: {  	[sflag:s22] =	ssyncadd.s32 s6;
	_ =	sdelay $0x1  }
0xa7: {  	s23 =	simm.s32 $0x1B8B  }
0xa8: {  	_ =	swait.ge [sflag:s23], $0x1  }
0xa9: {  	[sflag:s23] =	ssyncset.done $0x0  }
0xaa: {  	s25 =	simm.s32 $0x1B8E;
	s24 =	sld [smem:$0x3FFE];
	[sflag:s23] =	ssyncadd.s32 $0xFFFFFFFF  }
0xab: {  	s26 =	simm.s32 $execute0_lowered;
	[smem:$0x3FD2] =	sst s25  }
0xac: {  	s7 =	sshll.u32 s26, $0x1;
	_ =	strace $0x8000004C;
	[dreg:$0x1] =	wrdreg $0xFFFFFFFF  }
0xad: {  	s28 =	simm.s32 $_size_execute0_lowered;
	s5 =	sadd.s32 s5, s7;
	[dreg:$0x0] =	wrdreg $0x0  }
0xae: {  	s7 =	sshll.u32 s28, $0x1;
	[dreg:$0x2] =	wrdreg s5  }
0xaf: {  	[dreg:$0x3] =	wrdreg s7  }
0xb0: {  	[dreg:$0x4] =	wrdreg $0xC0  }
0xb1: {  	_ =	task [dreg:s9], $0x5FFFF  }
0xb2: {  	[dreg:$0x1] =	wrdreg $0xFFFFFFFF  }
0xb3: {  	[dreg:$0x0] =	wrdreg $0x60  }
0xb4: {  	[dreg:$0x2] =	wrdreg s17  }
0xb5: {  	[dreg:$0x3] =	wrdreg s24  }
0xb6: {  	[dreg:$0x4] =	wrdreg s16  }
0xb7: {  	[dreg:$0x5] =	wrdreg s18  }
0xb8: {  	[dreg:$0x6] =	wrdreg $0x9  }
0xb9: {  	_ =	task.clear_ibuf [dreg:s9], $0x7FFFF;
	_ =	strace $0x9000004C  }
0xba: {  	s29 =	simm.s32 $0x9;
	_ =	strace $0x8000004E  }
0xbb: {  	_ =	swait.ge [sflag:s29], $0x1  }
0xbc: {  	[sflag:s29] =	ssyncadd.s32 $0xFFFFFFFF  }
0xbd: {  	_ =	strace $0x9000004E  }
0xbe: {  	_ =	sfence  }
0xbf: {  	s30 =	sld [smem:$0x0];
	_ =	sdelay $0x2  }
0xc0: {  	s31 =	sshll.u32 s1, $0xD;
	s1 =	sshrl.u32 s1, $0x2  }
0xc1: {  	s3 =	sand.u32 $0x4000, s31;
	s1 =	sadd.s32 s1, s30  }
0xc2: {  	s0 =	sor.u32 s3, s0;
	s1 =	sshll.u32 s1, $0x11  }
0xc3: {  	s0 =	sor.u32 s1, s0  }
0xc4: {  	s0 =	sadd.s32 $0x8F2B, s0  }
0xc5: {  	[sflag:s0] =	ssyncadd.remote.s32 $0x1  }
0xc6: {  	_ =	sfence.sel $0xFFFF  }
0xc7: {  	[dreg:$0x0] =	wrdreg $0xFFFFFFFF;
	(pc) =	sbr.abs _section_cstart, $3  }
0xc8: {  	[dreg:$0x1] =	wrdreg $0xFFFFFFFF  }
0xc9: {  	_ =	task.clear_ibuf [dreg:s9], $0x2FFFF;
	_ =	strace $0x9FFFFFFF  }
0xca: {  	(tm) =	ssettm $0x7FFFFFFF  }
0xcb: {  	_ =	shalt  }
tec
execute0_lowered:
.L_overlay_start_1:
0x0: {  	(tag) =	ssettag $0x1  }
0x1: {  	s0 =	rddreg [dreg:$0x0]  }
0x2: {  	s1 =	rddreg [dreg:$0x1]  }
0x3: {  	s11 =	rddreg [dreg:$0x2]  }
0x4: {  	s12 =	rddreg [dreg:$0x3];
	s2 =	simm.s32 $0x0;
	s5 =	stileid.u32  }
0x5: {  	s3 =	srdreg.scid;
	s18 =	simm.s32 $0x8800;
	s19 =	simm.s32 $0x5  }
0x6: {  	s20 =	simm.s32 $0x1;
	s21 =	simm.s32 $0x10800;
	s22 =	simm.s32 $0x2  }
0x7: {  	s23 =	simm.s32 $0x11800;
	s29 =	simm.s32 $0x12800;
	s30 =	simm.s32 $0x0  }
0x8: {  	[smem:$0x7FF] =	sst s2;
	s4 =	sshll.u32 s5, $0x1;
	s13 =	sshrl.u32 s5, $0x1  }
0x9: {  	s7 =	sand.u32 $0x1, s3;
	s3 =	sadd.s32 $0x1A00, s1;
	_ =	strace $0x8000004D  }
0xa: {  	s4 =	sand.u32 $0x2, s4;
	s6 =	sshll.u32 s13, $0xB;
	s14 =	sshll.u32 s13, $0x8  }
0xb: {  	s5 =	sshll.u32 s13, $0x7;
	s24 =	ssub.s32 $0x2, s7;
	s16 =	smul.u32 $0xC000, s13  }
0xc: {  	s17 =	smul.u32 $0x300, s13;
	s25 =	sor.u32 s7, s4;
	s15 =	sadd.s32 s6, s1  }
0xd: {  	s9 =	sadd.s32 s14, s1;
	s6 =	sadd.s32 $0x20A200, s1;
	s28 =	sshrl.u32 s24, $0x1  }
0xe: {  	s10 =	sor.u32 $0x4, s5;
	s12 =	sadd.s32 s12, s14;
	s4 =	sshll.u32 s25, $0x5  }
0xf: {  	s1 =	ssub.s32 s24, s28;
	s9 =	sadd.s32 $0x205A00, s9;
	s16 =	sshrl.u32 s16, $0x3  }
0x10: {  	s31 =	sadd.s32 $0x206200, s15;
	[dreg:$0x6] =	wrdreg s12;
	s15 =	sadd.s32 s11, s17  }
.Ltmp0:
0x11: {  	v0 =	vlaneseq.u32;
	v1 =	vimm.s32 $0x52741630;
	v2 =	vimm.s32 $0x63052741;
	s17 =	simm.s32 $0x800;
	s24 =	simm.s32 $0x3;
	(pc) =	sbr.rel .LBB2_1-.Ltmp0, $4  }
0x12: {  	v3 =	vimm.s32 $0x74163052;
	v0 =	vmul.u32 $0x3, v0;
	v1 =	vunpack.c.l.s4.s8 v1;
	p0 =	seq.s32 s25, $0x2;
	p1 =	sne.s32 s25, $0x1;
	s8 =	sor.u32 s5, s4  }
0x13: {  	v4 =	vunpack.c.l.s4.s8 v2;
	v5 =	vunpack.c.l.s4.s8 v3;
	s25 =	simm.s32 $0x4;
	[dreg:$0x5] =	wrdreg s31;
	s26 =	sshll.u32 s8, $0xB  }
0x14: {  	v1 =	vunpack.c.0.s8.s32 v1;
	v2 =	vadd.s32 $0x1, v0;
	s13 =	sadd.s32 s0, s16;
	s16 =	smax.u32 s1, $0x1;
	s7 =	sadd.s32 s3, s26  }
0x15: {  	v3 =	vunpack.c.0.s8.s32 v4;
	v4 =	vadd.s32 $0x2, v0;
	v5 =	vunpack.c.0.s8.s32 v5;
	s14 =	sadd.s32 $0x1000, s13;
	s26 =	simm.s32 $0x14000;
	s8 =	sadd.s32 $0x1000, s7  }
.LBB2_16:
0x16: {  	s30 =	sadd.s32 $0x1, s30  }
0x17: {  	p2 =	sne.s32 s30, s16  }
.Ltmp1:
0x18: {  	_ = 	snop;
	(pc) =	sbr.rel @!p2 .LBB2_17-.Ltmp1, $1  }
0x19: {  	_ =	sdelay $0x3  }
.LBB2_1:
0x1a: {  	[tilespmem:s17], [sflag:$0x1] =	stream.linear.gather [hbm4b:s7+s2], $0x8000, $0x38;
	[tilespmem:$0x18800] =	vst v63  }
0x1b: {  	_ = 	snop  }
0x1c: {  	[tilespmem:s18], [sflag:$0x2] =	stream.linear.gather [hbm4b:s8+s2], $0x8000, $0x38;
	[tilespmem:$0x18800] =	vst v63  }
0x1d: {  	_ = 	snop  }
0x1e: {  	[tilespmem:s2], [sflag:$0x5] =	stream.linear.gather [hbm4b:s9+s2], $0x800, $0x38;
	[tilespmem:$0x18800] =	vst v63  }
0x1f: {  	_ =	swait.ge [sflag:s19], $0x800  }
0x20: {  	[sflag:s19] =	ssyncset.done $0x0  }
0x21: {  	s31 =	simm.s32 $0x0;
	[sflag:s19] =	ssyncadd.s32 $0xFFFFF800  }
.LBB2_2:
0x22: {  	_ =	swait.ge [sflag:s20], $0x8000  }
0x23: {  	p2 =	seq.s32 s31, $0x0;
	[sflag:s20] =	ssyncset.done $0x0  }
0x24: {  	s0 =	simm.s32 @!p2 $0x3;
	[sflag:s20] =	ssyncadd.s32 $0xFFFF8000  }
0x25: {  	_ =	swait.ge @!p2 [sflag:s0], $0x1000  }
0x26: {  	[sflag:s0] =	ssyncset.done @!p2 $0x0  }
0x27: {  	s28 =	simm.s32 $0x0;
	[sflag:s0] =	ssyncadd.s32 @!p2 $0xFFFFF000  }
0x28: {  	v7 =	vld [tilespmem:s28+$0x0];
	_ =	sdelay $0x7  }
0x29: {  	v6 =	vld.idx.msk [tilespmem:v7+s17+$0x0], $0xffff  }
0x2a: {  	v7 =	vadd.s32 $0x4000, v7  }
0x2b: {  	s12 =	sshll.u32 s31, $0x2  }
0x2c: {  	s0 =	sor.u32 s4, s12  }
0x2d: {  	s11 =	simm.s32 $0x10;
	s12 =	simm.s32 $0x80;
	s1 =	sadd.s32 s5, s0  }
.LBB2_3:
0x2e: {  	p3 =	sne.s32 s12, $0x1FC0;
	v8 =	vld [tilespmem:s11+$0x0];
	[tilespmem:s28+$0x10800] =	vst v6  }
0x2f: {  	v6 =	vld.idx.msk [tilespmem:v7+s17+$0x0], $0xffff;
	_ =	sdelay $0x5  }
0x30: {  	[tilespmem:s28+$0x11000] =	vst v6;
	s28 =	smov.u32 s11  }
0x31: {  	v6 =	vld.idx.msk [tilespmem:v8+s17+$0x0], $0xffff  }
.Ltmp2:
0x32: {  	(pc) =	sbr.rel @p3 .LBB2_3-.Ltmp2, $2  }
0x33: {  	v7 =	vadd.s32 $0x4000, v8;
	_ =	sdelay $0x2  }
0x34: {  	s11 =	sshra.s32 s12, $0x2;
	s12 =	sadd.s32 $0x40, s12  }
0x35: {  	_ =	sdelay $0x1  }
0x36: {  	v8 =	vld [tilespmem:s11+$0x0]  }
0x37: {  	[tilespmem:s28+$0x10800] =	vst v6  }
0x38: {  	v6 =	vld.idx.msk [tilespmem:v7+s17+$0x0], $0xffff;
	_ =	sdelay $0x4  }
0x39: {  	[tilespmem:s28+$0x11000] =	vst v6  }
0x3a: {  	v6 =	vld.idx.msk [tilespmem:v8+s17+$0x0], $0xffff  }
0x3b: {  	v7 =	vadd.s32 $0x4000, v8;
	_ =	sdelay $0x3  }
0x3c: {  	[tilespmem:s11+$0x10800] =	vst v6  }
0x3d: {  	v6 =	vld.idx.msk [tilespmem:v7+s17+$0x0], $0xffff;
	_ =	sdelay $0x2  }
0x3e: {  	s1 =	sshll.u32 s1, $0x8  }
0x3f: {  	s1 =	sand.u32 $0x1FFFFC00, s1  }
0x40: {  	p3 =	seq.s32 s31, $0x7;
	s1 =	sadd.s32 s6, s1;
	[tilespmem:s11+$0x11000] =	vst v6  }
0x41: {  	[hbm4b:s1+s2] =	stream.linear.scatter [tilespmem:s21], [sflag:$0x3], $0x1000, $0x38;
	[tilespmem:$0x18800] =	vst v63  }
0x42: {  	s1 =	sadd.s32 @!p3 s0, s10  }
0x43: {  	s1 =	sshll.u32 @!p3 s1, $0xB  }
0x44: {  	s1 =	sand.u32 @!p3 $0x1FFFE000, s1  }
0x45: {  	s12 =	simm.s32 @!p3 $0x800;
	s11 =	simm.s32 @!p3 $0x0;
	s1 =	sadd.s32 @!p3 s3, s1  }
0x46: {  	[tilespmem:s12], [sflag:$0x1] =	stream.linear.gather @!p3 [hbm4b:s1+s11], $0x8000, $0x38;
	[tilespmem:$0x18800] =	vst v63  }
0x47: {  	_ =	swait.ge [sflag:s22], $0x8000  }
0x48: {  	[sflag:s22] =	ssyncset.done $0x0  }
0x49: {  	s1 =	simm.s32 @!p2 $0x4;
	[sflag:s22] =	ssyncadd.s32 $0xFFFF8000  }
0x4a: {  	_ =	swait.ge @!p2 [sflag:s1], $0x1000  }
0x4b: {  	[sflag:s1] =	ssyncset.done @!p2 $0x0  }
0x4c: {  	s28 =	simm.s32 $0x0;
	[sflag:s1] =	ssyncadd.s32 @!p2 $0xFFFFF000  }
0x4d: {  	v7 =	vld [tilespmem:s28+$0x0];
	_ =	sdelay $0x7  }
0x4e: {  	v6 =	vld.idx.msk [tilespmem:v7+s18+$0x0], $0xffff  }
0x4f: {  	v7 =	vadd.s32 $0x4000, v7;
	_ =	sdelay $0x1  }
0x50: {  	s0 =	sor.u32 $0x2, s0  }
0x51: {  	s11 =	simm.s32 $0x10;
	s12 =	simm.s32 $0x80;
	s1 =	sadd.s32 s5, s0  }
.LBB2_5:
0x52: {  	p2 =	sne.s32 s12, $0x1FC0;
	v8 =	vld [tilespmem:s11+$0x0];
	[tilespmem:s28+$0x11800] =	vst v6  }
0x53: {  	v6 =	vld.idx.msk [tilespmem:v7+s18+$0x0], $0xffff;
	_ =	sdelay $0x5  }
0x54: {  	[tilespmem:s28+$0x12000] =	vst v6;
	s28 =	smov.u32 s11  }
0x55: {  	v6 =	vld.idx.msk [tilespmem:v8+s18+$0x0], $0xffff  }
.Ltmp3:
0x56: {  	(pc) =	sbr.rel @p2 .LBB2_5-.Ltmp3, $2  }
0x57: {  	v7 =	vadd.s32 $0x4000, v8;
	_ =	sdelay $0x2  }
0x58: {  	s11 =	sshra.s32 s12, $0x2;
	s12 =	sadd.s32 $0x40, s12  }
0x59: {  	_ =	sdelay $0x1  }
0x5a: {  	v8 =	vld [tilespmem:s11+$0x0]  }
0x5b: {  	[tilespmem:s28+$0x11800] =	vst v6  }
0x5c: {  	v6 =	vld.idx.msk [tilespmem:v7+s18+$0x0], $0xffff;
	_ =	sdelay $0x4  }
0x5d: {  	[tilespmem:s28+$0x12000] =	vst v6  }
0x5e: {  	v6 =	vld.idx.msk [tilespmem:v8+s18+$0x0], $0xffff  }
0x5f: {  	v7 =	vadd.s32 $0x4000, v8;
	_ =	sdelay $0x3  }
0x60: {  	[tilespmem:s11+$0x11800] =	vst v6  }
0x61: {  	v6 =	vld.idx.msk [tilespmem:v7+s18+$0x0], $0xffff;
	_ =	sdelay $0x1  }
.Ltmp4:
0x62: {  	_ = 	snop;
	(pc) =	sbr.rel @p3 .LBB2_8-.Ltmp4, $4  }
0x63: {  	s1 =	sshll.u32 s1, $0x8  }
0x64: {  	s1 =	sand.u32 $0x1FFFFE00, s1  }
0x65: {  	s1 =	sadd.s32 s6, s1;
	[tilespmem:s11+$0x12000] =	vst v6  }
0x66: {  	[hbm4b:s1+s2] =	stream.linear.scatter [tilespmem:s23], [sflag:$0x4], $0x1000, $0x38;
	[tilespmem:$0x18800] =	vst v63  }
.Ltmp5:
0x67: {  	s0 =	sadd.s32 s0, s10;
	(pc) =	sbr.rel .LBB2_2-.Ltmp5, $4  }
0x68: {  	s0 =	sshll.u32 s0, $0xB  }
0x69: {  	s0 =	sand.u32 $0x1FFFF000, s0  }
0x6a: {  	s31 =	sadd.s32 $0x1, s31;
	s0 =	sadd.s32 s3, s0  }
0x6b: {  	[tilespmem:s18], [sflag:$0x2] =	stream.linear.gather [hbm4b:s0+s2], $0x8000, $0x38;
	[tilespmem:$0x18800] =	vst v63  }
.LBB2_8:
0x6c: {  	_ =	swait.ge [sflag:s24], $0x1000  }
.Ltmp6:
0x6d: {  	[sflag:s24] =	ssyncset.done $0x0;
	(pc) =	sbr.rel @p0 .LBB2_13-.Ltmp6, $4  }
0x6e: {  	[sflag:s24] =	ssyncadd.s32 $0xFFFFF000  }
0x6f: {  	_ =	swait.ge [sflag:s25], $0x1000  }
0x70: {  	[sflag:s25] =	ssyncset.done $0x0  }
0x71: {  	[sflag:s25] =	ssyncadd.s32 $0xFFFFF000  }
.Ltmp7:
0x72: {  	(pc) =	sbr.rel @p1 .LBB2_16-.Ltmp7, $1  }
0x73: {  	_ =	sdelay $0x3  }
0x74: {  	s31 =	simm.s32 $0x0  }
0x75: {  	[tilespmem:s17], [sflag:$0x5] =	stream.linear.gather [hbm4b:s13+s31], $0x8000, $0x38;
	[tilespmem:$0x18800] =	vst v63  }
0x76: {  	_ =	swait.ge [sflag:s19], $0x8000  }
0x77: {  	[sflag:s19] =	ssyncset.done $0x0  }
0x78: {  	[sflag:s19] =	ssyncadd.s32 $0xFFFF8000  }
0x79: {  	[tilespmem:s18], [sflag:$0x5] =	stream.linear.gather [hbm4b:s14+s31], $0x4000, $0x38;
	[tilespmem:$0x18800] =	vst v63  }
0x7a: {  	_ =	swait.ge [sflag:s19], $0x4000  }
0x7b: {  	[sflag:s19] =	ssyncset.done $0x0  }
0x7c: {  	[sflag:s19] =	ssyncadd.s32 $0xFFFFC000  }
0x7d: {  	v6 =	vld [tilespmem:s31+$0x0];
	_ =	sdelay $0x3  }
0x7e: {  	v7 =	vmov s31  }
0x7f: {  	v7 =	vmul.u32 $0x3, v7;
	v6 =	vmul.u32 $0x3, v6;
	_ =	sdelay $0x1  }
0x80: {  	v7 =	vbroadcast v7, $0x0;
	_ =	sdelay $0x1  }
0x81: {  	v8 =	vadd.s32 v0, v7  }
0x82: {  	v8 =	vand.u32 $0xFFFFFFF8, v8  }
0x83: {  	v8 =	vor.u32 v1, v8;
	v9 =	vld.idx.msk [tilespmem:v6+s17+$0x0], $0xffff  }
0x84: {  	v10 =	vadd.s32 $0x1, v6;
	_ =	sdelay $0x2  }
0x85: {  	v11 =	vadd.s32 v2, v7  }
0x86: {  	v11 =	vand.u32 $0xFFFFFFF8, v11;
	[tilespmem:v8+s29+$0x0] =	vst.idx.msk $0xffff, v9  }
0x87: {  	v63 =	vor.u32 v3, v11;
	v8 =	vld.idx.msk [tilespmem:v10+s17+$0x0], $0xffff  }
0x88: {  	v6 =	vadd.s32 $0x2, v6;
	_ =	sdelay $0x2  }
0x89: {  	v7 =	vadd.s32 v4, v7  }
0x8a: {  	v7 =	vand.u32 $0xFFFFFFF8, v7;
	[tilespmem:v63+s29+$0x0] =	vst.idx.msk $0xffff, v8  }
0x8b: {  	s0 =	simm.s32 $0x10;
	v7 =	vor.u32 v5, v7;
	v6 =	vld.idx.msk [tilespmem:v6+s17+$0x0], $0xffff  }
.LBB2_11:
0x8c: {  	_ =	sdelay $0x2  }
0x8d: {  	p2 =	sne.s32 s0, $0x7F0  }
0x8e: {  	s31 =	sadd.s32 $0x10, s31;
	s1 =	smov.u32 s0;
	s0 =	sadd.s32 $0x10, s0;
	[tilespmem:v7+s29+$0x0] =	vst.idx.msk $0xffff, v6  }
0x8f: {  	v6 =	vld [tilespmem:s31+$0x0];
	_ =	sdelay $0x4  }
0x90: {  	v7 =	vmov s1;
	v6 =	vmul.u32 $0x3, v6  }
0x91: {  	v7 =	vmul.u32 $0x3, v7;
	_ =	sdelay $0x1  }
0x92: {  	v7 =	vbroadcast v7, $0x0;
	_ =	sdelay $0x1  }
0x93: {  	v8 =	vadd.s32 v0, v7;
	v9 =	vadd.s32 v2, v7;
	v7 =	vadd.s32 v4, v7  }
0x94: {  	v8 =	vand.u32 $0xFFFFFFF8, v8;
	v9 =	vand.u32 $0xFFFFFFF8, v9;
	v7 =	vand.u32 $0xFFFFFFF8, v7;
	v10 =	vld.idx.msk [tilespmem:v6+s17+$0x0], $0xffff  }
0x95: {  	v8 =	vor.u32 v1, v8  }
0x96: {  	v11 =	vadd.s32 $0x1, v6;
	_ =	sdelay $0x3  }
0x97: {  	[tilespmem:v8+s29+$0x0] =	vst.idx.msk $0xffff, v10  }
0x98: {  	v8 =	vld.idx.msk [tilespmem:v11+s17+$0x0], $0xffff  }
0x99: {  	v9 =	vor.u32 v3, v9  }
0x9a: {  	v6 =	vadd.s32 $0x2, v6;
	_ =	sdelay $0x1  }
.Ltmp8:
0x9b: {  	(pc) =	sbr.rel @p2 .LBB2_11-.Ltmp8, $4  }
0x9c: {  	_ = 	snop  }
0x9d: {  	[tilespmem:v9+s29+$0x0] =	vst.idx.msk $0xffff, v8  }
0x9e: {  	v6 =	vld.idx.msk [tilespmem:v6+s17+$0x0], $0xffff  }
0x9f: {  	v7 =	vor.u32 v5, v7  }
0xa0: {  	_ =	sdelay $0x3  }
.Ltmp9:
0xa1: {  	[tilespmem:v7+s29+$0x0] =	vst.idx.msk $0xffff, v6;
	(pc) =	sbr.rel .LBB2_16-.Ltmp9, $4  }
0xa2: {  	[hbm4b:s15+s2] =	stream.linear.scatter [tilespmem:s29], [sflag:$0x5], $0x1800, $0x38;
	[tilespmem:$0x18800] =	vst v63  }
0xa3: {  	_ =	swait.ge [sflag:s19], $0x1800  }
0xa4: {  	[sflag:s19] =	ssyncset.done $0x0  }
0xa5: {  	[sflag:s19] =	ssyncadd.s32 $0xFFFFE800  }
.LBB2_13:
0xa6: {  	s0 =	simm.s32 $0x0;
	s1 =	rddreg [dreg:$0x5]  }
0xa7: {  	[tilespmem:s26], [sflag:$0x5] =	stream.linear.gather [hbm4b:s1+s0], $0x4000, $0x38;
	[tilespmem:$0x18800] =	vst v63  }
0xa8: {  	_ =	swait.ge [sflag:s19], $0x4000  }
0xa9: {  	[sflag:s19] =	ssyncset.done $0x0  }
0xaa: {  	s0 =	simm.s32 $0x0;
	[sflag:s19] =	ssyncadd.s32 $0xFFFFC000  }
0xab: {  	v6 =	vld [tilespmem:s0+$0x0];
	_ =	sdelay $0x7  }
0xac: {  	s11 =	simm.s32 $0x80;
	s1 =	simm.s32 $0x10;
	v6 =	vld.idx.msk [tilespmem:v6+s26+$0x0], $0xffff  }
.LBB2_14:
0xad: {  	p2 =	sne.s32 s11, $0x1FC0;
	v7 =	vld [tilespmem:s1+$0x0];
	_ =	sdelay $0x3  }
.Ltmp10:
0xae: {  	(pc) =	sbr.rel @p2 .LBB2_14-.Ltmp10, $2  }
0xaf: {  	[tilespmem:s0+$0x18000] =	vst v6;
	s0 =	smov.u32 s1;
	_ =	sdelay $0x2  }
0xb0: {  	s1 =	sshra.s32 s11, $0x2;
	s11 =	sadd.s32 $0x40, s11;
	v6 =	vld.idx.msk [tilespmem:v7+s26+$0x0], $0xffff  }
0xb1: {  	v7 =	vld [tilespmem:s1+$0x0];
	_ =	sdelay $0x6  }
0xb2: {  	[tilespmem:s0+$0x18000] =	vst v6  }
0xb3: {  	v6 =	vld.idx.msk [tilespmem:v7+s26+$0x0], $0xffff;
	_ =	sdelay $0x4  }
.Ltmp11:
0xb4: {  	s28 =	rddreg [dreg:$0x6];
	s31 =	simm.s32 $0x18000;
	[tilespmem:s1+$0x18000] =	vst v6;
	(pc) =	sbr.rel .LBB2_16-.Ltmp11, $4  }
0xb5: {  	[hbm4b:s28+s2] =	stream.linear.scatter [tilespmem:s31], [sflag:$0x5], $0x800, $0x38;
	[tilespmem:$0x18800] =	vst v63  }
0xb6: {  	_ =	swait.ge [sflag:s19], $0x800  }
0xb7: {  	[sflag:s19] =	ssyncset.done $0x0  }
0xb8: {  	[sflag:s19] =	ssyncadd.s32 $0xFFFFF800  }
.LBB2_17:
0xb9: {  	_ =	sfence.sel $0x180000  }
0xba: {  	[bflag:$0x0] =	sbarrier.arrive $0xFFFF  }
0xbb: {  	_ =	strace $0x9000004D  }
0xbc: {  	s0 =	stileid.u32;
	[bflag:$0x2] =	sbarrier.arrive $0xFFFF  }
0xbd: {  	p0 =	sne.s32 s0, $0x0;
	s0 =	rddreg [dreg:$0x4]  }
0xbe: {  	s0 =	sadd.s32 @!p0 $0x100000, s0  }
0xbf: {  	[sflag:s0] =	ssyncadd.tile.s32 @!p0 $0x1;
	_ =	shalt  }
.Lfunc_end2:
_tile_overlayer_lowered:
.L_overlay_start_2:
0xc0: {  	(tag) =	ssettag $0x2  }
0xc1: {  	s0 =	rddreg [dreg:$0x0];
	s2 =	stileid.u32  }
0xc2: {  	s1 =	rddreg [dreg:$0x1];
	p0 =	sne.s32 s2, $0x0  }
0xc3: {  	s3 =	rddreg [dreg:$0x2];
	[bflag:$0x3] =	sbarrier.arrive $0xFFFF;
	s2 =	simm.s32 @!p0 $0x1C05  }
0xc4: {  	[timem:s3], [sflag:s2] =	dma.local @!p0 [hbm:s0], s1  }
0xc5: {  	s0 =	simm.s32 @!p0 $0x5  }
0xc6: {  	_ =	swait.ge @!p0 [sflag:s0], s1  }
0xc7: {  	s1 =	ssub.s32 @!p0 $0x0, s1;
	[sflag:s0] =	ssyncset.done @!p0 $0x0  }
0xc8: {  	[sflag:s0] =	ssyncadd.s32 @!p0 s1  }
0xc9: {  	[bflag:$0x3] =	sbarrier.arrive $0xFFFF  }
0xca: {  	_ =	shalt  }

// kernel: sparse-core-data-format-call.cloned.1.call-start
scs
called_computation_lowered:
.L_overlay_start_0:
0x0: {  	s2 =	sld [smem:$0x3FD9]  }
0x1: {  	s3 =	sld [smem:$0x3FFE];
	_ =	sdelay $0x1  }
0x2: {  	s1 =	srdreg.scid  }
0x3: {  	s0 =	sand.u32 $0x1, s1  }
0x4: {  	s18 =	sshll.u32 s0, $0xA;
	s2 =	sadd.s32 s3, s2  }
0x5: {  	s2 =	sadd.s32 s2, s18  }
0x6: {  	[smem:$0x3FC4] =	sst s2  }
0x7: {  	_ = 	snop  }
0x8: {  	s2 =	sld [smem:$0x3FC8];
	(tm) =	ssettm $0x1  }
0x9: {  	s19 =	sld [smem:$0x3FFB];
	_ =	sdelay $0x3  }
0xa: {  	_ =	strace s19  }
0xb: {  	s3 =	sld [smem:$0x3FFC];
	_ =	sdelay $0x3  }
0xc: {  	_ =	strace s3  }
0xd: {  	s3 =	sld [smem:$0x3FFD];
	_ =	sdelay $0x3  }
0xe: {  	_ =	strace s3  }
0xf: {  	_ =	strace $0x8FFFFFFF  }
0x10: {  	s20 =	sld [smem:$0x3FDB];
	_ =	sdelay $0x1  }
0x11: {  	s4 =	simm.s32 $_scs_section_size  }
0x12: {  	s5 =	simm.s32 $_size__tile_overlayer_lowered;
	s6 =	simm.s32 $_tile_overlayer_lowered  }
0x13: {  	s23 =	simm.s32 $0x1BFF;
	s22 =	sshll.u32 s6, $0x1;
	s3 =	sadd.s32 s4, s20  }
0x14: {  	s7 =	simm.s32 $0x0;
	s21 =	sshll.u32 s5, $0x1;
	s5 =	sadd.s32 s22, s3  }
0x15: {  	[timem:s7], [sflag:s23] =	dma.local [hbm:s5], s21  }
0x16: {  	_ =	swait.ge [sflag:s23], s21  }
0x17: {  	s4 =	ssub.s32 $0x0, s21;
	[sflag:s23] =	ssyncset.done $0x0  }
0x18: {  	[sflag:s23] =	ssyncadd.s32 s4;
	_ =	sdelay $0x1  }
0x19: {  	s24 =	simm.s32 $0x1B8B  }
0x1a: {  	_ =	swait.ge [sflag:s24], $0x1  }
0x1b: {  	[sflag:s24] =	ssyncset.done $0x0  }
0x1c: {  	s26 =	simm.s32 $0x1B8E;
	s25 =	sld [smem:$0x3FFE];
	[sflag:s24] =	ssyncadd.s32 $0xFFFFFFFF  }
0x1d: {  	s27 =	simm.s32 $execute0_lowered;
	[smem:$0x3FD2] =	sst s26  }
0x1e: {  	s5 =	sshll.u32 s27, $0x1;
	_ =	strace $0x80000046;
	[dreg:$0x1] =	wrdreg $0xFFFFFFFF  }
0x1f: {  	s28 =	simm.s32 $_size_execute0_lowered;
	s3 =	sadd.s32 s3, s5;
	[dreg:$0x0] =	wrdreg $0x0  }
0x20: {  	s5 =	sshll.u32 s28, $0x1;
	[dreg:$0x2] =	wrdreg s3  }
0x21: {  	[dreg:$0x3] =	wrdreg s5  }
0x22: {  	[dreg:$0x4] =	wrdreg $0xC0  }
0x23: {  	_ =	task [dreg:s7], $0x5FFFF  }
0x24: {  	[dreg:$0x1] =	wrdreg $0xFFFFFFFF  }
0x25: {  	[dreg:$0x0] =	wrdreg $0x60  }
0x26: {  	[dreg:$0x2] =	wrdreg s2  }
0x27: {  	[dreg:$0x3] =	wrdreg s25  }
0x28: {  	[dreg:$0x4] =	wrdreg $0x9  }
0x29: {  	_ =	task.clear_ibuf [dreg:s7], $0x5FFFF;
	_ =	strace $0x90000046  }
0x2a: {  	s29 =	simm.s32 $0x9;
	_ =	strace $0x80000048  }
0x2b: {  	_ =	swait.ge [sflag:s29], $0x1  }
0x2c: {  	[sflag:s29] =	ssyncadd.s32 $0xFFFFFFFF  }
0x2d: {  	_ =	strace $0x90000048  }
0x2e: {  	_ =	sfence  }
0x2f: {  	s30 =	sld [smem:$0x0];
	_ =	sdelay $0x2  }
0x30: {  	s31 =	sshll.u32 s1, $0xD;
	s1 =	sshrl.u32 s1, $0x2  }
0x31: {  	s3 =	sand.u32 $0x4000, s31;
	s1 =	sadd.s32 s1, s30  }
0x32: {  	s0 =	sor.u32 s3, s0;
	s1 =	sshll.u32 s1, $0x11  }
0x33: {  	s0 =	sor.u32 s1, s0  }
0x34: {  	s0 =	sadd.s32 $0x8F2B, s0  }
0x35: {  	[sflag:s0] =	ssyncadd.remote.s32 $0x1  }
0x36: {  	_ =	sfence.sel $0xFFFF  }
0x37: {  	[dreg:$0x0] =	wrdreg $0xFFFFFFFF;
	(pc) =	sbr.abs _section_cstart, $3  }
0x38: {  	[dreg:$0x1] =	wrdreg $0xFFFFFFFF  }
0x39: {  	_ =	task.clear_ibuf [dreg:s7], $0x2FFFF;
	_ =	strace $0x9FFFFFFF  }
0x3a: {  	(tm) =	ssettm $0x7FFFFFFF  }
0x3b: {  	_ =	shalt  }
tec
execute0_lowered:
.L_overlay_start_1:
0x0: {  	(tag) =	ssettag $0x1  }
0x1: {  	s2 =	rddreg [dreg:$0x0]  }
0x2: {  	s1 =	rddreg [dreg:$0x1]  }
0x3: {  	s0 =	rddreg [dreg:$0x2];
	_ =	strace $0x80000047;
	s4 =	srdreg.scid  }
0x4: {  	s6 =	simm.s32 $0x2;
	s11 =	simm.s32 $0x0;
	p0 =	por $0x0, $0x0  }
.Ltmp0:
0x5: {  	s7 =	simm.s32 $0x4000;
	s12 =	simm.s32 $0x0;
	(pc) =	sbr.rel .LBB1_1-.Ltmp0, $4  }
0x6: {  	s9 =	simm.s32 $0x0;
	s3 =	sadd.s32 $0x1A00, s1;
	s5 =	sshll.u32 s4, $0x4  }
0x7: {  	s1 =	stileid.u32;
	s4 =	simm.s32 $0x1;
	s5 =	sand.u32 $0x10, s5  }
0x8: {  	s8 =	simm.s32 $0x0;
	[sflag:s4] =	ssyncpa.u1 $0x0;
	s5 =	sor.u32 s1, s5  }
0x9: {  	[sflag:s6] =	ssyncpa.u1 $0x0;
	s6 =	simm.s32 $0x800;
	s10 =	smov.u32 s5  }
.LBB1_7:
0xa: {  	s13 =	sadd.s32 $0x10, s9  }
0xb: {  	s11 =	sadd.s32 $0x20, s10;
	s15 =	smov.u32 s10;
	p2 =	sgt.s32 s13, $0x7F  }
0xc: {  	p1 =	slt.u32 s8, $0x2;
	s15 =	smov.u32 @p2 s11  }
0xd: {  	s8 =	sadd.s32 $0x1, s8;
	s13 =	simm.s32 @p2 $0x0;
	p2 =	sgt.s32 s15, $0x7F  }
0xe: {  	s15 =	smov.u32 @p2 s5;
	p2 =	sne.s32 s8, $0x22  }
.Ltmp1:
0xf: {  	_ = 	snop;
	(pc) =	sbr.rel @!p2 .LBB1_8-.Ltmp1, $4  }
0x10: {  	s14 =	simm.s32 @!p1 $0x2  }
0x11: {  	s12 =	smov.u32 s10;
	_ =	swait.ge @!p1 [sflag:s14], $0x4000  }
0x12: {  	p0 =	por !p0, !p0;
	s11 =	smov.u32 s9;
	[sflag:s14] =	ssyncset.done @!p1 $0x0  }
0x13: {  	s9 =	smov.u32 s13;
	[sflag:s14] =	ssyncadd.s32 @!p1 $0xFFFFC000;
	s10 =	smov.u32 s15  }
.LBB1_1:
0x14: {  	p1 =	sgt.u32 s8, $0x1F  }
0x15: {  	s13 =	sxor.u32 @!p1 $0xFFFFFFFF, s8;
	s14 =	sshll.u32 @!p1 s10, $0xE  }
0x16: {  	s15 =	sshll.u32 @!p1 s9, $0x7;
	s13 =	sshll.u32 @!p1 s13, $0xE;
	s14 =	sadd.s32 @!p1 s2, s14  }
0x17: {  	s13 =	sand.u32 @!p1 $0x4000, s13;
	s14 =	sadd.s32 @!p1 s15, s14;
	s15 =	simm.s32 @!p1 $0x0  }
0x18: {  	[tilespmem:s13], [sflag:$0x1] =	stream.linear.gather @!p1 [hbm4b:s14+s15], $0x4000, $0x38;
	[tilespmem:$0x10000] =	vst v63  }
0x19: {  	p1 =	seq.s32 s8, $0x0  }
0x1a: {  	p2 =	seq.s32 @!p1 s8, $0x21  }
0x1b: {  	p1 =	por p1, p2  }
.Ltmp2:
0x1c: {  	_ = 	snop;
	(pc) =	sbr.rel @p1 .LBB1_7-.Ltmp2, $1  }
0x1d: {  	_ =	sdelay $0x3  }
0x1e: {  	s13 =	simm.s32 $0x1;
	_ =	swait.ge [sflag:s4], $0x4000;
	s16 =	sshll.u32 s8, $0xE  }
0x1f: {  	s13 =	simm.s32 @!p0 $0x0;
	[sflag:s4] =	ssyncset.done $0x0;
	s31 =	sand.u32 $0x4000, s16  }
0x20: {  	s16 =	simm.s32 $0x0;
	s14 =	sshll.u32 s13, $0xE;
	[sflag:s4] =	ssyncadd.s32 $0xFFFFC000  }
0x21: {  	s13 =	sor.u32 $0x8040, s14;
	s15 =	sor.u32 $0x40, s14;
	s14 =	sor.u32 $0x8000, s31  }
.LBB1_3:
0x22: {  	v0 =	vmov s15;
	_ =	sdelay $0x3  }
0x23: {  	s18 =	simm.s32 $0x0  }
0x24: {  	v6 =	vld.idx.msk [tilespmem:v0+s18+$0x30 ss:$0x1], $0xffff  }
0x25: {  	v7 =	vld.idx.msk [tilespmem:v0+s18+$0xFFFFFFC0 ss:$0x1], $0xffff  }
0x26: {  	v5 =	vld.idx.msk [tilespmem:v0+s18+$0xFFFFFFD0 ss:$0x1], $0xffff  }
0x27: {  	v4 =	vld.idx.msk [tilespmem:v0+s18+$0xFFFFFFE0 ss:$0x1], $0xffff  }
0x28: {  	v3 =	vld.idx.msk [tilespmem:v0+s18+$0xFFFFFFF0 ss:$0x1], $0xffff  }
0x29: {  	v1 =	vld.idx.msk [tilespmem:v0+s18+$0x0 ss:$0x1], $0xffff  }
0x2a: {  	v2 =	vld.idx.msk [tilespmem:v0+s18+$0x10 ss:$0x1], $0xffff;
	[tilespmem:s13+$0x30] =	vst v6  }
0x2b: {  	s17 =	simm.s32 $0x80;
	s19 =	simm.s32 $0x400;
	[tilespmem:s13+$0xFFFFFFC0] =	vst v7;
	v6 =	vld.idx.msk [tilespmem:v0+s18+$0x20 ss:$0x1], $0xffff;
	s18 =	smov.u32 s13  }
.LBB1_4:
0x2c: {  	p1 =	sne.s32 s19, $0xE00;
	v7 =	vld.idx.msk [tilespmem:v0+s17+$0x30 ss:$0x1], $0xffff;
	[tilespmem:s18+$0xFFFFFFD0] =	vst v5  }
0x2d: {  	v8 =	vld.idx.msk [tilespmem:v0+s17+$0xFFFFFFC0 ss:$0x1], $0xffff;
	[tilespmem:s18+$0xFFFFFFE0] =	vst v4  }
0x2e: {  	v5 =	vld.idx.msk [tilespmem:v0+s17+$0xFFFFFFD0 ss:$0x1], $0xffff;
	[tilespmem:s18+$0xFFFFFFF0] =	vst v3  }
.Ltmp3:
0x2f: {  	v4 =	vld.idx.msk [tilespmem:v0+s17+$0xFFFFFFE0 ss:$0x1], $0xffff;
	[tilespmem:s18+$0x0] =	vst v1;
	(pc) =	sbr.rel @p1 .LBB1_4-.Ltmp3, $4  }
0x30: {  	v3 =	vld.idx.msk [tilespmem:v0+s17+$0xFFFFFFF0 ss:$0x1], $0xffff;
	[tilespmem:s18+$0x10] =	vst v2  }
0x31: {  	v1 =	vld.idx.msk [tilespmem:v0+s17+$0x0 ss:$0x1], $0xffff;
	[tilespmem:s18+$0x20] =	vst v6;
	s18 =	sadd.s32 $0x800, s18  }
0x32: {  	v2 =	vld.idx.msk [tilespmem:v0+s17+$0x10 ss:$0x1], $0xffff;
	[tilespmem:s18+$0x30] =	vst v7  }
0x33: {  	[tilespmem:s18+$0xFFFFFFC0] =	vst v8;
	v6 =	vld.idx.msk [tilespmem:v0+s17+$0x20 ss:$0x1], $0xffff;
	s17 =	sshra.s32 s19, $0x2;
	s19 =	sadd.s32 $0x200, s19  }
0x34: {  	_ =	sdelay $0x2  }
0x35: {  	[tilespmem:s18+$0xFFFFFFD0] =	vst v5  }
0x36: {  	v56 =	vld.idx.msk [tilespmem:v0+s17+$0x30 ss:$0x1], $0xffff;
	[tilespmem:s18+$0xFFFFFFE0] =	vst v4  }
0x37: {  	v57 =	vld.idx.msk [tilespmem:v0+s17+$0xFFFFFFC0 ss:$0x1], $0xffff;
	[tilespmem:s18+$0xFFFFFFF0] =	vst v3  }
0x38: {  	v58 =	vld.idx.msk [tilespmem:v0+s17+$0xFFFFFFD0 ss:$0x1], $0xffff;
	[tilespmem:s18+$0x0] =	vst v1  }
0x39: {  	v59 =	vld.idx.msk [tilespmem:v0+s17+$0xFFFFFFE0 ss:$0x1], $0xffff;
	[tilespmem:s18+$0x10] =	vst v2  }
0x3a: {  	v60 =	vld.idx.msk [tilespmem:v0+s17+$0xFFFFFFF0 ss:$0x1], $0xffff;
	s31 =	sadd.s32 $0x800, s18;
	[tilespmem:s18+$0x20] =	vst v6  }
0x3b: {  	v61 =	vld.idx.msk [tilespmem:v0+s17+$0x0 ss:$0x1], $0xffff;
	[tilespmem:s31+$0x30] =	vst v56  }
0x3c: {  	v62 =	vld.idx.msk [tilespmem:v0+s17+$0x10 ss:$0x1], $0xffff;
	s16 =	sadd.s32 $0x1, s16;
	[tilespmem:s31+$0xFFFFFFC0] =	vst v57  }
0x3d: {  	v63 =	vld.idx.msk [tilespmem:v0+s17+$0x20 ss:$0x1], $0xffff;
	p1 =	sne.s32 s16, $0x10;
	[tilespmem:s31+$0xFFFFFFD0] =	vst v58  }
.Ltmp4:
0x3e: {  	[tilespmem:s31+$0xFFFFFFE0] =	vst v59;
	(pc) =	sbr.rel @p1 .LBB1_3-.Ltmp4, $4  }
0x3f: {  	[tilespmem:s31+$0xFFFFFFF0] =	vst v60  }
0x40: {  	[tilespmem:s31+$0x0] =	vst v61  }
0x41: {  	[tilespmem:s31+$0x10] =	vst v62  }
0x42: {  	s13 =	sadd.s32 $0x80, s13;
	s15 =	sadd.s32 $0x400, s15;
	[tilespmem:s31+$0x20] =	vst v63  }
.Ltmp5:
0x43: {  	(pc) =	sbr.rel .LBB1_7-.Ltmp5, $4  }
0x44: {  	s12 =	sshll.u32 s12, $0xE;
	s11 =	sshll.u32 s11, $0x4  }
0x45: {  	s11 =	sand.u32 $0x7F0, s11;
	s12 =	sadd.s32 s3, s12  }
0x46: {  	s11 =	sadd.s32 s11, s12  }
0x47: {  	[hbm4b:s11+s6] =	stream.strided.scatter [tilespmem:s14], [sflag:$0x2], $0x4000, s7, s6, $0x38;
	[tilespmem:$0x10000] =	vst v63  }
.LBB1_8:
0x48: {  	_ =	sfence.sel $0x180000  }
0x49: {  	s2 =	simm.s32 $0x1;
	[bflag:$0x0] =	sbarrier.arrive $0xFFFF  }
0x4a: {  	s31 =	simm.s32 $0x2;
	[sflag:s2] =	ssyncpa.u1 $0x1  }
0x4b: {  	[sflag:s31] =	ssyncpa.u1 $0x1  }
0x4c: {  	p0 =	sne.s32 s1, $0x0;
	_ =	strace $0x90000047  }
0x4d: {  	s0 =	sadd.s32 @!p0 $0x100000, s0;
	[bflag:$0x2] =	sbarrier.arrive $0xFFFF  }
0x4e: {  	[sflag:s0] =	ssyncadd.tile.s32 @!p0 $0x1;
	_ =	shalt  }
.Lfunc_end1:
_tile_overlayer_lowered:
.L_overlay_start_2:
0x4f: {  	(tag) =	ssettag $0x2  }
0x50: {  	s0 =	rddreg [dreg:$0x0];
	s2 =	stileid.u32  }
0x51: {  	s1 =	rddreg [dreg:$0x1];
	p0 =	sne.s32 s2, $0x0  }
0x52: {  	s3 =	rddreg [dreg:$0x2];
	[bflag:$0x3] =	sbarrier.arrive $0xFFFF;
	s2 =	simm.s32 @!p0 $0x1C01  }
0x53: {  	[timem:s3], [sflag:s2] =	dma.local @!p0 [hbm:s0], s1  }
0x54: {  	s0 =	simm.s32 @!p0 $0x1  }
0x55: {  	_ =	swait.ge @!p0 [sflag:s0], s1  }
0x56: {  	s1 =	ssub.s32 @!p0 $0x0, s1;
	[sflag:s0] =	ssyncset.done @!p0 $0x0  }
0x57: {  	[sflag:s0] =	ssyncadd.s32 @!p0 s1  }
0x58: {  	[bflag:$0x3] =	sbarrier.arrive $0xFFFF  }
0x59: {  	_ =	shalt  }

</sc_bundles>
